<compile_context>
chip_gen: v7x
topology: tpu7x:2x2x1
jax: 0.10.2.dev20260603
libtpu: 0.0.44.dev20260713+nightly
codegen_flags: <defaults>
</compile_context>

<pallas_src>
import functools

import jax
import jax.numpy as jnp
from jax import lax
from jax.experimental import pallas as pl
from jax.experimental.pallas import tpu as pltpu
from jax.experimental.pallas import tpu_sc as plsc

NC, NS, L = 2, 16, 16
NW = NC * NS

B, S, D = 4, 2048, 768
N = B * S
PER_W = N // NW
W_PER_B = S // PER_W
CHUNK = 16
NCHUNK = PER_W // CHUNK
NBUF = 4

_mesh = plsc.VectorSubcoreMesh(core_axis_name="c", subcore_axis_name="s",
                               num_cores=NC, num_subcores=NS)

_row_buf = [pltpu.VMEM((CHUNK, D), jnp.float32) for _ in range(2 * NBUF)]
_sems = [pltpu.SemaphoreType.DMA for _ in range(3 * NBUF)]


@functools.partial(
    pl.kernel,
    out_type=jax.ShapeDtypeStruct((N, D), jnp.float32),
    mesh=_mesh,
    scratch_types=[
        pltpu.VMEM((PER_W,), jnp.int32),
        pltpu.VMEM((PER_W,), jnp.int32),
    ] + _row_buf + _sems,
)
def _embed_sum(ids_hbm, pos_hbm, tok_tbl, pos_tbl, out_hbm,
               ids_v, pos_v, *bufs_and_sems):
    tok_rows = bufs_and_sems[0:NBUF]
    pos_rows = bufs_and_sems[NBUF:2 * NBUF]
    sem_t = bufs_and_sems[2 * NBUF:3 * NBUF]
    sem_p = bufs_and_sems[3 * NBUF:4 * NBUF]
    sem_s = bufs_and_sems[4 * NBUF:5 * NBUF]

    wid = lax.axis_index("s") * NC + lax.axis_index("c")
    base = wid * PER_W
    brow = wid // W_PER_B
    bcol = (wid % W_PER_B) * PER_W

    ci = pltpu.async_copy(ids_hbm.at[brow, pl.ds(bcol, PER_W)], ids_v, sem_t[0])
    cj = pltpu.async_copy(pos_hbm.at[brow, pl.ds(bcol, PER_W)], pos_v, sem_p[0])

    def issue_tok(c):
        b = c % NBUF
        return pltpu.async_copy(tok_tbl.at[ids_v.at[pl.ds(c * CHUNK, CHUNK)]],
                                tok_rows[b], sem_t[b])

    def issue_pos(c):
        b = c % NBUF
        return pltpu.async_copy(pos_tbl.at[pos_v.at[pl.ds(c * CHUNK, CHUNK)]],
                                pos_rows[b], sem_p[b])

    def issue(c):
        return issue_tok(c), issue_pos(c)

    pending = [None] * NBUF
    stores = [None] * NBUF
    ci.wait()
    first_tok = [issue_tok(c) for c in range(NBUF - 1)]
    cj.wait()
    for c in range(NBUF - 1):
        pending[c] = (first_tok[c], issue_pos(c))
    for c in range(NCHUNK):
        b = c % NBUF
        nxt = c + NBUF - 1
        if nxt < NCHUNK:
            nb = nxt % NBUF
            if stores[nb] is not None:
                stores[nb].wait()
            pending[nb] = issue(nxt)
        ct, cp = pending[b]
        ct.wait()
        cp.wait()

        tr, pr = tok_rows[b], pos_rows[b]

        def add_row(r, carry, tr=tr, pr=pr):
            @plsc.parallel_loop(0, D, step=L, unroll=6)
            def add_vec(j, tr=tr, pr=pr, r=r):
                sl = pl.ds(j, L)
                tr[r, sl] = tr[r, sl] + pr[r, sl]
            return carry

        lax.fori_loop(0, CHUNK, add_row, None)
        stores[b] = pltpu.async_copy(
            tr, out_hbm.at[pl.ds(base + c * CHUNK, CHUNK)], sem_s[b])
    for st in stores:
        if st is not None:
            st.wait()


@jax.jit
def kernel(input_ids, seq_pos, embed_tokens, seq_pos_embedding):
    ids = input_ids.astype(jnp.int32)
    pos = seq_pos.astype(jnp.int32)
    out = _embed_sum(ids, pos, embed_tokens, seq_pos_embedding)
    return out.reshape(B, S, D)

# --- scband reference (transcript-rebuilt; emitter-appended) ---
"""Pipeline reference for scband-transformer-with-sequence-position-embeddings-34351148433669 (READ-ONLY COPY).

The authoritative reference and input builder live on the scoring server;
editing this copy changes nothing except your own understanding.
"""

import jax, jax.numpy as jnp
import numpy as np

VOCAB = 100000
EMBED_DIM = 768
MAX_SEQ_POS = 2048
BATCH = 4
SEQ_LEN = 2048


def setup_inputs(seed: int = 0) -> dict:
    key = jax.random.key(seed)
    k1, k2, k3, k4 = jax.random.split(key, 4)
    input_ids = jax.random.randint(k1, (BATCH, SEQ_LEN), 0, VOCAB, dtype=jnp.int64 if jax.config.jax_enable_x64 else jnp.int32)
    seq_pos = jax.random.randint(k2, (BATCH, SEQ_LEN), 0, MAX_SEQ_POS, dtype=jnp.int64 if jax.config.jax_enable_x64 else jnp.int32)
    embed_tokens = jax.random.normal(k3, (VOCAB, EMBED_DIM), dtype=jnp.float32) * 0.02
    seq_pos_embedding = jax.random.normal(k4, (MAX_SEQ_POS, EMBED_DIM), dtype=jnp.float32) * 0.02
    return {
        "input_ids": input_ids,
        "seq_pos": seq_pos,
        "embed_tokens": embed_tokens,
        "seq_pos_embedding": seq_pos_embedding,
    }


def reference(input_ids, seq_pos, embed_tokens, seq_pos_embedding):
    # Faithful translation of embed_inputs(): token embedding lookup +
    # sequence-relative position embedding lookup, summed.
    inputs_embeds = jnp.take(embed_tokens, input_ids, axis=0)
    pos_embeds = jnp.take(seq_pos_embedding, seq_pos, axis=0)
    return inputs_embeds + pos_embeds

if __name__ == "__main__":
    import jax
    _d = setup_inputs()
    print(jax.jit(kernel)(*tuple(_d.values())))

</pallas_src>

<mosaic_0001>
#map = affine_map<(d0, d1) -> (0, 0)>
module attributes {stable_mosaic.version = 14 : i64} {
  func.func @_embed_sum(%arg0: i32, %arg1: i32, %arg2: memref<4x2048xi32, #tpu.memory_space<hbm>>, %arg3: memref<4x2048xi32, #tpu.memory_space<hbm>>, %arg4: memref<100000x768xf32, #tpu.memory_space<hbm>>, %arg5: memref<2048x768xf32, #tpu.memory_space<hbm>>, %arg6: memref<8192x768xf32, #tpu.memory_space<hbm>>, %arg7: memref<256xi32, #tpu.memory_space<vmem>>, %arg8: memref<256xi32, #tpu.memory_space<vmem>>, %arg9: memref<16x768xf32, #tpu.memory_space<vmem>>, %arg10: memref<16x768xf32, #tpu.memory_space<vmem>>, %arg11: memref<16x768xf32, #tpu.memory_space<vmem>>, %arg12: memref<16x768xf32, #tpu.memory_space<vmem>>, %arg13: memref<16x768xf32, #tpu.memory_space<vmem>>, %arg14: memref<16x768xf32, #tpu.memory_space<vmem>>, %arg15: memref<16x768xf32, #tpu.memory_space<vmem>>, %arg16: memref<16x768xf32, #tpu.memory_space<vmem>>, %arg17: memref<!tpu.dma_semaphore, #tpu.memory_space<semaphore_mem>>, %arg18: memref<!tpu.dma_semaphore, #tpu.memory_space<semaphore_mem>>, %arg19: memref<!tpu.dma_semaphore, #tpu.memory_space<semaphore_mem>>, %arg20: memref<!tpu.dma_semaphore, #tpu.memory_space<semaphore_mem>>, %arg21: memref<!tpu.dma_semaphore, #tpu.memory_space<semaphore_mem>>, %arg22: memref<!tpu.dma_semaphore, #tpu.memory_space<semaphore_mem>>, %arg23: memref<!tpu.dma_semaphore, #tpu.memory_space<semaphore_mem>>, %arg24: memref<!tpu.dma_semaphore, #tpu.memory_space<semaphore_mem>>, %arg25: memref<!tpu.dma_semaphore, #tpu.memory_space<semaphore_mem>>, %arg26: memref<!tpu.dma_semaphore, #tpu.memory_space<semaphore_mem>>, %arg27: memref<!tpu.dma_semaphore, #tpu.memory_space<semaphore_mem>>, %arg28: memref<!tpu.dma_semaphore, #tpu.memory_space<semaphore_mem>>) attributes {dimension_semantics = [#tpu.dimension_semantics<core_parallel>, #tpu.dimension_semantics<subcore_parallel>], iteration_bounds = array<i64: 2, 16>, scalar_prefetch = 0 : i64, scratch_operands = 22 : i64, tpu.core_type = #tpu.core_type<sc_vector_subcore>, window_params = [{transform_indices = #map}, {transform_indices = #map}, {transform_indices = #map}, {transform_indices = #map}, {transform_indices = #map}]} {
    %mul3A = arith.constant 2 : i32
    %mul3A_0 = arith.muli %arg1, %mul3A : i32
    %add3A = arith.addi %mul3A_0, %arg0 : i32
    %mul3A_1 = arith.constant 256 : i32
    %mul3A_2 = arith.muli %add3A, %mul3A_1 : i32
    %jit3A = arith.constant 8 : i32
    %div3A = arith.divsi %add3A, %jit3A : i32
    %sign3A = arith.constant 0 : i32
    %sign3A_3 = arith.cmpi sgt, %add3A, %sign3A : i32
    %sign3A_4 = arith.extui %sign3A_3 : i1 to i32
    %sign3A_5 = arith.constant 0 : i32
    %sign3A_6 = arith.cmpi slt, %add3A, %sign3A_5 : i32
    %sign3A_7 = arith.extui %sign3A_6 : i1 to i32
    %sign3A_8 = arith.subi %sign3A_4, %sign3A_7 : i32
    %sign3A_9 = arith.constant 0 : i32
    %sign3A_10 = arith.cmpi sgt, %jit3A, %sign3A_9 : i32
    %sign3A_11 = arith.extui %sign3A_10 : i1 to i32
    %sign3A_12 = arith.constant 0 : i32
    %sign3A_13 = arith.cmpi slt, %jit3A, %sign3A_12 : i32
    %sign3A_14 = arith.extui %sign3A_13 : i1 to i32
    %sign3A_15 = arith.subi %sign3A_11, %sign3A_14 : i32
    %ne3A = arith.cmpi ne, %sign3A_8, %sign3A_15 : i32
    %rem3A = arith.remsi %add3A, %jit3A : i32
    %ne3A_16 = arith.constant 0 : i32
    %ne3A_17 = arith.cmpi ne, %rem3A, %ne3A_16 : i32
    %and3A = arith.andi %ne3A, %ne3A_17 : i1
    %sub3A = arith.constant 1 : i32
    %sub3A_18 = arith.subi %div3A, %sub3A : i32
    %select_n3A = arith.select %and3A, %sub3A_18, %div3A : i32
    %jit3A_19 = arith.constant 8 : i32
    %eq3A = arith.constant 0 : i32
    %eq3A_20 = arith.cmpi eq, %jit3A_19, %eq3A : i32
    %jit3A_21 = arith.constant 1 : i32
    %select_n3A_22 = arith.select %eq3A_20, %jit3A_21, %jit3A_19 : i32
    %rem3A_23 = arith.remsi %add3A, %select_n3A_22 : i32
    %ne3A_24 = arith.constant 0 : i32
    %ne3A_25 = arith.cmpi ne, %rem3A_23, %ne3A_24 : i32
    %lt3A = arith.constant 0 : i32
    %lt3A_26 = arith.cmpi slt, %rem3A_23, %lt3A : i32
    %lt3A_27 = arith.constant 0 : i32
    %lt3A_28 = arith.cmpi slt, %select_n3A_22, %lt3A_27 : i32
    %ne3A_29 = arith.xori %lt3A_26, %lt3A_28 : i1
    %and3A_30 = arith.andi %ne3A_29, %ne3A_25 : i1
    %add3A_31 = arith.addi %rem3A_23, %select_n3A_22 : i32
    %select_n3A_32 = arith.select %and3A_30, %add3A_31, %rem3A_23 : i32
    %mul3A_33 = arith.constant 256 : i32
    %mul3A_34 = arith.muli %select_n3A_32, %mul3A_33 : i32
    %dma_start3A = tpu.memref_slice %arg2[%select_n3A, %mul3A_34] : memref<4x2048xi32, #tpu.memory_space<hbm>> -> memref<1x256xi32, #tpu.memory_space<hbm>>
    %dma_start3A_35 = tpu.memref_squeeze %dma_start3A : memref<1x256xi32, #tpu.memory_space<hbm>> -> memref<256xi32, #tpu.memory_space<hbm>>
    %dma_start3A_36 = tpu.memref_slice %arg2[%select_n3A, %mul3A_34] : memref<4x2048xi32, #tpu.memory_space<hbm>> -> memref<1x256xi32, #tpu.memory_space<hbm>>
    %dma_start3A_37 = tpu.memref_squeeze %dma_start3A_36 : memref<1x256xi32, #tpu.memory_space<hbm>> -> memref<256xi32, #tpu.memory_space<hbm>>
    tpu.enqueue_dma source(%dma_start3A_37 : memref<256xi32, #tpu.memory_space<hbm>>) target(%arg7 : memref<256xi32, #tpu.memory_space<vmem>>) target_semaphore(%arg17 : memref<!tpu.dma_semaphore, #tpu.memory_space<semaphore_mem>>)
    %dma_start3A_38 = tpu.memref_slice %arg3[%select_n3A, %mul3A_34] : memref<4x2048xi32, #tpu.memory_space<hbm>> -> memref<1x256xi32, #tpu.memory_space<hbm>>
    %dma_start3A_39 = tpu.memref_squeeze %dma_start3A_38 : memref<1x256xi32, #tpu.memory_space<hbm>> -> memref<256xi32, #tpu.memory_space<hbm>>
    %dma_start3A_40 = tpu.memref_slice %arg3[%select_n3A, %mul3A_34] : memref<4x2048xi32, #tpu.memory_space<hbm>> -> memref<1x256xi32, #tpu.memory_space<hbm>>
    %dma_start3A_41 = tpu.memref_squeeze %dma_start3A_40 : memref<1x256xi32, #tpu.memory_space<hbm>> -> memref<256xi32, #tpu.memory_space<hbm>>
    tpu.enqueue_dma source(%dma_start3A_41 : memref<256xi32, #tpu.memory_space<hbm>>) target(%arg8 : memref<256xi32, #tpu.memory_space<vmem>>) target_semaphore(%arg21 : memref<!tpu.dma_semaphore, #tpu.memory_space<semaphore_mem>>)
    %dma_wait3A = tpu.memref_slice %arg2[%select_n3A, %mul3A_34] : memref<4x2048xi32, #tpu.memory_space<hbm>> -> memref<1x256xi32, #tpu.memory_space<hbm>>
    %dma_wait3A_42 = tpu.memref_squeeze %dma_wait3A : memref<1x256xi32, #tpu.memory_space<hbm>> -> memref<256xi32, #tpu.memory_space<hbm>>
    %dma_wait3A_43 = tpu.memref_slice %arg2[%select_n3A, %mul3A_34] : memref<4x2048xi32, #tpu.memory_space<hbm>> -> memref<1x256xi32, #tpu.memory_space<hbm>>
    %dma_wait3A_44 = tpu.memref_squeeze %dma_wait3A_43 : memref<1x256xi32, #tpu.memory_space<hbm>> -> memref<256xi32, #tpu.memory_space<hbm>>
    tpu.wait_dma2 semaphore(%arg17 : memref<!tpu.dma_semaphore, #tpu.memory_space<semaphore_mem>>) src(%dma_wait3A_44 : memref<256xi32, #tpu.memory_space<hbm>>) dst(%arg7 : memref<256xi32, #tpu.memory_space<vmem>>)
    %dma_start3A_45 = arith.constant 0 : i32
    %dma_start3A_46 = tpu.memref_slice %arg7[%dma_start3A_45] : memref<256xi32, #tpu.memory_space<vmem>> -> memref<16xi32, #tpu.memory_space<vmem>>
    %dma_start3A_47 = arith.constant 0 : i32
    %dma_start3A_48 = arith.constant 0 : i32
    %dma_start3A_49 = tpu.memref_slice %arg4[%dma_start3A_47, %dma_start3A_48] : memref<100000x768xf32, #tpu.memory_space<hbm>> -> memref<100000x768xf32, #tpu.memory_space<hbm>>
    tpu.enqueue_indirect_dma source(%dma_start3A_49 : memref<100000x768xf32, #tpu.memory_space<hbm>>) target(%arg9 : memref<16x768xf32, #tpu.memory_space<vmem>>) offsets(%dma_start3A_46 : memref<16xi32, #tpu.memory_space<vmem>>) semaphore(%arg17 : memref<!tpu.dma_semaphore, #tpu.memory_space<semaphore_mem>>)
    %dma_start3A_50 = arith.constant 16 : i32
    %dma_start3A_51 = tpu.memref_slice %arg7[%dma_start3A_50] : memref<256xi32, #tpu.memory_space<vmem>> -> memref<16xi32, #tpu.memory_space<vmem>>
    %dma_start3A_52 = arith.constant 0 : i32
    %dma_start3A_53 = arith.constant 0 : i32
    %dma_start3A_54 = tpu.memref_slice %arg4[%dma_start3A_52, %dma_start3A_53] : memref<100000x768xf32, #tpu.memory_space<hbm>> -> memref<100000x768xf32, #tpu.memory_space<hbm>>
    tpu.enqueue_indirect_dma source(%dma_start3A_54 : memref<100000x768xf32, #tpu.memory_space<hbm>>) target(%arg10 : memref<16x768xf32, #tpu.memory_space<vmem>>) offsets(%dma_start3A_51 : memref<16xi32, #tpu.memory_space<vmem>>) semaphore(%arg18 : memref<!tpu.dma_semaphore, #tpu.memory_space<semaphore_mem>>)
    %dma_start3A_55 = arith.constant 32 : i32
    %dma_start3A_56 = tpu.memref_slice %arg7[%dma_start3A_55] : memref<256xi32, #tpu.memory_space<vmem>> -> memref<16xi32, #tpu.memory_space<vmem>>
    %dma_start3A_57 = arith.constant 0 : i32
    %dma_start3A_58 = arith.constant 0 : i32
    %dma_start3A_59 = tpu.memref_slice %arg4[%dma_start3A_57, %dma_start3A_58] : memref<100000x768xf32, #tpu.memory_space<hbm>> -> memref<100000x768xf32, #tpu.memory_space<hbm>>
    tpu.enqueue_indirect_dma source(%dma_start3A_59 : memref<100000x768xf32, #tpu.memory_space<hbm>>) target(%arg11 : memref<16x768xf32, #tpu.memory_space<vmem>>) offsets(%dma_start3A_56 : memref<16xi32, #tpu.memory_space<vmem>>) semaphore(%arg19 : memref<!tpu.dma_semaphore, #tpu.memory_space<semaphore_mem>>)
    %dma_wait3A_60 = tpu.memref_slice %arg3[%select_n3A, %mul3A_34] : memref<4x2048xi32, #tpu.memory_space<hbm>> -> memref<1x256xi32, #tpu.memory_space<hbm>>
    %dma_wait3A_61 = tpu.memref_squeeze %dma_wait3A_60 : memref<1x256xi32, #tpu.memory_space<hbm>> -> memref<256xi32, #tpu.memory_space<hbm>>
    %dma_wait3A_62 = tpu.memref_slice %arg3[%select_n3A, %mul3A_34] : memref<4x2048xi32, #tpu.memory_space<hbm>> -> memref<1x256xi32, #tpu.memory_space<hbm>>
    %dma_wait3A_63 = tpu.memref_squeeze %dma_wait3A_62 : memref<1x256xi32, #tpu.memory_space<hbm>> -> memref<256xi32, #tpu.memory_space<hbm>>
    tpu.wait_dma2 semaphore(%arg21 : memref<!tpu.dma_semaphore, #tpu.memory_space<semaphore_mem>>) src(%dma_wait3A_63 : memref<256xi32, #tpu.memory_space<hbm>>) dst(%arg8 : memref<256xi32, #tpu.memory_space<vmem>>)
    %dma_start3A_64 = arith.constant 0 : i32
    %dma_start3A_65 = tpu.memref_slice %arg8[%dma_start3A_64] : memref<256xi32, #tpu.memory_space<vmem>> -> memref<16xi32, #tpu.memory_space<vmem>>
    %dma_start3A_66 = arith.constant 0 : i32
    %dma_start3A_67 = arith.constant 0 : i32
    %dma_start3A_68 = tpu.memref_slice %arg5[%dma_start3A_66, %dma_start3A_67] : memref<2048x768xf32, #tpu.memory_space<hbm>> -> memref<2048x768xf32, #tpu.memory_space<hbm>>
    tpu.enqueue_indirect_dma source(%dma_start3A_68 : memref<2048x768xf32, #tpu.memory_space<hbm>>) target(%arg13 : memref<16x768xf32, #tpu.memory_space<vmem>>) offsets(%dma_start3A_65 : memref<16xi32, #tpu.memory_space<vmem>>) semaphore(%arg21 : memref<!tpu.dma_semaphore, #tpu.memory_space<semaphore_mem>>)
    %dma_start3A_69 = arith.constant 16 : i32
    %dma_start3A_70 = tpu.memref_slice %arg8[%dma_start3A_69] : memref<256xi32, #tpu.memory_space<vmem>> -> memref<16xi32, #tpu.memory_space<vmem>>
    %dma_start3A_71 = arith.constant 0 : i32
    %dma_start3A_72 = arith.constant 0 : i32
    %dma_start3A_73 = tpu.memref_slice %arg5[%dma_start3A_71, %dma_start3A_72] : memref<2048x768xf32, #tpu.memory_space<hbm>> -> memref<2048x768xf32, #tpu.memory_space<hbm>>
    tpu.enqueue_indirect_dma source(%dma_start3A_73 : memref<2048x768xf32, #tpu.memory_space<hbm>>) target(%arg14 : memref<16x768xf32, #tpu.memory_space<vmem>>) offsets(%dma_start3A_70 : memref<16xi32, #tpu.memory_space<vmem>>) semaphore(%arg22 : memref<!tpu.dma_semaphore, #tpu.memory_space<semaphore_mem>>)
    %dma_start3A_74 = arith.constant 32 : i32
    %dma_start3A_75 = tpu.memref_slice %arg8[%dma_start3A_74] : memref<256xi32, #tpu.memory_space<vmem>> -> memref<16xi32, #tpu.memory_space<vmem>>
    %dma_start3A_76 = arith.constant 0 : i32
    %dma_start3A_77 = arith.constant 0 : i32
    %dma_start3A_78 = tpu.memref_slice %arg5[%dma_start3A_76, %dma_start3A_77] : memref<2048x768xf32, #tpu.memory_space<hbm>> -> memref<2048x768xf32, #tpu.memory_space<hbm>>
    tpu.enqueue_indirect_dma source(%dma_start3A_78 : memref<2048x768xf32, #tpu.memory_space<hbm>>) target(%arg15 : memref<16x768xf32, #tpu.memory_space<vmem>>) offsets(%dma_start3A_75 : memref<16xi32, #tpu.memory_space<vmem>>) semaphore(%arg23 : memref<!tpu.dma_semaphore, #tpu.memory_space<semaphore_mem>>)
    %dma_start3A_79 = arith.constant 48 : i32
    %dma_start3A_80 = tpu.memref_slice %arg7[%dma_start3A_79] : memref<256xi32, #tpu.memory_space<vmem>> -> memref<16xi32, #tpu.memory_space<vmem>>
    %dma_start3A_81 = arith.constant 0 : i32
    %dma_start3A_82 = arith.constant 0 : i32
    %dma_start3A_83 = tpu.memref_slice %arg4[%dma_start3A_81, %dma_start3A_82] : memref<100000x768xf32, #tpu.memory_space<hbm>> -> memref<100000x768xf32, #tpu.memory_space<hbm>>
    tpu.enqueue_indirect_dma source(%dma_start3A_83 : memref<100000x768xf32, #tpu.memory_space<hbm>>) target(%arg12 : memref<16x768xf32, #tpu.memory_space<vmem>>) offsets(%dma_start3A_80 : memref<16xi32, #tpu.memory_space<vmem>>) semaphore(%arg20 : memref<!tpu.dma_semaphore, #tpu.memory_space<semaphore_mem>>)
    %dma_start3A_84 = arith.constant 48 : i32
    %dma_start3A_85 = tpu.memref_slice %arg8[%dma_start3A_84] : memref<256xi32, #tpu.memory_space<vmem>> -> memref<16xi32, #tpu.memory_space<vmem>>
    %dma_start3A_86 = arith.constant 0 : i32
    %dma_start3A_87 = arith.constant 0 : i32
    %dma_start3A_88 = tpu.memref_slice %arg5[%dma_start3A_86, %dma_start3A_87] : memref<2048x768xf32, #tpu.memory_space<hbm>> -> memref<2048x768xf32, #tpu.memory_space<hbm>>
    tpu.enqueue_indirect_dma source(%dma_start3A_88 : memref<2048x768xf32, #tpu.memory_space<hbm>>) target(%arg16 : memref<16x768xf32, #tpu.memory_space<vmem>>) offsets(%dma_start3A_85 : memref<16xi32, #tpu.memory_space<vmem>>) semaphore(%arg24 : memref<!tpu.dma_semaphore, #tpu.memory_space<semaphore_mem>>)
    %dma_wait3A_89 = arith.constant 0 : i32
    %dma_wait3A_90 = tpu.memref_slice %arg7[%dma_wait3A_89] : memref<256xi32, #tpu.memory_space<vmem>> -> memref<16xi32, #tpu.memory_space<vmem>>
    %dma_wait3A_91 = arith.constant 0 : i32
    %dma_wait3A_92 = arith.constant 0 : i32
    %dma_wait3A_93 = tpu.memref_slice %arg4[%dma_wait3A_91, %dma_wait3A_92] : memref<100000x768xf32, #tpu.memory_space<hbm>> -> memref<100000x768xf32, #tpu.memory_space<hbm>>
    tpu.wait_indirect_dma semaphore(%arg17 : memref<!tpu.dma_semaphore, #tpu.memory_space<semaphore_mem>>) src(%dma_wait3A_93 : memref<100000x768xf32, #tpu.memory_space<hbm>>) dst(%arg9 : memref<16x768xf32, #tpu.memory_space<vmem>>)
    %dma_wait3A_94 = arith.constant 0 : i32
    %dma_wait3A_95 = tpu.memref_slice %arg8[%dma_wait3A_94] : memref<256xi32, #tpu.memory_space<vmem>> -> memref<16xi32, #tpu.memory_space<vmem>>
    %dma_wait3A_96 = arith.constant 0 : i32
    %dma_wait3A_97 = arith.constant 0 : i32
    %dma_wait3A_98 = tpu.memref_slice %arg5[%dma_wait3A_96, %dma_wait3A_97] : memref<2048x768xf32, #tpu.memory_space<hbm>> -> memref<2048x768xf32, #tpu.memory_space<hbm>>
    tpu.wait_indirect_dma semaphore(%arg21 : memref<!tpu.dma_semaphore, #tpu.memory_space<semaphore_mem>>) src(%dma_wait3A_98 : memref<2048x768xf32, #tpu.memory_space<hbm>>) dst(%arg13 : memref<16x768xf32, #tpu.memory_space<vmem>>)
    %scan3A = arith.constant 0 : i32
    %scan3A_99 = arith.constant 16 : i32
    %scan3A_100 = arith.addi %scan3A, %scan3A_99 : i32
    %scan3A_101 = arith.constant 1 : i32
    scf.for %scan3A_608 = %scan3A to %scan3A_100 step %scan3A_101  : i32 {
      %parallel_loop3A = arith.constant 0 : i32
      %parallel_loop3A_609 = arith.constant 768 : i32
      %parallel_loop3A_610 = arith.constant 16 : i32
      scf.for %parallel_loop3A_611 = %parallel_loop3A to %parallel_loop3A_609 step %parallel_loop3A_610  : i32 {
        %parallel_loop3A_612 = arith.index_cast %scan3A_608 : i32 to index
        %parallel_loop3A_613 = arith.index_cast %parallel_loop3A_611 : i32 to index
        %parallel_loop3A_614 = tpu.vector_load %arg9[%parallel_loop3A_612, %parallel_loop3A_613] {strides = array<i32>} : memref<16x768xf32, #tpu.memory_space<vmem>>, vector<1x16xf32>,
        %parallel_loop3A_615 = vector.shape_cast %parallel_loop3A_614 : vector<1x16xf32> to vector<16xf32>
        %parallel_loop3A_616 = arith.index_cast %scan3A_608 : i32 to index
        %parallel_loop3A_617 = arith.index_cast %parallel_loop3A_611 : i32 to index
        %parallel_loop3A_618 = tpu.vector_load %arg13[%parallel_loop3A_616, %parallel_loop3A_617] {strides = array<i32>} : memref<16x768xf32, #tpu.memory_space<vmem>>, vector<1x16xf32>,
        %parallel_loop3A_619 = vector.shape_cast %parallel_loop3A_618 : vector<1x16xf32> to vector<16xf32>
        %parallel_loop3A_620 = arith.addf %parallel_loop3A_615, %parallel_loop3A_619 : vector<16xf32>
        %parallel_loop3A_621 = arith.index_cast %scan3A_608 : i32 to index
        %parallel_loop3A_622 = arith.index_cast %parallel_loop3A_611 : i32 to index
        %parallel_loop3A_623 = tpu.vector_load %arg9[%parallel_loop3A_621, %parallel_loop3A_622] {strides = array<i32>} : memref<16x768xf32, #tpu.memory_space<vmem>>, vector<1x16xf32>,
        %parallel_loop3A_624 = vector.shape_cast %parallel_loop3A_623 : vector<1x16xf32> to vector<16xf32>
        %parallel_loop3A_625 = vector.shape_cast %parallel_loop3A_620 : vector<16xf32> to vector<1x16xf32>
        tpu.vector_store %arg9[%parallel_loop3A_621, %parallel_loop3A_622], %parallel_loop3A_625 {strides = array<i32>} : memref<16x768xf32, #tpu.memory_space<vmem>>, vector<1x16xf32>,
      } {sc.loop_unroll_factor = 6 : i64, sc.parallel_access}
    }
    %scan3A_102 = arith.constant 16 : i32
    %add3A_103 = arith.constant 0 : i32
    %add3A_104 = arith.addi %mul3A_2, %add3A_103 : i32
    %dma_start3A_105 = arith.constant 0 : i32
    %dma_start3A_106 = tpu.memref_slice %arg6[%add3A_104, %dma_start3A_105] : memref<8192x768xf32, #tpu.memory_space<hbm>> -> memref<16x768xf32, #tpu.memory_space<hbm>>
    %dma_start3A_107 = arith.constant 0 : i32
    %dma_start3A_108 = tpu.memref_slice %arg6[%add3A_104, %dma_start3A_107] : memref<8192x768xf32, #tpu.memory_space<hbm>> -> memref<16x768xf32, #tpu.memory_space<hbm>>
    tpu.enqueue_dma source(%arg9 : memref<16x768xf32, #tpu.memory_space<vmem>>) target(%dma_start3A_108 : memref<16x768xf32, #tpu.memory_space<hbm>>) target_semaphore(%arg25 : memref<!tpu.dma_semaphore, #tpu.memory_space<semaphore_mem>>)
    %dma_wait3A_109 = arith.constant 0 : i32
    %dma_wait3A_110 = tpu.memref_slice %arg6[%add3A_104, %dma_wait3A_109] : memref<8192x768xf32, #tpu.memory_space<hbm>> -> memref<16x768xf32, #tpu.memory_space<hbm>>
    %dma_wait3A_111 = arith.constant 0 : i32
    %dma_wait3A_112 = tpu.memref_slice %arg6[%add3A_104, %dma_wait3A_111] : memref<8192x768xf32, #tpu.memory_space<hbm>> -> memref<16x768xf32, #tpu.memory_space<hbm>>
    tpu.wait_dma2 semaphore(%arg25 : memref<!tpu.dma_semaphore, #tpu.memory_space<semaphore_mem>>) src(%arg9 : memref<16x768xf32, #tpu.memory_space<vmem>>) dst(%dma_wait3A_112 : memref<16x768xf32, #tpu.memory_space<hbm>>)
    %dma_start3A_113 = arith.constant 64 : i32
    %dma_start3A_114 = tpu.memref_slice %arg7[%dma_start3A_113] : memref<256xi32, #tpu.memory_space<vmem>> -> memref<16xi32, #tpu.memory_space<vmem>>
    %dma_start3A_115 = arith.constant 0 : i32
    %dma_start3A_116 = arith.constant 0 : i32
    %dma_start3A_117 = tpu.memref_slice %arg4[%dma_start3A_115, %dma_start3A_116] : memref<100000x768xf32, #tpu.memory_space<hbm>> -> memref<100000x768xf32, #tpu.memory_space<hbm>>
    tpu.enqueue_indirect_dma source(%dma_start3A_117 : memref<100000x768xf32, #tpu.memory_space<hbm>>) target(%arg9 : memref<16x768xf32, #tpu.memory_space<vmem>>) offsets(%dma_start3A_114 : memref<16xi32, #tpu.memory_space<vmem>>) semaphore(%arg17 : memref<!tpu.dma_semaphore, #tpu.memory_space<semaphore_mem>>)
    %dma_start3A_118 = arith.constant 64 : i32
    %dma_start3A_119 = tpu.memref_slice %arg8[%dma_start3A_118] : memref<256xi32, #tpu.memory_space<vmem>> -> memref<16xi32, #tpu.memory_space<vmem>>
    %dma_start3A_120 = arith.constant 0 : i32
    %dma_start3A_121 = arith.constant 0 : i32
    %dma_start3A_122 = tpu.memref_slice %arg5[%dma_start3A_120, %dma_start3A_121] : memref<2048x768xf32, #tpu.memory_space<hbm>> -> memref<2048x768xf32, #tpu.memory_space<hbm>>
    tpu.enqueue_indirect_dma source(%dma_start3A_122 : memref<2048x768xf32, #tpu.memory_space<hbm>>) target(%arg13 : memref<16x768xf32, #tpu.memory_space<vmem>>) offsets(%dma_start3A_119 : memref<16xi32, #tpu.memory_space<vmem>>) semaphore(%arg21 : memref<!tpu.dma_semaphore, #tpu.memory_space<semaphore_mem>>)
    %dma_wait3A_123 = arith.constant 16 : i32
    %dma_wait3A_124 = tpu.memref_slice %arg7[%dma_wait3A_123] : memref<256xi32, #tpu.memory_space<vmem>> -> memref<16xi32, #tpu.memory_space<vmem>>
    %dma_wait3A_125 = arith.constant 0 : i32
    %dma_wait3A_126 = arith.constant 0 : i32
    %dma_wait3A_127 = tpu.memref_slice %arg4[%dma_wait3A_125, %dma_wait3A_126] : memref<100000x768xf32, #tpu.memory_space<hbm>> -> memref<100000x768xf32, #tpu.memory_space<hbm>>
    tpu.wait_indirect_dma semaphore(%arg18 : memref<!tpu.dma_semaphore, #tpu.memory_space<semaphore_mem>>) src(%dma_wait3A_127 : memref<100000x768xf32, #tpu.memory_space<hbm>>) dst(%arg10 : memref<16x768xf32, #tpu.memory_space<vmem>>)
    %dma_wait3A_128 = arith.constant 16 : i32
    %dma_wait3A_129 = tpu.memref_slice %arg8[%dma_wait3A_128] : memref<256xi32, #tpu.memory_space<vmem>> -> memref<16xi32, #tpu.memory_space<vmem>>
    %dma_wait3A_130 = arith.constant 0 : i32
    %dma_wait3A_131 = arith.constant 0 : i32
    %dma_wait3A_132 = tpu.memref_slice %arg5[%dma_wait3A_130, %dma_wait3A_131] : memref<2048x768xf32, #tpu.memory_space<hbm>> -> memref<2048x768xf32, #tpu.memory_space<hbm>>
    tpu.wait_indirect_dma semaphore(%arg22 : memref<!tpu.dma_semaphore, #tpu.memory_space<semaphore_mem>>) src(%dma_wait3A_132 : memref<2048x768xf32, #tpu.memory_space<hbm>>) dst(%arg14 : memref<16x768xf32, #tpu.memory_space<vmem>>)
    %scan3A_133 = arith.constant 0 : i32
    %scan3A_134 = arith.constant 16 : i32
    %scan3A_135 = arith.addi %scan3A_133, %scan3A_134 : i32
    %scan3A_136 = arith.constant 1 : i32
    scf.for %scan3A_608 = %scan3A_133 to %scan3A_135 step %scan3A_136  : i32 {
      %parallel_loop3A = arith.constant 0 : i32
      %parallel_loop3A_609 = arith.constant 768 : i32
      %parallel_loop3A_610 = arith.constant 16 : i32
      scf.for %parallel_loop3A_611 = %parallel_loop3A to %parallel_loop3A_609 step %parallel_loop3A_610  : i32 {
        %parallel_loop3A_612 = arith.index_cast %scan3A_608 : i32 to index
        %parallel_loop3A_613 = arith.index_cast %parallel_loop3A_611 : i32 to index
        %parallel_loop3A_614 = tpu.vector_load %arg10[%parallel_loop3A_612, %parallel_loop3A_613] {strides = array<i32>} : memref<16x768xf32, #tpu.memory_space<vmem>>, vector<1x16xf32>,
        %parallel_loop3A_615 = vector.shape_cast %parallel_loop3A_614 : vector<1x16xf32> to vector<16xf32>
        %parallel_loop3A_616 = arith.index_cast %scan3A_608 : i32 to index
        %parallel_loop3A_617 = arith.index_cast %parallel_loop3A_611 : i32 to index
        %parallel_loop3A_618 = tpu.vector_load %arg14[%parallel_loop3A_616, %parallel_loop3A_617] {strides = array<i32>} : memref<16x768xf32, #tpu.memory_space<vmem>>, vector<1x16xf32>,
        %parallel_loop3A_619 = vector.shape_cast %parallel_loop3A_618 : vector<1x16xf32> to vector<16xf32>
        %parallel_loop3A_620 = arith.addf %parallel_loop3A_615, %parallel_loop3A_619 : vector<16xf32>
        %parallel_loop3A_621 = arith.index_cast %scan3A_608 : i32 to index
        %parallel_loop3A_622 = arith.index_cast %parallel_loop3A_611 : i32 to index
        %parallel_loop3A_623 = tpu.vector_load %arg10[%parallel_loop3A_621, %parallel_loop3A_622] {strides = array<i32>} : memref<16x768xf32, #tpu.memory_space<vmem>>, vector<1x16xf32>,
        %parallel_loop3A_624 = vector.shape_cast %parallel_loop3A_623 : vector<1x16xf32> to vector<16xf32>
        %parallel_loop3A_625 = vector.shape_cast %parallel_loop3A_620 : vector<16xf32> to vector<1x16xf32>
        tpu.vector_store %arg10[%parallel_loop3A_621, %parallel_loop3A_622], %parallel_loop3A_625 {strides = array<i32>} : memref<16x768xf32, #tpu.memory_space<vmem>>, vector<1x16xf32>,
      } {sc.loop_unroll_factor = 6 : i64, sc.parallel_access}
    }
    %scan3A_137 = arith.constant 16 : i32
    %add3A_138 = arith.constant 16 : i32
    %add3A_139 = arith.addi %mul3A_2, %add3A_138 : i32
    %dma_start3A_140 = arith.constant 0 : i32
    %dma_start3A_141 = tpu.memref_slice %arg6[%add3A_139, %dma_start3A_140] : memref<8192x768xf32, #tpu.memory_space<hbm>> -> memref<16x768xf32, #tpu.memory_space<hbm>>
    %dma_start3A_142 = arith.constant 0 : i32
    %dma_start3A_143 = tpu.memref_slice %arg6[%add3A_139, %dma_start3A_142] : memref<8192x768xf32, #tpu.memory_space<hbm>> -> memref<16x768xf32, #tpu.memory_space<hbm>>
    tpu.enqueue_dma source(%arg10 : memref<16x768xf32, #tpu.memory_space<vmem>>) target(%dma_start3A_143 : memref<16x768xf32, #tpu.memory_space<hbm>>) target_semaphore(%arg26 : memref<!tpu.dma_semaphore, #tpu.memory_space<semaphore_mem>>)
    %dma_wait3A_144 = arith.constant 0 : i32
    %dma_wait3A_145 = tpu.memref_slice %arg6[%add3A_139, %dma_wait3A_144] : memref<8192x768xf32, #tpu.memory_space<hbm>> -> memref<16x768xf32, #tpu.memory_space<hbm>>
    %dma_wait3A_146 = arith.constant 0 : i32
    %dma_wait3A_147 = tpu.memref_slice %arg6[%add3A_139, %dma_wait3A_146] : memref<8192x768xf32, #tpu.memory_space<hbm>> -> memref<16x768xf32, #tpu.memory_space<hbm>>
    tpu.wait_dma2 semaphore(%arg26 : memref<!tpu.dma_semaphore, #tpu.memory_space<semaphore_mem>>) src(%arg10 : memref<16x768xf32, #tpu.memory_space<vmem>>) dst(%dma_wait3A_147 : memref<16x768xf32, #tpu.memory_space<hbm>>)
    %dma_start3A_148 = arith.constant 80 : i32
    %dma_start3A_149 = tpu.memref_slice %arg7[%dma_start3A_148] : memref<256xi32, #tpu.memory_space<vmem>> -> memref<16xi32, #tpu.memory_space<vmem>>
    %dma_start3A_150 = arith.constant 0 : i32
    %dma_start3A_151 = arith.constant 0 : i32
    %dma_start3A_152 = tpu.memref_slice %arg4[%dma_start3A_150, %dma_start3A_151] : memref<100000x768xf32, #tpu.memory_space<hbm>> -> memref<100000x768xf32, #tpu.memory_space<hbm>>
    tpu.enqueue_indirect_dma source(%dma_start3A_152 : memref<100000x768xf32, #tpu.memory_space<hbm>>) target(%arg10 : memref<16x768xf32, #tpu.memory_space<vmem>>) offsets(%dma_start3A_149 : memref<16xi32, #tpu.memory_space<vmem>>) semaphore(%arg18 : memref<!tpu.dma_semaphore, #tpu.memory_space<semaphore_mem>>)
    %dma_start3A_153 = arith.constant 80 : i32
    %dma_start3A_154 = tpu.memref_slice %arg8[%dma_start3A_153] : memref<256xi32, #tpu.memory_space<vmem>> -> memref<16xi32, #tpu.memory_space<vmem>>
    %dma_start3A_155 = arith.constant 0 : i32
    %dma_start3A_156 = arith.constant 0 : i32
    %dma_start3A_157 = tpu.memref_slice %arg5[%dma_start3A_155, %dma_start3A_156] : memref<2048x768xf32, #tpu.memory_space<hbm>> -> memref<2048x768xf32, #tpu.memory_space<hbm>>
    tpu.enqueue_indirect_dma source(%dma_start3A_157 : memref<2048x768xf32, #tpu.memory_space<hbm>>) target(%arg14 : memref<16x768xf32, #tpu.memory_space<vmem>>) offsets(%dma_start3A_154 : memref<16xi32, #tpu.memory_space<vmem>>) semaphore(%arg22 : memref<!tpu.dma_semaphore, #tpu.memory_space<semaphore_mem>>)
    %dma_wait3A_158 = arith.constant 32 : i32
    %dma_wait3A_159 = tpu.memref_slice %arg7[%dma_wait3A_158] : memref<256xi32, #tpu.memory_space<vmem>> -> memref<16xi32, #tpu.memory_space<vmem>>
    %dma_wait3A_160 = arith.constant 0 : i32
    %dma_wait3A_161 = arith.constant 0 : i32
    %dma_wait3A_162 = tpu.memref_slice %arg4[%dma_wait3A_160, %dma_wait3A_161] : memref<100000x768xf32, #tpu.memory_space<hbm>> -> memref<100000x768xf32, #tpu.memory_space<hbm>>
    tpu.wait_indirect_dma semaphore(%arg19 : memref<!tpu.dma_semaphore, #tpu.memory_space<semaphore_mem>>) src(%dma_wait3A_162 : memref<100000x768xf32, #tpu.memory_space<hbm>>) dst(%arg11 : memref<16x768xf32, #tpu.memory_space<vmem>>)
    %dma_wait3A_163 = arith.constant 32 : i32
    %dma_wait3A_164 = tpu.memref_slice %arg8[%dma_wait3A_163] : memref<256xi32, #tpu.memory_space<vmem>> -> memref<16xi32, #tpu.memory_space<vmem>>
    %dma_wait3A_165 = arith.constant 0 : i32
    %dma_wait3A_166 = arith.constant 0 : i32
    %dma_wait3A_167 = tpu.memref_slice %arg5[%dma_wait3A_165, %dma_wait3A_166] : memref<2048x768xf32, #tpu.memory_space<hbm>> -> memref<2048x768xf32, #tpu.memory_space<hbm>>
    tpu.wait_indirect_dma semaphore(%arg23 : memref<!tpu.dma_semaphore, #tpu.memory_space<semaphore_mem>>) src(%dma_wait3A_167 : memref<2048x768xf32, #tpu.memory_space<hbm>>) dst(%arg15 : memref<16x768xf32, #tpu.memory_space<vmem>>)
    %scan3A_168 = arith.constant 0 : i32
    %scan3A_169 = arith.constant 16 : i32
    %scan3A_170 = arith.addi %scan3A_168, %scan3A_169 : i32
    %scan3A_171 = arith.constant 1 : i32
    scf.for %scan3A_608 = %scan3A_168 to %scan3A_170 step %scan3A_171  : i32 {
      %parallel_loop3A = arith.constant 0 : i32
      %parallel_loop3A_609 = arith.constant 768 : i32
      %parallel_loop3A_610 = arith.constant 16 : i32
      scf.for %parallel_loop3A_611 = %parallel_loop3A to %parallel_loop3A_609 step %parallel_loop3A_610  : i32 {
        %parallel_loop3A_612 = arith.index_cast %scan3A_608 : i32 to index
        %parallel_loop3A_613 = arith.index_cast %parallel_loop3A_611 : i32 to index
        %parallel_loop3A_614 = tpu.vector_load %arg11[%parallel_loop3A_612, %parallel_loop3A_613] {strides = array<i32>} : memref<16x768xf32, #tpu.memory_space<vmem>>, vector<1x16xf32>,
        %parallel_loop3A_615 = vector.shape_cast %parallel_loop3A_614 : vector<1x16xf32> to vector<16xf32>
        %parallel_loop3A_616 = arith.index_cast %scan3A_608 : i32 to index
        %parallel_loop3A_617 = arith.index_cast %parallel_loop3A_611 : i32 to index
        %parallel_loop3A_618 = tpu.vector_load %arg15[%parallel_loop3A_616, %parallel_loop3A_617] {strides = array<i32>} : memref<16x768xf32, #tpu.memory_space<vmem>>, vector<1x16xf32>,
        %parallel_loop3A_619 = vector.shape_cast %parallel_loop3A_618 : vector<1x16xf32> to vector<16xf32>
        %parallel_loop3A_620 = arith.addf %parallel_loop3A_615, %parallel_loop3A_619 : vector<16xf32>
        %parallel_loop3A_621 = arith.index_cast %scan3A_608 : i32 to index
        %parallel_loop3A_622 = arith.index_cast %parallel_loop3A_611 : i32 to index
        %parallel_loop3A_623 = tpu.vector_load %arg11[%parallel_loop3A_621, %parallel_loop3A_622] {strides = array<i32>} : memref<16x768xf32, #tpu.memory_space<vmem>>, vector<1x16xf32>,
        %parallel_loop3A_624 = vector.shape_cast %parallel_loop3A_623 : vector<1x16xf32> to vector<16xf32>
        %parallel_loop3A_625 = vector.shape_cast %parallel_loop3A_620 : vector<16xf32> to vector<1x16xf32>
        tpu.vector_store %arg11[%parallel_loop3A_621, %parallel_loop3A_622], %parallel_loop3A_625 {strides = array<i32>} : memref<16x768xf32, #tpu.memory_space<vmem>>, vector<1x16xf32>,
      } {sc.loop_unroll_factor = 6 : i64, sc.parallel_access}
    }
    %scan3A_172 = arith.constant 16 : i32
    %add3A_173 = arith.constant 32 : i32
    %add3A_174 = arith.addi %mul3A_2, %add3A_173 : i32
    %dma_start3A_175 = arith.constant 0 : i32
    %dma_start3A_176 = tpu.memref_slice %arg6[%add3A_174, %dma_start3A_175] : memref<8192x768xf32, #tpu.memory_space<hbm>> -> memref<16x768xf32, #tpu.memory_space<hbm>>
    %dma_start3A_177 = arith.constant 0 : i32
    %dma_start3A_178 = tpu.memref_slice %arg6[%add3A_174, %dma_start3A_177] : memref<8192x768xf32, #tpu.memory_space<hbm>> -> memref<16x768xf32, #tpu.memory_space<hbm>>
    tpu.enqueue_dma source(%arg11 : memref<16x768xf32, #tpu.memory_space<vmem>>) target(%dma_start3A_178 : memref<16x768xf32, #tpu.memory_space<hbm>>) target_semaphore(%arg27 : memref<!tpu.dma_semaphore, #tpu.memory_space<semaphore_mem>>)
    %dma_wait3A_179 = arith.constant 0 : i32
    %dma_wait3A_180 = tpu.memref_slice %arg6[%add3A_174, %dma_wait3A_179] : memref<8192x768xf32, #tpu.memory_space<hbm>> -> memref<16x768xf32, #tpu.memory_space<hbm>>
    %dma_wait3A_181 = arith.constant 0 : i32
    %dma_wait3A_182 = tpu.memref_slice %arg6[%add3A_174, %dma_wait3A_181] : memref<8192x768xf32, #tpu.memory_space<hbm>> -> memref<16x768xf32, #tpu.memory_space<hbm>>
    tpu.wait_dma2 semaphore(%arg27 : memref<!tpu.dma_semaphore, #tpu.memory_space<semaphore_mem>>) src(%arg11 : memref<16x768xf32, #tpu.memory_space<vmem>>) dst(%dma_wait3A_182 : memref<16x768xf32, #tpu.memory_space<hbm>>)
    %dma_start3A_183 = arith.constant 96 : i32
    %dma_start3A_184 = tpu.memref_slice %arg7[%dma_start3A_183] : memref<256xi32, #tpu.memory_space<vmem>> -> memref<16xi32, #tpu.memory_space<vmem>>
    %dma_start3A_185 = arith.constant 0 : i32
    %dma_start3A_186 = arith.constant 0 : i32
    %dma_start3A_187 = tpu.memref_slice %arg4[%dma_start3A_185, %dma_start3A_186] : memref<100000x768xf32, #tpu.memory_space<hbm>> -> memref<100000x768xf32, #tpu.memory_space<hbm>>
    tpu.enqueue_indirect_dma source(%dma_start3A_187 : memref<100000x768xf32, #tpu.memory_space<hbm>>) target(%arg11 : memref<16x768xf32, #tpu.memory_space<vmem>>) offsets(%dma_start3A_184 : memref<16xi32, #tpu.memory_space<vmem>>) semaphore(%arg19 : memref<!tpu.dma_semaphore, #tpu.memory_space<semaphore_mem>>)
    %dma_start3A_188 = arith.constant 96 : i32
    %dma_start3A_189 = tpu.memref_slice %arg8[%dma_start3A_188] : memref<256xi32, #tpu.memory_space<vmem>> -> memref<16xi32, #tpu.memory_space<vmem>>
    %dma_start3A_190 = arith.constant 0 : i32
    %dma_start3A_191 = arith.constant 0 : i32
    %dma_start3A_192 = tpu.memref_slice %arg5[%dma_start3A_190, %dma_start3A_191] : memref<2048x768xf32, #tpu.memory_space<hbm>> -> memref<2048x768xf32, #tpu.memory_space<hbm>>
    tpu.enqueue_indirect_dma source(%dma_start3A_192 : memref<2048x768xf32, #tpu.memory_space<hbm>>) target(%arg15 : memref<16x768xf32, #tpu.memory_space<vmem>>) offsets(%dma_start3A_189 : memref<16xi32, #tpu.memory_space<vmem>>) semaphore(%arg23 : memref<!tpu.dma_semaphore, #tpu.memory_space<semaphore_mem>>)
    %dma_wait3A_193 = arith.constant 48 : i32
    %dma_wait3A_194 = tpu.memref_slice %arg7[%dma_wait3A_193] : memref<256xi32, #tpu.memory_space<vmem>> -> memref<16xi32, #tpu.memory_space<vmem>>
    %dma_wait3A_195 = arith.constant 0 : i32
    %dma_wait3A_196 = arith.constant 0 : i32
    %dma_wait3A_197 = tpu.memref_slice %arg4[%dma_wait3A_195, %dma_wait3A_196] : memref<100000x768xf32, #tpu.memory_space<hbm>> -> memref<100000x768xf32, #tpu.memory_space<hbm>>
    tpu.wait_indirect_dma semaphore(%arg20 : memref<!tpu.dma_semaphore, #tpu.memory_space<semaphore_mem>>) src(%dma_wait3A_197 : memref<100000x768xf32, #tpu.memory_space<hbm>>) dst(%arg12 : memref<16x768xf32, #tpu.memory_space<vmem>>)
    %dma_wait3A_198 = arith.constant 48 : i32
    %dma_wait3A_199 = tpu.memref_slice %arg8[%dma_wait3A_198] : memref<256xi32, #tpu.memory_space<vmem>> -> memref<16xi32, #tpu.memory_space<vmem>>
    %dma_wait3A_200 = arith.constant 0 : i32
    %dma_wait3A_201 = arith.constant 0 : i32
    %dma_wait3A_202 = tpu.memref_slice %arg5[%dma_wait3A_200, %dma_wait3A_201] : memref<2048x768xf32, #tpu.memory_space<hbm>> -> memref<2048x768xf32, #tpu.memory_space<hbm>>
    tpu.wait_indirect_dma semaphore(%arg24 : memref<!tpu.dma_semaphore, #tpu.memory_space<semaphore_mem>>) src(%dma_wait3A_202 : memref<2048x768xf32, #tpu.memory_space<hbm>>) dst(%arg16 : memref<16x768xf32, #tpu.memory_space<vmem>>)
    %scan3A_203 = arith.constant 0 : i32
    %scan3A_204 = arith.constant 16 : i32
    %scan3A_205 = arith.addi %scan3A_203, %scan3A_204 : i32
    %scan3A_206 = arith.constant 1 : i32
    scf.for %scan3A_608 = %scan3A_203 to %scan3A_205 step %scan3A_206  : i32 {
      %parallel_loop3A = arith.constant 0 : i32
      %parallel_loop3A_609 = arith.constant 768 : i32
      %parallel_loop3A_610 = arith.constant 16 : i32
      scf.for %parallel_loop3A_611 = %parallel_loop3A to %parallel_loop3A_609 step %parallel_loop3A_610  : i32 {
        %parallel_loop3A_612 = arith.index_cast %scan3A_608 : i32 to index
        %parallel_loop3A_613 = arith.index_cast %parallel_loop3A_611 : i32 to index
        %parallel_loop3A_614 = tpu.vector_load %arg12[%parallel_loop3A_612, %parallel_loop3A_613] {strides = array<i32>} : memref<16x768xf32, #tpu.memory_space<vmem>>, vector<1x16xf32>,
        %parallel_loop3A_615 = vector.shape_cast %parallel_loop3A_614 : vector<1x16xf32> to vector<16xf32>
        %parallel_loop3A_616 = arith.index_cast %scan3A_608 : i32 to index
        %parallel_loop3A_617 = arith.index_cast %parallel_loop3A_611 : i32 to index
        %parallel_loop3A_618 = tpu.vector_load %arg16[%parallel_loop3A_616, %parallel_loop3A_617] {strides = array<i32>} : memref<16x768xf32, #tpu.memory_space<vmem>>, vector<1x16xf32>,
        %parallel_loop3A_619 = vector.shape_cast %parallel_loop3A_618 : vector<1x16xf32> to vector<16xf32>
        %parallel_loop3A_620 = arith.addf %parallel_loop3A_615, %parallel_loop3A_619 : vector<16xf32>
        %parallel_loop3A_621 = arith.index_cast %scan3A_608 : i32 to index
        %parallel_loop3A_622 = arith.index_cast %parallel_loop3A_611 : i32 to index
        %parallel_loop3A_623 = tpu.vector_load %arg12[%parallel_loop3A_621, %parallel_loop3A_622] {strides = array<i32>} : memref<16x768xf32, #tpu.memory_space<vmem>>, vector<1x16xf32>,
        %parallel_loop3A_624 = vector.shape_cast %parallel_loop3A_623 : vector<1x16xf32> to vector<16xf32>
        %parallel_loop3A_625 = vector.shape_cast %parallel_loop3A_620 : vector<16xf32> to vector<1x16xf32>
        tpu.vector_store %arg12[%parallel_loop3A_621, %parallel_loop3A_622], %parallel_loop3A_625 {strides = array<i32>} : memref<16x768xf32, #tpu.memory_space<vmem>>, vector<1x16xf32>,
      } {sc.loop_unroll_factor = 6 : i64, sc.parallel_access}
    }
    %scan3A_207 = arith.constant 16 : i32
    %add3A_208 = arith.constant 48 : i32
    %add3A_209 = arith.addi %mul3A_2, %add3A_208 : i32
    %dma_start3A_210 = arith.constant 0 : i32
    %dma_start3A_211 = tpu.memref_slice %arg6[%add3A_209, %dma_start3A_210] : memref<8192x768xf32, #tpu.memory_space<hbm>> -> memref<16x768xf32, #tpu.memory_space<hbm>>
    %dma_start3A_212 = arith.constant 0 : i32
    %dma_start3A_213 = tpu.memref_slice %arg6[%add3A_209, %dma_start3A_212] : memref<8192x768xf32, #tpu.memory_space<hbm>> -> memref<16x768xf32, #tpu.memory_space<hbm>>
    tpu.enqueue_dma source(%arg12 : memref<16x768xf32, #tpu.memory_space<vmem>>) target(%dma_start3A_213 : memref<16x768xf32, #tpu.memory_space<hbm>>) target_semaphore(%arg28 : memref<!tpu.dma_semaphore, #tpu.memory_space<semaphore_mem>>)
    %dma_wait3A_214 = arith.constant 0 : i32
    %dma_wait3A_215 = tpu.memref_slice %arg6[%add3A_209, %dma_wait3A_214] : memref<8192x768xf32, #tpu.memory_space<hbm>> -> memref<16x768xf32, #tpu.memory_space<hbm>>
    %dma_wait3A_216 = arith.constant 0 : i32
    %dma_wait3A_217 = tpu.memref_slice %arg6[%add3A_209, %dma_wait3A_216] : memref<8192x768xf32, #tpu.memory_space<hbm>> -> memref<16x768xf32, #tpu.memory_space<hbm>>
    tpu.wait_dma2 semaphore(%arg28 : memref<!tpu.dma_semaphore, #tpu.memory_space<semaphore_mem>>) src(%arg12 : memref<16x768xf32, #tpu.memory_space<vmem>>) dst(%dma_wait3A_217 : memref<16x768xf32, #tpu.memory_space<hbm>>)
    %dma_start3A_218 = arith.constant 112 : i32
    %dma_start3A_219 = tpu.memref_slice %arg7[%dma_start3A_218] : memref<256xi32, #tpu.memory_space<vmem>> -> memref<16xi32, #tpu.memory_space<vmem>>
    %dma_start3A_220 = arith.constant 0 : i32
    %dma_start3A_221 = arith.constant 0 : i32
    %dma_start3A_222 = tpu.memref_slice %arg4[%dma_start3A_220, %dma_start3A_221] : memref<100000x768xf32, #tpu.memory_space<hbm>> -> memref<100000x768xf32, #tpu.memory_space<hbm>>
    tpu.enqueue_indirect_dma source(%dma_start3A_222 : memref<100000x768xf32, #tpu.memory_space<hbm>>) target(%arg12 : memref<16x768xf32, #tpu.memory_space<vmem>>) offsets(%dma_start3A_219 : memref<16xi32, #tpu.memory_space<vmem>>) semaphore(%arg20 : memref<!tpu.dma_semaphore, #tpu.memory_space<semaphore_mem>>)
    %dma_start3A_223 = arith.constant 112 : i32
    %dma_start3A_224 = tpu.memref_slice %arg8[%dma_start3A_223] : memref<256xi32, #tpu.memory_space<vmem>> -> memref<16xi32, #tpu.memory_space<vmem>>
    %dma_start3A_225 = arith.constant 0 : i32
    %dma_start3A_226 = arith.constant 0 : i32
    %dma_start3A_227 = tpu.memref_slice %arg5[%dma_start3A_225, %dma_start3A_226] : memref<2048x768xf32, #tpu.memory_space<hbm>> -> memref<2048x768xf32, #tpu.memory_space<hbm>>
    tpu.enqueue_indirect_dma source(%dma_start3A_227 : memref<2048x768xf32, #tpu.memory_space<hbm>>) target(%arg16 : memref<16x768xf32, #tpu.memory_space<vmem>>) offsets(%dma_start3A_224 : memref<16xi32, #tpu.memory_space<vmem>>) semaphore(%arg24 : memref<!tpu.dma_semaphore, #tpu.memory_space<semaphore_mem>>)
    %dma_wait3A_228 = arith.constant 64 : i32
    %dma_wait3A_229 = tpu.memref_slice %arg7[%dma_wait3A_228] : memref<256xi32, #tpu.memory_space<vmem>> -> memref<16xi32, #tpu.memory_space<vmem>>
    %dma_wait3A_230 = arith.constant 0 : i32
    %dma_wait3A_231 = arith.constant 0 : i32
    %dma_wait3A_232 = tpu.memref_slice %arg4[%dma_wait3A_230, %dma_wait3A_231] : memref<100000x768xf32, #tpu.memory_space<hbm>> -> memref<100000x768xf32, #tpu.memory_space<hbm>>
    tpu.wait_indirect_dma semaphore(%arg17 : memref<!tpu.dma_semaphore, #tpu.memory_space<semaphore_mem>>) src(%dma_wait3A_232 : memref<100000x768xf32, #tpu.memory_space<hbm>>) dst(%arg9 : memref<16x768xf32, #tpu.memory_space<vmem>>)
    %dma_wait3A_233 = arith.constant 64 : i32
    %dma_wait3A_234 = tpu.memref_slice %arg8[%dma_wait3A_233] : memref<256xi32, #tpu.memory_space<vmem>> -> memref<16xi32, #tpu.memory_space<vmem>>
    %dma_wait3A_235 = arith.constant 0 : i32
    %dma_wait3A_236 = arith.constant 0 : i32
    %dma_wait3A_237 = tpu.memref_slice %arg5[%dma_wait3A_235, %dma_wait3A_236] : memref<2048x768xf32, #tpu.memory_space<hbm>> -> memref<2048x768xf32, #tpu.memory_space<hbm>>
    tpu.wait_indirect_dma semaphore(%arg21 : memref<!tpu.dma_semaphore, #tpu.memory_space<semaphore_mem>>) src(%dma_wait3A_237 : memref<2048x768xf32, #tpu.memory_space<hbm>>) dst(%arg13 : memref<16x768xf32, #tpu.memory_space<vmem>>)
    %scan3A_238 = arith.constant 0 : i32
    %scan3A_239 = arith.constant 16 : i32
    %scan3A_240 = arith.addi %scan3A_238, %scan3A_239 : i32
    %scan3A_241 = arith.constant 1 : i32
    scf.for %scan3A_608 = %scan3A_238 to %scan3A_240 step %scan3A_241  : i32 {
      %parallel_loop3A = arith.constant 0 : i32
      %parallel_loop3A_609 = arith.constant 768 : i32
      %parallel_loop3A_610 = arith.constant 16 : i32
      scf.for %parallel_loop3A_611 = %parallel_loop3A to %parallel_loop3A_609 step %parallel_loop3A_610  : i32 {
        %parallel_loop3A_612 = arith.index_cast %scan3A_608 : i32 to index
        %parallel_loop3A_613 = arith.index_cast %parallel_loop3A_611 : i32 to index
        %parallel_loop3A_614 = tpu.vector_load %arg9[%parallel_loop3A_612, %parallel_loop3A_613] {strides = array<i32>} : memref<16x768xf32, #tpu.memory_space<vmem>>, vector<1x16xf32>,
        %parallel_loop3A_615 = vector.shape_cast %parallel_loop3A_614 : vector<1x16xf32> to vector<16xf32>
        %parallel_loop3A_616 = arith.index_cast %scan3A_608 : i32 to index
        %parallel_loop3A_617 = arith.index_cast %parallel_loop3A_611 : i32 to index
        %parallel_loop3A_618 = tpu.vector_load %arg13[%parallel_loop3A_616, %parallel_loop3A_617] {strides = array<i32>} : memref<16x768xf32, #tpu.memory_space<vmem>>, vector<1x16xf32>,
        %parallel_loop3A_619 = vector.shape_cast %parallel_loop3A_618 : vector<1x16xf32> to vector<16xf32>
        %parallel_loop3A_620 = arith.addf %parallel_loop3A_615, %parallel_loop3A_619 : vector<16xf32>
        %parallel_loop3A_621 = arith.index_cast %scan3A_608 : i32 to index
        %parallel_loop3A_622 = arith.index_cast %parallel_loop3A_611 : i32 to index
        %parallel_loop3A_623 = tpu.vector_load %arg9[%parallel_loop3A_621, %parallel_loop3A_622] {strides = array<i32>} : memref<16x768xf32, #tpu.memory_space<vmem>>, vector<1x16xf32>,
        %parallel_loop3A_624 = vector.shape_cast %parallel_loop3A_623 : vector<1x16xf32> to vector<16xf32>
        %parallel_loop3A_625 = vector.shape_cast %parallel_loop3A_620 : vector<16xf32> to vector<1x16xf32>
        tpu.vector_store %arg9[%parallel_loop3A_621, %parallel_loop3A_622], %parallel_loop3A_625 {strides = array<i32>} : memref<16x768xf32, #tpu.memory_space<vmem>>, vector<1x16xf32>,
      } {sc.loop_unroll_factor = 6 : i64, sc.parallel_access}
    }
    %scan3A_242 = arith.constant 16 : i32
    %add3A_243 = arith.constant 64 : i32
    %add3A_244 = arith.addi %mul3A_2, %add3A_243 : i32
    %dma_start3A_245 = arith.constant 0 : i32
    %dma_start3A_246 = tpu.memref_slice %arg6[%add3A_244, %dma_start3A_245] : memref<8192x768xf32, #tpu.memory_space<hbm>> -> memref<16x768xf32, #tpu.memory_space<hbm>>
    %dma_start3A_247 = arith.constant 0 : i32
    %dma_start3A_248 = tpu.memref_slice %arg6[%add3A_244, %dma_start3A_247] : memref<8192x768xf32, #tpu.memory_space<hbm>> -> memref<16x768xf32, #tpu.memory_space<hbm>>
    tpu.enqueue_dma source(%arg9 : memref<16x768xf32, #tpu.memory_space<vmem>>) target(%dma_start3A_248 : memref<16x768xf32, #tpu.memory_space<hbm>>) target_semaphore(%arg25 : memref<!tpu.dma_semaphore, #tpu.memory_space<semaphore_mem>>)
    %dma_wait3A_249 = arith.constant 0 : i32
    %dma_wait3A_250 = tpu.memref_slice %arg6[%add3A_244, %dma_wait3A_249] : memref<8192x768xf32, #tpu.memory_space<hbm>> -> memref<16x768xf32, #tpu.memory_space<hbm>>
    %dma_wait3A_251 = arith.constant 0 : i32
    %dma_wait3A_252 = tpu.memref_slice %arg6[%add3A_244, %dma_wait3A_251] : memref<8192x768xf32, #tpu.memory_space<hbm>> -> memref<16x768xf32, #tpu.memory_space<hbm>>
    tpu.wait_dma2 semaphore(%arg25 : memref<!tpu.dma_semaphore, #tpu.memory_space<semaphore_mem>>) src(%arg9 : memref<16x768xf32, #tpu.memory_space<vmem>>) dst(%dma_wait3A_252 : memref<16x768xf32, #tpu.memory_space<hbm>>)
    %dma_start3A_253 = arith.constant 128 : i32
    %dma_start3A_254 = tpu.memref_slice %arg7[%dma_start3A_253] : memref<256xi32, #tpu.memory_space<vmem>> -> memref<16xi32, #tpu.memory_space<vmem>>
    %dma_start3A_255 = arith.constant 0 : i32
    %dma_start3A_256 = arith.constant 0 : i32
    %dma_start3A_257 = tpu.memref_slice %arg4[%dma_start3A_255, %dma_start3A_256] : memref<100000x768xf32, #tpu.memory_space<hbm>> -> memref<100000x768xf32, #tpu.memory_space<hbm>>
    tpu.enqueue_indirect_dma source(%dma_start3A_257 : memref<100000x768xf32, #tpu.memory_space<hbm>>) target(%arg9 : memref<16x768xf32, #tpu.memory_space<vmem>>) offsets(%dma_start3A_254 : memref<16xi32, #tpu.memory_space<vmem>>) semaphore(%arg17 : memref<!tpu.dma_semaphore, #tpu.memory_space<semaphore_mem>>)
    %dma_start3A_258 = arith.constant 128 : i32
    %dma_start3A_259 = tpu.memref_slice %arg8[%dma_start3A_258] : memref<256xi32, #tpu.memory_space<vmem>> -> memref<16xi32, #tpu.memory_space<vmem>>
    %dma_start3A_260 = arith.constant 0 : i32
    %dma_start3A_261 = arith.constant 0 : i32
    %dma_start3A_262 = tpu.memref_slice %arg5[%dma_start3A_260, %dma_start3A_261] : memref<2048x768xf32, #tpu.memory_space<hbm>> -> memref<2048x768xf32, #tpu.memory_space<hbm>>
    tpu.enqueue_indirect_dma source(%dma_start3A_262 : memref<2048x768xf32, #tpu.memory_space<hbm>>) target(%arg13 : memref<16x768xf32, #tpu.memory_space<vmem>>) offsets(%dma_start3A_259 : memref<16xi32, #tpu.memory_space<vmem>>) semaphore(%arg21 : memref<!tpu.dma_semaphore, #tpu.memory_space<semaphore_mem>>)
    %dma_wait3A_263 = arith.constant 80 : i32
    %dma_wait3A_264 = tpu.memref_slice %arg7[%dma_wait3A_263] : memref<256xi32, #tpu.memory_space<vmem>> -> memref<16xi32, #tpu.memory_space<vmem>>
    %dma_wait3A_265 = arith.constant 0 : i32
    %dma_wait3A_266 = arith.constant 0 : i32
    %dma_wait3A_267 = tpu.memref_slice %arg4[%dma_wait3A_265, %dma_wait3A_266] : memref<100000x768xf32, #tpu.memory_space<hbm>> -> memref<100000x768xf32, #tpu.memory_space<hbm>>
    tpu.wait_indirect_dma semaphore(%arg18 : memref<!tpu.dma_semaphore, #tpu.memory_space<semaphore_mem>>) src(%dma_wait3A_267 : memref<100000x768xf32, #tpu.memory_space<hbm>>) dst(%arg10 : memref<16x768xf32, #tpu.memory_space<vmem>>)
    %dma_wait3A_268 = arith.constant 80 : i32
    %dma_wait3A_269 = tpu.memref_slice %arg8[%dma_wait3A_268] : memref<256xi32, #tpu.memory_space<vmem>> -> memref<16xi32, #tpu.memory_space<vmem>>
    %dma_wait3A_270 = arith.constant 0 : i32
    %dma_wait3A_271 = arith.constant 0 : i32
    %dma_wait3A_272 = tpu.memref_slice %arg5[%dma_wait3A_270, %dma_wait3A_271] : memref<2048x768xf32, #tpu.memory_space<hbm>> -> memref<2048x768xf32, #tpu.memory_space<hbm>>
    tpu.wait_indirect_dma semaphore(%arg22 : memref<!tpu.dma_semaphore, #tpu.memory_space<semaphore_mem>>) src(%dma_wait3A_272 : memref<2048x768xf32, #tpu.memory_space<hbm>>) dst(%arg14 : memref<16x768xf32, #tpu.memory_space<vmem>>)
    %scan3A_273 = arith.constant 0 : i32
    %scan3A_274 = arith.constant 16 : i32
    %scan3A_275 = arith.addi %scan3A_273, %scan3A_274 : i32
    %scan3A_276 = arith.constant 1 : i32
    scf.for %scan3A_608 = %scan3A_273 to %scan3A_275 step %scan3A_276  : i32 {
      %parallel_loop3A = arith.constant 0 : i32
      %parallel_loop3A_609 = arith.constant 768 : i32
      %parallel_loop3A_610 = arith.constant 16 : i32
      scf.for %parallel_loop3A_611 = %parallel_loop3A to %parallel_loop3A_609 step %parallel_loop3A_610  : i32 {
        %parallel_loop3A_612 = arith.index_cast %scan3A_608 : i32 to index
        %parallel_loop3A_613 = arith.index_cast %parallel_loop3A_611 : i32 to index
        %parallel_loop3A_614 = tpu.vector_load %arg10[%parallel_loop3A_612, %parallel_loop3A_613] {strides = array<i32>} : memref<16x768xf32, #tpu.memory_space<vmem>>, vector<1x16xf32>,
        %parallel_loop3A_615 = vector.shape_cast %parallel_loop3A_614 : vector<1x16xf32> to vector<16xf32>
        %parallel_loop3A_616 = arith.index_cast %scan3A_608 : i32 to index
        %parallel_loop3A_617 = arith.index_cast %parallel_loop3A_611 : i32 to index
        %parallel_loop3A_618 = tpu.vector_load %arg14[%parallel_loop3A_616, %parallel_loop3A_617] {strides = array<i32>} : memref<16x768xf32, #tpu.memory_space<vmem>>, vector<1x16xf32>,
        %parallel_loop3A_619 = vector.shape_cast %parallel_loop3A_618 : vector<1x16xf32> to vector<16xf32>
        %parallel_loop3A_620 = arith.addf %parallel_loop3A_615, %parallel_loop3A_619 : vector<16xf32>
        %parallel_loop3A_621 = arith.index_cast %scan3A_608 : i32 to index
        %parallel_loop3A_622 = arith.index_cast %parallel_loop3A_611 : i32 to index
        %parallel_loop3A_623 = tpu.vector_load %arg10[%parallel_loop3A_621, %parallel_loop3A_622] {strides = array<i32>} : memref<16x768xf32, #tpu.memory_space<vmem>>, vector<1x16xf32>,
        %parallel_loop3A_624 = vector.shape_cast %parallel_loop3A_623 : vector<1x16xf32> to vector<16xf32>
        %parallel_loop3A_625 = vector.shape_cast %parallel_loop3A_620 : vector<16xf32> to vector<1x16xf32>
        tpu.vector_store %arg10[%parallel_loop3A_621, %parallel_loop3A_622], %parallel_loop3A_625 {strides = array<i32>} : memref<16x768xf32, #tpu.memory_space<vmem>>, vector<1x16xf32>,
      } {sc.loop_unroll_factor = 6 : i64, sc.parallel_access}
    }
    %scan3A_277 = arith.constant 16 : i32
    %add3A_278 = arith.constant 80 : i32
    %add3A_279 = arith.addi %mul3A_2, %add3A_278 : i32
    %dma_start3A_280 = arith.constant 0 : i32
    %dma_start3A_281 = tpu.memref_slice %arg6[%add3A_279, %dma_start3A_280] : memref<8192x768xf32, #tpu.memory_space<hbm>> -> memref<16x768xf32, #tpu.memory_space<hbm>>
    %dma_start3A_282 = arith.constant 0 : i32
    %dma_start3A_283 = tpu.memref_slice %arg6[%add3A_279, %dma_start3A_282] : memref<8192x768xf32, #tpu.memory_space<hbm>> -> memref<16x768xf32, #tpu.memory_space<hbm>>
    tpu.enqueue_dma source(%arg10 : memref<16x768xf32, #tpu.memory_space<vmem>>) target(%dma_start3A_283 : memref<16x768xf32, #tpu.memory_space<hbm>>) target_semaphore(%arg26 : memref<!tpu.dma_semaphore, #tpu.memory_space<semaphore_mem>>)
    %dma_wait3A_284 = arith.constant 0 : i32
    %dma_wait3A_285 = tpu.memref_slice %arg6[%add3A_279, %dma_wait3A_284] : memref<8192x768xf32, #tpu.memory_space<hbm>> -> memref<16x768xf32, #tpu.memory_space<hbm>>
    %dma_wait3A_286 = arith.constant 0 : i32
    %dma_wait3A_287 = tpu.memref_slice %arg6[%add3A_279, %dma_wait3A_286] : memref<8192x768xf32, #tpu.memory_space<hbm>> -> memref<16x768xf32, #tpu.memory_space<hbm>>
    tpu.wait_dma2 semaphore(%arg26 : memref<!tpu.dma_semaphore, #tpu.memory_space<semaphore_mem>>) src(%arg10 : memref<16x768xf32, #tpu.memory_space<vmem>>) dst(%dma_wait3A_287 : memref<16x768xf32, #tpu.memory_space<hbm>>)
    %dma_start3A_288 = arith.constant 144 : i32
    %dma_start3A_289 = tpu.memref_slice %arg7[%dma_start3A_288] : memref<256xi32, #tpu.memory_space<vmem>> -> memref<16xi32, #tpu.memory_space<vmem>>
    %dma_start3A_290 = arith.constant 0 : i32
    %dma_start3A_291 = arith.constant 0 : i32
    %dma_start3A_292 = tpu.memref_slice %arg4[%dma_start3A_290, %dma_start3A_291] : memref<100000x768xf32, #tpu.memory_space<hbm>> -> memref<100000x768xf32, #tpu.memory_space<hbm>>
    tpu.enqueue_indirect_dma source(%dma_start3A_292 : memref<100000x768xf32, #tpu.memory_space<hbm>>) target(%arg10 : memref<16x768xf32, #tpu.memory_space<vmem>>) offsets(%dma_start3A_289 : memref<16xi32, #tpu.memory_space<vmem>>) semaphore(%arg18 : memref<!tpu.dma_semaphore, #tpu.memory_space<semaphore_mem>>)
    %dma_start3A_293 = arith.constant 144 : i32
    %dma_start3A_294 = tpu.memref_slice %arg8[%dma_start3A_293] : memref<256xi32, #tpu.memory_space<vmem>> -> memref<16xi32, #tpu.memory_space<vmem>>
    %dma_start3A_295 = arith.constant 0 : i32
    %dma_start3A_296 = arith.constant 0 : i32
    %dma_start3A_297 = tpu.memref_slice %arg5[%dma_start3A_295, %dma_start3A_296] : memref<2048x768xf32, #tpu.memory_space<hbm>> -> memref<2048x768xf32, #tpu.memory_space<hbm>>
    tpu.enqueue_indirect_dma source(%dma_start3A_297 : memref<2048x768xf32, #tpu.memory_space<hbm>>) target(%arg14 : memref<16x768xf32, #tpu.memory_space<vmem>>) offsets(%dma_start3A_294 : memref<16xi32, #tpu.memory_space<vmem>>) semaphore(%arg22 : memref<!tpu.dma_semaphore, #tpu.memory_space<semaphore_mem>>)
    %dma_wait3A_298 = arith.constant 96 : i32
    %dma_wait3A_299 = tpu.memref_slice %arg7[%dma_wait3A_298] : memref<256xi32, #tpu.memory_space<vmem>> -> memref<16xi32, #tpu.memory_space<vmem>>
    %dma_wait3A_300 = arith.constant 0 : i32
    %dma_wait3A_301 = arith.constant 0 : i32
    %dma_wait3A_302 = tpu.memref_slice %arg4[%dma_wait3A_300, %dma_wait3A_301] : memref<100000x768xf32, #tpu.memory_space<hbm>> -> memref<100000x768xf32, #tpu.memory_space<hbm>>
    tpu.wait_indirect_dma semaphore(%arg19 : memref<!tpu.dma_semaphore, #tpu.memory_space<semaphore_mem>>) src(%dma_wait3A_302 : memref<100000x768xf32, #tpu.memory_space<hbm>>) dst(%arg11 : memref<16x768xf32, #tpu.memory_space<vmem>>)
    %dma_wait3A_303 = arith.constant 96 : i32
    %dma_wait3A_304 = tpu.memref_slice %arg8[%dma_wait3A_303] : memref<256xi32, #tpu.memory_space<vmem>> -> memref<16xi32, #tpu.memory_space<vmem>>
    %dma_wait3A_305 = arith.constant 0 : i32
    %dma_wait3A_306 = arith.constant 0 : i32
    %dma_wait3A_307 = tpu.memref_slice %arg5[%dma_wait3A_305, %dma_wait3A_306] : memref<2048x768xf32, #tpu.memory_space<hbm>> -> memref<2048x768xf32, #tpu.memory_space<hbm>>
    tpu.wait_indirect_dma semaphore(%arg23 : memref<!tpu.dma_semaphore, #tpu.memory_space<semaphore_mem>>) src(%dma_wait3A_307 : memref<2048x768xf32, #tpu.memory_space<hbm>>) dst(%arg15 : memref<16x768xf32, #tpu.memory_space<vmem>>)
    %scan3A_308 = arith.constant 0 : i32
    %scan3A_309 = arith.constant 16 : i32
    %scan3A_310 = arith.addi %scan3A_308, %scan3A_309 : i32
    %scan3A_311 = arith.constant 1 : i32
    scf.for %scan3A_608 = %scan3A_308 to %scan3A_310 step %scan3A_311  : i32 {
      %parallel_loop3A = arith.constant 0 : i32
      %parallel_loop3A_609 = arith.constant 768 : i32
      %parallel_loop3A_610 = arith.constant 16 : i32
      scf.for %parallel_loop3A_611 = %parallel_loop3A to %parallel_loop3A_609 step %parallel_loop3A_610  : i32 {
        %parallel_loop3A_612 = arith.index_cast %scan3A_608 : i32 to index
        %parallel_loop3A_613 = arith.index_cast %parallel_loop3A_611 : i32 to index
        %parallel_loop3A_614 = tpu.vector_load %arg11[%parallel_loop3A_612, %parallel_loop3A_613] {strides = array<i32>} : memref<16x768xf32, #tpu.memory_space<vmem>>, vector<1x16xf32>,
        %parallel_loop3A_615 = vector.shape_cast %parallel_loop3A_614 : vector<1x16xf32> to vector<16xf32>
        %parallel_loop3A_616 = arith.index_cast %scan3A_608 : i32 to index
        %parallel_loop3A_617 = arith.index_cast %parallel_loop3A_611 : i32 to index
        %parallel_loop3A_618 = tpu.vector_load %arg15[%parallel_loop3A_616, %parallel_loop3A_617] {strides = array<i32>} : memref<16x768xf32, #tpu.memory_space<vmem>>, vector<1x16xf32>,
        %parallel_loop3A_619 = vector.shape_cast %parallel_loop3A_618 : vector<1x16xf32> to vector<16xf32>
        %parallel_loop3A_620 = arith.addf %parallel_loop3A_615, %parallel_loop3A_619 : vector<16xf32>
        %parallel_loop3A_621 = arith.index_cast %scan3A_608 : i32 to index
        %parallel_loop3A_622 = arith.index_cast %parallel_loop3A_611 : i32 to index
        %parallel_loop3A_623 = tpu.vector_load %arg11[%parallel_loop3A_621, %parallel_loop3A_622] {strides = array<i32>} : memref<16x768xf32, #tpu.memory_space<vmem>>, vector<1x16xf32>,
        %parallel_loop3A_624 = vector.shape_cast %parallel_loop3A_623 : vector<1x16xf32> to vector<16xf32>
        %parallel_loop3A_625 = vector.shape_cast %parallel_loop3A_620 : vector<16xf32> to vector<1x16xf32>
        tpu.vector_store %arg11[%parallel_loop3A_621, %parallel_loop3A_622], %parallel_loop3A_625 {strides = array<i32>} : memref<16x768xf32, #tpu.memory_space<vmem>>, vector<1x16xf32>,
      } {sc.loop_unroll_factor = 6 : i64, sc.parallel_access}
    }
    %scan3A_312 = arith.constant 16 : i32
    %add3A_313 = arith.constant 96 : i32
    %add3A_314 = arith.addi %mul3A_2, %add3A_313 : i32
    %dma_start3A_315 = arith.constant 0 : i32
    %dma_start3A_316 = tpu.memref_slice %arg6[%add3A_314, %dma_start3A_315] : memref<8192x768xf32, #tpu.memory_space<hbm>> -> memref<16x768xf32, #tpu.memory_space<hbm>>
    %dma_start3A_317 = arith.constant 0 : i32
    %dma_start3A_318 = tpu.memref_slice %arg6[%add3A_314, %dma_start3A_317] : memref<8192x768xf32, #tpu.memory_space<hbm>> -> memref<16x768xf32, #tpu.memory_space<hbm>>
    tpu.enqueue_dma source(%arg11 : memref<16x768xf32, #tpu.memory_space<vmem>>) target(%dma_start3A_318 : memref<16x768xf32, #tpu.memory_space<hbm>>) target_semaphore(%arg27 : memref<!tpu.dma_semaphore, #tpu.memory_space<semaphore_mem>>)
    %dma_wait3A_319 = arith.constant 0 : i32
    %dma_wait3A_320 = tpu.memref_slice %arg6[%add3A_314, %dma_wait3A_319] : memref<8192x768xf32, #tpu.memory_space<hbm>> -> memref<16x768xf32, #tpu.memory_space<hbm>>
    %dma_wait3A_321 = arith.constant 0 : i32
    %dma_wait3A_322 = tpu.memref_slice %arg6[%add3A_314, %dma_wait3A_321] : memref<8192x768xf32, #tpu.memory_space<hbm>> -> memref<16x768xf32, #tpu.memory_space<hbm>>
    tpu.wait_dma2 semaphore(%arg27 : memref<!tpu.dma_semaphore, #tpu.memory_space<semaphore_mem>>) src(%arg11 : memref<16x768xf32, #tpu.memory_space<vmem>>) dst(%dma_wait3A_322 : memref<16x768xf32, #tpu.memory_space<hbm>>)
    %dma_start3A_323 = arith.constant 160 : i32
    %dma_start3A_324 = tpu.memref_slice %arg7[%dma_start3A_323] : memref<256xi32, #tpu.memory_space<vmem>> -> memref<16xi32, #tpu.memory_space<vmem>>
    %dma_start3A_325 = arith.constant 0 : i32
    %dma_start3A_326 = arith.constant 0 : i32
    %dma_start3A_327 = tpu.memref_slice %arg4[%dma_start3A_325, %dma_start3A_326] : memref<100000x768xf32, #tpu.memory_space<hbm>> -> memref<100000x768xf32, #tpu.memory_space<hbm>>
    tpu.enqueue_indirect_dma source(%dma_start3A_327 : memref<100000x768xf32, #tpu.memory_space<hbm>>) target(%arg11 : memref<16x768xf32, #tpu.memory_space<vmem>>) offsets(%dma_start3A_324 : memref<16xi32, #tpu.memory_space<vmem>>) semaphore(%arg19 : memref<!tpu.dma_semaphore, #tpu.memory_space<semaphore_mem>>)
    %dma_start3A_328 = arith.constant 160 : i32
    %dma_start3A_329 = tpu.memref_slice %arg8[%dma_start3A_328] : memref<256xi32, #tpu.memory_space<vmem>> -> memref<16xi32, #tpu.memory_space<vmem>>
    %dma_start3A_330 = arith.constant 0 : i32
    %dma_start3A_331 = arith.constant 0 : i32
    %dma_start3A_332 = tpu.memref_slice %arg5[%dma_start3A_330, %dma_start3A_331] : memref<2048x768xf32, #tpu.memory_space<hbm>> -> memref<2048x768xf32, #tpu.memory_space<hbm>>
    tpu.enqueue_indirect_dma source(%dma_start3A_332 : memref<2048x768xf32, #tpu.memory_space<hbm>>) target(%arg15 : memref<16x768xf32, #tpu.memory_space<vmem>>) offsets(%dma_start3A_329 : memref<16xi32, #tpu.memory_space<vmem>>) semaphore(%arg23 : memref<!tpu.dma_semaphore, #tpu.memory_space<semaphore_mem>>)
    %dma_wait3A_333 = arith.constant 112 : i32
    %dma_wait3A_334 = tpu.memref_slice %arg7[%dma_wait3A_333] : memref<256xi32, #tpu.memory_space<vmem>> -> memref<16xi32, #tpu.memory_space<vmem>>
    %dma_wait3A_335 = arith.constant 0 : i32
    %dma_wait3A_336 = arith.constant 0 : i32
    %dma_wait3A_337 = tpu.memref_slice %arg4[%dma_wait3A_335, %dma_wait3A_336] : memref<100000x768xf32, #tpu.memory_space<hbm>> -> memref<100000x768xf32, #tpu.memory_space<hbm>>
    tpu.wait_indirect_dma semaphore(%arg20 : memref<!tpu.dma_semaphore, #tpu.memory_space<semaphore_mem>>) src(%dma_wait3A_337 : memref<100000x768xf32, #tpu.memory_space<hbm>>) dst(%arg12 : memref<16x768xf32, #tpu.memory_space<vmem>>)
    %dma_wait3A_338 = arith.constant 112 : i32
    %dma_wait3A_339 = tpu.memref_slice %arg8[%dma_wait3A_338] : memref<256xi32, #tpu.memory_space<vmem>> -> memref<16xi32, #tpu.memory_space<vmem>>
    %dma_wait3A_340 = arith.constant 0 : i32
    %dma_wait3A_341 = arith.constant 0 : i32
    %dma_wait3A_342 = tpu.memref_slice %arg5[%dma_wait3A_340, %dma_wait3A_341] : memref<2048x768xf32, #tpu.memory_space<hbm>> -> memref<2048x768xf32, #tpu.memory_space<hbm>>
    tpu.wait_indirect_dma semaphore(%arg24 : memref<!tpu.dma_semaphore, #tpu.memory_space<semaphore_mem>>) src(%dma_wait3A_342 : memref<2048x768xf32, #tpu.memory_space<hbm>>) dst(%arg16 : memref<16x768xf32, #tpu.memory_space<vmem>>)
    %scan3A_343 = arith.constant 0 : i32
    %scan3A_344 = arith.constant 16 : i32
    %scan3A_345 = arith.addi %scan3A_343, %scan3A_344 : i32
    %scan3A_346 = arith.constant 1 : i32
    scf.for %scan3A_608 = %scan3A_343 to %scan3A_345 step %scan3A_346  : i32 {
      %parallel_loop3A = arith.constant 0 : i32
      %parallel_loop3A_609 = arith.constant 768 : i32
      %parallel_loop3A_610 = arith.constant 16 : i32
      scf.for %parallel_loop3A_611 = %parallel_loop3A to %parallel_loop3A_609 step %parallel_loop3A_610  : i32 {
        %parallel_loop3A_612 = arith.index_cast %scan3A_608 : i32 to index
        %parallel_loop3A_613 = arith.index_cast %parallel_loop3A_611 : i32 to index
        %parallel_loop3A_614 = tpu.vector_load %arg12[%parallel_loop3A_612, %parallel_loop3A_613] {strides = array<i32>} : memref<16x768xf32, #tpu.memory_space<vmem>>, vector<1x16xf32>,
        %parallel_loop3A_615 = vector.shape_cast %parallel_loop3A_614 : vector<1x16xf32> to vector<16xf32>
        %parallel_loop3A_616 = arith.index_cast %scan3A_608 : i32 to index
        %parallel_loop3A_617 = arith.index_cast %parallel_loop3A_611 : i32 to index
        %parallel_loop3A_618 = tpu.vector_load %arg16[%parallel_loop3A_616, %parallel_loop3A_617] {strides = array<i32>} : memref<16x768xf32, #tpu.memory_space<vmem>>, vector<1x16xf32>,
        %parallel_loop3A_619 = vector.shape_cast %parallel_loop3A_618 : vector<1x16xf32> to vector<16xf32>
        %parallel_loop3A_620 = arith.addf %parallel_loop3A_615, %parallel_loop3A_619 : vector<16xf32>
        %parallel_loop3A_621 = arith.index_cast %scan3A_608 : i32 to index
        %parallel_loop3A_622 = arith.index_cast %parallel_loop3A_611 : i32 to index
        %parallel_loop3A_623 = tpu.vector_load %arg12[%parallel_loop3A_621, %parallel_loop3A_622] {strides = array<i32>} : memref<16x768xf32, #tpu.memory_space<vmem>>, vector<1x16xf32>,
        %parallel_loop3A_624 = vector.shape_cast %parallel_loop3A_623 : vector<1x16xf32> to vector<16xf32>
        %parallel_loop3A_625 = vector.shape_cast %parallel_loop3A_620 : vector<16xf32> to vector<1x16xf32>
        tpu.vector_store %arg12[%parallel_loop3A_621, %parallel_loop3A_622], %parallel_loop3A_625 {strides = array<i32>} : memref<16x768xf32, #tpu.memory_space<vmem>>, vector<1x16xf32>,
      } {sc.loop_unroll_factor = 6 : i64, sc.parallel_access}
    }
    %scan3A_347 = arith.constant 16 : i32
    %add3A_348 = arith.constant 112 : i32
    %add3A_349 = arith.addi %mul3A_2, %add3A_348 : i32
    %dma_start3A_350 = arith.constant 0 : i32
    %dma_start3A_351 = tpu.memref_slice %arg6[%add3A_349, %dma_start3A_350] : memref<8192x768xf32, #tpu.memory_space<hbm>> -> memref<16x768xf32, #tpu.memory_space<hbm>>
    %dma_start3A_352 = arith.constant 0 : i32
    %dma_start3A_353 = tpu.memref_slice %arg6[%add3A_349, %dma_start3A_352] : memref<8192x768xf32, #tpu.memory_space<hbm>> -> memref<16x768xf32, #tpu.memory_space<hbm>>
    tpu.enqueue_dma source(%arg12 : memref<16x768xf32, #tpu.memory_space<vmem>>) target(%dma_start3A_353 : memref<16x768xf32, #tpu.memory_space<hbm>>) target_semaphore(%arg28 : memref<!tpu.dma_semaphore, #tpu.memory_space<semaphore_mem>>)
    %dma_wait3A_354 = arith.constant 0 : i32
    %dma_wait3A_355 = tpu.memref_slice %arg6[%add3A_349, %dma_wait3A_354] : memref<8192x768xf32, #tpu.memory_space<hbm>> -> memref<16x768xf32, #tpu.memory_space<hbm>>
    %dma_wait3A_356 = arith.constant 0 : i32
    %dma_wait3A_357 = tpu.memref_slice %arg6[%add3A_349, %dma_wait3A_356] : memref<8192x768xf32, #tpu.memory_space<hbm>> -> memref<16x768xf32, #tpu.memory_space<hbm>>
    tpu.wait_dma2 semaphore(%arg28 : memref<!tpu.dma_semaphore, #tpu.memory_space<semaphore_mem>>) src(%arg12 : memref<16x768xf32, #tpu.memory_space<vmem>>) dst(%dma_wait3A_357 : memref<16x768xf32, #tpu.memory_space<hbm>>)
    %dma_start3A_358 = arith.constant 176 : i32
    %dma_start3A_359 = tpu.memref_slice %arg7[%dma_start3A_358] : memref<256xi32, #tpu.memory_space<vmem>> -> memref<16xi32, #tpu.memory_space<vmem>>
    %dma_start3A_360 = arith.constant 0 : i32
    %dma_start3A_361 = arith.constant 0 : i32
    %dma_start3A_362 = tpu.memref_slice %arg4[%dma_start3A_360, %dma_start3A_361] : memref<100000x768xf32, #tpu.memory_space<hbm>> -> memref<100000x768xf32, #tpu.memory_space<hbm>>
    tpu.enqueue_indirect_dma source(%dma_start3A_362 : memref<100000x768xf32, #tpu.memory_space<hbm>>) target(%arg12 : memref<16x768xf32, #tpu.memory_space<vmem>>) offsets(%dma_start3A_359 : memref<16xi32, #tpu.memory_space<vmem>>) semaphore(%arg20 : memref<!tpu.dma_semaphore, #tpu.memory_space<semaphore_mem>>)
    %dma_start3A_363 = arith.constant 176 : i32
    %dma_start3A_364 = tpu.memref_slice %arg8[%dma_start3A_363] : memref<256xi32, #tpu.memory_space<vmem>> -> memref<16xi32, #tpu.memory_space<vmem>>
    %dma_start3A_365 = arith.constant 0 : i32
    %dma_start3A_366 = arith.constant 0 : i32
    %dma_start3A_367 = tpu.memref_slice %arg5[%dma_start3A_365, %dma_start3A_366] : memref<2048x768xf32, #tpu.memory_space<hbm>> -> memref<2048x768xf32, #tpu.memory_space<hbm>>
    tpu.enqueue_indirect_dma source(%dma_start3A_367 : memref<2048x768xf32, #tpu.memory_space<hbm>>) target(%arg16 : memref<16x768xf32, #tpu.memory_space<vmem>>) offsets(%dma_start3A_364 : memref<16xi32, #tpu.memory_space<vmem>>) semaphore(%arg24 : memref<!tpu.dma_semaphore, #tpu.memory_space<semaphore_mem>>)
    %dma_wait3A_368 = arith.constant 128 : i32
    %dma_wait3A_369 = tpu.memref_slice %arg7[%dma_wait3A_368] : memref<256xi32, #tpu.memory_space<vmem>> -> memref<16xi32, #tpu.memory_space<vmem>>
    %dma_wait3A_370 = arith.constant 0 : i32
    %dma_wait3A_371 = arith.constant 0 : i32
    %dma_wait3A_372 = tpu.memref_slice %arg4[%dma_wait3A_370, %dma_wait3A_371] : memref<100000x768xf32, #tpu.memory_space<hbm>> -> memref<100000x768xf32, #tpu.memory_space<hbm>>
    tpu.wait_indirect_dma semaphore(%arg17 : memref<!tpu.dma_semaphore, #tpu.memory_space<semaphore_mem>>) src(%dma_wait3A_372 : memref<100000x768xf32, #tpu.memory_space<hbm>>) dst(%arg9 : memref<16x768xf32, #tpu.memory_space<vmem>>)
    %dma_wait3A_373 = arith.constant 128 : i32
    %dma_wait3A_374 = tpu.memref_slice %arg8[%dma_wait3A_373] : memref<256xi32, #tpu.memory_space<vmem>> -> memref<16xi32, #tpu.memory_space<vmem>>
    %dma_wait3A_375 = arith.constant 0 : i32
    %dma_wait3A_376 = arith.constant 0 : i32
    %dma_wait3A_377 = tpu.memref_slice %arg5[%dma_wait3A_375, %dma_wait3A_376] : memref<2048x768xf32, #tpu.memory_space<hbm>> -> memref<2048x768xf32, #tpu.memory_space<hbm>>
    tpu.wait_indirect_dma semaphore(%arg21 : memref<!tpu.dma_semaphore, #tpu.memory_space<semaphore_mem>>) src(%dma_wait3A_377 : memref<2048x768xf32, #tpu.memory_space<hbm>>) dst(%arg13 : memref<16x768xf32, #tpu.memory_space<vmem>>)
    %scan3A_378 = arith.constant 0 : i32
    %scan3A_379 = arith.constant 16 : i32
    %scan3A_380 = arith.addi %scan3A_378, %scan3A_379 : i32
    %scan3A_381 = arith.constant 1 : i32
    scf.for %scan3A_608 = %scan3A_378 to %scan3A_380 step %scan3A_381  : i32 {
      %parallel_loop3A = arith.constant 0 : i32
      %parallel_loop3A_609 = arith.constant 768 : i32
      %parallel_loop3A_610 = arith.constant 16 : i32
      scf.for %parallel_loop3A_611 = %parallel_loop3A to %parallel_loop3A_609 step %parallel_loop3A_610  : i32 {
        %parallel_loop3A_612 = arith.index_cast %scan3A_608 : i32 to index
        %parallel_loop3A_613 = arith.index_cast %parallel_loop3A_611 : i32 to index
        %parallel_loop3A_614 = tpu.vector_load %arg9[%parallel_loop3A_612, %parallel_loop3A_613] {strides = array<i32>} : memref<16x768xf32, #tpu.memory_space<vmem>>, vector<1x16xf32>,
        %parallel_loop3A_615 = vector.shape_cast %parallel_loop3A_614 : vector<1x16xf32> to vector<16xf32>
        %parallel_loop3A_616 = arith.index_cast %scan3A_608 : i32 to index
        %parallel_loop3A_617 = arith.index_cast %parallel_loop3A_611 : i32 to index
        %parallel_loop3A_618 = tpu.vector_load %arg13[%parallel_loop3A_616, %parallel_loop3A_617] {strides = array<i32>} : memref<16x768xf32, #tpu.memory_space<vmem>>, vector<1x16xf32>,
        %parallel_loop3A_619 = vector.shape_cast %parallel_loop3A_618 : vector<1x16xf32> to vector<16xf32>
        %parallel_loop3A_620 = arith.addf %parallel_loop3A_615, %parallel_loop3A_619 : vector<16xf32>
        %parallel_loop3A_621 = arith.index_cast %scan3A_608 : i32 to index
        %parallel_loop3A_622 = arith.index_cast %parallel_loop3A_611 : i32 to index
        %parallel_loop3A_623 = tpu.vector_load %arg9[%parallel_loop3A_621, %parallel_loop3A_622] {strides = array<i32>} : memref<16x768xf32, #tpu.memory_space<vmem>>, vector<1x16xf32>,
        %parallel_loop3A_624 = vector.shape_cast %parallel_loop3A_623 : vector<1x16xf32> to vector<16xf32>
        %parallel_loop3A_625 = vector.shape_cast %parallel_loop3A_620 : vector<16xf32> to vector<1x16xf32>
        tpu.vector_store %arg9[%parallel_loop3A_621, %parallel_loop3A_622], %parallel_loop3A_625 {strides = array<i32>} : memref<16x768xf32, #tpu.memory_space<vmem>>, vector<1x16xf32>,
      } {sc.loop_unroll_factor = 6 : i64, sc.parallel_access}
    }
    %scan3A_382 = arith.constant 16 : i32
    %add3A_383 = arith.constant 128 : i32
    %add3A_384 = arith.addi %mul3A_2, %add3A_383 : i32
    %dma_start3A_385 = arith.constant 0 : i32
    %dma_start3A_386 = tpu.memref_slice %arg6[%add3A_384, %dma_start3A_385] : memref<8192x768xf32, #tpu.memory_space<hbm>> -> memref<16x768xf32, #tpu.memory_space<hbm>>
    %dma_start3A_387 = arith.constant 0 : i32
    %dma_start3A_388 = tpu.memref_slice %arg6[%add3A_384, %dma_start3A_387] : memref<8192x768xf32, #tpu.memory_space<hbm>> -> memref<16x768xf32, #tpu.memory_space<hbm>>
    tpu.enqueue_dma source(%arg9 : memref<16x768xf32, #tpu.memory_space<vmem>>) target(%dma_start3A_388 : memref<16x768xf32, #tpu.memory_space<hbm>>) target_semaphore(%arg25 : memref<!tpu.dma_semaphore, #tpu.memory_space<semaphore_mem>>)
    %dma_wait3A_389 = arith.constant 0 : i32
    %dma_wait3A_390 = tpu.memref_slice %arg6[%add3A_384, %dma_wait3A_389] : memref<8192x768xf32, #tpu.memory_space<hbm>> -> memref<16x768xf32, #tpu.memory_space<hbm>>
    %dma_wait3A_391 = arith.constant 0 : i32
    %dma_wait3A_392 = tpu.memref_slice %arg6[%add3A_384, %dma_wait3A_391] : memref<8192x768xf32, #tpu.memory_space<hbm>> -> memref<16x768xf32, #tpu.memory_space<hbm>>
    tpu.wait_dma2 semaphore(%arg25 : memref<!tpu.dma_semaphore, #tpu.memory_space<semaphore_mem>>) src(%arg9 : memref<16x768xf32, #tpu.memory_space<vmem>>) dst(%dma_wait3A_392 : memref<16x768xf32, #tpu.memory_space<hbm>>)
    %dma_start3A_393 = arith.constant 192 : i32
    %dma_start3A_394 = tpu.memref_slice %arg7[%dma_start3A_393] : memref<256xi32, #tpu.memory_space<vmem>> -> memref<16xi32, #tpu.memory_space<vmem>>
    %dma_start3A_395 = arith.constant 0 : i32
    %dma_start3A_396 = arith.constant 0 : i32
    %dma_start3A_397 = tpu.memref_slice %arg4[%dma_start3A_395, %dma_start3A_396] : memref<100000x768xf32, #tpu.memory_space<hbm>> -> memref<100000x768xf32, #tpu.memory_space<hbm>>
    tpu.enqueue_indirect_dma source(%dma_start3A_397 : memref<100000x768xf32, #tpu.memory_space<hbm>>) target(%arg9 : memref<16x768xf32, #tpu.memory_space<vmem>>) offsets(%dma_start3A_394 : memref<16xi32, #tpu.memory_space<vmem>>) semaphore(%arg17 : memref<!tpu.dma_semaphore, #tpu.memory_space<semaphore_mem>>)
    %dma_start3A_398 = arith.constant 192 : i32
    %dma_start3A_399 = tpu.memref_slice %arg8[%dma_start3A_398] : memref<256xi32, #tpu.memory_space<vmem>> -> memref<16xi32, #tpu.memory_space<vmem>>
    %dma_start3A_400 = arith.constant 0 : i32
    %dma_start3A_401 = arith.constant 0 : i32
    %dma_start3A_402 = tpu.memref_slice %arg5[%dma_start3A_400, %dma_start3A_401] : memref<2048x768xf32, #tpu.memory_space<hbm>> -> memref<2048x768xf32, #tpu.memory_space<hbm>>
    tpu.enqueue_indirect_dma source(%dma_start3A_402 : memref<2048x768xf32, #tpu.memory_space<hbm>>) target(%arg13 : memref<16x768xf32, #tpu.memory_space<vmem>>) offsets(%dma_start3A_399 : memref<16xi32, #tpu.memory_space<vmem>>) semaphore(%arg21 : memref<!tpu.dma_semaphore, #tpu.memory_space<semaphore_mem>>)
    %dma_wait3A_403 = arith.constant 144 : i32
    %dma_wait3A_404 = tpu.memref_slice %arg7[%dma_wait3A_403] : memref<256xi32, #tpu.memory_space<vmem>> -> memref<16xi32, #tpu.memory_space<vmem>>
    %dma_wait3A_405 = arith.constant 0 : i32
    %dma_wait3A_406 = arith.constant 0 : i32
    %dma_wait3A_407 = tpu.memref_slice %arg4[%dma_wait3A_405, %dma_wait3A_406] : memref<100000x768xf32, #tpu.memory_space<hbm>> -> memref<100000x768xf32, #tpu.memory_space<hbm>>
    tpu.wait_indirect_dma semaphore(%arg18 : memref<!tpu.dma_semaphore, #tpu.memory_space<semaphore_mem>>) src(%dma_wait3A_407 : memref<100000x768xf32, #tpu.memory_space<hbm>>) dst(%arg10 : memref<16x768xf32, #tpu.memory_space<vmem>>)
    %dma_wait3A_408 = arith.constant 144 : i32
    %dma_wait3A_409 = tpu.memref_slice %arg8[%dma_wait3A_408] : memref<256xi32, #tpu.memory_space<vmem>> -> memref<16xi32, #tpu.memory_space<vmem>>
    %dma_wait3A_410 = arith.constant 0 : i32
    %dma_wait3A_411 = arith.constant 0 : i32
    %dma_wait3A_412 = tpu.memref_slice %arg5[%dma_wait3A_410, %dma_wait3A_411] : memref<2048x768xf32, #tpu.memory_space<hbm>> -> memref<2048x768xf32, #tpu.memory_space<hbm>>
    tpu.wait_indirect_dma semaphore(%arg22 : memref<!tpu.dma_semaphore, #tpu.memory_space<semaphore_mem>>) src(%dma_wait3A_412 : memref<2048x768xf32, #tpu.memory_space<hbm>>) dst(%arg14 : memref<16x768xf32, #tpu.memory_space<vmem>>)
    %scan3A_413 = arith.constant 0 : i32
    %scan3A_414 = arith.constant 16 : i32
    %scan3A_415 = arith.addi %scan3A_413, %scan3A_414 : i32
    %scan3A_416 = arith.constant 1 : i32
    scf.for %scan3A_608 = %scan3A_413 to %scan3A_415 step %scan3A_416  : i32 {
      %parallel_loop3A = arith.constant 0 : i32
      %parallel_loop3A_609 = arith.constant 768 : i32
      %parallel_loop3A_610 = arith.constant 16 : i32
      scf.for %parallel_loop3A_611 = %parallel_loop3A to %parallel_loop3A_609 step %parallel_loop3A_610  : i32 {
        %parallel_loop3A_612 = arith.index_cast %scan3A_608 : i32 to index
        %parallel_loop3A_613 = arith.index_cast %parallel_loop3A_611 : i32 to index
        %parallel_loop3A_614 = tpu.vector_load %arg10[%parallel_loop3A_612, %parallel_loop3A_613] {strides = array<i32>} : memref<16x768xf32, #tpu.memory_space<vmem>>, vector<1x16xf32>,
        %parallel_loop3A_615 = vector.shape_cast %parallel_loop3A_614 : vector<1x16xf32> to vector<16xf32>
        %parallel_loop3A_616 = arith.index_cast %scan3A_608 : i32 to index
        %parallel_loop3A_617 = arith.index_cast %parallel_loop3A_611 : i32 to index
        %parallel_loop3A_618 = tpu.vector_load %arg14[%parallel_loop3A_616, %parallel_loop3A_617] {strides = array<i32>} : memref<16x768xf32, #tpu.memory_space<vmem>>, vector<1x16xf32>,
        %parallel_loop3A_619 = vector.shape_cast %parallel_loop3A_618 : vector<1x16xf32> to vector<16xf32>
        %parallel_loop3A_620 = arith.addf %parallel_loop3A_615, %parallel_loop3A_619 : vector<16xf32>
        %parallel_loop3A_621 = arith.index_cast %scan3A_608 : i32 to index
        %parallel_loop3A_622 = arith.index_cast %parallel_loop3A_611 : i32 to index
        %parallel_loop3A_623 = tpu.vector_load %arg10[%parallel_loop3A_621, %parallel_loop3A_622] {strides = array<i32>} : memref<16x768xf32, #tpu.memory_space<vmem>>, vector<1x16xf32>,
        %parallel_loop3A_624 = vector.shape_cast %parallel_loop3A_623 : vector<1x16xf32> to vector<16xf32>
        %parallel_loop3A_625 = vector.shape_cast %parallel_loop3A_620 : vector<16xf32> to vector<1x16xf32>
        tpu.vector_store %arg10[%parallel_loop3A_621, %parallel_loop3A_622], %parallel_loop3A_625 {strides = array<i32>} : memref<16x768xf32, #tpu.memory_space<vmem>>, vector<1x16xf32>,
      } {sc.loop_unroll_factor = 6 : i64, sc.parallel_access}
    }
    %scan3A_417 = arith.constant 16 : i32
    %add3A_418 = arith.constant 144 : i32
    %add3A_419 = arith.addi %mul3A_2, %add3A_418 : i32
    %dma_start3A_420 = arith.constant 0 : i32
    %dma_start3A_421 = tpu.memref_slice %arg6[%add3A_419, %dma_start3A_420] : memref<8192x768xf32, #tpu.memory_space<hbm>> -> memref<16x768xf32, #tpu.memory_space<hbm>>
    %dma_start3A_422 = arith.constant 0 : i32
    %dma_start3A_423 = tpu.memref_slice %arg6[%add3A_419, %dma_start3A_422] : memref<8192x768xf32, #tpu.memory_space<hbm>> -> memref<16x768xf32, #tpu.memory_space<hbm>>
    tpu.enqueue_dma source(%arg10 : memref<16x768xf32, #tpu.memory_space<vmem>>) target(%dma_start3A_423 : memref<16x768xf32, #tpu.memory_space<hbm>>) target_semaphore(%arg26 : memref<!tpu.dma_semaphore, #tpu.memory_space<semaphore_mem>>)
    %dma_wait3A_424 = arith.constant 0 : i32
    %dma_wait3A_425 = tpu.memref_slice %arg6[%add3A_419, %dma_wait3A_424] : memref<8192x768xf32, #tpu.memory_space<hbm>> -> memref<16x768xf32, #tpu.memory_space<hbm>>
    %dma_wait3A_426 = arith.constant 0 : i32
    %dma_wait3A_427 = tpu.memref_slice %arg6[%add3A_419, %dma_wait3A_426] : memref<8192x768xf32, #tpu.memory_space<hbm>> -> memref<16x768xf32, #tpu.memory_space<hbm>>
    tpu.wait_dma2 semaphore(%arg26 : memref<!tpu.dma_semaphore, #tpu.memory_space<semaphore_mem>>) src(%arg10 : memref<16x768xf32, #tpu.memory_space<vmem>>) dst(%dma_wait3A_427 : memref<16x768xf32, #tpu.memory_space<hbm>>)
    %dma_start3A_428 = arith.constant 208 : i32
    %dma_start3A_429 = tpu.memref_slice %arg7[%dma_start3A_428] : memref<256xi32, #tpu.memory_space<vmem>> -> memref<16xi32, #tpu.memory_space<vmem>>
    %dma_start3A_430 = arith.constant 0 : i32
    %dma_start3A_431 = arith.constant 0 : i32
    %dma_start3A_432 = tpu.memref_slice %arg4[%dma_start3A_430, %dma_start3A_431] : memref<100000x768xf32, #tpu.memory_space<hbm>> -> memref<100000x768xf32, #tpu.memory_space<hbm>>
    tpu.enqueue_indirect_dma source(%dma_start3A_432 : memref<100000x768xf32, #tpu.memory_space<hbm>>) target(%arg10 : memref<16x768xf32, #tpu.memory_space<vmem>>) offsets(%dma_start3A_429 : memref<16xi32, #tpu.memory_space<vmem>>) semaphore(%arg18 : memref<!tpu.dma_semaphore, #tpu.memory_space<semaphore_mem>>)
    %dma_start3A_433 = arith.constant 208 : i32
    %dma_start3A_434 = tpu.memref_slice %arg8[%dma_start3A_433] : memref<256xi32, #tpu.memory_space<vmem>> -> memref<16xi32, #tpu.memory_space<vmem>>
    %dma_start3A_435 = arith.constant 0 : i32
    %dma_start3A_436 = arith.constant 0 : i32
    %dma_start3A_437 = tpu.memref_slice %arg5[%dma_start3A_435, %dma_start3A_436] : memref<2048x768xf32, #tpu.memory_space<hbm>> -> memref<2048x768xf32, #tpu.memory_space<hbm>>
    tpu.enqueue_indirect_dma source(%dma_start3A_437 : memref<2048x768xf32, #tpu.memory_space<hbm>>) target(%arg14 : memref<16x768xf32, #tpu.memory_space<vmem>>) offsets(%dma_start3A_434 : memref<16xi32, #tpu.memory_space<vmem>>) semaphore(%arg22 : memref<!tpu.dma_semaphore, #tpu.memory_space<semaphore_mem>>)
    %dma_wait3A_438 = arith.constant 160 : i32
    %dma_wait3A_439 = tpu.memref_slice %arg7[%dma_wait3A_438] : memref<256xi32, #tpu.memory_space<vmem>> -> memref<16xi32, #tpu.memory_space<vmem>>
    %dma_wait3A_440 = arith.constant 0 : i32
    %dma_wait3A_441 = arith.constant 0 : i32
    %dma_wait3A_442 = tpu.memref_slice %arg4[%dma_wait3A_440, %dma_wait3A_441] : memref<100000x768xf32, #tpu.memory_space<hbm>> -> memref<100000x768xf32, #tpu.memory_space<hbm>>
    tpu.wait_indirect_dma semaphore(%arg19 : memref<!tpu.dma_semaphore, #tpu.memory_space<semaphore_mem>>) src(%dma_wait3A_442 : memref<100000x768xf32, #tpu.memory_space<hbm>>) dst(%arg11 : memref<16x768xf32, #tpu.memory_space<vmem>>)
    %dma_wait3A_443 = arith.constant 160 : i32
    %dma_wait3A_444 = tpu.memref_slice %arg8[%dma_wait3A_443] : memref<256xi32, #tpu.memory_space<vmem>> -> memref<16xi32, #tpu.memory_space<vmem>>
    %dma_wait3A_445 = arith.constant 0 : i32
    %dma_wait3A_446 = arith.constant 0 : i32
    %dma_wait3A_447 = tpu.memref_slice %arg5[%dma_wait3A_445, %dma_wait3A_446] : memref<2048x768xf32, #tpu.memory_space<hbm>> -> memref<2048x768xf32, #tpu.memory_space<hbm>>
    tpu.wait_indirect_dma semaphore(%arg23 : memref<!tpu.dma_semaphore, #tpu.memory_space<semaphore_mem>>) src(%dma_wait3A_447 : memref<2048x768xf32, #tpu.memory_space<hbm>>) dst(%arg15 : memref<16x768xf32, #tpu.memory_space<vmem>>)
    %scan3A_448 = arith.constant 0 : i32
    %scan3A_449 = arith.constant 16 : i32
    %scan3A_450 = arith.addi %scan3A_448, %scan3A_449 : i32
    %scan3A_451 = arith.constant 1 : i32
    scf.for %scan3A_608 = %scan3A_448 to %scan3A_450 step %scan3A_451  : i32 {
      %parallel_loop3A = arith.constant 0 : i32
      %parallel_loop3A_609 = arith.constant 768 : i32
      %parallel_loop3A_610 = arith.constant 16 : i32
      scf.for %parallel_loop3A_611 = %parallel_loop3A to %parallel_loop3A_609 step %parallel_loop3A_610  : i32 {
        %parallel_loop3A_612 = arith.index_cast %scan3A_608 : i32 to index
        %parallel_loop3A_613 = arith.index_cast %parallel_loop3A_611 : i32 to index
        %parallel_loop3A_614 = tpu.vector_load %arg11[%parallel_loop3A_612, %parallel_loop3A_613] {strides = array<i32>} : memref<16x768xf32, #tpu.memory_space<vmem>>, vector<1x16xf32>,
        %parallel_loop3A_615 = vector.shape_cast %parallel_loop3A_614 : vector<1x16xf32> to vector<16xf32>
        %parallel_loop3A_616 = arith.index_cast %scan3A_608 : i32 to index
        %parallel_loop3A_617 = arith.index_cast %parallel_loop3A_611 : i32 to index
        %parallel_loop3A_618 = tpu.vector_load %arg15[%parallel_loop3A_616, %parallel_loop3A_617] {strides = array<i32>} : memref<16x768xf32, #tpu.memory_space<vmem>>, vector<1x16xf32>,
        %parallel_loop3A_619 = vector.shape_cast %parallel_loop3A_618 : vector<1x16xf32> to vector<16xf32>
        %parallel_loop3A_620 = arith.addf %parallel_loop3A_615, %parallel_loop3A_619 : vector<16xf32>
        %parallel_loop3A_621 = arith.index_cast %scan3A_608 : i32 to index
        %parallel_loop3A_622 = arith.index_cast %parallel_loop3A_611 : i32 to index
        %parallel_loop3A_623 = tpu.vector_load %arg11[%parallel_loop3A_621, %parallel_loop3A_622] {strides = array<i32>} : memref<16x768xf32, #tpu.memory_space<vmem>>, vector<1x16xf32>,
        %parallel_loop3A_624 = vector.shape_cast %parallel_loop3A_623 : vector<1x16xf32> to vector<16xf32>
        %parallel_loop3A_625 = vector.shape_cast %parallel_loop3A_620 : vector<16xf32> to vector<1x16xf32>
        tpu.vector_store %arg11[%parallel_loop3A_621, %parallel_loop3A_622], %parallel_loop3A_625 {strides = array<i32>} : memref<16x768xf32, #tpu.memory_space<vmem>>, vector<1x16xf32>,
      } {sc.loop_unroll_factor = 6 : i64, sc.parallel_access}
    }
    %scan3A_452 = arith.constant 16 : i32
    %add3A_453 = arith.constant 160 : i32
    %add3A_454 = arith.addi %mul3A_2, %add3A_453 : i32
    %dma_start3A_455 = arith.constant 0 : i32
    %dma_start3A_456 = tpu.memref_slice %arg6[%add3A_454, %dma_start3A_455] : memref<8192x768xf32, #tpu.memory_space<hbm>> -> memref<16x768xf32, #tpu.memory_space<hbm>>
    %dma_start3A_457 = arith.constant 0 : i32
    %dma_start3A_458 = tpu.memref_slice %arg6[%add3A_454, %dma_start3A_457] : memref<8192x768xf32, #tpu.memory_space<hbm>> -> memref<16x768xf32, #tpu.memory_space<hbm>>
    tpu.enqueue_dma source(%arg11 : memref<16x768xf32, #tpu.memory_space<vmem>>) target(%dma_start3A_458 : memref<16x768xf32, #tpu.memory_space<hbm>>) target_semaphore(%arg27 : memref<!tpu.dma_semaphore, #tpu.memory_space<semaphore_mem>>)
    %dma_wait3A_459 = arith.constant 0 : i32
    %dma_wait3A_460 = tpu.memref_slice %arg6[%add3A_454, %dma_wait3A_459] : memref<8192x768xf32, #tpu.memory_space<hbm>> -> memref<16x768xf32, #tpu.memory_space<hbm>>
    %dma_wait3A_461 = arith.constant 0 : i32
    %dma_wait3A_462 = tpu.memref_slice %arg6[%add3A_454, %dma_wait3A_461] : memref<8192x768xf32, #tpu.memory_space<hbm>> -> memref<16x768xf32, #tpu.memory_space<hbm>>
    tpu.wait_dma2 semaphore(%arg27 : memref<!tpu.dma_semaphore, #tpu.memory_space<semaphore_mem>>) src(%arg11 : memref<16x768xf32, #tpu.memory_space<vmem>>) dst(%dma_wait3A_462 : memref<16x768xf32, #tpu.memory_space<hbm>>)
    %dma_start3A_463 = arith.constant 224 : i32
    %dma_start3A_464 = tpu.memref_slice %arg7[%dma_start3A_463] : memref<256xi32, #tpu.memory_space<vmem>> -> memref<16xi32, #tpu.memory_space<vmem>>
    %dma_start3A_465 = arith.constant 0 : i32
    %dma_start3A_466 = arith.constant 0 : i32
    %dma_start3A_467 = tpu.memref_slice %arg4[%dma_start3A_465, %dma_start3A_466] : memref<100000x768xf32, #tpu.memory_space<hbm>> -> memref<100000x768xf32, #tpu.memory_space<hbm>>
    tpu.enqueue_indirect_dma source(%dma_start3A_467 : memref<100000x768xf32, #tpu.memory_space<hbm>>) target(%arg11 : memref<16x768xf32, #tpu.memory_space<vmem>>) offsets(%dma_start3A_464 : memref<16xi32, #tpu.memory_space<vmem>>) semaphore(%arg19 : memref<!tpu.dma_semaphore, #tpu.memory_space<semaphore_mem>>)
    %dma_start3A_468 = arith.constant 224 : i32
    %dma_start3A_469 = tpu.memref_slice %arg8[%dma_start3A_468] : memref<256xi32, #tpu.memory_space<vmem>> -> memref<16xi32, #tpu.memory_space<vmem>>
    %dma_start3A_470 = arith.constant 0 : i32
    %dma_start3A_471 = arith.constant 0 : i32
    %dma_start3A_472 = tpu.memref_slice %arg5[%dma_start3A_470, %dma_start3A_471] : memref<2048x768xf32, #tpu.memory_space<hbm>> -> memref<2048x768xf32, #tpu.memory_space<hbm>>
    tpu.enqueue_indirect_dma source(%dma_start3A_472 : memref<2048x768xf32, #tpu.memory_space<hbm>>) target(%arg15 : memref<16x768xf32, #tpu.memory_space<vmem>>) offsets(%dma_start3A_469 : memref<16xi32, #tpu.memory_space<vmem>>) semaphore(%arg23 : memref<!tpu.dma_semaphore, #tpu.memory_space<semaphore_mem>>)
    %dma_wait3A_473 = arith.constant 176 : i32
    %dma_wait3A_474 = tpu.memref_slice %arg7[%dma_wait3A_473] : memref<256xi32, #tpu.memory_space<vmem>> -> memref<16xi32, #tpu.memory_space<vmem>>
    %dma_wait3A_475 = arith.constant 0 : i32
    %dma_wait3A_476 = arith.constant 0 : i32
    %dma_wait3A_477 = tpu.memref_slice %arg4[%dma_wait3A_475, %dma_wait3A_476] : memref<100000x768xf32, #tpu.memory_space<hbm>> -> memref<100000x768xf32, #tpu.memory_space<hbm>>
    tpu.wait_indirect_dma semaphore(%arg20 : memref<!tpu.dma_semaphore, #tpu.memory_space<semaphore_mem>>) src(%dma_wait3A_477 : memref<100000x768xf32, #tpu.memory_space<hbm>>) dst(%arg12 : memref<16x768xf32, #tpu.memory_space<vmem>>)
    %dma_wait3A_478 = arith.constant 176 : i32
    %dma_wait3A_479 = tpu.memref_slice %arg8[%dma_wait3A_478] : memref<256xi32, #tpu.memory_space<vmem>> -> memref<16xi32, #tpu.memory_space<vmem>>
    %dma_wait3A_480 = arith.constant 0 : i32
    %dma_wait3A_481 = arith.constant 0 : i32
    %dma_wait3A_482 = tpu.memref_slice %arg5[%dma_wait3A_480, %dma_wait3A_481] : memref<2048x768xf32, #tpu.memory_space<hbm>> -> memref<2048x768xf32, #tpu.memory_space<hbm>>
    tpu.wait_indirect_dma semaphore(%arg24 : memref<!tpu.dma_semaphore, #tpu.memory_space<semaphore_mem>>) src(%dma_wait3A_482 : memref<2048x768xf32, #tpu.memory_space<hbm>>) dst(%arg16 : memref<16x768xf32, #tpu.memory_space<vmem>>)
    %scan3A_483 = arith.constant 0 : i32
    %scan3A_484 = arith.constant 16 : i32
    %scan3A_485 = arith.addi %scan3A_483, %scan3A_484 : i32
    %scan3A_486 = arith.constant 1 : i32
    scf.for %scan3A_608 = %scan3A_483 to %scan3A_485 step %scan3A_486  : i32 {
      %parallel_loop3A = arith.constant 0 : i32
      %parallel_loop3A_609 = arith.constant 768 : i32
      %parallel_loop3A_610 = arith.constant 16 : i32
      scf.for %parallel_loop3A_611 = %parallel_loop3A to %parallel_loop3A_609 step %parallel_loop3A_610  : i32 {
        %parallel_loop3A_612 = arith.index_cast %scan3A_608 : i32 to index
        %parallel_loop3A_613 = arith.index_cast %parallel_loop3A_611 : i32 to index
        %parallel_loop3A_614 = tpu.vector_load %arg12[%parallel_loop3A_612, %parallel_loop3A_613] {strides = array<i32>} : memref<16x768xf32, #tpu.memory_space<vmem>>, vector<1x16xf32>,
        %parallel_loop3A_615 = vector.shape_cast %parallel_loop3A_614 : vector<1x16xf32> to vector<16xf32>
        %parallel_loop3A_616 = arith.index_cast %scan3A_608 : i32 to index
        %parallel_loop3A_617 = arith.index_cast %parallel_loop3A_611 : i32 to index
        %parallel_loop3A_618 = tpu.vector_load %arg16[%parallel_loop3A_616, %parallel_loop3A_617] {strides = array<i32>} : memref<16x768xf32, #tpu.memory_space<vmem>>, vector<1x16xf32>,
        %parallel_loop3A_619 = vector.shape_cast %parallel_loop3A_618 : vector<1x16xf32> to vector<16xf32>
        %parallel_loop3A_620 = arith.addf %parallel_loop3A_615, %parallel_loop3A_619 : vector<16xf32>
        %parallel_loop3A_621 = arith.index_cast %scan3A_608 : i32 to index
        %parallel_loop3A_622 = arith.index_cast %parallel_loop3A_611 : i32 to index
        %parallel_loop3A_623 = tpu.vector_load %arg12[%parallel_loop3A_621, %parallel_loop3A_622] {strides = array<i32>} : memref<16x768xf32, #tpu.memory_space<vmem>>, vector<1x16xf32>,
        %parallel_loop3A_624 = vector.shape_cast %parallel_loop3A_623 : vector<1x16xf32> to vector<16xf32>
        %parallel_loop3A_625 = vector.shape_cast %parallel_loop3A_620 : vector<16xf32> to vector<1x16xf32>
        tpu.vector_store %arg12[%parallel_loop3A_621, %parallel_loop3A_622], %parallel_loop3A_625 {strides = array<i32>} : memref<16x768xf32, #tpu.memory_space<vmem>>, vector<1x16xf32>,
      } {sc.loop_unroll_factor = 6 : i64, sc.parallel_access}
    }
    %scan3A_487 = arith.constant 16 : i32
    %add3A_488 = arith.constant 176 : i32
    %add3A_489 = arith.addi %mul3A_2, %add3A_488 : i32
    %dma_start3A_490 = arith.constant 0 : i32
    %dma_start3A_491 = tpu.memref_slice %arg6[%add3A_489, %dma_start3A_490] : memref<8192x768xf32, #tpu.memory_space<hbm>> -> memref<16x768xf32, #tpu.memory_space<hbm>>
    %dma_start3A_492 = arith.constant 0 : i32
    %dma_start3A_493 = tpu.memref_slice %arg6[%add3A_489, %dma_start3A_492] : memref<8192x768xf32, #tpu.memory_space<hbm>> -> memref<16x768xf32, #tpu.memory_space<hbm>>
    tpu.enqueue_dma source(%arg12 : memref<16x768xf32, #tpu.memory_space<vmem>>) target(%dma_start3A_493 : memref<16x768xf32, #tpu.memory_space<hbm>>) target_semaphore(%arg28 : memref<!tpu.dma_semaphore, #tpu.memory_space<semaphore_mem>>)
    %dma_wait3A_494 = arith.constant 0 : i32
    %dma_wait3A_495 = tpu.memref_slice %arg6[%add3A_489, %dma_wait3A_494] : memref<8192x768xf32, #tpu.memory_space<hbm>> -> memref<16x768xf32, #tpu.memory_space<hbm>>
    %dma_wait3A_496 = arith.constant 0 : i32
    %dma_wait3A_497 = tpu.memref_slice %arg6[%add3A_489, %dma_wait3A_496] : memref<8192x768xf32, #tpu.memory_space<hbm>> -> memref<16x768xf32, #tpu.memory_space<hbm>>
    tpu.wait_dma2 semaphore(%arg28 : memref<!tpu.dma_semaphore, #tpu.memory_space<semaphore_mem>>) src(%arg12 : memref<16x768xf32, #tpu.memory_space<vmem>>) dst(%dma_wait3A_497 : memref<16x768xf32, #tpu.memory_space<hbm>>)
    %dma_start3A_498 = arith.constant 240 : i32
    %dma_start3A_499 = tpu.memref_slice %arg7[%dma_start3A_498] : memref<256xi32, #tpu.memory_space<vmem>> -> memref<16xi32, #tpu.memory_space<vmem>>
    %dma_start3A_500 = arith.constant 0 : i32
    %dma_start3A_501 = arith.constant 0 : i32
    %dma_start3A_502 = tpu.memref_slice %arg4[%dma_start3A_500, %dma_start3A_501] : memref<100000x768xf32, #tpu.memory_space<hbm>> -> memref<100000x768xf32, #tpu.memory_space<hbm>>
    tpu.enqueue_indirect_dma source(%dma_start3A_502 : memref<100000x768xf32, #tpu.memory_space<hbm>>) target(%arg12 : memref<16x768xf32, #tpu.memory_space<vmem>>) offsets(%dma_start3A_499 : memref<16xi32, #tpu.memory_space<vmem>>) semaphore(%arg20 : memref<!tpu.dma_semaphore, #tpu.memory_space<semaphore_mem>>)
    %dma_start3A_503 = arith.constant 240 : i32
    %dma_start3A_504 = tpu.memref_slice %arg8[%dma_start3A_503] : memref<256xi32, #tpu.memory_space<vmem>> -> memref<16xi32, #tpu.memory_space<vmem>>
    %dma_start3A_505 = arith.constant 0 : i32
    %dma_start3A_506 = arith.constant 0 : i32
    %dma_start3A_507 = tpu.memref_slice %arg5[%dma_start3A_505, %dma_start3A_506] : memref<2048x768xf32, #tpu.memory_space<hbm>> -> memref<2048x768xf32, #tpu.memory_space<hbm>>
    tpu.enqueue_indirect_dma source(%dma_start3A_507 : memref<2048x768xf32, #tpu.memory_space<hbm>>) target(%arg16 : memref<16x768xf32, #tpu.memory_space<vmem>>) offsets(%dma_start3A_504 : memref<16xi32, #tpu.memory_space<vmem>>) semaphore(%arg24 : memref<!tpu.dma_semaphore, #tpu.memory_space<semaphore_mem>>)
    %dma_wait3A_508 = arith.constant 192 : i32
    %dma_wait3A_509 = tpu.memref_slice %arg7[%dma_wait3A_508] : memref<256xi32, #tpu.memory_space<vmem>> -> memref<16xi32, #tpu.memory_space<vmem>>
    %dma_wait3A_510 = arith.constant 0 : i32
    %dma_wait3A_511 = arith.constant 0 : i32
    %dma_wait3A_512 = tpu.memref_slice %arg4[%dma_wait3A_510, %dma_wait3A_511] : memref<100000x768xf32, #tpu.memory_space<hbm>> -> memref<100000x768xf32, #tpu.memory_space<hbm>>
    tpu.wait_indirect_dma semaphore(%arg17 : memref<!tpu.dma_semaphore, #tpu.memory_space<semaphore_mem>>) src(%dma_wait3A_512 : memref<100000x768xf32, #tpu.memory_space<hbm>>) dst(%arg9 : memref<16x768xf32, #tpu.memory_space<vmem>>)
    %dma_wait3A_513 = arith.constant 192 : i32
    %dma_wait3A_514 = tpu.memref_slice %arg8[%dma_wait3A_513] : memref<256xi32, #tpu.memory_space<vmem>> -> memref<16xi32, #tpu.memory_space<vmem>>
    %dma_wait3A_515 = arith.constant 0 : i32
    %dma_wait3A_516 = arith.constant 0 : i32
    %dma_wait3A_517 = tpu.memref_slice %arg5[%dma_wait3A_515, %dma_wait3A_516] : memref<2048x768xf32, #tpu.memory_space<hbm>> -> memref<2048x768xf32, #tpu.memory_space<hbm>>
    tpu.wait_indirect_dma semaphore(%arg21 : memref<!tpu.dma_semaphore, #tpu.memory_space<semaphore_mem>>) src(%dma_wait3A_517 : memref<2048x768xf32, #tpu.memory_space<hbm>>) dst(%arg13 : memref<16x768xf32, #tpu.memory_space<vmem>>)
    %scan3A_518 = arith.constant 0 : i32
    %scan3A_519 = arith.constant 16 : i32
    %scan3A_520 = arith.addi %scan3A_518, %scan3A_519 : i32
    %scan3A_521 = arith.constant 1 : i32
    scf.for %scan3A_608 = %scan3A_518 to %scan3A_520 step %scan3A_521  : i32 {
      %parallel_loop3A = arith.constant 0 : i32
      %parallel_loop3A_609 = arith.constant 768 : i32
      %parallel_loop3A_610 = arith.constant 16 : i32
      scf.for %parallel_loop3A_611 = %parallel_loop3A to %parallel_loop3A_609 step %parallel_loop3A_610  : i32 {
        %parallel_loop3A_612 = arith.index_cast %scan3A_608 : i32 to index
        %parallel_loop3A_613 = arith.index_cast %parallel_loop3A_611 : i32 to index
        %parallel_loop3A_614 = tpu.vector_load %arg9[%parallel_loop3A_612, %parallel_loop3A_613] {strides = array<i32>} : memref<16x768xf32, #tpu.memory_space<vmem>>, vector<1x16xf32>,
        %parallel_loop3A_615 = vector.shape_cast %parallel_loop3A_614 : vector<1x16xf32> to vector<16xf32>
        %parallel_loop3A_616 = arith.index_cast %scan3A_608 : i32 to index
        %parallel_loop3A_617 = arith.index_cast %parallel_loop3A_611 : i32 to index
        %parallel_loop3A_618 = tpu.vector_load %arg13[%parallel_loop3A_616, %parallel_loop3A_617] {strides = array<i32>} : memref<16x768xf32, #tpu.memory_space<vmem>>, vector<1x16xf32>,
        %parallel_loop3A_619 = vector.shape_cast %parallel_loop3A_618 : vector<1x16xf32> to vector<16xf32>
        %parallel_loop3A_620 = arith.addf %parallel_loop3A_615, %parallel_loop3A_619 : vector<16xf32>
        %parallel_loop3A_621 = arith.index_cast %scan3A_608 : i32 to index
        %parallel_loop3A_622 = arith.index_cast %parallel_loop3A_611 : i32 to index
        %parallel_loop3A_623 = tpu.vector_load %arg9[%parallel_loop3A_621, %parallel_loop3A_622] {strides = array<i32>} : memref<16x768xf32, #tpu.memory_space<vmem>>, vector<1x16xf32>,
        %parallel_loop3A_624 = vector.shape_cast %parallel_loop3A_623 : vector<1x16xf32> to vector<16xf32>
        %parallel_loop3A_625 = vector.shape_cast %parallel_loop3A_620 : vector<16xf32> to vector<1x16xf32>
        tpu.vector_store %arg9[%parallel_loop3A_621, %parallel_loop3A_622], %parallel_loop3A_625 {strides = array<i32>} : memref<16x768xf32, #tpu.memory_space<vmem>>, vector<1x16xf32>,
      } {sc.loop_unroll_factor = 6 : i64, sc.parallel_access}
    }
    %scan3A_522 = arith.constant 16 : i32
    %add3A_523 = arith.constant 192 : i32
    %add3A_524 = arith.addi %mul3A_2, %add3A_523 : i32
    %dma_start3A_525 = arith.constant 0 : i32
    %dma_start3A_526 = tpu.memref_slice %arg6[%add3A_524, %dma_start3A_525] : memref<8192x768xf32, #tpu.memory_space<hbm>> -> memref<16x768xf32, #tpu.memory_space<hbm>>
    %dma_start3A_527 = arith.constant 0 : i32
    %dma_start3A_528 = tpu.memref_slice %arg6[%add3A_524, %dma_start3A_527] : memref<8192x768xf32, #tpu.memory_space<hbm>> -> memref<16x768xf32, #tpu.memory_space<hbm>>
    tpu.enqueue_dma source(%arg9 : memref<16x768xf32, #tpu.memory_space<vmem>>) target(%dma_start3A_528 : memref<16x768xf32, #tpu.memory_space<hbm>>) target_semaphore(%arg25 : memref<!tpu.dma_semaphore, #tpu.memory_space<semaphore_mem>>)
    %dma_wait3A_529 = arith.constant 208 : i32
    %dma_wait3A_530 = tpu.memref_slice %arg7[%dma_wait3A_529] : memref<256xi32, #tpu.memory_space<vmem>> -> memref<16xi32, #tpu.memory_space<vmem>>
    %dma_wait3A_531 = arith.constant 0 : i32
    %dma_wait3A_532 = arith.constant 0 : i32
    %dma_wait3A_533 = tpu.memref_slice %arg4[%dma_wait3A_531, %dma_wait3A_532] : memref<100000x768xf32, #tpu.memory_space<hbm>> -> memref<100000x768xf32, #tpu.memory_space<hbm>>
    tpu.wait_indirect_dma semaphore(%arg18 : memref<!tpu.dma_semaphore, #tpu.memory_space<semaphore_mem>>) src(%dma_wait3A_533 : memref<100000x768xf32, #tpu.memory_space<hbm>>) dst(%arg10 : memref<16x768xf32, #tpu.memory_space<vmem>>)
    %dma_wait3A_534 = arith.constant 208 : i32
    %dma_wait3A_535 = tpu.memref_slice %arg8[%dma_wait3A_534] : memref<256xi32, #tpu.memory_space<vmem>> -> memref<16xi32, #tpu.memory_space<vmem>>
    %dma_wait3A_536 = arith.constant 0 : i32
    %dma_wait3A_537 = arith.constant 0 : i32
    %dma_wait3A_538 = tpu.memref_slice %arg5[%dma_wait3A_536, %dma_wait3A_537] : memref<2048x768xf32, #tpu.memory_space<hbm>> -> memref<2048x768xf32, #tpu.memory_space<hbm>>
    tpu.wait_indirect_dma semaphore(%arg22 : memref<!tpu.dma_semaphore, #tpu.memory_space<semaphore_mem>>) src(%dma_wait3A_538 : memref<2048x768xf32, #tpu.memory_space<hbm>>) dst(%arg14 : memref<16x768xf32, #tpu.memory_space<vmem>>)
    %scan3A_539 = arith.constant 0 : i32
    %scan3A_540 = arith.constant 16 : i32
    %scan3A_541 = arith.addi %scan3A_539, %scan3A_540 : i32
    %scan3A_542 = arith.constant 1 : i32
    scf.for %scan3A_608 = %scan3A_539 to %scan3A_541 step %scan3A_542  : i32 {
      %parallel_loop3A = arith.constant 0 : i32
      %parallel_loop3A_609 = arith.constant 768 : i32
      %parallel_loop3A_610 = arith.constant 16 : i32
      scf.for %parallel_loop3A_611 = %parallel_loop3A to %parallel_loop3A_609 step %parallel_loop3A_610  : i32 {
        %parallel_loop3A_612 = arith.index_cast %scan3A_608 : i32 to index
        %parallel_loop3A_613 = arith.index_cast %parallel_loop3A_611 : i32 to index
        %parallel_loop3A_614 = tpu.vector_load %arg10[%parallel_loop3A_612, %parallel_loop3A_613] {strides = array<i32>} : memref<16x768xf32, #tpu.memory_space<vmem>>, vector<1x16xf32>,
        %parallel_loop3A_615 = vector.shape_cast %parallel_loop3A_614 : vector<1x16xf32> to vector<16xf32>
        %parallel_loop3A_616 = arith.index_cast %scan3A_608 : i32 to index
        %parallel_loop3A_617 = arith.index_cast %parallel_loop3A_611 : i32 to index
        %parallel_loop3A_618 = tpu.vector_load %arg14[%parallel_loop3A_616, %parallel_loop3A_617] {strides = array<i32>} : memref<16x768xf32, #tpu.memory_space<vmem>>, vector<1x16xf32>,
        %parallel_loop3A_619 = vector.shape_cast %parallel_loop3A_618 : vector<1x16xf32> to vector<16xf32>
        %parallel_loop3A_620 = arith.addf %parallel_loop3A_615, %parallel_loop3A_619 : vector<16xf32>
        %parallel_loop3A_621 = arith.index_cast %scan3A_608 : i32 to index
        %parallel_loop3A_622 = arith.index_cast %parallel_loop3A_611 : i32 to index
        %parallel_loop3A_623 = tpu.vector_load %arg10[%parallel_loop3A_621, %parallel_loop3A_622] {strides = array<i32>} : memref<16x768xf32, #tpu.memory_space<vmem>>, vector<1x16xf32>,
        %parallel_loop3A_624 = vector.shape_cast %parallel_loop3A_623 : vector<1x16xf32> to vector<16xf32>
        %parallel_loop3A_625 = vector.shape_cast %parallel_loop3A_620 : vector<16xf32> to vector<1x16xf32>
        tpu.vector_store %arg10[%parallel_loop3A_621, %parallel_loop3A_622], %parallel_loop3A_625 {strides = array<i32>} : memref<16x768xf32, #tpu.memory_space<vmem>>, vector<1x16xf32>,
      } {sc.loop_unroll_factor = 6 : i64, sc.parallel_access}
    }
    %scan3A_543 = arith.constant 16 : i32
    %add3A_544 = arith.constant 208 : i32
    %add3A_545 = arith.addi %mul3A_2, %add3A_544 : i32
    %dma_start3A_546 = arith.constant 0 : i32
    %dma_start3A_547 = tpu.memref_slice %arg6[%add3A_545, %dma_start3A_546] : memref<8192x768xf32, #tpu.memory_space<hbm>> -> memref<16x768xf32, #tpu.memory_space<hbm>>
    %dma_start3A_548 = arith.constant 0 : i32
    %dma_start3A_549 = tpu.memref_slice %arg6[%add3A_545, %dma_start3A_548] : memref<8192x768xf32, #tpu.memory_space<hbm>> -> memref<16x768xf32, #tpu.memory_space<hbm>>
    tpu.enqueue_dma source(%arg10 : memref<16x768xf32, #tpu.memory_space<vmem>>) target(%dma_start3A_549 : memref<16x768xf32, #tpu.memory_space<hbm>>) target_semaphore(%arg26 : memref<!tpu.dma_semaphore, #tpu.memory_space<semaphore_mem>>)
    %dma_wait3A_550 = arith.constant 224 : i32
    %dma_wait3A_551 = tpu.memref_slice %arg7[%dma_wait3A_550] : memref<256xi32, #tpu.memory_space<vmem>> -> memref<16xi32, #tpu.memory_space<vmem>>
    %dma_wait3A_552 = arith.constant 0 : i32
    %dma_wait3A_553 = arith.constant 0 : i32
    %dma_wait3A_554 = tpu.memref_slice %arg4[%dma_wait3A_552, %dma_wait3A_553] : memref<100000x768xf32, #tpu.memory_space<hbm>> -> memref<100000x768xf32, #tpu.memory_space<hbm>>
    tpu.wait_indirect_dma semaphore(%arg19 : memref<!tpu.dma_semaphore, #tpu.memory_space<semaphore_mem>>) src(%dma_wait3A_554 : memref<100000x768xf32, #tpu.memory_space<hbm>>) dst(%arg11 : memref<16x768xf32, #tpu.memory_space<vmem>>)
    %dma_wait3A_555 = arith.constant 224 : i32
    %dma_wait3A_556 = tpu.memref_slice %arg8[%dma_wait3A_555] : memref<256xi32, #tpu.memory_space<vmem>> -> memref<16xi32, #tpu.memory_space<vmem>>
    %dma_wait3A_557 = arith.constant 0 : i32
    %dma_wait3A_558 = arith.constant 0 : i32
    %dma_wait3A_559 = tpu.memref_slice %arg5[%dma_wait3A_557, %dma_wait3A_558] : memref<2048x768xf32, #tpu.memory_space<hbm>> -> memref<2048x768xf32, #tpu.memory_space<hbm>>
    tpu.wait_indirect_dma semaphore(%arg23 : memref<!tpu.dma_semaphore, #tpu.memory_space<semaphore_mem>>) src(%dma_wait3A_559 : memref<2048x768xf32, #tpu.memory_space<hbm>>) dst(%arg15 : memref<16x768xf32, #tpu.memory_space<vmem>>)
    %scan3A_560 = arith.constant 0 : i32
    %scan3A_561 = arith.constant 16 : i32
    %scan3A_562 = arith.addi %scan3A_560, %scan3A_561 : i32
    %scan3A_563 = arith.constant 1 : i32
    scf.for %scan3A_608 = %scan3A_560 to %scan3A_562 step %scan3A_563  : i32 {
      %parallel_loop3A = arith.constant 0 : i32
      %parallel_loop3A_609 = arith.constant 768 : i32
      %parallel_loop3A_610 = arith.constant 16 : i32
      scf.for %parallel_loop3A_611 = %parallel_loop3A to %parallel_loop3A_609 step %parallel_loop3A_610  : i32 {
        %parallel_loop3A_612 = arith.index_cast %scan3A_608 : i32 to index
        %parallel_loop3A_613 = arith.index_cast %parallel_loop3A_611 : i32 to index
        %parallel_loop3A_614 = tpu.vector_load %arg11[%parallel_loop3A_612, %parallel_loop3A_613] {strides = array<i32>} : memref<16x768xf32, #tpu.memory_space<vmem>>, vector<1x16xf32>,
        %parallel_loop3A_615 = vector.shape_cast %parallel_loop3A_614 : vector<1x16xf32> to vector<16xf32>
        %parallel_loop3A_616 = arith.index_cast %scan3A_608 : i32 to index
        %parallel_loop3A_617 = arith.index_cast %parallel_loop3A_611 : i32 to index
        %parallel_loop3A_618 = tpu.vector_load %arg15[%parallel_loop3A_616, %parallel_loop3A_617] {strides = array<i32>} : memref<16x768xf32, #tpu.memory_space<vmem>>, vector<1x16xf32>,
        %parallel_loop3A_619 = vector.shape_cast %parallel_loop3A_618 : vector<1x16xf32> to vector<16xf32>
        %parallel_loop3A_620 = arith.addf %parallel_loop3A_615, %parallel_loop3A_619 : vector<16xf32>
        %parallel_loop3A_621 = arith.index_cast %scan3A_608 : i32 to index
        %parallel_loop3A_622 = arith.index_cast %parallel_loop3A_611 : i32 to index
        %parallel_loop3A_623 = tpu.vector_load %arg11[%parallel_loop3A_621, %parallel_loop3A_622] {strides = array<i32>} : memref<16x768xf32, #tpu.memory_space<vmem>>, vector<1x16xf32>,
        %parallel_loop3A_624 = vector.shape_cast %parallel_loop3A_623 : vector<1x16xf32> to vector<16xf32>
        %parallel_loop3A_625 = vector.shape_cast %parallel_loop3A_620 : vector<16xf32> to vector<1x16xf32>
        tpu.vector_store %arg11[%parallel_loop3A_621, %parallel_loop3A_622], %parallel_loop3A_625 {strides = array<i32>} : memref<16x768xf32, #tpu.memory_space<vmem>>, vector<1x16xf32>,
      } {sc.loop_unroll_factor = 6 : i64, sc.parallel_access}
    }
    %scan3A_564 = arith.constant 16 : i32
    %add3A_565 = arith.constant 224 : i32
    %add3A_566 = arith.addi %mul3A_2, %add3A_565 : i32
    %dma_start3A_567 = arith.constant 0 : i32
    %dma_start3A_568 = tpu.memref_slice %arg6[%add3A_566, %dma_start3A_567] : memref<8192x768xf32, #tpu.memory_space<hbm>> -> memref<16x768xf32, #tpu.memory_space<hbm>>
    %dma_start3A_569 = arith.constant 0 : i32
    %dma_start3A_570 = tpu.memref_slice %arg6[%add3A_566, %dma_start3A_569] : memref<8192x768xf32, #tpu.memory_space<hbm>> -> memref<16x768xf32, #tpu.memory_space<hbm>>
    tpu.enqueue_dma source(%arg11 : memref<16x768xf32, #tpu.memory_space<vmem>>) target(%dma_start3A_570 : memref<16x768xf32, #tpu.memory_space<hbm>>) target_semaphore(%arg27 : memref<!tpu.dma_semaphore, #tpu.memory_space<semaphore_mem>>)
    %dma_wait3A_571 = arith.constant 240 : i32
    %dma_wait3A_572 = tpu.memref_slice %arg7[%dma_wait3A_571] : memref<256xi32, #tpu.memory_space<vmem>> -> memref<16xi32, #tpu.memory_space<vmem>>
    %dma_wait3A_573 = arith.constant 0 : i32
    %dma_wait3A_574 = arith.constant 0 : i32
    %dma_wait3A_575 = tpu.memref_slice %arg4[%dma_wait3A_573, %dma_wait3A_574] : memref<100000x768xf32, #tpu.memory_space<hbm>> -> memref<100000x768xf32, #tpu.memory_space<hbm>>
    tpu.wait_indirect_dma semaphore(%arg20 : memref<!tpu.dma_semaphore, #tpu.memory_space<semaphore_mem>>) src(%dma_wait3A_575 : memref<100000x768xf32, #tpu.memory_space<hbm>>) dst(%arg12 : memref<16x768xf32, #tpu.memory_space<vmem>>)
    %dma_wait3A_576 = arith.constant 240 : i32
    %dma_wait3A_577 = tpu.memref_slice %arg8[%dma_wait3A_576] : memref<256xi32, #tpu.memory_space<vmem>> -> memref<16xi32, #tpu.memory_space<vmem>>
    %dma_wait3A_578 = arith.constant 0 : i32
    %dma_wait3A_579 = arith.constant 0 : i32
    %dma_wait3A_580 = tpu.memref_slice %arg5[%dma_wait3A_578, %dma_wait3A_579] : memref<2048x768xf32, #tpu.memory_space<hbm>> -> memref<2048x768xf32, #tpu.memory_space<hbm>>
    tpu.wait_indirect_dma semaphore(%arg24 : memref<!tpu.dma_semaphore, #tpu.memory_space<semaphore_mem>>) src(%dma_wait3A_580 : memref<2048x768xf32, #tpu.memory_space<hbm>>) dst(%arg16 : memref<16x768xf32, #tpu.memory_space<vmem>>)
    %scan3A_581 = arith.constant 0 : i32
    %scan3A_582 = arith.constant 16 : i32
    %scan3A_583 = arith.addi %scan3A_581, %scan3A_582 : i32
    %scan3A_584 = arith.constant 1 : i32
    scf.for %scan3A_608 = %scan3A_581 to %scan3A_583 step %scan3A_584  : i32 {
      %parallel_loop3A = arith.constant 0 : i32
      %parallel_loop3A_609 = arith.constant 768 : i32
      %parallel_loop3A_610 = arith.constant 16 : i32
      scf.for %parallel_loop3A_611 = %parallel_loop3A to %parallel_loop3A_609 step %parallel_loop3A_610  : i32 {
        %parallel_loop3A_612 = arith.index_cast %scan3A_608 : i32 to index
        %parallel_loop3A_613 = arith.index_cast %parallel_loop3A_611 : i32 to index
        %parallel_loop3A_614 = tpu.vector_load %arg12[%parallel_loop3A_612, %parallel_loop3A_613] {strides = array<i32>} : memref<16x768xf32, #tpu.memory_space<vmem>>, vector<1x16xf32>,
        %parallel_loop3A_615 = vector.shape_cast %parallel_loop3A_614 : vector<1x16xf32> to vector<16xf32>
        %parallel_loop3A_616 = arith.index_cast %scan3A_608 : i32 to index
        %parallel_loop3A_617 = arith.index_cast %parallel_loop3A_611 : i32 to index
        %parallel_loop3A_618 = tpu.vector_load %arg16[%parallel_loop3A_616, %parallel_loop3A_617] {strides = array<i32>} : memref<16x768xf32, #tpu.memory_space<vmem>>, vector<1x16xf32>,
        %parallel_loop3A_619 = vector.shape_cast %parallel_loop3A_618 : vector<1x16xf32> to vector<16xf32>
        %parallel_loop3A_620 = arith.addf %parallel_loop3A_615, %parallel_loop3A_619 : vector<16xf32>
        %parallel_loop3A_621 = arith.index_cast %scan3A_608 : i32 to index
        %parallel_loop3A_622 = arith.index_cast %parallel_loop3A_611 : i32 to index
        %parallel_loop3A_623 = tpu.vector_load %arg12[%parallel_loop3A_621, %parallel_loop3A_622] {strides = array<i32>} : memref<16x768xf32, #tpu.memory_space<vmem>>, vector<1x16xf32>,
        %parallel_loop3A_624 = vector.shape_cast %parallel_loop3A_623 : vector<1x16xf32> to vector<16xf32>
        %parallel_loop3A_625 = vector.shape_cast %parallel_loop3A_620 : vector<16xf32> to vector<1x16xf32>
        tpu.vector_store %arg12[%parallel_loop3A_621, %parallel_loop3A_622], %parallel_loop3A_625 {strides = array<i32>} : memref<16x768xf32, #tpu.memory_space<vmem>>, vector<1x16xf32>,
      } {sc.loop_unroll_factor = 6 : i64, sc.parallel_access}
    }
    %scan3A_585 = arith.constant 16 : i32
    %add3A_586 = arith.constant 240 : i32
    %add3A_587 = arith.addi %mul3A_2, %add3A_586 : i32
    %dma_start3A_588 = arith.constant 0 : i32
    %dma_start3A_589 = tpu.memref_slice %arg6[%add3A_587, %dma_start3A_588] : memref<8192x768xf32, #tpu.memory_space<hbm>> -> memref<16x768xf32, #tpu.memory_space<hbm>>
    %dma_start3A_590 = arith.constant 0 : i32
    %dma_start3A_591 = tpu.memref_slice %arg6[%add3A_587, %dma_start3A_590] : memref<8192x768xf32, #tpu.memory_space<hbm>> -> memref<16x768xf32, #tpu.memory_space<hbm>>
    tpu.enqueue_dma source(%arg12 : memref<16x768xf32, #tpu.memory_space<vmem>>) target(%dma_start3A_591 : memref<16x768xf32, #tpu.memory_space<hbm>>) target_semaphore(%arg28 : memref<!tpu.dma_semaphore, #tpu.memory_space<semaphore_mem>>)
    %dma_wait3A_592 = arith.constant 0 : i32
    %dma_wait3A_593 = tpu.memref_slice %arg6[%add3A_524, %dma_wait3A_592] : memref<8192x768xf32, #tpu.memory_space<hbm>> -> memref<16x768xf32, #tpu.memory_space<hbm>>
    %dma_wait3A_594 = arith.constant 0 : i32
    %dma_wait3A_595 = tpu.memref_slice %arg6[%add3A_524, %dma_wait3A_594] : memref<8192x768xf32, #tpu.memory_space<hbm>> -> memref<16x768xf32, #tpu.memory_space<hbm>>
    tpu.wait_dma2 semaphore(%arg25 : memref<!tpu.dma_semaphore, #tpu.memory_space<semaphore_mem>>) src(%arg9 : memref<16x768xf32, #tpu.memory_space<vmem>>) dst(%dma_wait3A_595 : memref<16x768xf32, #tpu.memory_space<hbm>>)
    %dma_wait3A_596 = arith.constant 0 : i32
    %dma_wait3A_597 = tpu.memref_slice %arg6[%add3A_545, %dma_wait3A_596] : memref<8192x768xf32, #tpu.memory_space<hbm>> -> memref<16x768xf32, #tpu.memory_space<hbm>>
    %dma_wait3A_598 = arith.constant 0 : i32
    %dma_wait3A_599 = tpu.memref_slice %arg6[%add3A_545, %dma_wait3A_598] : memref<8192x768xf32, #tpu.memory_space<hbm>> -> memref<16x768xf32, #tpu.memory_space<hbm>>
    tpu.wait_dma2 semaphore(%arg26 : memref<!tpu.dma_semaphore, #tpu.memory_space<semaphore_mem>>) src(%arg10 : memref<16x768xf32, #tpu.memory_space<vmem>>) dst(%dma_wait3A_599 : memref<16x768xf32, #tpu.memory_space<hbm>>)
    %dma_wait3A_600 = arith.constant 0 : i32
    %dma_wait3A_601 = tpu.memref_slice %arg6[%add3A_566, %dma_wait3A_600] : memref<8192x768xf32, #tpu.memory_space<hbm>> -> memref<16x768xf32, #tpu.memory_space<hbm>>
    %dma_wait3A_602 = arith.constant 0 : i32
    %dma_wait3A_603 = tpu.memref_slice %arg6[%add3A_566, %dma_wait3A_602] : memref<8192x768xf32, #tpu.memory_space<hbm>> -> memref<16x768xf32, #tpu.memory_space<hbm>>
    tpu.wait_dma2 semaphore(%arg27 : memref<!tpu.dma_semaphore, #tpu.memory_space<semaphore_mem>>) src(%arg11 : memref<16x768xf32, #tpu.memory_space<vmem>>) dst(%dma_wait3A_603 : memref<16x768xf32, #tpu.memory_space<hbm>>)
    %dma_wait3A_604 = arith.constant 0 : i32
    %dma_wait3A_605 = tpu.memref_slice %arg6[%add3A_587, %dma_wait3A_604] : memref<8192x768xf32, #tpu.memory_space<hbm>> -> memref<16x768xf32, #tpu.memory_space<hbm>>
    %dma_wait3A_606 = arith.constant 0 : i32
    %dma_wait3A_607 = tpu.memref_slice %arg6[%add3A_587, %dma_wait3A_606] : memref<8192x768xf32, #tpu.memory_space<hbm>> -> memref<16x768xf32, #tpu.memory_space<hbm>>
    tpu.wait_dma2 semaphore(%arg28 : memref<!tpu.dma_semaphore, #tpu.memory_space<semaphore_mem>>) src(%arg12 : memref<16x768xf32, #tpu.memory_space<vmem>>) dst(%dma_wait3A_607 : memref<16x768xf32, #tpu.memory_space<hbm>>)
    return
  }
}

</mosaic_0001>

<sc_bundles>
// kernel: kernel.3.cloned.1.call-start
scs
__scs_entry_jumppad:
0x0: {  	(pc) =	sbr.rel $0x88, $3  }
0x1: {  	(tag) =	ssettag $0x0;
	lr =	simm.s32 $0x1  }
0x2: {  	[smem:$0x3F9D] =	sst lr;
	_ =	strace $0xD0000000  }
0x3: {  	_ = 	snop  }
0x4: {  	_ = 	snop  }
0x5: {  	_ = 	snop  }
0x6: {  	_ = 	snop  }
0x7: {  	_ = 	snop  }
__scs_overlays_trampoline_lowered:
0x8: {  	[smem:$0x3FAC] =	sst s0  }
0x9: {  	[smem:$0x3FAD] =	sst s1  }
0xa: {  	[smem:$0x3FAE] =	sst s2  }
0xb: {  	[smem:$0x3FAF] =	sst s3  }
0xc: {  	[smem:$0x3FB0] =	sst s4  }
0xd: {  	[smem:$0x3FB1] =	sst s5  }
0xe: {  	[smem:$0x3FB2] =	sst s6  }
0xf: {  	[smem:$0x3FB3] =	sst s7  }
0x10: {  	[smem:$0x3FB4] =	sst s8  }
0x11: {  	[smem:$0x3FB5] =	sst s9;
	s0 =	simm.s32 @!p0 $0x0  }
0x12: {  	s1 =	sld [smem:$0x3F9B];
	s0 =	simm.s32 @p0 $0x1  }
0x13: {  	[smem:$0x3FB6] =	sst s0;
	s0 =	simm.s32 @!p1 $0x0  }
0x14: {  	s2 =	sld [smem:$0x3F9A];
	s0 =	simm.s32 @p1 $0x1  }
0x15: {  	[smem:$0x3FB7] =	sst s0;
	s0 =	simm.s32 @!p2 $0x0  }
0x16: {  	s3 =	sld [smem:$0x3FDB];
	s0 =	simm.s32 @p2 $0x1  }
0x17: {  	s4 =	simm.s32 $0x1BF5;
	[smem:$0x3FB9] =	sst s0  }
0x18: {  	s0 =	sld [smem:$0x3F9C];
	_ =	swait.ge [sflag:s4], $0x0  }
0x19: {  	s7 =	sld [smem:$0x3F9D]  }
0x1a: {  	s8 =	sadd.s32 $0xFFFFE003, lr  }
0x1b: {  	s9 =	sadd.s32 $0xFFFFFEF7, lr;
	s5 =	simm.s32 $0xFFFFFFFF;
	p2 =	slt.u32 s8, $0xFFFFF086  }
0x1c: {  	p1 =	slt.u32 s9, $0xF7A;
	s5 =	simm.s32 @!p2 $0x0  }
0x1d: {  	s5 =	simm.s32 @p1 $0x1;
	p0 =	seq.s32 s7, s2  }
0x1e: {  	s7 =	smul.u32 @!p0 $0xF7A, s2;
	p2 =	seq.s32 @!p0 s5, $0x0  }
0x1f: {  	s9 =	smul.u32 $0xF7A, s1;
	s8 =	simm.s32 @!p0 $0x1BF5;
	p2 =	por !p2, p0  }
0x20: {  	[sflag:s8] =	ssyncset.s32 @!p0 $0xFFFFF086;
	s6 =	sadd.s32 @!p0 s3, s7;
	s7 =	simm.s32 @!p0 $0x108  }
0x21: {  	s3 =	sadd.s32 s3, s9;
	s6 =	sadd.s32 @!p0 $0x88, s6;
	s7 =	simm.s32 @p2 $0x1082  }
0x22: {  	[simem:s7], [sflag:s8] =	dma.local @!p0 [hbm:s6], $0xF7A  }
0x23: {  	s9 =	sor.u32 $0xD0000000, s2;
	s6 =	simm.s32 $0x108;
	_ =	swait.ge @!p0 [sflag:s8], $0x0  }
0x24: {  	s3 =	sadd.s32 $0x88, s3;
	s6 =	simm.s32 @!p1 $0x1082;
	[sflag:s4] =	ssyncset.s32 $0xFFFFF086  }
0x25: {  	[simem:s6], [sflag:s4] =	dma.local [hbm:s3], $0xF7A  }
0x26: {  	[smem:$0x3F9D] =	sst s1;
	(tag) =	ssettag s2;
	_ =	strace s9  }
0x27: {  	s1 =	sld [smem:$0x3FAD]  }
0x28: {  	s2 =	sld [smem:$0x3FAE]  }
0x29: {  	s4 =	sld [smem:$0x3FB0]  }
0x2a: {  	p0 =	seq.s32 s5, $0x0;
	s5 =	sld [smem:$0x3FB1]  }
0x2b: {  	s6 =	sld [smem:$0x3FB2]  }
0x2c: {  	s7 =	sld [smem:$0x3FB3]  }
0x2d: {  	s3 =	simm.s32 $0x108;
	s8 =	sld [smem:$0x3FB4]  }
0x2e: {  	s3 =	simm.s32 @!p0 $0x1082;
	s9 =	sld [smem:$0x3FB5]  }
0x2f: {  	lr =	sadd.s32 s0, s3;
	s0 =	sld [smem:$0x3FAC]  }
0x30: {  	s3 =	sld [smem:$0x3FAF]  }
0x31: {  	[smem:$0x3FB8] =	sst s10  }
0x32: {  	s10 =	sld [smem:$0x3FB6];
	_ =	sdelay $0x3  }
0x33: {  	p0 =	seq.s32 s10, $0x1;
	s10 =	sld [smem:$0x3FB8];
	_ =	sdelay $0x3  }
0x34: {  	[smem:$0x3FB8] =	sst s10  }
0x35: {  	s10 =	sld [smem:$0x3FB7];
	_ =	sdelay $0x3  }
0x36: {  	p1 =	seq.s32 s10, $0x1;
	s10 =	sld [smem:$0x3FB8];
	_ =	sdelay $0x3  }
0x37: {  	[smem:$0x3FB8] =	sst s10  }
0x38: {  	s10 =	sld [smem:$0x3FB9]  }
0x39: {  	_ = 	snop;
	(pc) =	sbr.ind lr, $3  }
0x3a: {  	_ = 	snop  }
0x3b: {  	_ = 	snop  }
0x3c: {  	p2 =	seq.s32 s10, $0x1;
	s10 =	sld [smem:$0x3FB8]  }
0x3d: {  	_ =	shalt  }
0x3e: {  	_ =	shalt  }
0x3f: {  	_ =	shalt  }
0x40: {  	_ =	shalt  }
0x41: {  	_ =	shalt  }
0x42: {  	_ =	shalt  }
0x43: {  	_ =	shalt  }
0x44: {  	_ =	shalt  }
0x45: {  	_ =	shalt  }
0x46: {  	_ =	shalt  }
0x47: {  	_ =	shalt  }
0x48: {  	_ =	shalt  }
0x49: {  	_ =	shalt  }
0x4a: {  	_ =	shalt  }
0x4b: {  	_ =	shalt  }
0x4c: {  	_ =	shalt  }
0x4d: {  	_ =	shalt  }
0x4e: {  	_ =	shalt  }
0x4f: {  	_ =	shalt  }
0x50: {  	_ =	shalt  }
0x51: {  	_ =	shalt  }
0x52: {  	_ =	shalt  }
0x53: {  	_ =	shalt  }
0x54: {  	_ =	shalt  }
0x55: {  	_ =	shalt  }
0x56: {  	_ =	shalt  }
0x57: {  	_ =	shalt  }
0x58: {  	_ =	shalt  }
0x59: {  	_ =	shalt  }
0x5a: {  	_ =	shalt  }
0x5b: {  	_ =	shalt  }
0x5c: {  	_ =	shalt  }
0x5d: {  	_ =	shalt  }
0x5e: {  	_ =	shalt  }
0x5f: {  	_ =	shalt  }
0x60: {  	_ =	shalt  }
0x61: {  	_ =	shalt  }
0x62: {  	_ =	shalt  }
0x63: {  	_ =	shalt  }
0x64: {  	_ =	shalt  }
0x65: {  	_ =	shalt  }
0x66: {  	_ =	shalt  }
0x67: {  	_ =	shalt  }
0x68: {  	_ =	shalt  }
0x69: {  	_ =	shalt  }
0x6a: {  	_ =	shalt  }
0x6b: {  	_ =	shalt  }
0x6c: {  	_ =	shalt  }
0x6d: {  	_ =	shalt  }
0x6e: {  	_ =	shalt  }
0x6f: {  	_ =	shalt  }
0x70: {  	_ =	shalt  }
0x71: {  	_ =	shalt  }
0x72: {  	_ =	shalt  }
0x73: {  	_ =	shalt  }
0x74: {  	_ =	shalt  }
0x75: {  	_ =	shalt  }
0x76: {  	_ =	shalt  }
0x77: {  	_ =	shalt  }
0x78: {  	_ =	shalt  }
0x79: {  	_ =	shalt  }
0x7a: {  	_ =	shalt  }
0x7b: {  	_ =	shalt  }
0x7c: {  	_ =	shalt  }
0x7d: {  	_ =	shalt  }
0x7e: {  	_ =	shalt  }
0x7f: {  	_ =	shalt  }
0x80: {  	_ =	shalt  }
0x81: {  	_ =	shalt  }
0x82: {  	_ =	shalt  }
0x83: {  	_ =	shalt  }
0x84: {  	_ =	shalt  }
0x85: {  	_ =	shalt  }
0x86: {  	_ =	shalt  }
0x87: {  	_ =	shalt  }
.Lfunc_end0:
.L_simem_size_0:
called_computation_lowered:
.L_overlay_start_0:
0x88: {  	s2 =	sld [smem:$0x3FD9]  }
0x89: {  	s3 =	sld [smem:$0x3FFE];
	_ =	sdelay $0x1  }
0x8a: {  	s1 =	srdreg.scid  }
0x8b: {  	s0 =	sand.u32 $0x1, s1  }
0x8c: {  	s18 =	sshll.u32 s0, $0xA;
	s2 =	sadd.s32 s3, s2  }
0x8d: {  	s2 =	sadd.s32 s2, s18  }
0x8e: {  	[smem:$0x3FC4] =	sst s2  }
0x8f: {  	_ = 	snop  }
0x90: {  	s2 =	sld [smem:$0x3FC9]  }
0x91: {  	s19 =	sld [smem:$0x3FC8]  }
0x92: {  	s4 =	sld [smem:$0x3FC7]  }
0x93: {  	s5 =	sld [smem:$0x3FC6]  }
0x94: {  	s6 =	sld [smem:$0x3FD0];
	(tm) =	ssettm $0x1  }
0x95: {  	s7 =	sld [smem:$0x3FFB];
	_ =	sdelay $0x3  }
0x96: {  	_ =	strace s7  }
0x97: {  	s7 =	sld [smem:$0x3FFC];
	_ =	sdelay $0x3  }
0x98: {  	_ =	strace s7  }
0x99: {  	s7 =	sld [smem:$0x3FFD];
	_ =	sdelay $0x3  }
0x9a: {  	_ =	strace s7  }
0x9b: {  	_ =	strace $0x8FFFFFFF  }
0x9c: {  	s20 =	sld [smem:$0x3FDB];
	_ =	sdelay $0x1  }
0x9d: {  	s8 =	simm.s32 $_scs_section_size  }
0x9e: {  	s9 =	simm.s32 $_size__tile_overlayer_lowered;
	s10 =	simm.s32 $_tile_overlayer_lowered  }
0x9f: {  	s23 =	simm.s32 $0x1BFF;
	s22 =	sshll.u32 s10, $0x1;
	s7 =	sadd.s32 s8, s20  }
0xa0: {  	s11 =	simm.s32 $0x0;
	s21 =	sshll.u32 s9, $0x1;
	s9 =	sadd.s32 s22, s7  }
0xa1: {  	[timem:s11], [sflag:s23] =	dma.local [hbm:s9], s21  }
0xa2: {  	_ =	swait.ge [sflag:s23], s21  }
0xa3: {  	s8 =	ssub.s32 $0x0, s21;
	[sflag:s23] =	ssyncset.done $0x0  }
0xa4: {  	[sflag:s23] =	ssyncadd.s32 s8;
	_ =	sdelay $0x1  }
0xa5: {  	s24 =	simm.s32 $0x1B8B  }
0xa6: {  	_ =	swait.ge [sflag:s24], $0x1  }
0xa7: {  	[sflag:s24] =	ssyncset.done $0x0  }
0xa8: {  	s25 =	simm.s32 $0x1B8E;
	[sflag:s24] =	ssyncadd.s32 $0xFFFFFFFF  }
0xa9: {  	s26 =	simm.s32 $execute0_lowered;
	[smem:$0x3FD2] =	sst s25  }
0xaa: {  	s8 =	sshll.u32 s26, $0x1;
	_ =	strace $0x80000046;
	[dreg:$0x1] =	wrdreg $0xFFFFFFFF  }
0xab: {  	s28 =	simm.s32 $_size_execute0_lowered;
	s7 =	sadd.s32 s7, s8;
	[dreg:$0x0] =	wrdreg $0x0  }
0xac: {  	s8 =	sshll.u32 s28, $0x1;
	[dreg:$0x2] =	wrdreg s7  }
0xad: {  	[dreg:$0x3] =	wrdreg s8  }
0xae: {  	[dreg:$0x4] =	wrdreg $0xC0  }
0xaf: {  	_ =	task [dreg:s11], $0x5FFFF  }
0xb0: {  	[dreg:$0x1] =	wrdreg $0xFFFFFFFF  }
0xb1: {  	[dreg:$0x0] =	wrdreg $0x60  }
0xb2: {  	[dreg:$0x2] =	wrdreg s2  }
0xb3: {  	[dreg:$0x3] =	wrdreg s19  }
0xb4: {  	[dreg:$0x4] =	wrdreg s4  }
0xb5: {  	[dreg:$0x5] =	wrdreg s5  }
0xb6: {  	[dreg:$0x6] =	wrdreg s6  }
0xb7: {  	[dreg:$0x7] =	wrdreg $0x9  }
0xb8: {  	_ =	task.clear_ibuf [dreg:s11], $0x8FFFF;
	_ =	strace $0x90000046  }
0xb9: {  	s29 =	simm.s32 $0x9;
	_ =	strace $0x80000048  }
0xba: {  	_ =	swait.ge [sflag:s29], $0x1  }
0xbb: {  	[sflag:s29] =	ssyncadd.s32 $0xFFFFFFFF  }
0xbc: {  	_ =	strace $0x90000048  }
0xbd: {  	_ =	sfence  }
0xbe: {  	s30 =	sld [smem:$0x0];
	_ =	sdelay $0x2  }
0xbf: {  	s31 =	sshll.u32 s1, $0xD;
	s1 =	sshrl.u32 s1, $0x2  }
0xc0: {  	s3 =	sand.u32 $0x4000, s31;
	s1 =	sadd.s32 s1, s30  }
0xc1: {  	s0 =	sor.u32 s3, s0;
	s1 =	sshll.u32 s1, $0x11  }
0xc2: {  	s0 =	sor.u32 s1, s0  }
0xc3: {  	s0 =	sadd.s32 $0x8F2B, s0  }
0xc4: {  	[sflag:s0] =	ssyncadd.remote.s32 $0x1  }
0xc5: {  	_ =	sfence.sel $0xFFFF  }
0xc6: {  	[dreg:$0x0] =	wrdreg $0xFFFFFFFF;
	(pc) =	sbr.abs _section_cstart, $3  }
0xc7: {  	[dreg:$0x1] =	wrdreg $0xFFFFFFFF  }
0xc8: {  	_ =	task.clear_ibuf [dreg:s11], $0x2FFFF;
	_ =	strace $0x9FFFFFFF  }
0xc9: {  	(tm) =	ssettm $0x7FFFFFFF  }
tec
execute0_lowered:
.L_overlay_start_1:
0x0: {  	(tag) =	ssettag $0x1  }
0x1: {  	s0 =	rddreg [dreg:$0x0]  }
0x2: {  	s2 =	rddreg [dreg:$0x1]  }
0x3: {  	s1 =	rddreg [dreg:$0x2]  }
0x4: {  	s3 =	rddreg [dreg:$0x3]  }
0x5: {  	s4 =	srdreg.scid;
	s9 =	stileid.u32  }
0x6: {  	s5 =	rddreg [dreg:$0x4];
	s6 =	sand.u32 $0x1, s4;
	s7 =	sshll.u32 s9, $0x1  }
0x7: {  	s4 =	simm.s32 $0x0;
	s7 =	sor.u32 s6, s7;
	s6 =	ssub.s32 $0x2, s6  }
0x8: {  	s9 =	sshll.u32 s9, $0x2;
	[smem:$0x7FF] =	sst s4;
	s14 =	sshrl.u32 s6, $0x1  }
0x9: {  	s8 =	sshll.u32 s7, $0x7;
	s10 =	smul.u32 $0x6000, s7;
	s6 =	ssub.s32 s6, s14  }
0xa: {  	_ =	strace $0x80000047;
	s8 =	sor.u32 s9, s8;
	s29 =	smax.u32 s6, $0x1  }
0xb: {  	s8 =	sand.u32 $0x3B0, s8;
	s16 =	sadd.s32 s5, s10;
	[smem:$0x7FB] =	sst s29  }
0xc: {  	s0 =	sadd.s32 s0, s8;
	[dreg:$0x18] =	wrdreg s16  }
0xd: {  	s2 =	sadd.s32 s2, s8;
	[dreg:$0x16] =	wrdreg s0  }
0xe: {  	s10 =	sadd.s32 $0x600, s16;
	[dreg:$0x17] =	wrdreg s2  }
0xf: {  	s15 =	smul.u32 $0x30000, s7;
	s17 =	sadd.s32 $0xC00, s16;
	[dreg:$0x19] =	wrdreg s10  }
0x10: {  	s18 =	sadd.s32 $0x1200, s16;
	[dreg:$0x1a] =	wrdreg s17  }
0x11: {  	s30 =	sadd.s32 $0x1800, s16;
	s0 =	sshrl.u32 s15, $0x3;
	[dreg:$0x1b] =	wrdreg s18  }
0x12: {  	s31 =	sadd.s32 $0x1E00, s16;
	[smem:$0x7FC] =	sst s30;
	s0 =	sadd.s32 s5, s0  }
0x13: {  	[smem:$0x7FD] =	sst s31;
	s19 =	sadd.s32 $0x2400, s0  }
0x14: {  	s20 =	sadd.s32 $0x2A00, s0;
	[dreg:$0x1c] =	wrdreg s19  }
0x15: {  	s21 =	sadd.s32 $0x3000, s0;
	[dreg:$0x1d] =	wrdreg s20  }
0x16: {  	s13 =	simm.s32 $0x9200;
	s22 =	sadd.s32 $0x3600, s0;
	[dreg:$0x1e] =	wrdreg s21  }
0x17: {  	s11 =	sadd.s32 $0x200, s3;
	s23 =	sadd.s32 $0x3C00, s0;
	[dreg:$0x1f] =	wrdreg s22  }
0x18: {  	s7 =	sadd.s32 $0x100, s1;
	s24 =	sadd.s32 $0x4200, s0;
	[smem:$0x7F5] =	sst s23  }
0x19: {  	s9 =	sadd.s32 $0x100, s3;
	s25 =	sadd.s32 $0x4800, s0;
	[smem:$0x7F6] =	sst s24  }
0x1a: {  	s6 =	simm.s32 $0x0;
	s26 =	sadd.s32 $0x4E00, s0;
	[smem:$0x7F7] =	sst s25  }
0x1b: {  	v2 =	vlaneseq.u32;
	s8 =	sadd.s32 $0x200, s1;
	s28 =	sadd.s32 $0x5400, s0;
	[smem:$0x7F8] =	sst s26  }
0x1c: {  	vm0 =	vmmov $0xffff;
	v1 =	vshrl.u32 v2, $0x3;
	s10 =	simm.s32 $0x3200;
	s0 =	sadd.s32 $0x5A00, s0;
	[smem:$0x7F9] =	sst s28  }
0x1d: {  	v0 =	vand.u32 $0x7, v2;
	v2 =	vor.u32 $0x8, v2;
	v1 =	vmul.u32 $0x8, v1;
	s2 =	simm.s32 $0x6200;
	[smem:$0x7FA] =	sst s0;
	s24 =	simm.s32 $0x5  }
.LBB2_1:
0x1e: {  	s0 =	rddreg [dreg:$0x16];
	s5 =	simm.s32 $0x80;
	s23 =	simm.s32 $0x200  }
0x1f: {  	[tilespmem:s4], [sflag:$0x1] =	stream.strided.gather [hbm4b:s0+s5], $0x100, s23, s5, $0x38;
	[tilespmem:$0x18200] =	vst v63  }
0x20: {  	s25 =	rddreg [dreg:$0x17];
	s12 =	simm.s32 $0x100  }
0x21: {  	[tilespmem:s12], [sflag:$0x5] =	stream.strided.gather [hbm4b:s25+s5], $0x100, s23, s5, $0x38;
	[tilespmem:$0x18200] =	vst v63  }
0x22: {  	[smem:$0x7F4] =	sst s6;
	s5 =	simm.s32 $0x1  }
0x23: {  	_ =	swait.ge [sflag:s5], $0x100  }
0x24: {  	[sflag:s5] =	ssyncset.done $0x0  }
0x25: {  	[sflag:s5] =	ssyncadd.s32 $0xFFFFFF00  }
0x26: {  	v3 =	vld [tilespmem:$0x0];
	_ =	sdelay $0x4  }
0x27: {  	v4 =	vshrl.u32 v3, $0x3  }
0x28: {  	v4 =	vmul.u32 $0x30, v4  }
0x29: {  	v3 =	vand.u32 $0x7, v3  }
0x2a: {  	v3 =	vor.u32 v3, v4  }
0x2b: {  	v4 =	vperm.xlane v3, v0;
	_ =	sdelay $0x1  }
0x2c: {  	v4 =	vadd.s32 v1, v4;
	_ =	sdelay $0x3  }
0x2d: {  	v3 =	vperm.xlane v3, v2  }
0x2e: {  	[tilespmem:s23], [sflag:$0x1] =	stream.indirect_vreg.gather [hbm4b:s1+s4], $0x80, v4, vm0, $0xb8;
	[tilespmem:$0x18200] =	vst v63  }
0x2f: {  	s26 =	simm.s32 $0xA00;
	v3 =	vadd.s32 v1, v3  }
0x30: {  	[tilespmem:s26], [sflag:$0x1] =	stream.indirect_vreg.gather [hbm4b:s7+s4], $0x80, v4, vm0, $0xb8;
	[tilespmem:$0x18200] =	vst v63  }
0x31: {  	s28 =	simm.s32 $0x1200  }
0x32: {  	[tilespmem:s28], [sflag:$0x1] =	stream.indirect_vreg.gather [hbm4b:s8+s4], $0x80, v4, vm0, $0xb8;
	[tilespmem:$0x18200] =	vst v63  }
0x33: {  	s29 =	simm.s32 $0x1A00  }
0x34: {  	[tilespmem:s29], [sflag:$0x1] =	stream.indirect_vreg.gather [hbm4b:s1+s4], $0x80, v3, vm0, $0xb8;
	[tilespmem:$0x18200] =	vst v63  }
0x35: {  	s30 =	simm.s32 $0x2200  }
0x36: {  	[tilespmem:s30], [sflag:$0x1] =	stream.indirect_vreg.gather [hbm4b:s7+s4], $0x80, v3, vm0, $0xb8;
	[tilespmem:$0x18200] =	vst v63  }
0x37: {  	s31 =	simm.s32 $0x2A00  }
0x38: {  	[tilespmem:s31], [sflag:$0x1] =	stream.indirect_vreg.gather [hbm4b:s8+s4], $0x80, v3, vm0, $0xb8;
	[tilespmem:$0x18200] =	vst v63  }
0x39: {  	v3 =	vld [tilespmem:$0x10];
	_ =	sdelay $0x4  }
0x3a: {  	v57 =	vshrl.u32 v3, $0x3  }
0x3b: {  	v4 =	vmul.u32 $0x30, v57  }
0x3c: {  	v3 =	vand.u32 $0x7, v3  }
0x3d: {  	v3 =	vor.u32 v3, v4  }
0x3e: {  	v4 =	vperm.xlane v3, v0;
	_ =	sdelay $0x1  }
0x3f: {  	v4 =	vadd.s32 v1, v4;
	_ =	sdelay $0x3  }
0x40: {  	v3 =	vperm.xlane v3, v2  }
0x41: {  	[tilespmem:s10], [sflag:$0x2] =	stream.indirect_vreg.gather [hbm4b:s1+s4], $0x80, v4, vm0, $0xb8;
	[tilespmem:$0x18200] =	vst v63  }
0x42: {  	s6 =	simm.s32 $0x3A00;
	v3 =	vadd.s32 v1, v3  }
0x43: {  	[tilespmem:s6], [sflag:$0x2] =	stream.indirect_vreg.gather [hbm4b:s7+s4], $0x80, v4, vm0, $0xb8;
	[tilespmem:$0x18200] =	vst v63  }
0x44: {  	s10 =	simm.s32 $0x4200  }
0x45: {  	[tilespmem:s10], [sflag:$0x2] =	stream.indirect_vreg.gather [hbm4b:s8+s4], $0x80, v4, vm0, $0xb8;
	[tilespmem:$0x18200] =	vst v63  }
0x46: {  	s12 =	simm.s32 $0x4A00  }
0x47: {  	[tilespmem:s12], [sflag:$0x2] =	stream.indirect_vreg.gather [hbm4b:s1+s4], $0x80, v3, vm0, $0xb8;
	[tilespmem:$0x18200] =	vst v63  }
0x48: {  	s14 =	simm.s32 $0x5200  }
0x49: {  	[tilespmem:s14], [sflag:$0x2] =	stream.indirect_vreg.gather [hbm4b:s7+s4], $0x80, v3, vm0, $0xb8;
	[tilespmem:$0x18200] =	vst v63  }
0x4a: {  	s15 =	simm.s32 $0x5A00  }
0x4b: {  	[tilespmem:s15], [sflag:$0x2] =	stream.indirect_vreg.gather [hbm4b:s8+s4], $0x80, v3, vm0, $0xb8;
	[tilespmem:$0x18200] =	vst v63  }
0x4c: {  	v3 =	vld [tilespmem:$0x20];
	_ =	sdelay $0x4  }
0x4d: {  	v58 =	vshrl.u32 v3, $0x3  }
0x4e: {  	v4 =	vmul.u32 $0x30, v58  }
0x4f: {  	v3 =	vand.u32 $0x7, v3  }
0x50: {  	v3 =	vor.u32 v3, v4  }
0x51: {  	v4 =	vperm.xlane v3, v0;
	_ =	sdelay $0x1  }
0x52: {  	v4 =	vadd.s32 v1, v4;
	_ =	sdelay $0x3  }
0x53: {  	v3 =	vperm.xlane v3, v2  }
0x54: {  	[tilespmem:s2], [sflag:$0x3] =	stream.indirect_vreg.gather [hbm4b:s1+s4], $0x80, v4, vm0, $0xb8;
	[tilespmem:$0x18200] =	vst v63  }
0x55: {  	s16 =	simm.s32 $0x6A00;
	v3 =	vadd.s32 v1, v3  }
0x56: {  	[tilespmem:s16], [sflag:$0x3] =	stream.indirect_vreg.gather [hbm4b:s7+s4], $0x80, v4, vm0, $0xb8;
	[tilespmem:$0x18200] =	vst v63  }
0x57: {  	s17 =	simm.s32 $0x7200  }
0x58: {  	[tilespmem:s17], [sflag:$0x3] =	stream.indirect_vreg.gather [hbm4b:s8+s4], $0x80, v4, vm0, $0xb8;
	[tilespmem:$0x18200] =	vst v63  }
0x59: {  	s18 =	simm.s32 $0x7A00  }
0x5a: {  	[tilespmem:s18], [sflag:$0x3] =	stream.indirect_vreg.gather [hbm4b:s1+s4], $0x80, v3, vm0, $0xb8;
	[tilespmem:$0x18200] =	vst v63  }
0x5b: {  	s19 =	simm.s32 $0x8200  }
0x5c: {  	[tilespmem:s19], [sflag:$0x3] =	stream.indirect_vreg.gather [hbm4b:s7+s4], $0x80, v3, vm0, $0xb8;
	[tilespmem:$0x18200] =	vst v63  }
0x5d: {  	s20 =	simm.s32 $0x8A00  }
0x5e: {  	[tilespmem:s20], [sflag:$0x3] =	stream.indirect_vreg.gather [hbm4b:s8+s4], $0x80, v3, vm0, $0xb8;
	[tilespmem:$0x18200] =	vst v63  }
0x5f: {  	_ =	swait.ge [sflag:s24], $0x100  }
0x60: {  	[sflag:s24] =	ssyncset.done $0x0  }
0x61: {  	[sflag:s24] =	ssyncadd.s32 $0xFFFFFF00  }
0x62: {  	v3 =	vld [tilespmem:$0x100];
	_ =	sdelay $0x4  }
0x63: {  	v59 =	vshrl.u32 v3, $0x3  }
0x64: {  	v4 =	vmul.u32 $0x30, v59  }
0x65: {  	v3 =	vand.u32 $0x7, v3  }
0x66: {  	v3 =	vor.u32 v3, v4  }
0x67: {  	v4 =	vperm.xlane v3, v0;
	_ =	sdelay $0x1  }
0x68: {  	v4 =	vadd.s32 v1, v4;
	_ =	sdelay $0x3  }
0x69: {  	s10 =	simm.s32 $0xC200;
	v3 =	vperm.xlane v3, v2  }
0x6a: {  	[tilespmem:s10], [sflag:$0x5] =	stream.indirect_vreg.gather [hbm4b:s3+s4], $0x80, v4, vm0, $0xb8;
	[tilespmem:$0x18200] =	vst v63  }
0x6b: {  	s21 =	simm.s32 $0xCA00;
	v3 =	vadd.s32 v1, v3  }
0x6c: {  	[tilespmem:s21], [sflag:$0x5] =	stream.indirect_vreg.gather [hbm4b:s9+s4], $0x80, v4, vm0, $0xb8;
	[tilespmem:$0x18200] =	vst v63  }
0x6d: {  	s22 =	simm.s32 $0xD200  }
0x6e: {  	[tilespmem:s22], [sflag:$0x5] =	stream.indirect_vreg.gather [hbm4b:s11+s4], $0x80, v4, vm0, $0xb8;
	[tilespmem:$0x18200] =	vst v63  }
0x6f: {  	s23 =	simm.s32 $0xDA00  }
0x70: {  	[tilespmem:s23], [sflag:$0x5] =	stream.indirect_vreg.gather [hbm4b:s3+s4], $0x80, v3, vm0, $0xb8;
	[tilespmem:$0x18200] =	vst v63  }
0x71: {  	s25 =	simm.s32 $0xE200  }
0x72: {  	[tilespmem:s25], [sflag:$0x5] =	stream.indirect_vreg.gather [hbm4b:s9+s4], $0x80, v3, vm0, $0xb8;
	[tilespmem:$0x18200] =	vst v63  }
0x73: {  	s26 =	simm.s32 $0xEA00  }
0x74: {  	[tilespmem:s26], [sflag:$0x5] =	stream.indirect_vreg.gather [hbm4b:s11+s4], $0x80, v3, vm0, $0xb8;
	[tilespmem:$0x18200] =	vst v63  }
0x75: {  	v3 =	vld [tilespmem:$0x110];
	_ =	sdelay $0x4  }
0x76: {  	v60 =	vshrl.u32 v3, $0x3  }
0x77: {  	v4 =	vmul.u32 $0x30, v60  }
0x78: {  	v3 =	vand.u32 $0x7, v3  }
0x79: {  	v3 =	vor.u32 v3, v4  }
0x7a: {  	v4 =	vperm.xlane v3, v0;
	_ =	sdelay $0x1  }
0x7b: {  	v4 =	vadd.s32 v1, v4;
	_ =	sdelay $0x3  }
0x7c: {  	s28 =	simm.s32 $0xF200;
	v3 =	vperm.xlane v3, v2  }
0x7d: {  	[tilespmem:s28], [sflag:$0x6] =	stream.indirect_vreg.gather [hbm4b:s3+s4], $0x80, v4, vm0, $0xb8;
	[tilespmem:$0x18200] =	vst v63  }
0x7e: {  	s29 =	simm.s32 $0xFA00;
	v3 =	vadd.s32 v1, v3  }
0x7f: {  	[tilespmem:s29], [sflag:$0x6] =	stream.indirect_vreg.gather [hbm4b:s9+s4], $0x80, v4, vm0, $0xb8;
	[tilespmem:$0x18200] =	vst v63  }
0x80: {  	s30 =	simm.s32 $0x10200  }
0x81: {  	[tilespmem:s30], [sflag:$0x6] =	stream.indirect_vreg.gather [hbm4b:s11+s4], $0x80, v4, vm0, $0xb8;
	[tilespmem:$0x18200] =	vst v63  }
0x82: {  	s31 =	simm.s32 $0x10A00  }
0x83: {  	[tilespmem:s31], [sflag:$0x6] =	stream.indirect_vreg.gather [hbm4b:s3+s4], $0x80, v3, vm0, $0xb8;
	[tilespmem:$0x18200] =	vst v63  }
0x84: {  	s2 =	simm.s32 $0x11200  }
0x85: {  	[tilespmem:s2], [sflag:$0x6] =	stream.indirect_vreg.gather [hbm4b:s9+s4], $0x80, v3, vm0, $0xb8;
	[tilespmem:$0x18200] =	vst v63  }
0x86: {  	s6 =	simm.s32 $0x11A00  }
0x87: {  	[tilespmem:s6], [sflag:$0x6] =	stream.indirect_vreg.gather [hbm4b:s11+s4], $0x80, v3, vm0, $0xb8;
	[tilespmem:$0x18200] =	vst v63  }
0x88: {  	v3 =	vld [tilespmem:$0x120];
	_ =	sdelay $0x4  }
0x89: {  	v61 =	vshrl.u32 v3, $0x3  }
0x8a: {  	v4 =	vmul.u32 $0x30, v61  }
0x8b: {  	v3 =	vand.u32 $0x7, v3  }
0x8c: {  	v3 =	vor.u32 v3, v4  }
0x8d: {  	v4 =	vperm.xlane v3, v0;
	_ =	sdelay $0x1  }
0x8e: {  	v4 =	vadd.s32 v1, v4;
	_ =	sdelay $0x3  }
0x8f: {  	s12 =	simm.s32 $0x12200;
	v3 =	vperm.xlane v3, v2  }
0x90: {  	[tilespmem:s12], [sflag:$0x7] =	stream.indirect_vreg.gather [hbm4b:s3+s4], $0x80, v4, vm0, $0xb8;
	[tilespmem:$0x18200] =	vst v63  }
0x91: {  	s14 =	simm.s32 $0x12A00;
	v3 =	vadd.s32 v1, v3  }
0x92: {  	[tilespmem:s14], [sflag:$0x7] =	stream.indirect_vreg.gather [hbm4b:s9+s4], $0x80, v4, vm0, $0xb8;
	[tilespmem:$0x18200] =	vst v63  }
0x93: {  	s15 =	simm.s32 $0x13200  }
0x94: {  	[tilespmem:s15], [sflag:$0x7] =	stream.indirect_vreg.gather [hbm4b:s11+s4], $0x80, v4, vm0, $0xb8;
	[tilespmem:$0x18200] =	vst v63  }
0x95: {  	s16 =	simm.s32 $0x13A00  }
0x96: {  	[tilespmem:s16], [sflag:$0x7] =	stream.indirect_vreg.gather [hbm4b:s3+s4], $0x80, v3, vm0, $0xb8;
	[tilespmem:$0x18200] =	vst v63  }
0x97: {  	s17 =	simm.s32 $0x14200  }
0x98: {  	[tilespmem:s17], [sflag:$0x7] =	stream.indirect_vreg.gather [hbm4b:s9+s4], $0x80, v3, vm0, $0xb8;
	[tilespmem:$0x18200] =	vst v63  }
0x99: {  	s18 =	simm.s32 $0x14A00  }
0x9a: {  	[tilespmem:s18], [sflag:$0x7] =	stream.indirect_vreg.gather [hbm4b:s11+s4], $0x80, v3, vm0, $0xb8;
	[tilespmem:$0x18200] =	vst v63  }
0x9b: {  	v3 =	vld [tilespmem:$0x30];
	_ =	sdelay $0x4  }
0x9c: {  	v62 =	vshrl.u32 v3, $0x3  }
0x9d: {  	v4 =	vmul.u32 $0x30, v62  }
0x9e: {  	v3 =	vand.u32 $0x7, v3  }
0x9f: {  	v3 =	vor.u32 v3, v4  }
0xa0: {  	v4 =	vperm.xlane v3, v0;
	_ =	sdelay $0x1  }
0xa1: {  	v4 =	vadd.s32 v1, v4;
	_ =	sdelay $0x3  }
0xa2: {  	v3 =	vperm.xlane v3, v2  }
0xa3: {  	[tilespmem:s13], [sflag:$0x4] =	stream.indirect_vreg.gather [hbm4b:s1+s4], $0x80, v4, vm0, $0xb8;
	[tilespmem:$0x18200] =	vst v63  }
0xa4: {  	s19 =	simm.s32 $0x9A00;
	v3 =	vadd.s32 v1, v3  }
0xa5: {  	[tilespmem:s19], [sflag:$0x4] =	stream.indirect_vreg.gather [hbm4b:s7+s4], $0x80, v4, vm0, $0xb8;
	[tilespmem:$0x18200] =	vst v63  }
0xa6: {  	s20 =	simm.s32 $0xA200  }
0xa7: {  	[tilespmem:s20], [sflag:$0x4] =	stream.indirect_vreg.gather [hbm4b:s8+s4], $0x80, v4, vm0, $0xb8;
	[tilespmem:$0x18200] =	vst v63  }
0xa8: {  	s21 =	simm.s32 $0xAA00  }
0xa9: {  	[tilespmem:s21], [sflag:$0x4] =	stream.indirect_vreg.gather [hbm4b:s1+s4], $0x80, v3, vm0, $0xb8;
	[tilespmem:$0x18200] =	vst v63  }
0xaa: {  	s22 =	simm.s32 $0xB200  }
0xab: {  	[tilespmem:s22], [sflag:$0x4] =	stream.indirect_vreg.gather [hbm4b:s7+s4], $0x80, v3, vm0, $0xb8;
	[tilespmem:$0x18200] =	vst v63  }
0xac: {  	s23 =	simm.s32 $0xBA00  }
0xad: {  	[tilespmem:s23], [sflag:$0x4] =	stream.indirect_vreg.gather [hbm4b:s8+s4], $0x80, v3, vm0, $0xb8;
	[tilespmem:$0x18200] =	vst v63  }
0xae: {  	v3 =	vld [tilespmem:$0x130];
	_ =	sdelay $0x4  }
0xaf: {  	v63 =	vshrl.u32 v3, $0x3  }
0xb0: {  	v4 =	vmul.u32 $0x30, v63  }
0xb1: {  	v3 =	vand.u32 $0x7, v3  }
0xb2: {  	v3 =	vor.u32 v3, v4  }
0xb3: {  	v4 =	vperm.xlane v3, v0;
	_ =	sdelay $0x1  }
0xb4: {  	v4 =	vadd.s32 v1, v4;
	_ =	sdelay $0x3  }
0xb5: {  	s25 =	simm.s32 $0x15200;
	v3 =	vperm.xlane v3, v2  }
0xb6: {  	[tilespmem:s25], [sflag:$0x8] =	stream.indirect_vreg.gather [hbm4b:s3+s4], $0x80, v4, vm0, $0xb8;
	[tilespmem:$0x18200] =	vst v63  }
0xb7: {  	s26 =	simm.s32 $0x15A00;
	v3 =	vadd.s32 v1, v3  }
0xb8: {  	[tilespmem:s26], [sflag:$0x8] =	stream.indirect_vreg.gather [hbm4b:s9+s4], $0x80, v4, vm0, $0xb8;
	[tilespmem:$0x18200] =	vst v63  }
0xb9: {  	s28 =	simm.s32 $0x16200  }
0xba: {  	[tilespmem:s28], [sflag:$0x8] =	stream.indirect_vreg.gather [hbm4b:s11+s4], $0x80, v4, vm0, $0xb8;
	[tilespmem:$0x18200] =	vst v63  }
0xbb: {  	s29 =	simm.s32 $0x16A00  }
0xbc: {  	[tilespmem:s29], [sflag:$0x8] =	stream.indirect_vreg.gather [hbm4b:s3+s4], $0x80, v3, vm0, $0xb8;
	[tilespmem:$0x18200] =	vst v63  }
0xbd: {  	s30 =	simm.s32 $0x17200  }
0xbe: {  	[tilespmem:s30], [sflag:$0x8] =	stream.indirect_vreg.gather [hbm4b:s9+s4], $0x80, v3, vm0, $0xb8;
	[tilespmem:$0x18200] =	vst v63  }
0xbf: {  	s31 =	simm.s32 $0x17A00  }
0xc0: {  	[tilespmem:s31], [sflag:$0x8] =	stream.indirect_vreg.gather [hbm4b:s11+s4], $0x80, v3, vm0, $0xb8;
	[tilespmem:$0x18200] =	vst v63  }
0xc1: {  	_ =	swait.ge [sflag:s5], $0x3000  }
0xc2: {  	[sflag:s5] =	ssyncset.done $0x0  }
0xc3: {  	[sflag:s5] =	ssyncadd.s32 $0xFFFFD000  }
0xc4: {  	_ =	swait.ge [sflag:s24], $0x3000  }
0xc5: {  	[sflag:s24] =	ssyncset.done $0x0  }
0xc6: {  	s0 =	simm.s32 $0x0;
	[sflag:s24] =	ssyncadd.s32 $0xFFFFD000  }
.LBB2_2:
0xc7: {  	s5 =	sshll.u32 s0, $0x7;
	s28 =	sshrl.u32 s0, $0x3;
	s2 =	simm.s32 $0x280  }
0xc8: {  	s18 =	simm.s32 $0x0;
	s13 =	simm.s32 $0x20;
	s14 =	simm.s32 $0x30  }
0xc9: {  	s15 =	simm.s32 $0x50;
	s19 =	simm.s32 $0x200;
	s23 =	simm.s32 $0x100  }
0xca: {  	s30 =	simm.s32 $0x40;
	s16 =	simm.s32 $0x180;
	s17 =	simm.s32 $0x0  }
0xcb: {  	s31 =	sand.u32 $0x380, s5;
	s29 =	smul.u32 $0x1800, s28;
	s13 =	sand.u32 $0x60, s13  }
0xcc: {  	s14 =	sand.u32 $0x70, s14;
	s15 =	sand.u32 $0x70, s15;
	s30 =	sand.u32 $0x60, s30  }
0xcd: {  	s23 =	sand.u32 $0x3C00, s23;
	s16 =	sand.u32 $0x3C00, s16;
	s6 =	sor.u32 $0x10, s31  }
0xce: {  	s17 =	sand.u32 $0x1C00, s17;
	s5 =	sand.u32 $0x3C00, s2;
	[dreg:$0x6] =	wrdreg s6  }
0xcf: {  	s6 =	sand.u32 $0x60, s18;
	s23 =	sadd.s32 s29, s23;
	s17 =	sadd.s32 s29, s17  }
0xd0: {  	s16 =	sadd.s32 s29, s16;
	s5 =	sadd.s32 s29, s5;
	s20 =	sor.u32 s13, s23  }
0xd1: {  	s12 =	rddreg [dreg:$0x6];
	s21 =	sor.u32 s14, s16;
	s14 =	sor.u32 s31, s20  }
0xd2: {  	s18 =	sor.u32 s31, s6;
	s6 =	sor.u32 s12, s6;
	s12 =	sand.u32 $0x3C00, s19;
	v7 =	vld [tilespmem:s14+$0x200]  }
0xd3: {  	s5 =	sor.u32 s15, s5;
	s15 =	sor.u32 s31, s21;
	s12 =	sadd.s32 s29, s12;
	v8 =	vld [tilespmem:s14+$0xC200]  }
0xd4: {  	v9 =	vld [tilespmem:s15+$0x200];
	s12 =	sor.u32 s30, s12;
	s30 =	sor.u32 s17, s6  }
0xd5: {  	s28 =	simm.s32 $0x400;
	s12 =	sor.u32 s31, s12;
	v5 =	vld [tilespmem:s30+$0x200]  }
0xd6: {  	s26 =	simm.s32 $0x90;
	s28 =	sand.u32 $0x3C00, s28;
	s22 =	rddreg [dreg:$0x6];
	v3 =	vld [tilespmem:s12+$0x200]  }
0xd7: {  	s23 =	simm.s32 $0x80;
	s13 =	simm.s32 $0x580;
	s16 =	sor.u32 s17, s18;
	v4 =	vld [tilespmem:s12+$0xC200]  }
0xd8: {  	s5 =	sor.u32 s31, s5;
	s19 =	simm.s32 $0xB0;
	s6 =	simm.s32 $0x60;
	v6 =	vld [tilespmem:s30+$0xC200]  }
0xd9: {  	v10 =	vld [tilespmem:s15+$0xC200];
	s17 =	sand.u32 $0x60, s23;
	s23 =	sand.u32 $0x70, s26;
	s25 =	sand.u32 $0x60, s6  }
0xda: {  	v11 =	vld [tilespmem:s16+$0x200];
	s26 =	simm.s32 $0xA0;
	s21 =	sor.u32 s22, s25;
	s22 =	simm.s32 $0x500  }
0xdb: {  	s19 =	sand.u32 $0x70, s19;
	v12 =	vld [tilespmem:s16+$0xC200];
	s2 =	sand.u32 $0x60, s26;
	s22 =	sand.u32 $0x3C00, s22  }
0xdc: {  	v13 =	vld [tilespmem:s5+$0x200];
	s20 =	sor.u32 s31, s25;
	s25 =	simm.s32 $0x480;
	s22 =	sadd.s32 s29, s22;
	v3 =	vadd.f32 v4, v3  }
0xdd: {  	s26 =	simm.s32 $0x300;
	s25 =	sand.u32 $0x3C00, s25;
	s18 =	sor.u32 s2, s22;
	v4 =	vadd.f32 v6, v5;
	v6 =	vld [tilespmem:s5+$0xC200]  }
0xde: {  	s25 =	sadd.s32 s29, s25;
	s22 =	sand.u32 $0x1C00, s26;
	s18 =	sor.u32 s31, s18;
	v5 =	vadd.f32 v8, v7;
	[tilespmem:s12+$0x200] =	vst v3  }
0xdf: {  	s2 =	sadd.s32 s29, s28;
	s22 =	sadd.s32 s29, s22;
	s12 =	sand.u32 $0x3C00, s13;
	[tilespmem:s30+$0x200] =	vst v4;
	v4 =	vadd.f32 v10, v9;
	v3 =	vld [tilespmem:s18+$0x200]  }
0xe0: {  	s26 =	sor.u32 s17, s2;
	v7 =	vadd.f32 v12, v11;
	[tilespmem:s14+$0x200] =	vst v5;
	v5 =	vld [tilespmem:s18+$0xC200];
	s30 =	sor.u32 s22, s21;
	s12 =	sadd.s32 s29, s12  }
0xe1: {  	s28 =	sor.u32 s23, s25;
	s23 =	sor.u32 s31, s26;
	s19 =	sor.u32 s19, s12;
	[tilespmem:s15+$0x200] =	vst v4;
	v4 =	vld [tilespmem:s30+$0x200]  }
0xe2: {  	s14 =	sor.u32 s22, s20;
	[tilespmem:s16+$0x200] =	vst v7;
	s12 =	sor.u32 s31, s28;
	s15 =	sor.u32 s31, s19;
	v7 =	vadd.f32 v6, v13;
	v6 =	vld [tilespmem:s30+$0xC200]  }
.LBB2_3:
0xe3: {  	s16 =	rddreg [dreg:$0x6];
	s17 =	sadd.s32 $0x80, s6;
	s19 =	smov.u32 s6  }
0xe4: {  	v8 =	vld [tilespmem:s23+$0x200];
	s6 =	sadd.s32 $0x60, s6;
	s13 =	sadd.s32 $0x300, s13;
	[tilespmem:s5+$0x200] =	vst v7;
	s5 =	smov.u32 s15  }
0xe5: {  	s25 =	sand.u32 $0x60, s6;
	s20 =	sadd.s32 $0x90, s19;
	s21 =	sadd.s32 $0xB0, s19;
	v7 =	vld [tilespmem:s23+$0xC200]  }
0xe6: {  	v9 =	vld [tilespmem:s12+$0xC200];
	s17 =	sand.u32 $0x60, s17;
	s26 =	sadd.s32 $0xFFFFFE80, s13;
	s28 =	sadd.s32 $0xFFFFFF00, s13;
	v3 =	vadd.f32 v5, v3  }
0xe7: {  	v10 =	vld [tilespmem:s14+$0x200];
	s19 =	sadd.s32 $0xA0, s19;
	s2 =	sand.u32 $0x3C00, s13;
	p0 =	slt.u32 s6, $0x2A0  }
0xe8: {  	s22 =	sor.u32 s31, s25;
	s15 =	sor.u32 s16, s25;
	s25 =	sadd.s32 $0xFFFFFF80, s13;
	v5 =	vld [tilespmem:s12+$0x200];
	[tilespmem:s18+$0x200] =	vst v3;
	v3 =	vadd.f32 v6, v4  }
0xe9: {  	s20 =	sand.u32 $0x70, s20;
	s16 =	sand.u32 $0x3C00, s26;
	s25 =	sand.u32 $0x3C00, s25;
	v4 =	vld [tilespmem:s14+$0xC200]  }
0xea: {  	s19 =	sand.u32 $0x60, s19;
	s25 =	sadd.s32 s29, s25;
	s18 =	sand.u32 $0x3C00, s28;
	v6 =	vld [tilespmem:s5+$0x200];
	[tilespmem:s30+$0x200] =	vst v3;
	v3 =	vadd.f32 v7, v8  }
0xeb: {  	s26 =	sadd.s32 $0xFFFFFD80, s13;
	s19 =	sor.u32 s19, s25;
	s28 =	sadd.s32 s29, s18;
	v7 =	vld [tilespmem:s5+$0xC200]  }
.Ltmp0:
0xec: {  	s18 =	sor.u32 s31, s19;
	[tilespmem:s23+$0x200] =	vst v3;
	s23 =	sand.u32 $0x1C00, s26;
	(pc) =	sbr.rel @p0 .LBB2_3-.Ltmp0, $4  }
0xed: {  	s21 =	sand.u32 $0x70, s21;
	s16 =	sadd.s32 s29, s16;
	v8 =	vadd.f32 v9, v5;
	v5 =	vld [tilespmem:s18+$0xC200];
	s19 =	sadd.s32 s29, s23  }
0xee: {  	s16 =	sor.u32 s17, s16;
	v3 =	vld [tilespmem:s18+$0x200];
	s26 =	sadd.s32 s29, s2;
	v63 =	vadd.f32 v4, v10;
	s30 =	sor.u32 s19, s15  }
0xef: {  	s20 =	sor.u32 s20, s28;
	s17 =	sor.u32 s21, s26;
	[tilespmem:s12+$0x200] =	vst v8;
	s23 =	sor.u32 s31, s16;
	v4 =	vld [tilespmem:s30+$0x200]  }
0xf0: {  	s12 =	sor.u32 s31, s20;
	s15 =	sor.u32 s31, s17;
	[tilespmem:s14+$0x200] =	vst v63;
	s14 =	sor.u32 s19, s22;
	v7 =	vadd.f32 v7, v6;
	v6 =	vld [tilespmem:s30+$0xC200]  }
0xf1: {  	v8 =	vld [tilespmem:s23+$0x200]  }
0xf2: {  	v9 =	vld [tilespmem:s23+$0xC200]  }
0xf3: {  	v10 =	vld [tilespmem:s12+$0x200]  }
0xf4: {  	v11 =	vld [tilespmem:s12+$0xC200]  }
0xf5: {  	v12 =	vld [tilespmem:s14+$0x200]  }
0xf6: {  	v14 =	vld [tilespmem:s15+$0x200]  }
0xf7: {  	v61 =	vld [tilespmem:s15+$0xC200]  }
0xf8: {  	v13 =	vld [tilespmem:s14+$0xC200];
	v3 =	vadd.f32 v5, v3  }
0xf9: {  	s0 =	sadd.s32 $0x1, s0;
	[tilespmem:s5+$0x200] =	vst v7;
	v4 =	vadd.f32 v6, v4  }
0xfa: {  	p0 =	sne.s32 s0, $0x10;
	[tilespmem:s18+$0x200] =	vst v3;
	v3 =	vadd.f32 v9, v8  }
.Ltmp1:
0xfb: {  	v62 =	vadd.f32 v11, v10;
	[tilespmem:s30+$0x200] =	vst v4;
	(pc) =	sbr.rel @p0 .LBB2_2-.Ltmp1, $4  }
0xfc: {  	v63 =	vadd.f32 v61, v14;
	[tilespmem:s23+$0x200] =	vst v3  }
0xfd: {  	v3 =	vadd.f32 v13, v12;
	[tilespmem:s12+$0x200] =	vst v62  }
0xfe: {  	[tilespmem:s15+$0x200] =	vst v63  }
0xff: {  	[tilespmem:s14+$0x200] =	vst v3  }
0x100: {  	s0 =	simm.s32 $0x0  }
0x101: {  	s5 =	rddreg [dreg:$0x18];
	s6 =	simm.s32 $0x200;
	s2 =	simm.s32 $0x9  }
0x102: {  	[hbm4b:s5+s0] =	stream.linear.scatter [tilespmem:s6], [sflag:$0x9], $0x3000, $0x38;
	[tilespmem:$0x18200] =	vst v63  }
0x103: {  	_ =	swait.ge [sflag:s2], $0x3000  }
0x104: {  	[sflag:s2] =	ssyncset.done $0x0  }
0x105: {  	[sflag:s2] =	ssyncadd.s32 $0xFFFFD000  }
0x106: {  	v3 =	vld [tilespmem:$0x40];
	_ =	sdelay $0x4  }
0x107: {  	v4 =	vshrl.u32 v3, $0x3  }
0x108: {  	v4 =	vmul.u32 $0x30, v4  }
0x109: {  	v3 =	vand.u32 $0x7, v3  }
0x10a: {  	v3 =	vor.u32 v3, v4  }
0x10b: {  	v4 =	vperm.xlane v3, v0;
	_ =	sdelay $0x1  }
0x10c: {  	v4 =	vadd.s32 v1, v4;
	_ =	sdelay $0x3  }
0x10d: {  	v3 =	vperm.xlane v3, v2  }
0x10e: {  	[tilespmem:s6], [sflag:$0x1] =	stream.indirect_vreg.gather [hbm4b:s1+s0], $0x80, v4, vm0, $0xb8;
	[tilespmem:$0x18200] =	vst v63  }
0x10f: {  	s18 =	simm.s32 $0xA00;
	v3 =	vadd.s32 v1, v3  }
0x110: {  	[tilespmem:s18], [sflag:$0x1] =	stream.indirect_vreg.gather [hbm4b:s7+s0], $0x80, v4, vm0, $0xb8;
	[tilespmem:$0x18200] =	vst v63  }
0x111: {  	s19 =	simm.s32 $0x1200  }
0x112: {  	[tilespmem:s19], [sflag:$0x1] =	stream.indirect_vreg.gather [hbm4b:s8+s0], $0x80, v4, vm0, $0xb8;
	[tilespmem:$0x18200] =	vst v63  }
0x113: {  	s20 =	simm.s32 $0x1A00  }
0x114: {  	[tilespmem:s20], [sflag:$0x1] =	stream.indirect_vreg.gather [hbm4b:s1+s0], $0x80, v3, vm0, $0xb8;
	[tilespmem:$0x18200] =	vst v63  }
0x115: {  	s21 =	simm.s32 $0x2200  }
0x116: {  	[tilespmem:s21], [sflag:$0x1] =	stream.indirect_vreg.gather [hbm4b:s7+s0], $0x80, v3, vm0, $0xb8;
	[tilespmem:$0x18200] =	vst v63  }
0x117: {  	s22 =	simm.s32 $0x2A00  }
0x118: {  	[tilespmem:s22], [sflag:$0x1] =	stream.indirect_vreg.gather [hbm4b:s8+s0], $0x80, v3, vm0, $0xb8;
	[tilespmem:$0x18200] =	vst v63  }
0x119: {  	v3 =	vld [tilespmem:$0x140];
	_ =	sdelay $0x4  }
0x11a: {  	v63 =	vshrl.u32 v3, $0x3  }
0x11b: {  	v4 =	vmul.u32 $0x30, v63  }
0x11c: {  	v3 =	vand.u32 $0x7, v3  }
0x11d: {  	v3 =	vor.u32 v3, v4  }
0x11e: {  	v4 =	vperm.xlane v3, v0;
	_ =	sdelay $0x1  }
0x11f: {  	v4 =	vadd.s32 v1, v4;
	_ =	sdelay $0x3  }
0x120: {  	v3 =	vperm.xlane v3, v2  }
0x121: {  	[tilespmem:s10], [sflag:$0x5] =	stream.indirect_vreg.gather [hbm4b:s3+s0], $0x80, v4, vm0, $0xb8;
	[tilespmem:$0x18200] =	vst v63  }
0x122: {  	s23 =	simm.s32 $0xCA00;
	v3 =	vadd.s32 v1, v3  }
0x123: {  	[tilespmem:s23], [sflag:$0x5] =	stream.indirect_vreg.gather [hbm4b:s9+s0], $0x80, v4, vm0, $0xb8;
	[tilespmem:$0x18200] =	vst v63  }
0x124: {  	s25 =	simm.s32 $0xD200  }
0x125: {  	[tilespmem:s25], [sflag:$0x5] =	stream.indirect_vreg.gather [hbm4b:s11+s0], $0x80, v4, vm0, $0xb8;
	[tilespmem:$0x18200] =	vst v63  }
0x126: {  	s26 =	simm.s32 $0xDA00  }
0x127: {  	[tilespmem:s26], [sflag:$0x5] =	stream.indirect_vreg.gather [hbm4b:s3+s0], $0x80, v3, vm0, $0xb8;
	[tilespmem:$0x18200] =	vst v63  }
0x128: {  	s28 =	simm.s32 $0xE200  }
0x129: {  	[tilespmem:s28], [sflag:$0x5] =	stream.indirect_vreg.gather [hbm4b:s9+s0], $0x80, v3, vm0, $0xb8;
	[tilespmem:$0x18200] =	vst v63  }
0x12a: {  	s29 =	simm.s32 $0xEA00;
	s30 =	simm.s32 $0x2  }
0x12b: {  	[tilespmem:s29], [sflag:$0x5] =	stream.indirect_vreg.gather [hbm4b:s11+s0], $0x80, v3, vm0, $0xb8;
	[tilespmem:$0x18200] =	vst v63  }
0x12c: {  	_ =	swait.ge [sflag:s30], $0x3000  }
0x12d: {  	[sflag:s30] =	ssyncset.done $0x0  }
0x12e: {  	s31 =	simm.s32 $0x6;
	[sflag:s30] =	ssyncadd.s32 $0xFFFFD000  }
0x12f: {  	_ =	swait.ge [sflag:s31], $0x3000  }
0x130: {  	[sflag:s31] =	ssyncset.done $0x0  }
0x131: {  	[sflag:s31] =	ssyncadd.s32 $0xFFFFD000  }
.LBB2_6:
0x132: {  	s5 =	sshll.u32 s0, $0x7  }
0x133: {  	s23 =	sshrl.u32 s0, $0x3;
	s25 =	simm.s32 $0x280;
	s26 =	simm.s32 $0x0  }
0x134: {  	s13 =	simm.s32 $0x20;
	s14 =	simm.s32 $0x30;
	s15 =	simm.s32 $0x50  }
0x135: {  	s28 =	simm.s32 $0x200;
	s17 =	simm.s32 $0x100;
	s18 =	simm.s32 $0x40  }
0x136: {  	s19 =	simm.s32 $0x180;
	s20 =	simm.s32 $0x0;
	s31 =	sand.u32 $0x380, s5  }
0x137: {  	s29 =	smul.u32 $0x1800, s23;
	s13 =	sand.u32 $0x60, s13;
	s14 =	sand.u32 $0x70, s14  }
0x138: {  	s15 =	sand.u32 $0x70, s15;
	s18 =	sand.u32 $0x60, s18;
	s17 =	sand.u32 $0x3C00, s17  }
0x139: {  	s2 =	sand.u32 $0x3C00, s19;
	s20 =	sand.u32 $0x1C00, s20;
	s6 =	sor.u32 $0x10, s31  }
0x13a: {  	s5 =	sand.u32 $0x3C00, s25;
	[dreg:$0x7] =	wrdreg s6;
	s6 =	sand.u32 $0x60, s26  }
0x13b: {  	s19 =	sadd.s32 s29, s20;
	s12 =	rddreg [dreg:$0x7];
	s16 =	sor.u32 s31, s6  }
0x13c: {  	s6 =	sor.u32 s12, s6;
	s12 =	sand.u32 $0x3C00, s28;
	s16 =	sor.u32 s19, s16  }
0x13d: {  	s25 =	simm.s32 $0x80;
	s12 =	sadd.s32 s29, s12;
	s20 =	sor.u32 s19, s6;
	v11 =	vld [tilespmem:s16+$0x3200]  }
0x13e: {  	s17 =	sadd.s32 s29, s17;
	s5 =	sadd.s32 s29, s5;
	s12 =	sor.u32 s18, s12;
	v5 =	vld [tilespmem:s20+$0x3200]  }
0x13f: {  	s21 =	sor.u32 s13, s17;
	s5 =	sor.u32 s15, s5;
	v6 =	vld [tilespmem:s20+$0xF200];
	s12 =	sor.u32 s31, s12  }
0x140: {  	s23 =	rddreg [dreg:$0x7];
	s17 =	sand.u32 $0x60, s25;
	s18 =	sadd.s32 s29, s2;
	v3 =	vld [tilespmem:s12+$0x3200]  }
0x141: {  	s13 =	simm.s32 $0x580;
	s22 =	sor.u32 s14, s18;
	s14 =	sor.u32 s31, s21;
	v4 =	vld [tilespmem:s12+$0xF200]  }
0x142: {  	s25 =	simm.s32 $0x500;
	s5 =	sor.u32 s31, s5;
	s28 =	simm.s32 $0x90;
	v7 =	vld [tilespmem:s14+$0x3200]  }
0x143: {  	s25 =	sand.u32 $0x3C00, s25;
	s6 =	simm.s32 $0x60;
	s15 =	sor.u32 s31, s22;
	v8 =	vld [tilespmem:s14+$0xF200]  }
0x144: {  	s19 =	sand.u32 $0x70, s28;
	s28 =	simm.s32 $0xA0;
	s25 =	sadd.s32 s29, s25;
	v9 =	vld [tilespmem:s15+$0x3200]  }
0x145: {  	s26 =	sand.u32 $0x60, s6;
	s2 =	simm.s32 $0x400;
	s28 =	sand.u32 $0x60, s28;
	v10 =	vld [tilespmem:s15+$0xF200]  }
0x146: {  	v12 =	vld [tilespmem:s16+$0xF200];
	s21 =	simm.s32 $0xB0;
	s23 =	sor.u32 s23, s26;
	s30 =	sand.u32 $0x3C00, s2  }
0x147: {  	v13 =	vld [tilespmem:s5+$0x3200];
	s18 =	sor.u32 s28, s25;
	s2 =	simm.s32 $0x300;
	s28 =	sand.u32 $0x3C00, s13;
	v3 =	vadd.f32 v4, v3  }
0x148: {  	s21 =	sand.u32 $0x70, s21;
	s22 =	sor.u32 s31, s26;
	s26 =	simm.s32 $0x480;
	v4 =	vadd.f32 v6, v5;
	v6 =	vld [tilespmem:s5+$0xF200]  }
0x149: {  	s18 =	sor.u32 s31, s18;
	s25 =	sand.u32 $0x1C00, s2;
	s26 =	sand.u32 $0x3C00, s26;
	v5 =	vadd.f32 v8, v7;
	[tilespmem:s12+$0x3200] =	vst v3  }
0x14a: {  	s2 =	sadd.s32 s29, s30;
	s25 =	sadd.s32 s29, s25;
	s26 =	sadd.s32 s29, s26;
	[tilespmem:s20+$0x3200] =	vst v4;
	v4 =	vadd.f32 v10, v9;
	v3 =	vld [tilespmem:s18+$0x3200]  }
0x14b: {  	s30 =	sor.u32 s25, s23;
	s26 =	sor.u32 s19, s26;
	v7 =	vadd.f32 v12, v11;
	[tilespmem:s14+$0x3200] =	vst v5;
	s12 =	sadd.s32 s29, s28;
	v5 =	vld [tilespmem:s18+$0xF200]  }
0x14c: {  	s20 =	sor.u32 s17, s2;
	s14 =	sor.u32 s25, s22;
	s28 =	sor.u32 s21, s12;
	[tilespmem:s15+$0x3200] =	vst v4;
	v4 =	vld [tilespmem:s30+$0x3200]  }
0x14d: {  	[tilespmem:s16+$0x3200] =	vst v7;
	s23 =	sor.u32 s31, s20;
	s12 =	sor.u32 s31, s26;
	s15 =	sor.u32 s31, s28;
	v7 =	vadd.f32 v6, v13;
	v6 =	vld [tilespmem:s30+$0xF200]  }
.LBB2_7:
0x14e: {  	s16 =	rddreg [dreg:$0x7];
	s17 =	sadd.s32 $0x80, s6;
	s19 =	smov.u32 s6  }
0x14f: {  	v8 =	vld [tilespmem:s23+$0x3200];
	s6 =	sadd.s32 $0x60, s6;
	s13 =	sadd.s32 $0x300, s13;
	[tilespmem:s5+$0x3200] =	vst v7;
	s5 =	smov.u32 s15  }
0x150: {  	s25 =	sand.u32 $0x60, s6;
	s20 =	sadd.s32 $0x90, s19;
	s21 =	sadd.s32 $0xB0, s19;
	v7 =	vld [tilespmem:s23+$0xF200]  }
0x151: {  	v9 =	vld [tilespmem:s12+$0xF200];
	s17 =	sand.u32 $0x60, s17;
	s26 =	sadd.s32 $0xFFFFFE80, s13;
	s28 =	sadd.s32 $0xFFFFFF00, s13;
	v3 =	vadd.f32 v5, v3  }
0x152: {  	v10 =	vld [tilespmem:s14+$0x3200];
	s19 =	sadd.s32 $0xA0, s19;
	s2 =	sand.u32 $0x3C00, s13;
	p0 =	slt.u32 s6, $0x2A0  }
0x153: {  	s22 =	sor.u32 s31, s25;
	s15 =	sor.u32 s16, s25;
	s25 =	sadd.s32 $0xFFFFFF80, s13;
	v5 =	vld [tilespmem:s12+$0x3200];
	[tilespmem:s18+$0x3200] =	vst v3;
	v3 =	vadd.f32 v6, v4  }
0x154: {  	s20 =	sand.u32 $0x70, s20;
	s16 =	sand.u32 $0x3C00, s26;
	s25 =	sand.u32 $0x3C00, s25;
	v4 =	vld [tilespmem:s14+$0xF200]  }
0x155: {  	s19 =	sand.u32 $0x60, s19;
	s25 =	sadd.s32 s29, s25;
	s18 =	sand.u32 $0x3C00, s28;
	v6 =	vld [tilespmem:s5+$0x3200];
	[tilespmem:s30+$0x3200] =	vst v3;
	v3 =	vadd.f32 v7, v8  }
0x156: {  	s26 =	sadd.s32 $0xFFFFFD80, s13;
	s19 =	sor.u32 s19, s25;
	s28 =	sadd.s32 s29, s18;
	v7 =	vld [tilespmem:s5+$0xF200]  }
.Ltmp2:
0x157: {  	s18 =	sor.u32 s31, s19;
	[tilespmem:s23+$0x3200] =	vst v3;
	s23 =	sand.u32 $0x1C00, s26;
	(pc) =	sbr.rel @p0 .LBB2_7-.Ltmp2, $4  }
0x158: {  	s21 =	sand.u32 $0x70, s21;
	s16 =	sadd.s32 s29, s16;
	v8 =	vadd.f32 v9, v5;
	v5 =	vld [tilespmem:s18+$0xF200];
	s19 =	sadd.s32 s29, s23  }
0x159: {  	s16 =	sor.u32 s17, s16;
	v3 =	vld [tilespmem:s18+$0x3200];
	s26 =	sadd.s32 s29, s2;
	v63 =	vadd.f32 v4, v10;
	s30 =	sor.u32 s19, s15  }
0x15a: {  	s20 =	sor.u32 s20, s28;
	s17 =	sor.u32 s21, s26;
	[tilespmem:s12+$0x3200] =	vst v8;
	s23 =	sor.u32 s31, s16;
	v4 =	vld [tilespmem:s30+$0x3200]  }
0x15b: {  	s12 =	sor.u32 s31, s20;
	s15 =	sor.u32 s31, s17;
	[tilespmem:s14+$0x3200] =	vst v63;
	s14 =	sor.u32 s19, s22;
	v7 =	vadd.f32 v7, v6;
	v6 =	vld [tilespmem:s30+$0xF200]  }
0x15c: {  	v8 =	vld [tilespmem:s23+$0x3200]  }
0x15d: {  	v9 =	vld [tilespmem:s23+$0xF200]  }
0x15e: {  	v10 =	vld [tilespmem:s12+$0x3200]  }
0x15f: {  	v11 =	vld [tilespmem:s12+$0xF200]  }
0x160: {  	v12 =	vld [tilespmem:s14+$0x3200]  }
0x161: {  	v14 =	vld [tilespmem:s15+$0x3200]  }
0x162: {  	v61 =	vld [tilespmem:s15+$0xF200]  }
0x163: {  	v13 =	vld [tilespmem:s14+$0xF200];
	v3 =	vadd.f32 v5, v3  }
0x164: {  	s0 =	sadd.s32 $0x1, s0;
	[tilespmem:s5+$0x3200] =	vst v7;
	v4 =	vadd.f32 v6, v4  }
0x165: {  	p0 =	sne.s32 s0, $0x10;
	[tilespmem:s18+$0x3200] =	vst v3;
	v3 =	vadd.f32 v9, v8  }
.Ltmp3:
0x166: {  	v62 =	vadd.f32 v11, v10;
	[tilespmem:s30+$0x3200] =	vst v4;
	(pc) =	sbr.rel @p0 .LBB2_6-.Ltmp3, $4  }
0x167: {  	v63 =	vadd.f32 v61, v14;
	[tilespmem:s23+$0x3200] =	vst v3  }
0x168: {  	v3 =	vadd.f32 v13, v12;
	[tilespmem:s12+$0x3200] =	vst v62  }
0x169: {  	[tilespmem:s15+$0x3200] =	vst v63  }
0x16a: {  	[tilespmem:s14+$0x3200] =	vst v3  }
0x16b: {  	s0 =	simm.s32 $0x0  }
0x16c: {  	s5 =	rddreg [dreg:$0x19];
	s6 =	simm.s32 $0x3200;
	s2 =	simm.s32 $0xA  }
0x16d: {  	[hbm4b:s5+s0] =	stream.linear.scatter [tilespmem:s6], [sflag:$0xA], $0x3000, $0x38;
	[tilespmem:$0x18200] =	vst v63  }
0x16e: {  	_ =	swait.ge [sflag:s2], $0x3000  }
0x16f: {  	[sflag:s2] =	ssyncset.done $0x0  }
0x170: {  	[sflag:s2] =	ssyncadd.s32 $0xFFFFD000  }
0x171: {  	v3 =	vld [tilespmem:$0x50];
	_ =	sdelay $0x4  }
0x172: {  	v4 =	vshrl.u32 v3, $0x3  }
0x173: {  	v4 =	vmul.u32 $0x30, v4  }
0x174: {  	v3 =	vand.u32 $0x7, v3  }
0x175: {  	v3 =	vor.u32 v3, v4  }
0x176: {  	v4 =	vperm.xlane v3, v0;
	_ =	sdelay $0x1  }
0x177: {  	v4 =	vadd.s32 v1, v4;
	_ =	sdelay $0x3  }
0x178: {  	v3 =	vperm.xlane v3, v2  }
0x179: {  	[tilespmem:s6], [sflag:$0x2] =	stream.indirect_vreg.gather [hbm4b:s1+s0], $0x80, v4, vm0, $0xb8;
	[tilespmem:$0x18200] =	vst v63  }
0x17a: {  	s17 =	simm.s32 $0x3A00;
	v3 =	vadd.s32 v1, v3  }
0x17b: {  	[tilespmem:s17], [sflag:$0x2] =	stream.indirect_vreg.gather [hbm4b:s7+s0], $0x80, v4, vm0, $0xb8;
	[tilespmem:$0x18200] =	vst v63  }
0x17c: {  	s18 =	simm.s32 $0x4200  }
0x17d: {  	[tilespmem:s18], [sflag:$0x2] =	stream.indirect_vreg.gather [hbm4b:s8+s0], $0x80, v4, vm0, $0xb8;
	[tilespmem:$0x18200] =	vst v63  }
0x17e: {  	s19 =	simm.s32 $0x4A00  }
0x17f: {  	[tilespmem:s19], [sflag:$0x2] =	stream.indirect_vreg.gather [hbm4b:s1+s0], $0x80, v3, vm0, $0xb8;
	[tilespmem:$0x18200] =	vst v63  }
0x180: {  	s20 =	simm.s32 $0x5200  }
0x181: {  	[tilespmem:s20], [sflag:$0x2] =	stream.indirect_vreg.gather [hbm4b:s7+s0], $0x80, v3, vm0, $0xb8;
	[tilespmem:$0x18200] =	vst v63  }
0x182: {  	s21 =	simm.s32 $0x5A00  }
0x183: {  	[tilespmem:s21], [sflag:$0x2] =	stream.indirect_vreg.gather [hbm4b:s8+s0], $0x80, v3, vm0, $0xb8;
	[tilespmem:$0x18200] =	vst v63  }
0x184: {  	v3 =	vld [tilespmem:$0x150];
	_ =	sdelay $0x4  }
0x185: {  	v63 =	vshrl.u32 v3, $0x3  }
0x186: {  	v4 =	vmul.u32 $0x30, v63  }
0x187: {  	v3 =	vand.u32 $0x7, v3  }
0x188: {  	v3 =	vor.u32 v3, v4  }
0x189: {  	v4 =	vperm.xlane v3, v0;
	_ =	sdelay $0x1  }
0x18a: {  	v4 =	vadd.s32 v1, v4;
	_ =	sdelay $0x3  }
0x18b: {  	s22 =	simm.s32 $0xF200;
	v3 =	vperm.xlane v3, v2  }
0x18c: {  	[tilespmem:s22], [sflag:$0x6] =	stream.indirect_vreg.gather [hbm4b:s3+s0], $0x80, v4, vm0, $0xb8;
	[tilespmem:$0x18200] =	vst v63  }
0x18d: {  	s23 =	simm.s32 $0xFA00;
	v3 =	vadd.s32 v1, v3  }
0x18e: {  	[tilespmem:s23], [sflag:$0x6] =	stream.indirect_vreg.gather [hbm4b:s9+s0], $0x80, v4, vm0, $0xb8;
	[tilespmem:$0x18200] =	vst v63  }
0x18f: {  	s25 =	simm.s32 $0x10200  }
0x190: {  	[tilespmem:s25], [sflag:$0x6] =	stream.indirect_vreg.gather [hbm4b:s11+s0], $0x80, v4, vm0, $0xb8;
	[tilespmem:$0x18200] =	vst v63  }
0x191: {  	s26 =	simm.s32 $0x10A00  }
0x192: {  	[tilespmem:s26], [sflag:$0x6] =	stream.indirect_vreg.gather [hbm4b:s3+s0], $0x80, v3, vm0, $0xb8;
	[tilespmem:$0x18200] =	vst v63  }
0x193: {  	s28 =	simm.s32 $0x11200  }
0x194: {  	[tilespmem:s28], [sflag:$0x6] =	stream.indirect_vreg.gather [hbm4b:s9+s0], $0x80, v3, vm0, $0xb8;
	[tilespmem:$0x18200] =	vst v63  }
0x195: {  	s29 =	simm.s32 $0x11A00;
	s30 =	simm.s32 $0x3  }
0x196: {  	[tilespmem:s29], [sflag:$0x6] =	stream.indirect_vreg.gather [hbm4b:s11+s0], $0x80, v3, vm0, $0xb8;
	[tilespmem:$0x18200] =	vst v63  }
0x197: {  	_ =	swait.ge [sflag:s30], $0x3000  }
0x198: {  	[sflag:s30] =	ssyncset.done $0x0  }
0x199: {  	s31 =	simm.s32 $0x7;
	[sflag:s30] =	ssyncadd.s32 $0xFFFFD000  }
0x19a: {  	_ =	swait.ge [sflag:s31], $0x3000  }
0x19b: {  	[sflag:s31] =	ssyncset.done $0x0  }
0x19c: {  	[sflag:s31] =	ssyncadd.s32 $0xFFFFD000  }
.LBB2_10:
0x19d: {  	s5 =	sshll.u32 s0, $0x7  }
0x19e: {  	s23 =	sshrl.u32 s0, $0x3;
	s25 =	simm.s32 $0x280;
	s26 =	simm.s32 $0x0  }
0x19f: {  	s13 =	simm.s32 $0x20;
	s14 =	simm.s32 $0x30;
	s15 =	simm.s32 $0x50  }
0x1a0: {  	s28 =	simm.s32 $0x200;
	s17 =	simm.s32 $0x100;
	s18 =	simm.s32 $0x40  }
0x1a1: {  	s19 =	simm.s32 $0x180;
	s20 =	simm.s32 $0x0;
	s31 =	sand.u32 $0x380, s5  }
0x1a2: {  	s29 =	smul.u32 $0x1800, s23;
	s13 =	sand.u32 $0x60, s13;
	s14 =	sand.u32 $0x70, s14  }
0x1a3: {  	s15 =	sand.u32 $0x70, s15;
	s18 =	sand.u32 $0x60, s18;
	s17 =	sand.u32 $0x3C00, s17  }
0x1a4: {  	s2 =	sand.u32 $0x3C00, s19;
	s20 =	sand.u32 $0x1C00, s20;
	s6 =	sor.u32 $0x10, s31  }
0x1a5: {  	s5 =	sand.u32 $0x3C00, s25;
	[dreg:$0x8] =	wrdreg s6;
	s6 =	sand.u32 $0x60, s26  }
0x1a6: {  	s19 =	sadd.s32 s29, s20;
	s12 =	rddreg [dreg:$0x8];
	s16 =	sor.u32 s31, s6  }
0x1a7: {  	s6 =	sor.u32 s12, s6;
	s12 =	sand.u32 $0x3C00, s28;
	s16 =	sor.u32 s19, s16  }
0x1a8: {  	s25 =	simm.s32 $0x80;
	s12 =	sadd.s32 s29, s12;
	s20 =	sor.u32 s19, s6;
	v11 =	vld [tilespmem:s16+$0x6200]  }
0x1a9: {  	s17 =	sadd.s32 s29, s17;
	s5 =	sadd.s32 s29, s5;
	s12 =	sor.u32 s18, s12;
	v5 =	vld [tilespmem:s20+$0x6200]  }
0x1aa: {  	s21 =	sor.u32 s13, s17;
	s5 =	sor.u32 s15, s5;
	v6 =	vld [tilespmem:s20+$0x12200];
	s12 =	sor.u32 s31, s12  }
0x1ab: {  	s23 =	rddreg [dreg:$0x8];
	s17 =	sand.u32 $0x60, s25;
	s18 =	sadd.s32 s29, s2;
	v3 =	vld [tilespmem:s12+$0x6200]  }
0x1ac: {  	s13 =	simm.s32 $0x580;
	s22 =	sor.u32 s14, s18;
	s14 =	sor.u32 s31, s21;
	v4 =	vld [tilespmem:s12+$0x12200]  }
0x1ad: {  	s25 =	simm.s32 $0x500;
	s5 =	sor.u32 s31, s5;
	s28 =	simm.s32 $0x90;
	v7 =	vld [tilespmem:s14+$0x6200]  }
0x1ae: {  	s25 =	sand.u32 $0x3C00, s25;
	s6 =	simm.s32 $0x60;
	s15 =	sor.u32 s31, s22;
	v8 =	vld [tilespmem:s14+$0x12200]  }
0x1af: {  	s19 =	sand.u32 $0x70, s28;
	s28 =	simm.s32 $0xA0;
	s25 =	sadd.s32 s29, s25;
	v9 =	vld [tilespmem:s15+$0x6200]  }
0x1b0: {  	s26 =	sand.u32 $0x60, s6;
	s2 =	simm.s32 $0x400;
	s28 =	sand.u32 $0x60, s28;
	v10 =	vld [tilespmem:s15+$0x12200]  }
0x1b1: {  	v12 =	vld [tilespmem:s16+$0x12200];
	s21 =	simm.s32 $0xB0;
	s23 =	sor.u32 s23, s26;
	s30 =	sand.u32 $0x3C00, s2  }
0x1b2: {  	v13 =	vld [tilespmem:s5+$0x6200];
	s18 =	sor.u32 s28, s25;
	s2 =	simm.s32 $0x300;
	s28 =	sand.u32 $0x3C00, s13;
	v3 =	vadd.f32 v4, v3  }
0x1b3: {  	s21 =	sand.u32 $0x70, s21;
	s22 =	sor.u32 s31, s26;
	s26 =	simm.s32 $0x480;
	v4 =	vadd.f32 v6, v5;
	v6 =	vld [tilespmem:s5+$0x12200]  }
0x1b4: {  	s18 =	sor.u32 s31, s18;
	s25 =	sand.u32 $0x1C00, s2;
	s26 =	sand.u32 $0x3C00, s26;
	v5 =	vadd.f32 v8, v7;
	[tilespmem:s12+$0x6200] =	vst v3  }
0x1b5: {  	s2 =	sadd.s32 s29, s30;
	s25 =	sadd.s32 s29, s25;
	s26 =	sadd.s32 s29, s26;
	[tilespmem:s20+$0x6200] =	vst v4;
	v4 =	vadd.f32 v10, v9;
	v3 =	vld [tilespmem:s18+$0x6200]  }
0x1b6: {  	s30 =	sor.u32 s25, s23;
	s26 =	sor.u32 s19, s26;
	v7 =	vadd.f32 v12, v11;
	[tilespmem:s14+$0x6200] =	vst v5;
	s12 =	sadd.s32 s29, s28;
	v5 =	vld [tilespmem:s18+$0x12200]  }
0x1b7: {  	s20 =	sor.u32 s17, s2;
	s14 =	sor.u32 s25, s22;
	s28 =	sor.u32 s21, s12;
	[tilespmem:s15+$0x6200] =	vst v4;
	v4 =	vld [tilespmem:s30+$0x6200]  }
0x1b8: {  	[tilespmem:s16+$0x6200] =	vst v7;
	s23 =	sor.u32 s31, s20;
	s12 =	sor.u32 s31, s26;
	s15 =	sor.u32 s31, s28;
	v7 =	vadd.f32 v6, v13;
	v6 =	vld [tilespmem:s30+$0x12200]  }
.LBB2_11:
0x1b9: {  	s16 =	rddreg [dreg:$0x8];
	s17 =	sadd.s32 $0x80, s6;
	s19 =	smov.u32 s6  }
0x1ba: {  	v8 =	vld [tilespmem:s23+$0x6200];
	s6 =	sadd.s32 $0x60, s6;
	s13 =	sadd.s32 $0x300, s13;
	[tilespmem:s5+$0x6200] =	vst v7;
	s5 =	smov.u32 s15  }
0x1bb: {  	s25 =	sand.u32 $0x60, s6;
	s20 =	sadd.s32 $0x90, s19;
	s21 =	sadd.s32 $0xB0, s19;
	v7 =	vld [tilespmem:s23+$0x12200]  }
0x1bc: {  	v9 =	vld [tilespmem:s12+$0x12200];
	s17 =	sand.u32 $0x60, s17;
	s26 =	sadd.s32 $0xFFFFFE80, s13;
	s28 =	sadd.s32 $0xFFFFFF00, s13;
	v3 =	vadd.f32 v5, v3  }
0x1bd: {  	v10 =	vld [tilespmem:s14+$0x6200];
	s19 =	sadd.s32 $0xA0, s19;
	s2 =	sand.u32 $0x3C00, s13;
	p0 =	slt.u32 s6, $0x2A0  }
0x1be: {  	s22 =	sor.u32 s31, s25;
	s15 =	sor.u32 s16, s25;
	s25 =	sadd.s32 $0xFFFFFF80, s13;
	v5 =	vld [tilespmem:s12+$0x6200];
	[tilespmem:s18+$0x6200] =	vst v3;
	v3 =	vadd.f32 v6, v4  }
0x1bf: {  	s20 =	sand.u32 $0x70, s20;
	s16 =	sand.u32 $0x3C00, s26;
	s25 =	sand.u32 $0x3C00, s25;
	v4 =	vld [tilespmem:s14+$0x12200]  }
0x1c0: {  	s19 =	sand.u32 $0x60, s19;
	s25 =	sadd.s32 s29, s25;
	s18 =	sand.u32 $0x3C00, s28;
	v6 =	vld [tilespmem:s5+$0x6200];
	[tilespmem:s30+$0x6200] =	vst v3;
	v3 =	vadd.f32 v7, v8  }
0x1c1: {  	s26 =	sadd.s32 $0xFFFFFD80, s13;
	s19 =	sor.u32 s19, s25;
	s28 =	sadd.s32 s29, s18;
	v7 =	vld [tilespmem:s5+$0x12200]  }
.Ltmp4:
0x1c2: {  	s18 =	sor.u32 s31, s19;
	[tilespmem:s23+$0x6200] =	vst v3;
	s23 =	sand.u32 $0x1C00, s26;
	(pc) =	sbr.rel @p0 .LBB2_11-.Ltmp4, $4  }
0x1c3: {  	s21 =	sand.u32 $0x70, s21;
	s16 =	sadd.s32 s29, s16;
	v8 =	vadd.f32 v9, v5;
	v5 =	vld [tilespmem:s18+$0x12200];
	s19 =	sadd.s32 s29, s23  }
0x1c4: {  	s16 =	sor.u32 s17, s16;
	v3 =	vld [tilespmem:s18+$0x6200];
	s26 =	sadd.s32 s29, s2;
	v63 =	vadd.f32 v4, v10;
	s30 =	sor.u32 s19, s15  }
0x1c5: {  	s20 =	sor.u32 s20, s28;
	s17 =	sor.u32 s21, s26;
	[tilespmem:s12+$0x6200] =	vst v8;
	s23 =	sor.u32 s31, s16;
	v4 =	vld [tilespmem:s30+$0x6200]  }
0x1c6: {  	s12 =	sor.u32 s31, s20;
	s15 =	sor.u32 s31, s17;
	[tilespmem:s14+$0x6200] =	vst v63;
	s14 =	sor.u32 s19, s22;
	v7 =	vadd.f32 v7, v6;
	v6 =	vld [tilespmem:s30+$0x12200]  }
0x1c7: {  	v8 =	vld [tilespmem:s23+$0x6200]  }
0x1c8: {  	v9 =	vld [tilespmem:s23+$0x12200]  }
0x1c9: {  	v10 =	vld [tilespmem:s12+$0x6200]  }
0x1ca: {  	v11 =	vld [tilespmem:s12+$0x12200]  }
0x1cb: {  	v12 =	vld [tilespmem:s14+$0x6200]  }
0x1cc: {  	v14 =	vld [tilespmem:s15+$0x6200]  }
0x1cd: {  	v61 =	vld [tilespmem:s15+$0x12200]  }
0x1ce: {  	v13 =	vld [tilespmem:s14+$0x12200];
	v3 =	vadd.f32 v5, v3  }
0x1cf: {  	s0 =	sadd.s32 $0x1, s0;
	[tilespmem:s5+$0x6200] =	vst v7;
	v4 =	vadd.f32 v6, v4  }
0x1d0: {  	p0 =	sne.s32 s0, $0x10;
	[tilespmem:s18+$0x6200] =	vst v3;
	v3 =	vadd.f32 v9, v8  }
.Ltmp5:
0x1d1: {  	v62 =	vadd.f32 v11, v10;
	[tilespmem:s30+$0x6200] =	vst v4;
	(pc) =	sbr.rel @p0 .LBB2_10-.Ltmp5, $4  }
0x1d2: {  	v63 =	vadd.f32 v61, v14;
	[tilespmem:s23+$0x6200] =	vst v3  }
0x1d3: {  	v3 =	vadd.f32 v13, v12;
	[tilespmem:s12+$0x6200] =	vst v62  }
0x1d4: {  	[tilespmem:s15+$0x6200] =	vst v63  }
0x1d5: {  	[tilespmem:s14+$0x6200] =	vst v3  }
0x1d6: {  	s0 =	simm.s32 $0x0  }
0x1d7: {  	s5 =	rddreg [dreg:$0x1a];
	s2 =	simm.s32 $0x6200;
	s16 =	simm.s32 $0xB  }
0x1d8: {  	[hbm4b:s5+s0] =	stream.linear.scatter [tilespmem:s2], [sflag:$0xB], $0x3000, $0x38;
	[tilespmem:$0x18200] =	vst v63  }
0x1d9: {  	_ =	swait.ge [sflag:s16], $0x3000  }
0x1da: {  	[sflag:s16] =	ssyncset.done $0x0  }
0x1db: {  	[sflag:s16] =	ssyncadd.s32 $0xFFFFD000  }
0x1dc: {  	v3 =	vld [tilespmem:$0x60];
	_ =	sdelay $0x4  }
0x1dd: {  	v4 =	vshrl.u32 v3, $0x3  }
0x1de: {  	v4 =	vmul.u32 $0x30, v4  }
0x1df: {  	v3 =	vand.u32 $0x7, v3  }
0x1e0: {  	v3 =	vor.u32 v3, v4  }
0x1e1: {  	v4 =	vperm.xlane v3, v0;
	_ =	sdelay $0x1  }
0x1e2: {  	v4 =	vadd.s32 v1, v4;
	_ =	sdelay $0x3  }
0x1e3: {  	v3 =	vperm.xlane v3, v2  }
0x1e4: {  	[tilespmem:s2], [sflag:$0x3] =	stream.indirect_vreg.gather [hbm4b:s1+s0], $0x80, v4, vm0, $0xb8;
	[tilespmem:$0x18200] =	vst v63  }
0x1e5: {  	s17 =	simm.s32 $0x6A00;
	v3 =	vadd.s32 v1, v3  }
0x1e6: {  	[tilespmem:s17], [sflag:$0x3] =	stream.indirect_vreg.gather [hbm4b:s7+s0], $0x80, v4, vm0, $0xb8;
	[tilespmem:$0x18200] =	vst v63  }
0x1e7: {  	s18 =	simm.s32 $0x7200  }
0x1e8: {  	[tilespmem:s18], [sflag:$0x3] =	stream.indirect_vreg.gather [hbm4b:s8+s0], $0x80, v4, vm0, $0xb8;
	[tilespmem:$0x18200] =	vst v63  }
0x1e9: {  	s19 =	simm.s32 $0x7A00  }
0x1ea: {  	[tilespmem:s19], [sflag:$0x3] =	stream.indirect_vreg.gather [hbm4b:s1+s0], $0x80, v3, vm0, $0xb8;
	[tilespmem:$0x18200] =	vst v63  }
0x1eb: {  	s20 =	simm.s32 $0x8200  }
0x1ec: {  	[tilespmem:s20], [sflag:$0x3] =	stream.indirect_vreg.gather [hbm4b:s7+s0], $0x80, v3, vm0, $0xb8;
	[tilespmem:$0x18200] =	vst v63  }
0x1ed: {  	s21 =	simm.s32 $0x8A00  }
0x1ee: {  	[tilespmem:s21], [sflag:$0x3] =	stream.indirect_vreg.gather [hbm4b:s8+s0], $0x80, v3, vm0, $0xb8;
	[tilespmem:$0x18200] =	vst v63  }
0x1ef: {  	v3 =	vld [tilespmem:$0x160];
	_ =	sdelay $0x4  }
0x1f0: {  	v63 =	vshrl.u32 v3, $0x3  }
0x1f1: {  	v4 =	vmul.u32 $0x30, v63  }
0x1f2: {  	v3 =	vand.u32 $0x7, v3  }
0x1f3: {  	v3 =	vor.u32 v3, v4  }
0x1f4: {  	v4 =	vperm.xlane v3, v0;
	_ =	sdelay $0x1  }
0x1f5: {  	v4 =	vadd.s32 v1, v4;
	_ =	sdelay $0x3  }
0x1f6: {  	s22 =	simm.s32 $0x12200;
	v3 =	vperm.xlane v3, v2  }
0x1f7: {  	[tilespmem:s22], [sflag:$0x7] =	stream.indirect_vreg.gather [hbm4b:s3+s0], $0x80, v4, vm0, $0xb8;
	[tilespmem:$0x18200] =	vst v63  }
0x1f8: {  	s23 =	simm.s32 $0x12A00;
	v3 =	vadd.s32 v1, v3  }
0x1f9: {  	[tilespmem:s23], [sflag:$0x7] =	stream.indirect_vreg.gather [hbm4b:s9+s0], $0x80, v4, vm0, $0xb8;
	[tilespmem:$0x18200] =	vst v63  }
0x1fa: {  	s25 =	simm.s32 $0x13200  }
0x1fb: {  	[tilespmem:s25], [sflag:$0x7] =	stream.indirect_vreg.gather [hbm4b:s11+s0], $0x80, v4, vm0, $0xb8;
	[tilespmem:$0x18200] =	vst v63  }
0x1fc: {  	s26 =	simm.s32 $0x13A00  }
0x1fd: {  	[tilespmem:s26], [sflag:$0x7] =	stream.indirect_vreg.gather [hbm4b:s3+s0], $0x80, v3, vm0, $0xb8;
	[tilespmem:$0x18200] =	vst v63  }
0x1fe: {  	s28 =	simm.s32 $0x14200  }
0x1ff: {  	[tilespmem:s28], [sflag:$0x7] =	stream.indirect_vreg.gather [hbm4b:s9+s0], $0x80, v3, vm0, $0xb8;
	[tilespmem:$0x18200] =	vst v63  }
0x200: {  	s29 =	simm.s32 $0x14A00;
	s30 =	simm.s32 $0x4  }
0x201: {  	[tilespmem:s29], [sflag:$0x7] =	stream.indirect_vreg.gather [hbm4b:s11+s0], $0x80, v3, vm0, $0xb8;
	[tilespmem:$0x18200] =	vst v63  }
0x202: {  	_ =	swait.ge [sflag:s30], $0x3000  }
0x203: {  	[sflag:s30] =	ssyncset.done $0x0  }
0x204: {  	s31 =	simm.s32 $0x8;
	[sflag:s30] =	ssyncadd.s32 $0xFFFFD000  }
0x205: {  	_ =	swait.ge [sflag:s31], $0x3000  }
0x206: {  	[sflag:s31] =	ssyncset.done $0x0  }
0x207: {  	[sflag:s31] =	ssyncadd.s32 $0xFFFFD000  }
.LBB2_14:
0x208: {  	s5 =	sshll.u32 s0, $0x7  }
0x209: {  	s23 =	sshrl.u32 s0, $0x3;
	s25 =	simm.s32 $0x280;
	s26 =	simm.s32 $0x0  }
0x20a: {  	s13 =	simm.s32 $0x20;
	s14 =	simm.s32 $0x30;
	s15 =	simm.s32 $0x50  }
0x20b: {  	s28 =	simm.s32 $0x200;
	s17 =	simm.s32 $0x100;
	s18 =	simm.s32 $0x40  }
0x20c: {  	s19 =	simm.s32 $0x180;
	s20 =	simm.s32 $0x0;
	s31 =	sand.u32 $0x380, s5  }
0x20d: {  	s29 =	smul.u32 $0x1800, s23;
	s13 =	sand.u32 $0x60, s13;
	s14 =	sand.u32 $0x70, s14  }
0x20e: {  	s15 =	sand.u32 $0x70, s15;
	s18 =	sand.u32 $0x60, s18;
	s17 =	sand.u32 $0x3C00, s17  }
0x20f: {  	s2 =	sand.u32 $0x3C00, s19;
	s20 =	sand.u32 $0x1C00, s20;
	s6 =	sor.u32 $0x10, s31  }
0x210: {  	s5 =	sand.u32 $0x3C00, s25;
	[dreg:$0x9] =	wrdreg s6;
	s6 =	sand.u32 $0x60, s26  }
0x211: {  	s19 =	sadd.s32 s29, s20;
	s12 =	rddreg [dreg:$0x9];
	s16 =	sor.u32 s31, s6  }
0x212: {  	s6 =	sor.u32 s12, s6;
	s12 =	sand.u32 $0x3C00, s28;
	s16 =	sor.u32 s19, s16  }
0x213: {  	s25 =	simm.s32 $0x80;
	s12 =	sadd.s32 s29, s12;
	s20 =	sor.u32 s19, s6;
	v11 =	vld [tilespmem:s16+$0x9200]  }
0x214: {  	s17 =	sadd.s32 s29, s17;
	s5 =	sadd.s32 s29, s5;
	s12 =	sor.u32 s18, s12;
	v5 =	vld [tilespmem:s20+$0x9200]  }
0x215: {  	s21 =	sor.u32 s13, s17;
	s5 =	sor.u32 s15, s5;
	v6 =	vld [tilespmem:s20+$0x15200];
	s12 =	sor.u32 s31, s12  }
0x216: {  	s23 =	rddreg [dreg:$0x9];
	s17 =	sand.u32 $0x60, s25;
	s18 =	sadd.s32 s29, s2;
	v3 =	vld [tilespmem:s12+$0x9200]  }
0x217: {  	s13 =	simm.s32 $0x580;
	s22 =	sor.u32 s14, s18;
	s14 =	sor.u32 s31, s21;
	v4 =	vld [tilespmem:s12+$0x15200]  }
0x218: {  	s25 =	simm.s32 $0x500;
	s5 =	sor.u32 s31, s5;
	s28 =	simm.s32 $0x90;
	v7 =	vld [tilespmem:s14+$0x9200]  }
0x219: {  	s25 =	sand.u32 $0x3C00, s25;
	s6 =	simm.s32 $0x60;
	s15 =	sor.u32 s31, s22;
	v8 =	vld [tilespmem:s14+$0x15200]  }
0x21a: {  	s19 =	sand.u32 $0x70, s28;
	s28 =	simm.s32 $0xA0;
	s25 =	sadd.s32 s29, s25;
	v9 =	vld [tilespmem:s15+$0x9200]  }
0x21b: {  	s26 =	sand.u32 $0x60, s6;
	s2 =	simm.s32 $0x400;
	s28 =	sand.u32 $0x60, s28;
	v10 =	vld [tilespmem:s15+$0x15200]  }
0x21c: {  	v12 =	vld [tilespmem:s16+$0x15200];
	s21 =	simm.s32 $0xB0;
	s23 =	sor.u32 s23, s26;
	s30 =	sand.u32 $0x3C00, s2  }
0x21d: {  	v13 =	vld [tilespmem:s5+$0x9200];
	s18 =	sor.u32 s28, s25;
	s2 =	simm.s32 $0x300;
	s28 =	sand.u32 $0x3C00, s13;
	v3 =	vadd.f32 v4, v3  }
0x21e: {  	s21 =	sand.u32 $0x70, s21;
	s22 =	sor.u32 s31, s26;
	s26 =	simm.s32 $0x480;
	v4 =	vadd.f32 v6, v5;
	v6 =	vld [tilespmem:s5+$0x15200]  }
0x21f: {  	s18 =	sor.u32 s31, s18;
	s25 =	sand.u32 $0x1C00, s2;
	s26 =	sand.u32 $0x3C00, s26;
	v5 =	vadd.f32 v8, v7;
	[tilespmem:s12+$0x9200] =	vst v3  }
0x220: {  	s2 =	sadd.s32 s29, s30;
	s25 =	sadd.s32 s29, s25;
	s26 =	sadd.s32 s29, s26;
	[tilespmem:s20+$0x9200] =	vst v4;
	v4 =	vadd.f32 v10, v9;
	v3 =	vld [tilespmem:s18+$0x9200]  }
0x221: {  	s30 =	sor.u32 s25, s23;
	s26 =	sor.u32 s19, s26;
	v7 =	vadd.f32 v12, v11;
	[tilespmem:s14+$0x9200] =	vst v5;
	s12 =	sadd.s32 s29, s28;
	v5 =	vld [tilespmem:s18+$0x15200]  }
0x222: {  	s20 =	sor.u32 s17, s2;
	s14 =	sor.u32 s25, s22;
	s28 =	sor.u32 s21, s12;
	[tilespmem:s15+$0x9200] =	vst v4;
	v4 =	vld [tilespmem:s30+$0x9200]  }
0x223: {  	[tilespmem:s16+$0x9200] =	vst v7;
	s23 =	sor.u32 s31, s20;
	s12 =	sor.u32 s31, s26;
	s15 =	sor.u32 s31, s28;
	v7 =	vadd.f32 v6, v13;
	v6 =	vld [tilespmem:s30+$0x15200]  }
.LBB2_15:
0x224: {  	s16 =	rddreg [dreg:$0x9];
	s17 =	sadd.s32 $0x80, s6;
	s19 =	smov.u32 s6  }
0x225: {  	v8 =	vld [tilespmem:s23+$0x9200];
	s6 =	sadd.s32 $0x60, s6;
	s13 =	sadd.s32 $0x300, s13;
	[tilespmem:s5+$0x9200] =	vst v7;
	s5 =	smov.u32 s15  }
0x226: {  	s25 =	sand.u32 $0x60, s6;
	s20 =	sadd.s32 $0x90, s19;
	s21 =	sadd.s32 $0xB0, s19;
	v7 =	vld [tilespmem:s23+$0x15200]  }
0x227: {  	v9 =	vld [tilespmem:s12+$0x15200];
	s17 =	sand.u32 $0x60, s17;
	s26 =	sadd.s32 $0xFFFFFE80, s13;
	s28 =	sadd.s32 $0xFFFFFF00, s13;
	v3 =	vadd.f32 v5, v3  }
0x228: {  	v10 =	vld [tilespmem:s14+$0x9200];
	s19 =	sadd.s32 $0xA0, s19;
	s2 =	sand.u32 $0x3C00, s13;
	p0 =	slt.u32 s6, $0x2A0  }
0x229: {  	s22 =	sor.u32 s31, s25;
	s15 =	sor.u32 s16, s25;
	s25 =	sadd.s32 $0xFFFFFF80, s13;
	v5 =	vld [tilespmem:s12+$0x9200];
	[tilespmem:s18+$0x9200] =	vst v3;
	v3 =	vadd.f32 v6, v4  }
0x22a: {  	s20 =	sand.u32 $0x70, s20;
	s16 =	sand.u32 $0x3C00, s26;
	s25 =	sand.u32 $0x3C00, s25;
	v4 =	vld [tilespmem:s14+$0x15200]  }
0x22b: {  	s19 =	sand.u32 $0x60, s19;
	s25 =	sadd.s32 s29, s25;
	s18 =	sand.u32 $0x3C00, s28;
	v6 =	vld [tilespmem:s5+$0x9200];
	[tilespmem:s30+$0x9200] =	vst v3;
	v3 =	vadd.f32 v7, v8  }
0x22c: {  	s26 =	sadd.s32 $0xFFFFFD80, s13;
	s19 =	sor.u32 s19, s25;
	s28 =	sadd.s32 s29, s18;
	v7 =	vld [tilespmem:s5+$0x15200]  }
.Ltmp6:
0x22d: {  	s18 =	sor.u32 s31, s19;
	[tilespmem:s23+$0x9200] =	vst v3;
	s23 =	sand.u32 $0x1C00, s26;
	(pc) =	sbr.rel @p0 .LBB2_15-.Ltmp6, $4  }
0x22e: {  	s21 =	sand.u32 $0x70, s21;
	s16 =	sadd.s32 s29, s16;
	v8 =	vadd.f32 v9, v5;
	v5 =	vld [tilespmem:s18+$0x15200];
	s19 =	sadd.s32 s29, s23  }
0x22f: {  	s16 =	sor.u32 s17, s16;
	v3 =	vld [tilespmem:s18+$0x9200];
	s26 =	sadd.s32 s29, s2;
	v63 =	vadd.f32 v4, v10;
	s30 =	sor.u32 s19, s15  }
0x230: {  	s20 =	sor.u32 s20, s28;
	s17 =	sor.u32 s21, s26;
	[tilespmem:s12+$0x9200] =	vst v8;
	s23 =	sor.u32 s31, s16;
	v4 =	vld [tilespmem:s30+$0x9200]  }
0x231: {  	s12 =	sor.u32 s31, s20;
	s15 =	sor.u32 s31, s17;
	[tilespmem:s14+$0x9200] =	vst v63;
	s14 =	sor.u32 s19, s22;
	v7 =	vadd.f32 v7, v6;
	v6 =	vld [tilespmem:s30+$0x15200]  }
0x232: {  	v8 =	vld [tilespmem:s23+$0x9200]  }
0x233: {  	v9 =	vld [tilespmem:s23+$0x15200]  }
0x234: {  	v10 =	vld [tilespmem:s12+$0x9200]  }
0x235: {  	v11 =	vld [tilespmem:s12+$0x15200]  }
0x236: {  	v12 =	vld [tilespmem:s14+$0x9200]  }
0x237: {  	v14 =	vld [tilespmem:s15+$0x9200]  }
0x238: {  	v61 =	vld [tilespmem:s15+$0x15200]  }
0x239: {  	v13 =	vld [tilespmem:s14+$0x15200];
	v3 =	vadd.f32 v5, v3  }
0x23a: {  	s0 =	sadd.s32 $0x1, s0;
	[tilespmem:s5+$0x9200] =	vst v7;
	v4 =	vadd.f32 v6, v4  }
0x23b: {  	p0 =	sne.s32 s0, $0x10;
	[tilespmem:s18+$0x9200] =	vst v3;
	v3 =	vadd.f32 v9, v8  }
.Ltmp7:
0x23c: {  	v62 =	vadd.f32 v11, v10;
	[tilespmem:s30+$0x9200] =	vst v4;
	(pc) =	sbr.rel @p0 .LBB2_14-.Ltmp7, $4  }
0x23d: {  	v63 =	vadd.f32 v61, v14;
	[tilespmem:s23+$0x9200] =	vst v3  }
0x23e: {  	v3 =	vadd.f32 v13, v12;
	[tilespmem:s12+$0x9200] =	vst v62  }
0x23f: {  	[tilespmem:s15+$0x9200] =	vst v63  }
0x240: {  	[tilespmem:s14+$0x9200] =	vst v3  }
0x241: {  	s0 =	simm.s32 $0x0  }
0x242: {  	s5 =	rddreg [dreg:$0x1b];
	s2 =	simm.s32 $0x9200;
	s17 =	simm.s32 $0xC  }
0x243: {  	[hbm4b:s5+s0] =	stream.linear.scatter [tilespmem:s2], [sflag:$0xC], $0x3000, $0x38;
	[tilespmem:$0x18200] =	vst v63  }
0x244: {  	_ =	swait.ge [sflag:s17], $0x3000  }
0x245: {  	[sflag:s17] =	ssyncset.done $0x0  }
0x246: {  	[sflag:s17] =	ssyncadd.s32 $0xFFFFD000  }
0x247: {  	v3 =	vld [tilespmem:$0x70];
	_ =	sdelay $0x4  }
0x248: {  	v4 =	vshrl.u32 v3, $0x3  }
0x249: {  	v4 =	vmul.u32 $0x30, v4  }
0x24a: {  	v3 =	vand.u32 $0x7, v3  }
0x24b: {  	v3 =	vor.u32 v3, v4  }
0x24c: {  	v4 =	vperm.xlane v3, v0;
	_ =	sdelay $0x1  }
0x24d: {  	v4 =	vadd.s32 v1, v4;
	_ =	sdelay $0x3  }
0x24e: {  	v3 =	vperm.xlane v3, v2  }
0x24f: {  	[tilespmem:s2], [sflag:$0x4] =	stream.indirect_vreg.gather [hbm4b:s1+s0], $0x80, v4, vm0, $0xb8;
	[tilespmem:$0x18200] =	vst v63  }
0x250: {  	s18 =	simm.s32 $0x9A00;
	v3 =	vadd.s32 v1, v3  }
0x251: {  	[tilespmem:s18], [sflag:$0x4] =	stream.indirect_vreg.gather [hbm4b:s7+s0], $0x80, v4, vm0, $0xb8;
	[tilespmem:$0x18200] =	vst v63  }
0x252: {  	s19 =	simm.s32 $0xA200  }
0x253: {  	[tilespmem:s19], [sflag:$0x4] =	stream.indirect_vreg.gather [hbm4b:s8+s0], $0x80, v4, vm0, $0xb8;
	[tilespmem:$0x18200] =	vst v63  }
0x254: {  	s20 =	simm.s32 $0xAA00  }
0x255: {  	[tilespmem:s20], [sflag:$0x4] =	stream.indirect_vreg.gather [hbm4b:s1+s0], $0x80, v3, vm0, $0xb8;
	[tilespmem:$0x18200] =	vst v63  }
0x256: {  	s21 =	simm.s32 $0xB200  }
0x257: {  	[tilespmem:s21], [sflag:$0x4] =	stream.indirect_vreg.gather [hbm4b:s7+s0], $0x80, v3, vm0, $0xb8;
	[tilespmem:$0x18200] =	vst v63  }
0x258: {  	s22 =	simm.s32 $0xBA00  }
0x259: {  	[tilespmem:s22], [sflag:$0x4] =	stream.indirect_vreg.gather [hbm4b:s8+s0], $0x80, v3, vm0, $0xb8;
	[tilespmem:$0x18200] =	vst v63  }
0x25a: {  	v3 =	vld [tilespmem:$0x170];
	_ =	sdelay $0x4  }
0x25b: {  	v63 =	vshrl.u32 v3, $0x3  }
0x25c: {  	v4 =	vmul.u32 $0x30, v63  }
0x25d: {  	v3 =	vand.u32 $0x7, v3  }
0x25e: {  	v3 =	vor.u32 v3, v4  }
0x25f: {  	v4 =	vperm.xlane v3, v0;
	_ =	sdelay $0x1  }
0x260: {  	v4 =	vadd.s32 v1, v4;
	_ =	sdelay $0x3  }
0x261: {  	s23 =	simm.s32 $0x15200;
	v3 =	vperm.xlane v3, v2  }
0x262: {  	[tilespmem:s23], [sflag:$0x8] =	stream.indirect_vreg.gather [hbm4b:s3+s0], $0x80, v4, vm0, $0xb8;
	[tilespmem:$0x18200] =	vst v63  }
0x263: {  	s25 =	simm.s32 $0x15A00;
	v3 =	vadd.s32 v1, v3  }
0x264: {  	[tilespmem:s25], [sflag:$0x8] =	stream.indirect_vreg.gather [hbm4b:s9+s0], $0x80, v4, vm0, $0xb8;
	[tilespmem:$0x18200] =	vst v63  }
0x265: {  	s26 =	simm.s32 $0x16200  }
0x266: {  	[tilespmem:s26], [sflag:$0x8] =	stream.indirect_vreg.gather [hbm4b:s11+s0], $0x80, v4, vm0, $0xb8;
	[tilespmem:$0x18200] =	vst v63  }
0x267: {  	s28 =	simm.s32 $0x16A00  }
0x268: {  	[tilespmem:s28], [sflag:$0x8] =	stream.indirect_vreg.gather [hbm4b:s3+s0], $0x80, v3, vm0, $0xb8;
	[tilespmem:$0x18200] =	vst v63  }
0x269: {  	s29 =	simm.s32 $0x17200  }
0x26a: {  	[tilespmem:s29], [sflag:$0x8] =	stream.indirect_vreg.gather [hbm4b:s9+s0], $0x80, v3, vm0, $0xb8;
	[tilespmem:$0x18200] =	vst v63  }
0x26b: {  	s30 =	simm.s32 $0x17A00;
	s31 =	simm.s32 $0x1  }
0x26c: {  	[tilespmem:s30], [sflag:$0x8] =	stream.indirect_vreg.gather [hbm4b:s11+s0], $0x80, v3, vm0, $0xb8;
	[tilespmem:$0x18200] =	vst v63  }
0x26d: {  	_ =	swait.ge [sflag:s31], $0x3000  }
0x26e: {  	[sflag:s31] =	ssyncset.done $0x0  }
0x26f: {  	[sflag:s31] =	ssyncadd.s32 $0xFFFFD000  }
0x270: {  	_ =	swait.ge [sflag:s24], $0x3000  }
0x271: {  	[sflag:s24] =	ssyncset.done $0x0  }
0x272: {  	[sflag:s24] =	ssyncadd.s32 $0xFFFFD000  }
.LBB2_18:
0x273: {  	s5 =	sshll.u32 s0, $0x7  }
0x274: {  	s23 =	sshrl.u32 s0, $0x3;
	s25 =	simm.s32 $0x280;
	s26 =	simm.s32 $0x0  }
0x275: {  	s13 =	simm.s32 $0x20;
	s14 =	simm.s32 $0x30;
	s15 =	simm.s32 $0x50  }
0x276: {  	s28 =	simm.s32 $0x200;
	s17 =	simm.s32 $0x100;
	s18 =	simm.s32 $0x40  }
0x277: {  	s19 =	simm.s32 $0x180;
	s20 =	simm.s32 $0x0;
	s31 =	sand.u32 $0x380, s5  }
0x278: {  	s29 =	smul.u32 $0x1800, s23;
	s13 =	sand.u32 $0x60, s13;
	s14 =	sand.u32 $0x70, s14  }
0x279: {  	s15 =	sand.u32 $0x70, s15;
	s18 =	sand.u32 $0x60, s18;
	s17 =	sand.u32 $0x3C00, s17  }
0x27a: {  	s2 =	sand.u32 $0x3C00, s19;
	s20 =	sand.u32 $0x1C00, s20;
	s6 =	sor.u32 $0x10, s31  }
0x27b: {  	s5 =	sand.u32 $0x3C00, s25;
	[dreg:$0xa] =	wrdreg s6;
	s6 =	sand.u32 $0x60, s26  }
0x27c: {  	s19 =	sadd.s32 s29, s20;
	s12 =	rddreg [dreg:$0xa];
	s16 =	sor.u32 s31, s6  }
0x27d: {  	s6 =	sor.u32 s12, s6;
	s12 =	sand.u32 $0x3C00, s28;
	s16 =	sor.u32 s19, s16  }
0x27e: {  	s25 =	simm.s32 $0x80;
	s12 =	sadd.s32 s29, s12;
	s20 =	sor.u32 s19, s6;
	v11 =	vld [tilespmem:s16+$0x200]  }
0x27f: {  	s17 =	sadd.s32 s29, s17;
	s5 =	sadd.s32 s29, s5;
	s12 =	sor.u32 s18, s12;
	v5 =	vld [tilespmem:s20+$0x200]  }
0x280: {  	s21 =	sor.u32 s13, s17;
	s5 =	sor.u32 s15, s5;
	v6 =	vld [tilespmem:s20+$0xC200];
	s12 =	sor.u32 s31, s12  }
0x281: {  	s23 =	rddreg [dreg:$0xa];
	s17 =	sand.u32 $0x60, s25;
	s18 =	sadd.s32 s29, s2;
	v3 =	vld [tilespmem:s12+$0x200]  }
0x282: {  	s13 =	simm.s32 $0x580;
	s22 =	sor.u32 s14, s18;
	s14 =	sor.u32 s31, s21;
	v4 =	vld [tilespmem:s12+$0xC200]  }
0x283: {  	s25 =	simm.s32 $0x500;
	s5 =	sor.u32 s31, s5;
	s28 =	simm.s32 $0x90;
	v7 =	vld [tilespmem:s14+$0x200]  }
0x284: {  	s25 =	sand.u32 $0x3C00, s25;
	s6 =	simm.s32 $0x60;
	s15 =	sor.u32 s31, s22;
	v8 =	vld [tilespmem:s14+$0xC200]  }
0x285: {  	s19 =	sand.u32 $0x70, s28;
	s28 =	simm.s32 $0xA0;
	s25 =	sadd.s32 s29, s25;
	v9 =	vld [tilespmem:s15+$0x200]  }
0x286: {  	s26 =	sand.u32 $0x60, s6;
	s2 =	simm.s32 $0x400;
	s28 =	sand.u32 $0x60, s28;
	v10 =	vld [tilespmem:s15+$0xC200]  }
0x287: {  	v12 =	vld [tilespmem:s16+$0xC200];
	s21 =	simm.s32 $0xB0;
	s23 =	sor.u32 s23, s26;
	s30 =	sand.u32 $0x3C00, s2  }
0x288: {  	v13 =	vld [tilespmem:s5+$0x200];
	s18 =	sor.u32 s28, s25;
	s2 =	simm.s32 $0x300;
	s28 =	sand.u32 $0x3C00, s13;
	v3 =	vadd.f32 v4, v3  }
0x289: {  	s21 =	sand.u32 $0x70, s21;
	s22 =	sor.u32 s31, s26;
	s26 =	simm.s32 $0x480;
	v4 =	vadd.f32 v6, v5;
	v6 =	vld [tilespmem:s5+$0xC200]  }
0x28a: {  	s18 =	sor.u32 s31, s18;
	s25 =	sand.u32 $0x1C00, s2;
	s26 =	sand.u32 $0x3C00, s26;
	v5 =	vadd.f32 v8, v7;
	[tilespmem:s12+$0x200] =	vst v3  }
0x28b: {  	s2 =	sadd.s32 s29, s30;
	s25 =	sadd.s32 s29, s25;
	s26 =	sadd.s32 s29, s26;
	[tilespmem:s20+$0x200] =	vst v4;
	v4 =	vadd.f32 v10, v9;
	v3 =	vld [tilespmem:s18+$0x200]  }
0x28c: {  	s30 =	sor.u32 s25, s23;
	s26 =	sor.u32 s19, s26;
	v7 =	vadd.f32 v12, v11;
	[tilespmem:s14+$0x200] =	vst v5;
	s12 =	sadd.s32 s29, s28;
	v5 =	vld [tilespmem:s18+$0xC200]  }
0x28d: {  	s20 =	sor.u32 s17, s2;
	s14 =	sor.u32 s25, s22;
	s28 =	sor.u32 s21, s12;
	[tilespmem:s15+$0x200] =	vst v4;
	v4 =	vld [tilespmem:s30+$0x200]  }
0x28e: {  	[tilespmem:s16+$0x200] =	vst v7;
	s23 =	sor.u32 s31, s20;
	s12 =	sor.u32 s31, s26;
	s15 =	sor.u32 s31, s28;
	v7 =	vadd.f32 v6, v13;
	v6 =	vld [tilespmem:s30+$0xC200]  }
.LBB2_19:
0x28f: {  	s16 =	rddreg [dreg:$0xa];
	s17 =	sadd.s32 $0x80, s6;
	s19 =	smov.u32 s6  }
0x290: {  	v8 =	vld [tilespmem:s23+$0x200];
	s6 =	sadd.s32 $0x60, s6;
	s13 =	sadd.s32 $0x300, s13;
	[tilespmem:s5+$0x200] =	vst v7;
	s5 =	smov.u32 s15  }
0x291: {  	s25 =	sand.u32 $0x60, s6;
	s20 =	sadd.s32 $0x90, s19;
	s21 =	sadd.s32 $0xB0, s19;
	v7 =	vld [tilespmem:s23+$0xC200]  }
0x292: {  	v9 =	vld [tilespmem:s12+$0xC200];
	s17 =	sand.u32 $0x60, s17;
	s26 =	sadd.s32 $0xFFFFFE80, s13;
	s28 =	sadd.s32 $0xFFFFFF00, s13;
	v3 =	vadd.f32 v5, v3  }
0x293: {  	v10 =	vld [tilespmem:s14+$0x200];
	s19 =	sadd.s32 $0xA0, s19;
	s2 =	sand.u32 $0x3C00, s13;
	p0 =	slt.u32 s6, $0x2A0  }
0x294: {  	s22 =	sor.u32 s31, s25;
	s15 =	sor.u32 s16, s25;
	s25 =	sadd.s32 $0xFFFFFF80, s13;
	v5 =	vld [tilespmem:s12+$0x200];
	[tilespmem:s18+$0x200] =	vst v3;
	v3 =	vadd.f32 v6, v4  }
0x295: {  	s20 =	sand.u32 $0x70, s20;
	s16 =	sand.u32 $0x3C00, s26;
	s25 =	sand.u32 $0x3C00, s25;
	v4 =	vld [tilespmem:s14+$0xC200]  }
0x296: {  	s19 =	sand.u32 $0x60, s19;
	s25 =	sadd.s32 s29, s25;
	s18 =	sand.u32 $0x3C00, s28;
	v6 =	vld [tilespmem:s5+$0x200];
	[tilespmem:s30+$0x200] =	vst v3;
	v3 =	vadd.f32 v7, v8  }
0x297: {  	s26 =	sadd.s32 $0xFFFFFD80, s13;
	s19 =	sor.u32 s19, s25;
	s28 =	sadd.s32 s29, s18;
	v7 =	vld [tilespmem:s5+$0xC200]  }
.Ltmp8:
0x298: {  	s18 =	sor.u32 s31, s19;
	[tilespmem:s23+$0x200] =	vst v3;
	s23 =	sand.u32 $0x1C00, s26;
	(pc) =	sbr.rel @p0 .LBB2_19-.Ltmp8, $4  }
0x299: {  	s21 =	sand.u32 $0x70, s21;
	s16 =	sadd.s32 s29, s16;
	v8 =	vadd.f32 v9, v5;
	v5 =	vld [tilespmem:s18+$0xC200];
	s19 =	sadd.s32 s29, s23  }
0x29a: {  	s16 =	sor.u32 s17, s16;
	v3 =	vld [tilespmem:s18+$0x200];
	s26 =	sadd.s32 s29, s2;
	v63 =	vadd.f32 v4, v10;
	s30 =	sor.u32 s19, s15  }
0x29b: {  	s20 =	sor.u32 s20, s28;
	s17 =	sor.u32 s21, s26;
	[tilespmem:s12+$0x200] =	vst v8;
	s23 =	sor.u32 s31, s16;
	v4 =	vld [tilespmem:s30+$0x200]  }
0x29c: {  	s12 =	sor.u32 s31, s20;
	s15 =	sor.u32 s31, s17;
	[tilespmem:s14+$0x200] =	vst v63;
	s14 =	sor.u32 s19, s22;
	v7 =	vadd.f32 v7, v6;
	v6 =	vld [tilespmem:s30+$0xC200]  }
0x29d: {  	v8 =	vld [tilespmem:s23+$0x200]  }
0x29e: {  	v9 =	vld [tilespmem:s23+$0xC200]  }
0x29f: {  	v10 =	vld [tilespmem:s12+$0x200]  }
0x2a0: {  	v11 =	vld [tilespmem:s12+$0xC200]  }
0x2a1: {  	v12 =	vld [tilespmem:s14+$0x200]  }
0x2a2: {  	v14 =	vld [tilespmem:s15+$0x200]  }
0x2a3: {  	v61 =	vld [tilespmem:s15+$0xC200]  }
0x2a4: {  	v13 =	vld [tilespmem:s14+$0xC200];
	v3 =	vadd.f32 v5, v3  }
0x2a5: {  	s0 =	sadd.s32 $0x1, s0;
	[tilespmem:s5+$0x200] =	vst v7;
	v4 =	vadd.f32 v6, v4  }
0x2a6: {  	p0 =	sne.s32 s0, $0x10;
	[tilespmem:s18+$0x200] =	vst v3;
	v3 =	vadd.f32 v9, v8  }
.Ltmp9:
0x2a7: {  	v62 =	vadd.f32 v11, v10;
	[tilespmem:s30+$0x200] =	vst v4;
	(pc) =	sbr.rel @p0 .LBB2_18-.Ltmp9, $4  }
0x2a8: {  	v63 =	vadd.f32 v61, v14;
	[tilespmem:s23+$0x200] =	vst v3  }
0x2a9: {  	v3 =	vadd.f32 v13, v12;
	[tilespmem:s12+$0x200] =	vst v62  }
0x2aa: {  	[tilespmem:s15+$0x200] =	vst v63  }
0x2ab: {  	[tilespmem:s14+$0x200] =	vst v3  }
0x2ac: {  	s5 =	sld [smem:$0x7FC];
	_ =	sdelay $0x1  }
0x2ad: {  	s0 =	simm.s32 $0x0;
	s6 =	simm.s32 $0x200;
	s2 =	simm.s32 $0x9  }
0x2ae: {  	[hbm4b:s5+s0] =	stream.linear.scatter [tilespmem:s6], [sflag:$0x9], $0x3000, $0x38;
	[tilespmem:$0x18200] =	vst v63  }
0x2af: {  	_ =	swait.ge [sflag:s2], $0x3000  }
0x2b0: {  	[sflag:s2] =	ssyncset.done $0x0  }
0x2b1: {  	[sflag:s2] =	ssyncadd.s32 $0xFFFFD000  }
0x2b2: {  	v3 =	vld [tilespmem:$0x80];
	_ =	sdelay $0x4  }
0x2b3: {  	v4 =	vshrl.u32 v3, $0x3  }
0x2b4: {  	v4 =	vmul.u32 $0x30, v4  }
0x2b5: {  	v3 =	vand.u32 $0x7, v3  }
0x2b6: {  	v3 =	vor.u32 v3, v4  }
0x2b7: {  	v4 =	vperm.xlane v3, v0;
	_ =	sdelay $0x1  }
0x2b8: {  	v4 =	vadd.s32 v1, v4;
	_ =	sdelay $0x3  }
0x2b9: {  	v3 =	vperm.xlane v3, v2  }
0x2ba: {  	[tilespmem:s6], [sflag:$0x1] =	stream.indirect_vreg.gather [hbm4b:s1+s0], $0x80, v4, vm0, $0xb8;
	[tilespmem:$0x18200] =	vst v63  }
0x2bb: {  	s18 =	simm.s32 $0xA00;
	v3 =	vadd.s32 v1, v3  }
0x2bc: {  	[tilespmem:s18], [sflag:$0x1] =	stream.indirect_vreg.gather [hbm4b:s7+s0], $0x80, v4, vm0, $0xb8;
	[tilespmem:$0x18200] =	vst v63  }
0x2bd: {  	s19 =	simm.s32 $0x1200  }
0x2be: {  	[tilespmem:s19], [sflag:$0x1] =	stream.indirect_vreg.gather [hbm4b:s8+s0], $0x80, v4, vm0, $0xb8;
	[tilespmem:$0x18200] =	vst v63  }
0x2bf: {  	s20 =	simm.s32 $0x1A00  }
0x2c0: {  	[tilespmem:s20], [sflag:$0x1] =	stream.indirect_vreg.gather [hbm4b:s1+s0], $0x80, v3, vm0, $0xb8;
	[tilespmem:$0x18200] =	vst v63  }
0x2c1: {  	s21 =	simm.s32 $0x2200  }
0x2c2: {  	[tilespmem:s21], [sflag:$0x1] =	stream.indirect_vreg.gather [hbm4b:s7+s0], $0x80, v3, vm0, $0xb8;
	[tilespmem:$0x18200] =	vst v63  }
0x2c3: {  	s22 =	simm.s32 $0x2A00  }
0x2c4: {  	[tilespmem:s22], [sflag:$0x1] =	stream.indirect_vreg.gather [hbm4b:s8+s0], $0x80, v3, vm0, $0xb8;
	[tilespmem:$0x18200] =	vst v63  }
0x2c5: {  	v3 =	vld [tilespmem:$0x180];
	_ =	sdelay $0x4  }
0x2c6: {  	v63 =	vshrl.u32 v3, $0x3  }
0x2c7: {  	v4 =	vmul.u32 $0x30, v63  }
0x2c8: {  	v3 =	vand.u32 $0x7, v3  }
0x2c9: {  	v3 =	vor.u32 v3, v4  }
0x2ca: {  	v4 =	vperm.xlane v3, v0;
	_ =	sdelay $0x1  }
0x2cb: {  	v4 =	vadd.s32 v1, v4;
	_ =	sdelay $0x3  }
0x2cc: {  	v3 =	vperm.xlane v3, v2  }
0x2cd: {  	[tilespmem:s10], [sflag:$0x5] =	stream.indirect_vreg.gather [hbm4b:s3+s0], $0x80, v4, vm0, $0xb8;
	[tilespmem:$0x18200] =	vst v63  }
0x2ce: {  	s23 =	simm.s32 $0xCA00;
	v3 =	vadd.s32 v1, v3  }
0x2cf: {  	[tilespmem:s23], [sflag:$0x5] =	stream.indirect_vreg.gather [hbm4b:s9+s0], $0x80, v4, vm0, $0xb8;
	[tilespmem:$0x18200] =	vst v63  }
0x2d0: {  	s25 =	simm.s32 $0xD200  }
0x2d1: {  	[tilespmem:s25], [sflag:$0x5] =	stream.indirect_vreg.gather [hbm4b:s11+s0], $0x80, v4, vm0, $0xb8;
	[tilespmem:$0x18200] =	vst v63  }
0x2d2: {  	s26 =	simm.s32 $0xDA00  }
0x2d3: {  	[tilespmem:s26], [sflag:$0x5] =	stream.indirect_vreg.gather [hbm4b:s3+s0], $0x80, v3, vm0, $0xb8;
	[tilespmem:$0x18200] =	vst v63  }
0x2d4: {  	s28 =	simm.s32 $0xE200  }
0x2d5: {  	[tilespmem:s28], [sflag:$0x5] =	stream.indirect_vreg.gather [hbm4b:s9+s0], $0x80, v3, vm0, $0xb8;
	[tilespmem:$0x18200] =	vst v63  }
0x2d6: {  	s29 =	simm.s32 $0xEA00;
	s30 =	simm.s32 $0x2  }
0x2d7: {  	[tilespmem:s29], [sflag:$0x5] =	stream.indirect_vreg.gather [hbm4b:s11+s0], $0x80, v3, vm0, $0xb8;
	[tilespmem:$0x18200] =	vst v63  }
0x2d8: {  	_ =	swait.ge [sflag:s30], $0x3000  }
0x2d9: {  	[sflag:s30] =	ssyncset.done $0x0  }
0x2da: {  	s31 =	simm.s32 $0x6;
	[sflag:s30] =	ssyncadd.s32 $0xFFFFD000  }
0x2db: {  	_ =	swait.ge [sflag:s31], $0x3000  }
0x2dc: {  	[sflag:s31] =	ssyncset.done $0x0  }
0x2dd: {  	[sflag:s31] =	ssyncadd.s32 $0xFFFFD000  }
.LBB2_22:
0x2de: {  	s5 =	sshll.u32 s0, $0x7  }
0x2df: {  	s23 =	sshrl.u32 s0, $0x3;
	s25 =	simm.s32 $0x280;
	s26 =	simm.s32 $0x0  }
0x2e0: {  	s13 =	simm.s32 $0x20;
	s14 =	simm.s32 $0x30;
	s15 =	simm.s32 $0x50  }
0x2e1: {  	s28 =	simm.s32 $0x200;
	s17 =	simm.s32 $0x100;
	s18 =	simm.s32 $0x40  }
0x2e2: {  	s19 =	simm.s32 $0x180;
	s20 =	simm.s32 $0x0;
	s31 =	sand.u32 $0x380, s5  }
0x2e3: {  	s29 =	smul.u32 $0x1800, s23;
	s13 =	sand.u32 $0x60, s13;
	s14 =	sand.u32 $0x70, s14  }
0x2e4: {  	s15 =	sand.u32 $0x70, s15;
	s18 =	sand.u32 $0x60, s18;
	s17 =	sand.u32 $0x3C00, s17  }
0x2e5: {  	s2 =	sand.u32 $0x3C00, s19;
	s20 =	sand.u32 $0x1C00, s20;
	s6 =	sor.u32 $0x10, s31  }
0x2e6: {  	s5 =	sand.u32 $0x3C00, s25;
	[dreg:$0xb] =	wrdreg s6;
	s6 =	sand.u32 $0x60, s26  }
0x2e7: {  	s19 =	sadd.s32 s29, s20;
	s12 =	rddreg [dreg:$0xb];
	s16 =	sor.u32 s31, s6  }
0x2e8: {  	s6 =	sor.u32 s12, s6;
	s12 =	sand.u32 $0x3C00, s28;
	s16 =	sor.u32 s19, s16  }
0x2e9: {  	s25 =	simm.s32 $0x80;
	s12 =	sadd.s32 s29, s12;
	s20 =	sor.u32 s19, s6;
	v11 =	vld [tilespmem:s16+$0x3200]  }
0x2ea: {  	s17 =	sadd.s32 s29, s17;
	s5 =	sadd.s32 s29, s5;
	s12 =	sor.u32 s18, s12;
	v5 =	vld [tilespmem:s20+$0x3200]  }
0x2eb: {  	s21 =	sor.u32 s13, s17;
	s5 =	sor.u32 s15, s5;
	v6 =	vld [tilespmem:s20+$0xF200];
	s12 =	sor.u32 s31, s12  }
0x2ec: {  	s23 =	rddreg [dreg:$0xb];
	s17 =	sand.u32 $0x60, s25;
	s18 =	sadd.s32 s29, s2;
	v3 =	vld [tilespmem:s12+$0x3200]  }
0x2ed: {  	s13 =	simm.s32 $0x580;
	s22 =	sor.u32 s14, s18;
	s14 =	sor.u32 s31, s21;
	v4 =	vld [tilespmem:s12+$0xF200]  }
0x2ee: {  	s25 =	simm.s32 $0x500;
	s5 =	sor.u32 s31, s5;
	s28 =	simm.s32 $0x90;
	v7 =	vld [tilespmem:s14+$0x3200]  }
0x2ef: {  	s25 =	sand.u32 $0x3C00, s25;
	s6 =	simm.s32 $0x60;
	s15 =	sor.u32 s31, s22;
	v8 =	vld [tilespmem:s14+$0xF200]  }
0x2f0: {  	s19 =	sand.u32 $0x70, s28;
	s28 =	simm.s32 $0xA0;
	s25 =	sadd.s32 s29, s25;
	v9 =	vld [tilespmem:s15+$0x3200]  }
0x2f1: {  	s26 =	sand.u32 $0x60, s6;
	s2 =	simm.s32 $0x400;
	s28 =	sand.u32 $0x60, s28;
	v10 =	vld [tilespmem:s15+$0xF200]  }
0x2f2: {  	v12 =	vld [tilespmem:s16+$0xF200];
	s21 =	simm.s32 $0xB0;
	s23 =	sor.u32 s23, s26;
	s30 =	sand.u32 $0x3C00, s2  }
0x2f3: {  	v13 =	vld [tilespmem:s5+$0x3200];
	s18 =	sor.u32 s28, s25;
	s2 =	simm.s32 $0x300;
	s28 =	sand.u32 $0x3C00, s13;
	v3 =	vadd.f32 v4, v3  }
0x2f4: {  	s21 =	sand.u32 $0x70, s21;
	s22 =	sor.u32 s31, s26;
	s26 =	simm.s32 $0x480;
	v4 =	vadd.f32 v6, v5;
	v6 =	vld [tilespmem:s5+$0xF200]  }
0x2f5: {  	s18 =	sor.u32 s31, s18;
	s25 =	sand.u32 $0x1C00, s2;
	s26 =	sand.u32 $0x3C00, s26;
	v5 =	vadd.f32 v8, v7;
	[tilespmem:s12+$0x3200] =	vst v3  }
0x2f6: {  	s2 =	sadd.s32 s29, s30;
	s25 =	sadd.s32 s29, s25;
	s26 =	sadd.s32 s29, s26;
	[tilespmem:s20+$0x3200] =	vst v4;
	v4 =	vadd.f32 v10, v9;
	v3 =	vld [tilespmem:s18+$0x3200]  }
0x2f7: {  	s30 =	sor.u32 s25, s23;
	s26 =	sor.u32 s19, s26;
	v7 =	vadd.f32 v12, v11;
	[tilespmem:s14+$0x3200] =	vst v5;
	s12 =	sadd.s32 s29, s28;
	v5 =	vld [tilespmem:s18+$0xF200]  }
0x2f8: {  	s20 =	sor.u32 s17, s2;
	s14 =	sor.u32 s25, s22;
	s28 =	sor.u32 s21, s12;
	[tilespmem:s15+$0x3200] =	vst v4;
	v4 =	vld [tilespmem:s30+$0x3200]  }
0x2f9: {  	[tilespmem:s16+$0x3200] =	vst v7;
	s23 =	sor.u32 s31, s20;
	s12 =	sor.u32 s31, s26;
	s15 =	sor.u32 s31, s28;
	v7 =	vadd.f32 v6, v13;
	v6 =	vld [tilespmem:s30+$0xF200]  }
.LBB2_23:
0x2fa: {  	s16 =	rddreg [dreg:$0xb];
	s17 =	sadd.s32 $0x80, s6;
	s19 =	smov.u32 s6  }
0x2fb: {  	v8 =	vld [tilespmem:s23+$0x3200];
	s6 =	sadd.s32 $0x60, s6;
	s13 =	sadd.s32 $0x300, s13;
	[tilespmem:s5+$0x3200] =	vst v7;
	s5 =	smov.u32 s15  }
0x2fc: {  	s25 =	sand.u32 $0x60, s6;
	s20 =	sadd.s32 $0x90, s19;
	s21 =	sadd.s32 $0xB0, s19;
	v7 =	vld [tilespmem:s23+$0xF200]  }
0x2fd: {  	v9 =	vld [tilespmem:s12+$0xF200];
	s17 =	sand.u32 $0x60, s17;
	s26 =	sadd.s32 $0xFFFFFE80, s13;
	s28 =	sadd.s32 $0xFFFFFF00, s13;
	v3 =	vadd.f32 v5, v3  }
0x2fe: {  	v10 =	vld [tilespmem:s14+$0x3200];
	s19 =	sadd.s32 $0xA0, s19;
	s2 =	sand.u32 $0x3C00, s13;
	p0 =	slt.u32 s6, $0x2A0  }
0x2ff: {  	s22 =	sor.u32 s31, s25;
	s15 =	sor.u32 s16, s25;
	s25 =	sadd.s32 $0xFFFFFF80, s13;
	v5 =	vld [tilespmem:s12+$0x3200];
	[tilespmem:s18+$0x3200] =	vst v3;
	v3 =	vadd.f32 v6, v4  }
0x300: {  	s20 =	sand.u32 $0x70, s20;
	s16 =	sand.u32 $0x3C00, s26;
	s25 =	sand.u32 $0x3C00, s25;
	v4 =	vld [tilespmem:s14+$0xF200]  }
0x301: {  	s19 =	sand.u32 $0x60, s19;
	s25 =	sadd.s32 s29, s25;
	s18 =	sand.u32 $0x3C00, s28;
	v6 =	vld [tilespmem:s5+$0x3200];
	[tilespmem:s30+$0x3200] =	vst v3;
	v3 =	vadd.f32 v7, v8  }
0x302: {  	s26 =	sadd.s32 $0xFFFFFD80, s13;
	s19 =	sor.u32 s19, s25;
	s28 =	sadd.s32 s29, s18;
	v7 =	vld [tilespmem:s5+$0xF200]  }
.Ltmp10:
0x303: {  	s18 =	sor.u32 s31, s19;
	[tilespmem:s23+$0x3200] =	vst v3;
	s23 =	sand.u32 $0x1C00, s26;
	(pc) =	sbr.rel @p0 .LBB2_23-.Ltmp10, $4  }
0x304: {  	s21 =	sand.u32 $0x70, s21;
	s16 =	sadd.s32 s29, s16;
	v8 =	vadd.f32 v9, v5;
	v5 =	vld [tilespmem:s18+$0xF200];
	s19 =	sadd.s32 s29, s23  }
0x305: {  	s16 =	sor.u32 s17, s16;
	v3 =	vld [tilespmem:s18+$0x3200];
	s26 =	sadd.s32 s29, s2;
	v63 =	vadd.f32 v4, v10;
	s30 =	sor.u32 s19, s15  }
0x306: {  	s20 =	sor.u32 s20, s28;
	s17 =	sor.u32 s21, s26;
	[tilespmem:s12+$0x3200] =	vst v8;
	s23 =	sor.u32 s31, s16;
	v4 =	vld [tilespmem:s30+$0x3200]  }
0x307: {  	s12 =	sor.u32 s31, s20;
	s15 =	sor.u32 s31, s17;
	[tilespmem:s14+$0x3200] =	vst v63;
	s14 =	sor.u32 s19, s22;
	v7 =	vadd.f32 v7, v6;
	v6 =	vld [tilespmem:s30+$0xF200]  }
0x308: {  	v8 =	vld [tilespmem:s23+$0x3200]  }
0x309: {  	v9 =	vld [tilespmem:s23+$0xF200]  }
0x30a: {  	v10 =	vld [tilespmem:s12+$0x3200]  }
0x30b: {  	v11 =	vld [tilespmem:s12+$0xF200]  }
0x30c: {  	v12 =	vld [tilespmem:s14+$0x3200]  }
0x30d: {  	v14 =	vld [tilespmem:s15+$0x3200]  }
0x30e: {  	v61 =	vld [tilespmem:s15+$0xF200]  }
0x30f: {  	v13 =	vld [tilespmem:s14+$0xF200];
	v3 =	vadd.f32 v5, v3  }
0x310: {  	s0 =	sadd.s32 $0x1, s0;
	[tilespmem:s5+$0x3200] =	vst v7;
	v4 =	vadd.f32 v6, v4  }
0x311: {  	p0 =	sne.s32 s0, $0x10;
	[tilespmem:s18+$0x3200] =	vst v3;
	v3 =	vadd.f32 v9, v8  }
.Ltmp11:
0x312: {  	v62 =	vadd.f32 v11, v10;
	[tilespmem:s30+$0x3200] =	vst v4;
	(pc) =	sbr.rel @p0 .LBB2_22-.Ltmp11, $4  }
0x313: {  	v63 =	vadd.f32 v61, v14;
	[tilespmem:s23+$0x3200] =	vst v3  }
0x314: {  	v3 =	vadd.f32 v13, v12;
	[tilespmem:s12+$0x3200] =	vst v62  }
0x315: {  	[tilespmem:s15+$0x3200] =	vst v63  }
0x316: {  	[tilespmem:s14+$0x3200] =	vst v3  }
0x317: {  	s5 =	sld [smem:$0x7FD];
	_ =	sdelay $0x1  }
0x318: {  	s0 =	simm.s32 $0x0;
	s6 =	simm.s32 $0x3200;
	s2 =	simm.s32 $0xA  }
0x319: {  	[hbm4b:s5+s0] =	stream.linear.scatter [tilespmem:s6], [sflag:$0xA], $0x3000, $0x38;
	[tilespmem:$0x18200] =	vst v63  }
0x31a: {  	_ =	swait.ge [sflag:s2], $0x3000  }
0x31b: {  	[sflag:s2] =	ssyncset.done $0x0  }
0x31c: {  	[sflag:s2] =	ssyncadd.s32 $0xFFFFD000  }
0x31d: {  	v3 =	vld [tilespmem:$0x90];
	_ =	sdelay $0x4  }
0x31e: {  	v4 =	vshrl.u32 v3, $0x3  }
0x31f: {  	v4 =	vmul.u32 $0x30, v4  }
0x320: {  	v3 =	vand.u32 $0x7, v3  }
0x321: {  	v3 =	vor.u32 v3, v4  }
0x322: {  	v4 =	vperm.xlane v3, v0;
	_ =	sdelay $0x1  }
0x323: {  	v4 =	vadd.s32 v1, v4;
	_ =	sdelay $0x3  }
0x324: {  	v3 =	vperm.xlane v3, v2  }
0x325: {  	[tilespmem:s6], [sflag:$0x2] =	stream.indirect_vreg.gather [hbm4b:s1+s0], $0x80, v4, vm0, $0xb8;
	[tilespmem:$0x18200] =	vst v63  }
0x326: {  	s17 =	simm.s32 $0x3A00;
	v3 =	vadd.s32 v1, v3  }
0x327: {  	[tilespmem:s17], [sflag:$0x2] =	stream.indirect_vreg.gather [hbm4b:s7+s0], $0x80, v4, vm0, $0xb8;
	[tilespmem:$0x18200] =	vst v63  }
0x328: {  	s18 =	simm.s32 $0x4200  }
0x329: {  	[tilespmem:s18], [sflag:$0x2] =	stream.indirect_vreg.gather [hbm4b:s8+s0], $0x80, v4, vm0, $0xb8;
	[tilespmem:$0x18200] =	vst v63  }
0x32a: {  	s19 =	simm.s32 $0x4A00  }
0x32b: {  	[tilespmem:s19], [sflag:$0x2] =	stream.indirect_vreg.gather [hbm4b:s1+s0], $0x80, v3, vm0, $0xb8;
	[tilespmem:$0x18200] =	vst v63  }
0x32c: {  	s20 =	simm.s32 $0x5200  }
0x32d: {  	[tilespmem:s20], [sflag:$0x2] =	stream.indirect_vreg.gather [hbm4b:s7+s0], $0x80, v3, vm0, $0xb8;
	[tilespmem:$0x18200] =	vst v63  }
0x32e: {  	s21 =	simm.s32 $0x5A00  }
0x32f: {  	[tilespmem:s21], [sflag:$0x2] =	stream.indirect_vreg.gather [hbm4b:s8+s0], $0x80, v3, vm0, $0xb8;
	[tilespmem:$0x18200] =	vst v63  }
0x330: {  	v3 =	vld [tilespmem:$0x190];
	_ =	sdelay $0x4  }
0x331: {  	v63 =	vshrl.u32 v3, $0x3  }
0x332: {  	v4 =	vmul.u32 $0x30, v63  }
0x333: {  	v3 =	vand.u32 $0x7, v3  }
0x334: {  	v3 =	vor.u32 v3, v4  }
0x335: {  	v4 =	vperm.xlane v3, v0;
	_ =	sdelay $0x1  }
0x336: {  	v4 =	vadd.s32 v1, v4;
	_ =	sdelay $0x3  }
0x337: {  	s22 =	simm.s32 $0xF200;
	v3 =	vperm.xlane v3, v2  }
0x338: {  	[tilespmem:s22], [sflag:$0x6] =	stream.indirect_vreg.gather [hbm4b:s3+s0], $0x80, v4, vm0, $0xb8;
	[tilespmem:$0x18200] =	vst v63  }
0x339: {  	s23 =	simm.s32 $0xFA00;
	v3 =	vadd.s32 v1, v3  }
0x33a: {  	[tilespmem:s23], [sflag:$0x6] =	stream.indirect_vreg.gather [hbm4b:s9+s0], $0x80, v4, vm0, $0xb8;
	[tilespmem:$0x18200] =	vst v63  }
0x33b: {  	s25 =	simm.s32 $0x10200  }
0x33c: {  	[tilespmem:s25], [sflag:$0x6] =	stream.indirect_vreg.gather [hbm4b:s11+s0], $0x80, v4, vm0, $0xb8;
	[tilespmem:$0x18200] =	vst v63  }
0x33d: {  	s26 =	simm.s32 $0x10A00  }
0x33e: {  	[tilespmem:s26], [sflag:$0x6] =	stream.indirect_vreg.gather [hbm4b:s3+s0], $0x80, v3, vm0, $0xb8;
	[tilespmem:$0x18200] =	vst v63  }
0x33f: {  	s28 =	simm.s32 $0x11200  }
0x340: {  	[tilespmem:s28], [sflag:$0x6] =	stream.indirect_vreg.gather [hbm4b:s9+s0], $0x80, v3, vm0, $0xb8;
	[tilespmem:$0x18200] =	vst v63  }
0x341: {  	s29 =	simm.s32 $0x11A00;
	s30 =	simm.s32 $0x3  }
0x342: {  	[tilespmem:s29], [sflag:$0x6] =	stream.indirect_vreg.gather [hbm4b:s11+s0], $0x80, v3, vm0, $0xb8;
	[tilespmem:$0x18200] =	vst v63  }
0x343: {  	_ =	swait.ge [sflag:s30], $0x3000  }
0x344: {  	[sflag:s30] =	ssyncset.done $0x0  }
0x345: {  	s31 =	simm.s32 $0x7;
	[sflag:s30] =	ssyncadd.s32 $0xFFFFD000  }
0x346: {  	_ =	swait.ge [sflag:s31], $0x3000  }
0x347: {  	[sflag:s31] =	ssyncset.done $0x0  }
0x348: {  	[sflag:s31] =	ssyncadd.s32 $0xFFFFD000  }
.LBB2_26:
0x349: {  	s5 =	sshll.u32 s0, $0x7  }
0x34a: {  	s23 =	sshrl.u32 s0, $0x3;
	s25 =	simm.s32 $0x280;
	s26 =	simm.s32 $0x0  }
0x34b: {  	s13 =	simm.s32 $0x20;
	s14 =	simm.s32 $0x30;
	s15 =	simm.s32 $0x50  }
0x34c: {  	s28 =	simm.s32 $0x200;
	s17 =	simm.s32 $0x100;
	s18 =	simm.s32 $0x40  }
0x34d: {  	s19 =	simm.s32 $0x180;
	s20 =	simm.s32 $0x0;
	s31 =	sand.u32 $0x380, s5  }
0x34e: {  	s29 =	smul.u32 $0x1800, s23;
	s13 =	sand.u32 $0x60, s13;
	s14 =	sand.u32 $0x70, s14  }
0x34f: {  	s15 =	sand.u32 $0x70, s15;
	s18 =	sand.u32 $0x60, s18;
	s17 =	sand.u32 $0x3C00, s17  }
0x350: {  	s2 =	sand.u32 $0x3C00, s19;
	s20 =	sand.u32 $0x1C00, s20;
	s6 =	sor.u32 $0x10, s31  }
0x351: {  	s5 =	sand.u32 $0x3C00, s25;
	[dreg:$0xc] =	wrdreg s6;
	s6 =	sand.u32 $0x60, s26  }
0x352: {  	s19 =	sadd.s32 s29, s20;
	s12 =	rddreg [dreg:$0xc];
	s16 =	sor.u32 s31, s6  }
0x353: {  	s6 =	sor.u32 s12, s6;
	s12 =	sand.u32 $0x3C00, s28;
	s16 =	sor.u32 s19, s16  }
0x354: {  	s25 =	simm.s32 $0x80;
	s12 =	sadd.s32 s29, s12;
	s20 =	sor.u32 s19, s6;
	v11 =	vld [tilespmem:s16+$0x6200]  }
0x355: {  	s17 =	sadd.s32 s29, s17;
	s5 =	sadd.s32 s29, s5;
	s12 =	sor.u32 s18, s12;
	v5 =	vld [tilespmem:s20+$0x6200]  }
0x356: {  	s21 =	sor.u32 s13, s17;
	s5 =	sor.u32 s15, s5;
	v6 =	vld [tilespmem:s20+$0x12200];
	s12 =	sor.u32 s31, s12  }
0x357: {  	s23 =	rddreg [dreg:$0xc];
	s17 =	sand.u32 $0x60, s25;
	s18 =	sadd.s32 s29, s2;
	v3 =	vld [tilespmem:s12+$0x6200]  }
0x358: {  	s13 =	simm.s32 $0x580;
	s22 =	sor.u32 s14, s18;
	s14 =	sor.u32 s31, s21;
	v4 =	vld [tilespmem:s12+$0x12200]  }
0x359: {  	s25 =	simm.s32 $0x500;
	s5 =	sor.u32 s31, s5;
	s28 =	simm.s32 $0x90;
	v7 =	vld [tilespmem:s14+$0x6200]  }
0x35a: {  	s25 =	sand.u32 $0x3C00, s25;
	s6 =	simm.s32 $0x60;
	s15 =	sor.u32 s31, s22;
	v8 =	vld [tilespmem:s14+$0x12200]  }
0x35b: {  	s19 =	sand.u32 $0x70, s28;
	s28 =	simm.s32 $0xA0;
	s25 =	sadd.s32 s29, s25;
	v9 =	vld [tilespmem:s15+$0x6200]  }
0x35c: {  	s26 =	sand.u32 $0x60, s6;
	s2 =	simm.s32 $0x400;
	s28 =	sand.u32 $0x60, s28;
	v10 =	vld [tilespmem:s15+$0x12200]  }
0x35d: {  	v12 =	vld [tilespmem:s16+$0x12200];
	s21 =	simm.s32 $0xB0;
	s23 =	sor.u32 s23, s26;
	s30 =	sand.u32 $0x3C00, s2  }
0x35e: {  	v13 =	vld [tilespmem:s5+$0x6200];
	s18 =	sor.u32 s28, s25;
	s2 =	simm.s32 $0x300;
	s28 =	sand.u32 $0x3C00, s13;
	v3 =	vadd.f32 v4, v3  }
0x35f: {  	s21 =	sand.u32 $0x70, s21;
	s22 =	sor.u32 s31, s26;
	s26 =	simm.s32 $0x480;
	v4 =	vadd.f32 v6, v5;
	v6 =	vld [tilespmem:s5+$0x12200]  }
0x360: {  	s18 =	sor.u32 s31, s18;
	s25 =	sand.u32 $0x1C00, s2;
	s26 =	sand.u32 $0x3C00, s26;
	v5 =	vadd.f32 v8, v7;
	[tilespmem:s12+$0x6200] =	vst v3  }
0x361: {  	s2 =	sadd.s32 s29, s30;
	s25 =	sadd.s32 s29, s25;
	s26 =	sadd.s32 s29, s26;
	[tilespmem:s20+$0x6200] =	vst v4;
	v4 =	vadd.f32 v10, v9;
	v3 =	vld [tilespmem:s18+$0x6200]  }
0x362: {  	s30 =	sor.u32 s25, s23;
	s26 =	sor.u32 s19, s26;
	v7 =	vadd.f32 v12, v11;
	[tilespmem:s14+$0x6200] =	vst v5;
	s12 =	sadd.s32 s29, s28;
	v5 =	vld [tilespmem:s18+$0x12200]  }
0x363: {  	s20 =	sor.u32 s17, s2;
	s14 =	sor.u32 s25, s22;
	s28 =	sor.u32 s21, s12;
	[tilespmem:s15+$0x6200] =	vst v4;
	v4 =	vld [tilespmem:s30+$0x6200]  }
0x364: {  	[tilespmem:s16+$0x6200] =	vst v7;
	s23 =	sor.u32 s31, s20;
	s12 =	sor.u32 s31, s26;
	s15 =	sor.u32 s31, s28;
	v7 =	vadd.f32 v6, v13;
	v6 =	vld [tilespmem:s30+$0x12200]  }
.LBB2_27:
0x365: {  	s16 =	rddreg [dreg:$0xc];
	s17 =	sadd.s32 $0x80, s6;
	s19 =	smov.u32 s6  }
0x366: {  	v8 =	vld [tilespmem:s23+$0x6200];
	s6 =	sadd.s32 $0x60, s6;
	s13 =	sadd.s32 $0x300, s13;
	[tilespmem:s5+$0x6200] =	vst v7;
	s5 =	smov.u32 s15  }
0x367: {  	s25 =	sand.u32 $0x60, s6;
	s20 =	sadd.s32 $0x90, s19;
	s21 =	sadd.s32 $0xB0, s19;
	v7 =	vld [tilespmem:s23+$0x12200]  }
0x368: {  	v9 =	vld [tilespmem:s12+$0x12200];
	s17 =	sand.u32 $0x60, s17;
	s26 =	sadd.s32 $0xFFFFFE80, s13;
	s28 =	sadd.s32 $0xFFFFFF00, s13;
	v3 =	vadd.f32 v5, v3  }
0x369: {  	v10 =	vld [tilespmem:s14+$0x6200];
	s19 =	sadd.s32 $0xA0, s19;
	s2 =	sand.u32 $0x3C00, s13;
	p0 =	slt.u32 s6, $0x2A0  }
0x36a: {  	s22 =	sor.u32 s31, s25;
	s15 =	sor.u32 s16, s25;
	s25 =	sadd.s32 $0xFFFFFF80, s13;
	v5 =	vld [tilespmem:s12+$0x6200];
	[tilespmem:s18+$0x6200] =	vst v3;
	v3 =	vadd.f32 v6, v4  }
0x36b: {  	s20 =	sand.u32 $0x70, s20;
	s16 =	sand.u32 $0x3C00, s26;
	s25 =	sand.u32 $0x3C00, s25;
	v4 =	vld [tilespmem:s14+$0x12200]  }
0x36c: {  	s19 =	sand.u32 $0x60, s19;
	s25 =	sadd.s32 s29, s25;
	s18 =	sand.u32 $0x3C00, s28;
	v6 =	vld [tilespmem:s5+$0x6200];
	[tilespmem:s30+$0x6200] =	vst v3;
	v3 =	vadd.f32 v7, v8  }
0x36d: {  	s26 =	sadd.s32 $0xFFFFFD80, s13;
	s19 =	sor.u32 s19, s25;
	s28 =	sadd.s32 s29, s18;
	v7 =	vld [tilespmem:s5+$0x12200]  }
.Ltmp12:
0x36e: {  	s18 =	sor.u32 s31, s19;
	[tilespmem:s23+$0x6200] =	vst v3;
	s23 =	sand.u32 $0x1C00, s26;
	(pc) =	sbr.rel @p0 .LBB2_27-.Ltmp12, $4  }
0x36f: {  	s21 =	sand.u32 $0x70, s21;
	s16 =	sadd.s32 s29, s16;
	v8 =	vadd.f32 v9, v5;
	v5 =	vld [tilespmem:s18+$0x12200];
	s19 =	sadd.s32 s29, s23  }
0x370: {  	s16 =	sor.u32 s17, s16;
	v3 =	vld [tilespmem:s18+$0x6200];
	s26 =	sadd.s32 s29, s2;
	v63 =	vadd.f32 v4, v10;
	s30 =	sor.u32 s19, s15  }
0x371: {  	s20 =	sor.u32 s20, s28;
	s17 =	sor.u32 s21, s26;
	[tilespmem:s12+$0x6200] =	vst v8;
	s23 =	sor.u32 s31, s16;
	v4 =	vld [tilespmem:s30+$0x6200]  }
0x372: {  	s12 =	sor.u32 s31, s20;
	s15 =	sor.u32 s31, s17;
	[tilespmem:s14+$0x6200] =	vst v63;
	s14 =	sor.u32 s19, s22;
	v7 =	vadd.f32 v7, v6;
	v6 =	vld [tilespmem:s30+$0x12200]  }
0x373: {  	v8 =	vld [tilespmem:s23+$0x6200]  }
0x374: {  	v9 =	vld [tilespmem:s23+$0x12200]  }
0x375: {  	v10 =	vld [tilespmem:s12+$0x6200]  }
0x376: {  	v11 =	vld [tilespmem:s12+$0x12200]  }
0x377: {  	v12 =	vld [tilespmem:s14+$0x6200]  }
0x378: {  	v14 =	vld [tilespmem:s15+$0x6200]  }
0x379: {  	v61 =	vld [tilespmem:s15+$0x12200]  }
0x37a: {  	v13 =	vld [tilespmem:s14+$0x12200];
	v3 =	vadd.f32 v5, v3  }
0x37b: {  	s0 =	sadd.s32 $0x1, s0;
	[tilespmem:s5+$0x6200] =	vst v7;
	v4 =	vadd.f32 v6, v4  }
0x37c: {  	p0 =	sne.s32 s0, $0x10;
	[tilespmem:s18+$0x6200] =	vst v3;
	v3 =	vadd.f32 v9, v8  }
.Ltmp13:
0x37d: {  	v62 =	vadd.f32 v11, v10;
	[tilespmem:s30+$0x6200] =	vst v4;
	(pc) =	sbr.rel @p0 .LBB2_26-.Ltmp13, $4  }
0x37e: {  	v63 =	vadd.f32 v61, v14;
	[tilespmem:s23+$0x6200] =	vst v3  }
0x37f: {  	v3 =	vadd.f32 v13, v12;
	[tilespmem:s12+$0x6200] =	vst v62  }
0x380: {  	[tilespmem:s15+$0x6200] =	vst v63  }
0x381: {  	[tilespmem:s14+$0x6200] =	vst v3  }
0x382: {  	s0 =	simm.s32 $0x0  }
0x383: {  	s5 =	rddreg [dreg:$0x1c];
	s2 =	simm.s32 $0x6200;
	s16 =	simm.s32 $0xB  }
0x384: {  	[hbm4b:s5+s0] =	stream.linear.scatter [tilespmem:s2], [sflag:$0xB], $0x3000, $0x38;
	[tilespmem:$0x18200] =	vst v63  }
0x385: {  	_ =	swait.ge [sflag:s16], $0x3000  }
0x386: {  	[sflag:s16] =	ssyncset.done $0x0  }
0x387: {  	[sflag:s16] =	ssyncadd.s32 $0xFFFFD000  }
0x388: {  	v3 =	vld [tilespmem:$0xA0];
	_ =	sdelay $0x4  }
0x389: {  	v4 =	vshrl.u32 v3, $0x3  }
0x38a: {  	v4 =	vmul.u32 $0x30, v4  }
0x38b: {  	v3 =	vand.u32 $0x7, v3  }
0x38c: {  	v3 =	vor.u32 v3, v4  }
0x38d: {  	v4 =	vperm.xlane v3, v0;
	_ =	sdelay $0x1  }
0x38e: {  	v4 =	vadd.s32 v1, v4;
	_ =	sdelay $0x3  }
0x38f: {  	v3 =	vperm.xlane v3, v2  }
0x390: {  	[tilespmem:s2], [sflag:$0x3] =	stream.indirect_vreg.gather [hbm4b:s1+s0], $0x80, v4, vm0, $0xb8;
	[tilespmem:$0x18200] =	vst v63  }
0x391: {  	s17 =	simm.s32 $0x6A00;
	v3 =	vadd.s32 v1, v3  }
0x392: {  	[tilespmem:s17], [sflag:$0x3] =	stream.indirect_vreg.gather [hbm4b:s7+s0], $0x80, v4, vm0, $0xb8;
	[tilespmem:$0x18200] =	vst v63  }
0x393: {  	s18 =	simm.s32 $0x7200  }
0x394: {  	[tilespmem:s18], [sflag:$0x3] =	stream.indirect_vreg.gather [hbm4b:s8+s0], $0x80, v4, vm0, $0xb8;
	[tilespmem:$0x18200] =	vst v63  }
0x395: {  	s19 =	simm.s32 $0x7A00  }
0x396: {  	[tilespmem:s19], [sflag:$0x3] =	stream.indirect_vreg.gather [hbm4b:s1+s0], $0x80, v3, vm0, $0xb8;
	[tilespmem:$0x18200] =	vst v63  }
0x397: {  	s20 =	simm.s32 $0x8200  }
0x398: {  	[tilespmem:s20], [sflag:$0x3] =	stream.indirect_vreg.gather [hbm4b:s7+s0], $0x80, v3, vm0, $0xb8;
	[tilespmem:$0x18200] =	vst v63  }
0x399: {  	s21 =	simm.s32 $0x8A00  }
0x39a: {  	[tilespmem:s21], [sflag:$0x3] =	stream.indirect_vreg.gather [hbm4b:s8+s0], $0x80, v3, vm0, $0xb8;
	[tilespmem:$0x18200] =	vst v63  }
0x39b: {  	v3 =	vld [tilespmem:$0x1A0];
	_ =	sdelay $0x4  }
0x39c: {  	v63 =	vshrl.u32 v3, $0x3  }
0x39d: {  	v4 =	vmul.u32 $0x30, v63  }
0x39e: {  	v3 =	vand.u32 $0x7, v3  }
0x39f: {  	v3 =	vor.u32 v3, v4  }
0x3a0: {  	v4 =	vperm.xlane v3, v0;
	_ =	sdelay $0x1  }
0x3a1: {  	v4 =	vadd.s32 v1, v4;
	_ =	sdelay $0x3  }
0x3a2: {  	s22 =	simm.s32 $0x12200;
	v3 =	vperm.xlane v3, v2  }
0x3a3: {  	[tilespmem:s22], [sflag:$0x7] =	stream.indirect_vreg.gather [hbm4b:s3+s0], $0x80, v4, vm0, $0xb8;
	[tilespmem:$0x18200] =	vst v63  }
0x3a4: {  	s23 =	simm.s32 $0x12A00;
	v3 =	vadd.s32 v1, v3  }
0x3a5: {  	[tilespmem:s23], [sflag:$0x7] =	stream.indirect_vreg.gather [hbm4b:s9+s0], $0x80, v4, vm0, $0xb8;
	[tilespmem:$0x18200] =	vst v63  }
0x3a6: {  	s25 =	simm.s32 $0x13200  }
0x3a7: {  	[tilespmem:s25], [sflag:$0x7] =	stream.indirect_vreg.gather [hbm4b:s11+s0], $0x80, v4, vm0, $0xb8;
	[tilespmem:$0x18200] =	vst v63  }
0x3a8: {  	s26 =	simm.s32 $0x13A00  }
0x3a9: {  	[tilespmem:s26], [sflag:$0x7] =	stream.indirect_vreg.gather [hbm4b:s3+s0], $0x80, v3, vm0, $0xb8;
	[tilespmem:$0x18200] =	vst v63  }
0x3aa: {  	s28 =	simm.s32 $0x14200  }
0x3ab: {  	[tilespmem:s28], [sflag:$0x7] =	stream.indirect_vreg.gather [hbm4b:s9+s0], $0x80, v3, vm0, $0xb8;
	[tilespmem:$0x18200] =	vst v63  }
0x3ac: {  	s29 =	simm.s32 $0x14A00;
	s30 =	simm.s32 $0x4  }
0x3ad: {  	[tilespmem:s29], [sflag:$0x7] =	stream.indirect_vreg.gather [hbm4b:s11+s0], $0x80, v3, vm0, $0xb8;
	[tilespmem:$0x18200] =	vst v63  }
0x3ae: {  	_ =	swait.ge [sflag:s30], $0x3000  }
0x3af: {  	[sflag:s30] =	ssyncset.done $0x0  }
0x3b0: {  	s31 =	simm.s32 $0x8;
	[sflag:s30] =	ssyncadd.s32 $0xFFFFD000  }
0x3b1: {  	_ =	swait.ge [sflag:s31], $0x3000  }
0x3b2: {  	[sflag:s31] =	ssyncset.done $0x0  }
0x3b3: {  	[sflag:s31] =	ssyncadd.s32 $0xFFFFD000  }
.LBB2_30:
0x3b4: {  	s5 =	sshll.u32 s0, $0x7  }
0x3b5: {  	s23 =	sshrl.u32 s0, $0x3;
	s25 =	simm.s32 $0x280;
	s26 =	simm.s32 $0x0  }
0x3b6: {  	s13 =	simm.s32 $0x20;
	s14 =	simm.s32 $0x30;
	s15 =	simm.s32 $0x50  }
0x3b7: {  	s28 =	simm.s32 $0x200;
	s17 =	simm.s32 $0x100;
	s18 =	simm.s32 $0x40  }
0x3b8: {  	s19 =	simm.s32 $0x180;
	s20 =	simm.s32 $0x0;
	s31 =	sand.u32 $0x380, s5  }
0x3b9: {  	s29 =	smul.u32 $0x1800, s23;
	s13 =	sand.u32 $0x60, s13;
	s14 =	sand.u32 $0x70, s14  }
0x3ba: {  	s15 =	sand.u32 $0x70, s15;
	s18 =	sand.u32 $0x60, s18;
	s17 =	sand.u32 $0x3C00, s17  }
0x3bb: {  	s2 =	sand.u32 $0x3C00, s19;
	s20 =	sand.u32 $0x1C00, s20;
	s6 =	sor.u32 $0x10, s31  }
0x3bc: {  	s5 =	sand.u32 $0x3C00, s25;
	[dreg:$0xd] =	wrdreg s6;
	s6 =	sand.u32 $0x60, s26  }
0x3bd: {  	s19 =	sadd.s32 s29, s20;
	s12 =	rddreg [dreg:$0xd];
	s16 =	sor.u32 s31, s6  }
0x3be: {  	s6 =	sor.u32 s12, s6;
	s12 =	sand.u32 $0x3C00, s28;
	s16 =	sor.u32 s19, s16  }
0x3bf: {  	s25 =	simm.s32 $0x80;
	s12 =	sadd.s32 s29, s12;
	s20 =	sor.u32 s19, s6;
	v11 =	vld [tilespmem:s16+$0x9200]  }
0x3c0: {  	s17 =	sadd.s32 s29, s17;
	s5 =	sadd.s32 s29, s5;
	s12 =	sor.u32 s18, s12;
	v5 =	vld [tilespmem:s20+$0x9200]  }
0x3c1: {  	s21 =	sor.u32 s13, s17;
	s5 =	sor.u32 s15, s5;
	v6 =	vld [tilespmem:s20+$0x15200];
	s12 =	sor.u32 s31, s12  }
0x3c2: {  	s23 =	rddreg [dreg:$0xd];
	s17 =	sand.u32 $0x60, s25;
	s18 =	sadd.s32 s29, s2;
	v3 =	vld [tilespmem:s12+$0x9200]  }
0x3c3: {  	s13 =	simm.s32 $0x580;
	s22 =	sor.u32 s14, s18;
	s14 =	sor.u32 s31, s21;
	v4 =	vld [tilespmem:s12+$0x15200]  }
0x3c4: {  	s25 =	simm.s32 $0x500;
	s5 =	sor.u32 s31, s5;
	s28 =	simm.s32 $0x90;
	v7 =	vld [tilespmem:s14+$0x9200]  }
0x3c5: {  	s25 =	sand.u32 $0x3C00, s25;
	s6 =	simm.s32 $0x60;
	s15 =	sor.u32 s31, s22;
	v8 =	vld [tilespmem:s14+$0x15200]  }
0x3c6: {  	s19 =	sand.u32 $0x70, s28;
	s28 =	simm.s32 $0xA0;
	s25 =	sadd.s32 s29, s25;
	v9 =	vld [tilespmem:s15+$0x9200]  }
0x3c7: {  	s26 =	sand.u32 $0x60, s6;
	s2 =	simm.s32 $0x400;
	s28 =	sand.u32 $0x60, s28;
	v10 =	vld [tilespmem:s15+$0x15200]  }
0x3c8: {  	v12 =	vld [tilespmem:s16+$0x15200];
	s21 =	simm.s32 $0xB0;
	s23 =	sor.u32 s23, s26;
	s30 =	sand.u32 $0x3C00, s2  }
0x3c9: {  	v13 =	vld [tilespmem:s5+$0x9200];
	s18 =	sor.u32 s28, s25;
	s2 =	simm.s32 $0x300;
	s28 =	sand.u32 $0x3C00, s13;
	v3 =	vadd.f32 v4, v3  }
0x3ca: {  	s21 =	sand.u32 $0x70, s21;
	s22 =	sor.u32 s31, s26;
	s26 =	simm.s32 $0x480;
	v4 =	vadd.f32 v6, v5;
	v6 =	vld [tilespmem:s5+$0x15200]  }
0x3cb: {  	s18 =	sor.u32 s31, s18;
	s25 =	sand.u32 $0x1C00, s2;
	s26 =	sand.u32 $0x3C00, s26;
	v5 =	vadd.f32 v8, v7;
	[tilespmem:s12+$0x9200] =	vst v3  }
0x3cc: {  	s2 =	sadd.s32 s29, s30;
	s25 =	sadd.s32 s29, s25;
	s26 =	sadd.s32 s29, s26;
	[tilespmem:s20+$0x9200] =	vst v4;
	v4 =	vadd.f32 v10, v9;
	v3 =	vld [tilespmem:s18+$0x9200]  }
0x3cd: {  	s30 =	sor.u32 s25, s23;
	s26 =	sor.u32 s19, s26;
	v7 =	vadd.f32 v12, v11;
	[tilespmem:s14+$0x9200] =	vst v5;
	s12 =	sadd.s32 s29, s28;
	v5 =	vld [tilespmem:s18+$0x15200]  }
0x3ce: {  	s20 =	sor.u32 s17, s2;
	s14 =	sor.u32 s25, s22;
	s28 =	sor.u32 s21, s12;
	[tilespmem:s15+$0x9200] =	vst v4;
	v4 =	vld [tilespmem:s30+$0x9200]  }
0x3cf: {  	[tilespmem:s16+$0x9200] =	vst v7;
	s23 =	sor.u32 s31, s20;
	s12 =	sor.u32 s31, s26;
	s15 =	sor.u32 s31, s28;
	v7 =	vadd.f32 v6, v13;
	v6 =	vld [tilespmem:s30+$0x15200]  }
.LBB2_31:
0x3d0: {  	s16 =	rddreg [dreg:$0xd];
	s17 =	sadd.s32 $0x80, s6;
	s19 =	smov.u32 s6  }
0x3d1: {  	v8 =	vld [tilespmem:s23+$0x9200];
	s6 =	sadd.s32 $0x60, s6;
	s13 =	sadd.s32 $0x300, s13;
	[tilespmem:s5+$0x9200] =	vst v7;
	s5 =	smov.u32 s15  }
0x3d2: {  	s25 =	sand.u32 $0x60, s6;
	s20 =	sadd.s32 $0x90, s19;
	s21 =	sadd.s32 $0xB0, s19;
	v7 =	vld [tilespmem:s23+$0x15200]  }
0x3d3: {  	v9 =	vld [tilespmem:s12+$0x15200];
	s17 =	sand.u32 $0x60, s17;
	s26 =	sadd.s32 $0xFFFFFE80, s13;
	s28 =	sadd.s32 $0xFFFFFF00, s13;
	v3 =	vadd.f32 v5, v3  }
0x3d4: {  	v10 =	vld [tilespmem:s14+$0x9200];
	s19 =	sadd.s32 $0xA0, s19;
	s2 =	sand.u32 $0x3C00, s13;
	p0 =	slt.u32 s6, $0x2A0  }
0x3d5: {  	s22 =	sor.u32 s31, s25;
	s15 =	sor.u32 s16, s25;
	s25 =	sadd.s32 $0xFFFFFF80, s13;
	v5 =	vld [tilespmem:s12+$0x9200];
	[tilespmem:s18+$0x9200] =	vst v3;
	v3 =	vadd.f32 v6, v4  }
0x3d6: {  	s20 =	sand.u32 $0x70, s20;
	s16 =	sand.u32 $0x3C00, s26;
	s25 =	sand.u32 $0x3C00, s25;
	v4 =	vld [tilespmem:s14+$0x15200]  }
0x3d7: {  	s19 =	sand.u32 $0x60, s19;
	s25 =	sadd.s32 s29, s25;
	s18 =	sand.u32 $0x3C00, s28;
	v6 =	vld [tilespmem:s5+$0x9200];
	[tilespmem:s30+$0x9200] =	vst v3;
	v3 =	vadd.f32 v7, v8  }
0x3d8: {  	s26 =	sadd.s32 $0xFFFFFD80, s13;
	s19 =	sor.u32 s19, s25;
	s28 =	sadd.s32 s29, s18;
	v7 =	vld [tilespmem:s5+$0x15200]  }
.Ltmp14:
0x3d9: {  	s18 =	sor.u32 s31, s19;
	[tilespmem:s23+$0x9200] =	vst v3;
	s23 =	sand.u32 $0x1C00, s26;
	(pc) =	sbr.rel @p0 .LBB2_31-.Ltmp14, $4  }
0x3da: {  	s21 =	sand.u32 $0x70, s21;
	s16 =	sadd.s32 s29, s16;
	v8 =	vadd.f32 v9, v5;
	v5 =	vld [tilespmem:s18+$0x15200];
	s19 =	sadd.s32 s29, s23  }
0x3db: {  	s16 =	sor.u32 s17, s16;
	v3 =	vld [tilespmem:s18+$0x9200];
	s26 =	sadd.s32 s29, s2;
	v63 =	vadd.f32 v4, v10;
	s30 =	sor.u32 s19, s15  }
0x3dc: {  	s20 =	sor.u32 s20, s28;
	s17 =	sor.u32 s21, s26;
	[tilespmem:s12+$0x9200] =	vst v8;
	s23 =	sor.u32 s31, s16;
	v4 =	vld [tilespmem:s30+$0x9200]  }
0x3dd: {  	s12 =	sor.u32 s31, s20;
	s15 =	sor.u32 s31, s17;
	[tilespmem:s14+$0x9200] =	vst v63;
	s14 =	sor.u32 s19, s22;
	v7 =	vadd.f32 v7, v6;
	v6 =	vld [tilespmem:s30+$0x15200]  }
0x3de: {  	v8 =	vld [tilespmem:s23+$0x9200]  }
0x3df: {  	v9 =	vld [tilespmem:s23+$0x15200]  }
0x3e0: {  	v10 =	vld [tilespmem:s12+$0x9200]  }
0x3e1: {  	v11 =	vld [tilespmem:s12+$0x15200]  }
0x3e2: {  	v12 =	vld [tilespmem:s14+$0x9200]  }
0x3e3: {  	v14 =	vld [tilespmem:s15+$0x9200]  }
0x3e4: {  	v61 =	vld [tilespmem:s15+$0x15200]  }
0x3e5: {  	v13 =	vld [tilespmem:s14+$0x15200];
	v3 =	vadd.f32 v5, v3  }
0x3e6: {  	s0 =	sadd.s32 $0x1, s0;
	[tilespmem:s5+$0x9200] =	vst v7;
	v4 =	vadd.f32 v6, v4  }
0x3e7: {  	p0 =	sne.s32 s0, $0x10;
	[tilespmem:s18+$0x9200] =	vst v3;
	v3 =	vadd.f32 v9, v8  }
.Ltmp15:
0x3e8: {  	v62 =	vadd.f32 v11, v10;
	[tilespmem:s30+$0x9200] =	vst v4;
	(pc) =	sbr.rel @p0 .LBB2_30-.Ltmp15, $4  }
0x3e9: {  	v63 =	vadd.f32 v61, v14;
	[tilespmem:s23+$0x9200] =	vst v3  }
0x3ea: {  	v3 =	vadd.f32 v13, v12;
	[tilespmem:s12+$0x9200] =	vst v62  }
0x3eb: {  	[tilespmem:s15+$0x9200] =	vst v63  }
0x3ec: {  	[tilespmem:s14+$0x9200] =	vst v3  }
0x3ed: {  	s0 =	simm.s32 $0x0  }
0x3ee: {  	s5 =	rddreg [dreg:$0x1d];
	s2 =	simm.s32 $0x9200;
	s17 =	simm.s32 $0xC  }
0x3ef: {  	[hbm4b:s5+s0] =	stream.linear.scatter [tilespmem:s2], [sflag:$0xC], $0x3000, $0x38;
	[tilespmem:$0x18200] =	vst v63  }
0x3f0: {  	_ =	swait.ge [sflag:s17], $0x3000  }
0x3f1: {  	[sflag:s17] =	ssyncset.done $0x0  }
0x3f2: {  	[sflag:s17] =	ssyncadd.s32 $0xFFFFD000  }
0x3f3: {  	v3 =	vld [tilespmem:$0xB0];
	_ =	sdelay $0x4  }
0x3f4: {  	v4 =	vshrl.u32 v3, $0x3  }
0x3f5: {  	v4 =	vmul.u32 $0x30, v4  }
0x3f6: {  	v3 =	vand.u32 $0x7, v3  }
0x3f7: {  	v3 =	vor.u32 v3, v4  }
0x3f8: {  	v4 =	vperm.xlane v3, v0;
	_ =	sdelay $0x1  }
0x3f9: {  	v4 =	vadd.s32 v1, v4;
	_ =	sdelay $0x3  }
0x3fa: {  	v3 =	vperm.xlane v3, v2  }
0x3fb: {  	[tilespmem:s2], [sflag:$0x4] =	stream.indirect_vreg.gather [hbm4b:s1+s0], $0x80, v4, vm0, $0xb8;
	[tilespmem:$0x18200] =	vst v63  }
0x3fc: {  	s18 =	simm.s32 $0x9A00;
	v3 =	vadd.s32 v1, v3  }
0x3fd: {  	[tilespmem:s18], [sflag:$0x4] =	stream.indirect_vreg.gather [hbm4b:s7+s0], $0x80, v4, vm0, $0xb8;
	[tilespmem:$0x18200] =	vst v63  }
0x3fe: {  	s19 =	simm.s32 $0xA200  }
0x3ff: {  	[tilespmem:s19], [sflag:$0x4] =	stream.indirect_vreg.gather [hbm4b:s8+s0], $0x80, v4, vm0, $0xb8;
	[tilespmem:$0x18200] =	vst v63  }
0x400: {  	s20 =	simm.s32 $0xAA00  }
0x401: {  	[tilespmem:s20], [sflag:$0x4] =	stream.indirect_vreg.gather [hbm4b:s1+s0], $0x80, v3, vm0, $0xb8;
	[tilespmem:$0x18200] =	vst v63  }
0x402: {  	s21 =	simm.s32 $0xB200  }
0x403: {  	[tilespmem:s21], [sflag:$0x4] =	stream.indirect_vreg.gather [hbm4b:s7+s0], $0x80, v3, vm0, $0xb8;
	[tilespmem:$0x18200] =	vst v63  }
0x404: {  	s22 =	simm.s32 $0xBA00  }
0x405: {  	[tilespmem:s22], [sflag:$0x4] =	stream.indirect_vreg.gather [hbm4b:s8+s0], $0x80, v3, vm0, $0xb8;
	[tilespmem:$0x18200] =	vst v63  }
0x406: {  	v3 =	vld [tilespmem:$0x1B0];
	_ =	sdelay $0x4  }
0x407: {  	v63 =	vshrl.u32 v3, $0x3  }
0x408: {  	v4 =	vmul.u32 $0x30, v63  }
0x409: {  	v3 =	vand.u32 $0x7, v3  }
0x40a: {  	v3 =	vor.u32 v3, v4  }
0x40b: {  	v4 =	vperm.xlane v3, v0;
	_ =	sdelay $0x1  }
0x40c: {  	v4 =	vadd.s32 v1, v4;
	_ =	sdelay $0x3  }
0x40d: {  	s23 =	simm.s32 $0x15200;
	v3 =	vperm.xlane v3, v2  }
0x40e: {  	[tilespmem:s23], [sflag:$0x8] =	stream.indirect_vreg.gather [hbm4b:s3+s0], $0x80, v4, vm0, $0xb8;
	[tilespmem:$0x18200] =	vst v63  }
0x40f: {  	s25 =	simm.s32 $0x15A00;
	v3 =	vadd.s32 v1, v3  }
0x410: {  	[tilespmem:s25], [sflag:$0x8] =	stream.indirect_vreg.gather [hbm4b:s9+s0], $0x80, v4, vm0, $0xb8;
	[tilespmem:$0x18200] =	vst v63  }
0x411: {  	s26 =	simm.s32 $0x16200  }
0x412: {  	[tilespmem:s26], [sflag:$0x8] =	stream.indirect_vreg.gather [hbm4b:s11+s0], $0x80, v4, vm0, $0xb8;
	[tilespmem:$0x18200] =	vst v63  }
0x413: {  	s28 =	simm.s32 $0x16A00  }
0x414: {  	[tilespmem:s28], [sflag:$0x8] =	stream.indirect_vreg.gather [hbm4b:s3+s0], $0x80, v3, vm0, $0xb8;
	[tilespmem:$0x18200] =	vst v63  }
0x415: {  	s29 =	simm.s32 $0x17200  }
0x416: {  	[tilespmem:s29], [sflag:$0x8] =	stream.indirect_vreg.gather [hbm4b:s9+s0], $0x80, v3, vm0, $0xb8;
	[tilespmem:$0x18200] =	vst v63  }
0x417: {  	s30 =	simm.s32 $0x17A00;
	s31 =	simm.s32 $0x1  }
0x418: {  	[tilespmem:s30], [sflag:$0x8] =	stream.indirect_vreg.gather [hbm4b:s11+s0], $0x80, v3, vm0, $0xb8;
	[tilespmem:$0x18200] =	vst v63  }
0x419: {  	_ =	swait.ge [sflag:s31], $0x3000  }
0x41a: {  	[sflag:s31] =	ssyncset.done $0x0  }
0x41b: {  	[sflag:s31] =	ssyncadd.s32 $0xFFFFD000  }
0x41c: {  	_ =	swait.ge [sflag:s24], $0x3000  }
0x41d: {  	[sflag:s24] =	ssyncset.done $0x0  }
0x41e: {  	[sflag:s24] =	ssyncadd.s32 $0xFFFFD000  }
.LBB2_34:
0x41f: {  	s5 =	sshll.u32 s0, $0x7  }
0x420: {  	s23 =	sshrl.u32 s0, $0x3;
	s25 =	simm.s32 $0x280;
	s26 =	simm.s32 $0x0  }
0x421: {  	s13 =	simm.s32 $0x20;
	s14 =	simm.s32 $0x30;
	s15 =	simm.s32 $0x50  }
0x422: {  	s28 =	simm.s32 $0x200;
	s17 =	simm.s32 $0x100;
	s18 =	simm.s32 $0x40  }
0x423: {  	s19 =	simm.s32 $0x180;
	s20 =	simm.s32 $0x0;
	s31 =	sand.u32 $0x380, s5  }
0x424: {  	s29 =	smul.u32 $0x1800, s23;
	s13 =	sand.u32 $0x60, s13;
	s14 =	sand.u32 $0x70, s14  }
0x425: {  	s15 =	sand.u32 $0x70, s15;
	s18 =	sand.u32 $0x60, s18;
	s17 =	sand.u32 $0x3C00, s17  }
0x426: {  	s2 =	sand.u32 $0x3C00, s19;
	s20 =	sand.u32 $0x1C00, s20;
	s6 =	sor.u32 $0x10, s31  }
0x427: {  	s5 =	sand.u32 $0x3C00, s25;
	[dreg:$0xe] =	wrdreg s6;
	s6 =	sand.u32 $0x60, s26  }
0x428: {  	s19 =	sadd.s32 s29, s20;
	s12 =	rddreg [dreg:$0xe];
	s16 =	sor.u32 s31, s6  }
0x429: {  	s6 =	sor.u32 s12, s6;
	s12 =	sand.u32 $0x3C00, s28;
	s16 =	sor.u32 s19, s16  }
0x42a: {  	s25 =	simm.s32 $0x80;
	s12 =	sadd.s32 s29, s12;
	s20 =	sor.u32 s19, s6;
	v11 =	vld [tilespmem:s16+$0x200]  }
0x42b: {  	s17 =	sadd.s32 s29, s17;
	s5 =	sadd.s32 s29, s5;
	s12 =	sor.u32 s18, s12;
	v5 =	vld [tilespmem:s20+$0x200]  }
0x42c: {  	s21 =	sor.u32 s13, s17;
	s5 =	sor.u32 s15, s5;
	v6 =	vld [tilespmem:s20+$0xC200];
	s12 =	sor.u32 s31, s12  }
0x42d: {  	s23 =	rddreg [dreg:$0xe];
	s17 =	sand.u32 $0x60, s25;
	s18 =	sadd.s32 s29, s2;
	v3 =	vld [tilespmem:s12+$0x200]  }
0x42e: {  	s13 =	simm.s32 $0x580;
	s22 =	sor.u32 s14, s18;
	s14 =	sor.u32 s31, s21;
	v4 =	vld [tilespmem:s12+$0xC200]  }
0x42f: {  	s25 =	simm.s32 $0x500;
	s5 =	sor.u32 s31, s5;
	s28 =	simm.s32 $0x90;
	v7 =	vld [tilespmem:s14+$0x200]  }
0x430: {  	s25 =	sand.u32 $0x3C00, s25;
	s6 =	simm.s32 $0x60;
	s15 =	sor.u32 s31, s22;
	v8 =	vld [tilespmem:s14+$0xC200]  }
0x431: {  	s19 =	sand.u32 $0x70, s28;
	s28 =	simm.s32 $0xA0;
	s25 =	sadd.s32 s29, s25;
	v9 =	vld [tilespmem:s15+$0x200]  }
0x432: {  	s26 =	sand.u32 $0x60, s6;
	s2 =	simm.s32 $0x400;
	s28 =	sand.u32 $0x60, s28;
	v10 =	vld [tilespmem:s15+$0xC200]  }
0x433: {  	v12 =	vld [tilespmem:s16+$0xC200];
	s21 =	simm.s32 $0xB0;
	s23 =	sor.u32 s23, s26;
	s30 =	sand.u32 $0x3C00, s2  }
0x434: {  	v13 =	vld [tilespmem:s5+$0x200];
	s18 =	sor.u32 s28, s25;
	s2 =	simm.s32 $0x300;
	s28 =	sand.u32 $0x3C00, s13;
	v3 =	vadd.f32 v4, v3  }
0x435: {  	s21 =	sand.u32 $0x70, s21;
	s22 =	sor.u32 s31, s26;
	s26 =	simm.s32 $0x480;
	v4 =	vadd.f32 v6, v5;
	v6 =	vld [tilespmem:s5+$0xC200]  }
0x436: {  	s18 =	sor.u32 s31, s18;
	s25 =	sand.u32 $0x1C00, s2;
	s26 =	sand.u32 $0x3C00, s26;
	v5 =	vadd.f32 v8, v7;
	[tilespmem:s12+$0x200] =	vst v3  }
0x437: {  	s2 =	sadd.s32 s29, s30;
	s25 =	sadd.s32 s29, s25;
	s26 =	sadd.s32 s29, s26;
	[tilespmem:s20+$0x200] =	vst v4;
	v4 =	vadd.f32 v10, v9;
	v3 =	vld [tilespmem:s18+$0x200]  }
0x438: {  	s30 =	sor.u32 s25, s23;
	s26 =	sor.u32 s19, s26;
	v7 =	vadd.f32 v12, v11;
	[tilespmem:s14+$0x200] =	vst v5;
	s12 =	sadd.s32 s29, s28;
	v5 =	vld [tilespmem:s18+$0xC200]  }
0x439: {  	s20 =	sor.u32 s17, s2;
	s14 =	sor.u32 s25, s22;
	s28 =	sor.u32 s21, s12;
	[tilespmem:s15+$0x200] =	vst v4;
	v4 =	vld [tilespmem:s30+$0x200]  }
0x43a: {  	[tilespmem:s16+$0x200] =	vst v7;
	s23 =	sor.u32 s31, s20;
	s12 =	sor.u32 s31, s26;
	s15 =	sor.u32 s31, s28;
	v7 =	vadd.f32 v6, v13;
	v6 =	vld [tilespmem:s30+$0xC200]  }
.LBB2_35:
0x43b: {  	s16 =	rddreg [dreg:$0xe];
	s17 =	sadd.s32 $0x80, s6;
	s19 =	smov.u32 s6  }
0x43c: {  	v8 =	vld [tilespmem:s23+$0x200];
	s6 =	sadd.s32 $0x60, s6;
	s13 =	sadd.s32 $0x300, s13;
	[tilespmem:s5+$0x200] =	vst v7;
	s5 =	smov.u32 s15  }
0x43d: {  	s25 =	sand.u32 $0x60, s6;
	s20 =	sadd.s32 $0x90, s19;
	s21 =	sadd.s32 $0xB0, s19;
	v7 =	vld [tilespmem:s23+$0xC200]  }
0x43e: {  	v9 =	vld [tilespmem:s12+$0xC200];
	s17 =	sand.u32 $0x60, s17;
	s26 =	sadd.s32 $0xFFFFFE80, s13;
	s28 =	sadd.s32 $0xFFFFFF00, s13;
	v3 =	vadd.f32 v5, v3  }
0x43f: {  	v10 =	vld [tilespmem:s14+$0x200];
	s19 =	sadd.s32 $0xA0, s19;
	s2 =	sand.u32 $0x3C00, s13;
	p0 =	slt.u32 s6, $0x2A0  }
0x440: {  	s22 =	sor.u32 s31, s25;
	s15 =	sor.u32 s16, s25;
	s25 =	sadd.s32 $0xFFFFFF80, s13;
	v5 =	vld [tilespmem:s12+$0x200];
	[tilespmem:s18+$0x200] =	vst v3;
	v3 =	vadd.f32 v6, v4  }
0x441: {  	s20 =	sand.u32 $0x70, s20;
	s16 =	sand.u32 $0x3C00, s26;
	s25 =	sand.u32 $0x3C00, s25;
	v4 =	vld [tilespmem:s14+$0xC200]  }
0x442: {  	s19 =	sand.u32 $0x60, s19;
	s25 =	sadd.s32 s29, s25;
	s18 =	sand.u32 $0x3C00, s28;
	v6 =	vld [tilespmem:s5+$0x200];
	[tilespmem:s30+$0x200] =	vst v3;
	v3 =	vadd.f32 v7, v8  }
0x443: {  	s26 =	sadd.s32 $0xFFFFFD80, s13;
	s19 =	sor.u32 s19, s25;
	s28 =	sadd.s32 s29, s18;
	v7 =	vld [tilespmem:s5+$0xC200]  }
.Ltmp16:
0x444: {  	s18 =	sor.u32 s31, s19;
	[tilespmem:s23+$0x200] =	vst v3;
	s23 =	sand.u32 $0x1C00, s26;
	(pc) =	sbr.rel @p0 .LBB2_35-.Ltmp16, $4  }
0x445: {  	s21 =	sand.u32 $0x70, s21;
	s16 =	sadd.s32 s29, s16;
	v8 =	vadd.f32 v9, v5;
	v5 =	vld [tilespmem:s18+$0xC200];
	s19 =	sadd.s32 s29, s23  }
0x446: {  	s16 =	sor.u32 s17, s16;
	v3 =	vld [tilespmem:s18+$0x200];
	s26 =	sadd.s32 s29, s2;
	v63 =	vadd.f32 v4, v10;
	s30 =	sor.u32 s19, s15  }
0x447: {  	s20 =	sor.u32 s20, s28;
	s17 =	sor.u32 s21, s26;
	[tilespmem:s12+$0x200] =	vst v8;
	s23 =	sor.u32 s31, s16;
	v4 =	vld [tilespmem:s30+$0x200]  }
0x448: {  	s12 =	sor.u32 s31, s20;
	s15 =	sor.u32 s31, s17;
	[tilespmem:s14+$0x200] =	vst v63;
	s14 =	sor.u32 s19, s22;
	v7 =	vadd.f32 v7, v6;
	v6 =	vld [tilespmem:s30+$0xC200]  }
0x449: {  	v8 =	vld [tilespmem:s23+$0x200]  }
0x44a: {  	v9 =	vld [tilespmem:s23+$0xC200]  }
0x44b: {  	v10 =	vld [tilespmem:s12+$0x200]  }
0x44c: {  	v11 =	vld [tilespmem:s12+$0xC200]  }
0x44d: {  	v12 =	vld [tilespmem:s14+$0x200]  }
0x44e: {  	v14 =	vld [tilespmem:s15+$0x200]  }
0x44f: {  	v61 =	vld [tilespmem:s15+$0xC200]  }
0x450: {  	v13 =	vld [tilespmem:s14+$0xC200];
	v3 =	vadd.f32 v5, v3  }
0x451: {  	s0 =	sadd.s32 $0x1, s0;
	[tilespmem:s5+$0x200] =	vst v7;
	v4 =	vadd.f32 v6, v4  }
0x452: {  	p0 =	sne.s32 s0, $0x10;
	[tilespmem:s18+$0x200] =	vst v3;
	v3 =	vadd.f32 v9, v8  }
.Ltmp17:
0x453: {  	v62 =	vadd.f32 v11, v10;
	[tilespmem:s30+$0x200] =	vst v4;
	(pc) =	sbr.rel @p0 .LBB2_34-.Ltmp17, $4  }
0x454: {  	v63 =	vadd.f32 v61, v14;
	[tilespmem:s23+$0x200] =	vst v3  }
0x455: {  	v3 =	vadd.f32 v13, v12;
	[tilespmem:s12+$0x200] =	vst v62  }
0x456: {  	[tilespmem:s15+$0x200] =	vst v63  }
0x457: {  	[tilespmem:s14+$0x200] =	vst v3  }
0x458: {  	s0 =	simm.s32 $0x0  }
0x459: {  	s5 =	rddreg [dreg:$0x1e];
	s6 =	simm.s32 $0x200;
	s2 =	simm.s32 $0x9  }
0x45a: {  	[hbm4b:s5+s0] =	stream.linear.scatter [tilespmem:s6], [sflag:$0x9], $0x3000, $0x38;
	[tilespmem:$0x18200] =	vst v63  }
0x45b: {  	_ =	swait.ge [sflag:s2], $0x3000  }
0x45c: {  	[sflag:s2] =	ssyncset.done $0x0  }
0x45d: {  	[sflag:s2] =	ssyncadd.s32 $0xFFFFD000  }
0x45e: {  	v3 =	vld [tilespmem:$0xC0];
	_ =	sdelay $0x4  }
0x45f: {  	v4 =	vshrl.u32 v3, $0x3  }
0x460: {  	v4 =	vmul.u32 $0x30, v4  }
0x461: {  	v3 =	vand.u32 $0x7, v3  }
0x462: {  	v3 =	vor.u32 v3, v4  }
0x463: {  	v4 =	vperm.xlane v3, v0;
	_ =	sdelay $0x1  }
0x464: {  	v4 =	vadd.s32 v1, v4;
	_ =	sdelay $0x3  }
0x465: {  	v3 =	vperm.xlane v3, v2  }
0x466: {  	[tilespmem:s6], [sflag:$0x1] =	stream.indirect_vreg.gather [hbm4b:s1+s0], $0x80, v4, vm0, $0xb8;
	[tilespmem:$0x18200] =	vst v63  }
0x467: {  	s18 =	simm.s32 $0xA00;
	v3 =	vadd.s32 v1, v3  }
0x468: {  	[tilespmem:s18], [sflag:$0x1] =	stream.indirect_vreg.gather [hbm4b:s7+s0], $0x80, v4, vm0, $0xb8;
	[tilespmem:$0x18200] =	vst v63  }
0x469: {  	s19 =	simm.s32 $0x1200  }
0x46a: {  	[tilespmem:s19], [sflag:$0x1] =	stream.indirect_vreg.gather [hbm4b:s8+s0], $0x80, v4, vm0, $0xb8;
	[tilespmem:$0x18200] =	vst v63  }
0x46b: {  	s20 =	simm.s32 $0x1A00  }
0x46c: {  	[tilespmem:s20], [sflag:$0x1] =	stream.indirect_vreg.gather [hbm4b:s1+s0], $0x80, v3, vm0, $0xb8;
	[tilespmem:$0x18200] =	vst v63  }
0x46d: {  	s21 =	simm.s32 $0x2200  }
0x46e: {  	[tilespmem:s21], [sflag:$0x1] =	stream.indirect_vreg.gather [hbm4b:s7+s0], $0x80, v3, vm0, $0xb8;
	[tilespmem:$0x18200] =	vst v63  }
0x46f: {  	s22 =	simm.s32 $0x2A00  }
0x470: {  	[tilespmem:s22], [sflag:$0x1] =	stream.indirect_vreg.gather [hbm4b:s8+s0], $0x80, v3, vm0, $0xb8;
	[tilespmem:$0x18200] =	vst v63  }
0x471: {  	v3 =	vld [tilespmem:$0x1C0];
	_ =	sdelay $0x4  }
0x472: {  	v63 =	vshrl.u32 v3, $0x3  }
0x473: {  	v4 =	vmul.u32 $0x30, v63  }
0x474: {  	v3 =	vand.u32 $0x7, v3  }
0x475: {  	v3 =	vor.u32 v3, v4  }
0x476: {  	v4 =	vperm.xlane v3, v0;
	_ =	sdelay $0x1  }
0x477: {  	v4 =	vadd.s32 v1, v4;
	_ =	sdelay $0x3  }
0x478: {  	v3 =	vperm.xlane v3, v2  }
0x479: {  	[tilespmem:s10], [sflag:$0x5] =	stream.indirect_vreg.gather [hbm4b:s3+s0], $0x80, v4, vm0, $0xb8;
	[tilespmem:$0x18200] =	vst v63  }
0x47a: {  	s23 =	simm.s32 $0xCA00;
	v3 =	vadd.s32 v1, v3  }
0x47b: {  	[tilespmem:s23], [sflag:$0x5] =	stream.indirect_vreg.gather [hbm4b:s9+s0], $0x80, v4, vm0, $0xb8;
	[tilespmem:$0x18200] =	vst v63  }
0x47c: {  	s25 =	simm.s32 $0xD200  }
0x47d: {  	[tilespmem:s25], [sflag:$0x5] =	stream.indirect_vreg.gather [hbm4b:s11+s0], $0x80, v4, vm0, $0xb8;
	[tilespmem:$0x18200] =	vst v63  }
0x47e: {  	s26 =	simm.s32 $0xDA00  }
0x47f: {  	[tilespmem:s26], [sflag:$0x5] =	stream.indirect_vreg.gather [hbm4b:s3+s0], $0x80, v3, vm0, $0xb8;
	[tilespmem:$0x18200] =	vst v63  }
0x480: {  	s28 =	simm.s32 $0xE200  }
0x481: {  	[tilespmem:s28], [sflag:$0x5] =	stream.indirect_vreg.gather [hbm4b:s9+s0], $0x80, v3, vm0, $0xb8;
	[tilespmem:$0x18200] =	vst v63  }
0x482: {  	s29 =	simm.s32 $0xEA00;
	s30 =	simm.s32 $0x2  }
0x483: {  	[tilespmem:s29], [sflag:$0x5] =	stream.indirect_vreg.gather [hbm4b:s11+s0], $0x80, v3, vm0, $0xb8;
	[tilespmem:$0x18200] =	vst v63  }
0x484: {  	_ =	swait.ge [sflag:s30], $0x3000  }
0x485: {  	[sflag:s30] =	ssyncset.done $0x0  }
0x486: {  	s31 =	simm.s32 $0x6;
	[sflag:s30] =	ssyncadd.s32 $0xFFFFD000  }
0x487: {  	_ =	swait.ge [sflag:s31], $0x3000  }
0x488: {  	[sflag:s31] =	ssyncset.done $0x0  }
0x489: {  	[sflag:s31] =	ssyncadd.s32 $0xFFFFD000  }
.LBB2_38:
0x48a: {  	s5 =	sshll.u32 s0, $0x7  }
0x48b: {  	s25 =	sshrl.u32 s0, $0x3;
	s26 =	simm.s32 $0x280;
	s28 =	simm.s32 $0x0  }
0x48c: {  	s13 =	simm.s32 $0x20;
	s14 =	simm.s32 $0x30;
	s15 =	simm.s32 $0x50  }
0x48d: {  	s2 =	simm.s32 $0x200;
	s17 =	simm.s32 $0x100;
	s18 =	simm.s32 $0x40  }
0x48e: {  	s19 =	simm.s32 $0x180;
	s20 =	simm.s32 $0x0;
	s31 =	sand.u32 $0x380, s5  }
0x48f: {  	s29 =	smul.u32 $0x1800, s25;
	s13 =	sand.u32 $0x60, s13;
	s14 =	sand.u32 $0x70, s14  }
0x490: {  	s15 =	sand.u32 $0x70, s15;
	s18 =	sand.u32 $0x60, s18;
	s17 =	sand.u32 $0x3C00, s17  }
0x491: {  	s10 =	sand.u32 $0x3C00, s19;
	s20 =	sand.u32 $0x1C00, s20;
	s6 =	sor.u32 $0x10, s31  }
0x492: {  	s5 =	sand.u32 $0x3C00, s26;
	[dreg:$0xf] =	wrdreg s6;
	s6 =	sand.u32 $0x60, s28  }
0x493: {  	s19 =	sadd.s32 s29, s20;
	s12 =	rddreg [dreg:$0xf];
	s16 =	sor.u32 s31, s6  }
0x494: {  	s6 =	sor.u32 s12, s6;
	s12 =	sand.u32 $0x3C00, s2;
	s16 =	sor.u32 s19, s16  }
0x495: {  	s25 =	simm.s32 $0x80;
	s12 =	sadd.s32 s29, s12;
	s20 =	sor.u32 s19, s6;
	v11 =	vld [tilespmem:s16+$0x3200]  }
0x496: {  	s17 =	sadd.s32 s29, s17;
	s5 =	sadd.s32 s29, s5;
	s12 =	sor.u32 s18, s12;
	v5 =	vld [tilespmem:s20+$0x3200]  }
0x497: {  	s28 =	simm.s32 $0x90;
	s21 =	sor.u32 s13, s17;
	v6 =	vld [tilespmem:s20+$0xF200];
	s12 =	sor.u32 s31, s12  }
0x498: {  	s5 =	sor.u32 s15, s5;
	s23 =	rddreg [dreg:$0xf];
	s18 =	sadd.s32 s29, s10;
	v3 =	vld [tilespmem:s12+$0x3200]  }
0x499: {  	s17 =	sand.u32 $0x60, s25;
	s22 =	sor.u32 s14, s18;
	s14 =	sor.u32 s31, s21;
	v4 =	vld [tilespmem:s12+$0xF200]  }
0x49a: {  	s13 =	simm.s32 $0x580;
	s25 =	simm.s32 $0x500;
	s5 =	sor.u32 s31, s5;
	v7 =	vld [tilespmem:s14+$0x3200]  }
0x49b: {  	s2 =	simm.s32 $0x400;
	s25 =	sand.u32 $0x3C00, s25;
	s15 =	sor.u32 s31, s22;
	v8 =	vld [tilespmem:s14+$0xF200]  }
0x49c: {  	s6 =	simm.s32 $0x60;
	s19 =	sand.u32 $0x70, s28;
	s28 =	simm.s32 $0xA0;
	v9 =	vld [tilespmem:s15+$0x3200]  }
0x49d: {  	s30 =	sand.u32 $0x3C00, s2;
	s25 =	sadd.s32 s29, s25;
	s2 =	sand.u32 $0x3C00, s13;
	v10 =	vld [tilespmem:s15+$0xF200]  }
0x49e: {  	v12 =	vld [tilespmem:s16+$0xF200];
	s26 =	sand.u32 $0x60, s6;
	s10 =	sand.u32 $0x60, s28;
	s28 =	simm.s32 $0x300  }
0x49f: {  	v13 =	vld [tilespmem:s5+$0x3200];
	s21 =	simm.s32 $0xB0;
	s23 =	sor.u32 s23, s26;
	s18 =	sor.u32 s10, s25;
	v3 =	vadd.f32 v4, v3  }
0x4a0: {  	s25 =	sand.u32 $0x1C00, s28;
	s22 =	sor.u32 s31, s26;
	s26 =	simm.s32 $0x480;
	v4 =	vadd.f32 v6, v5;
	v6 =	vld [tilespmem:s5+$0xF200]  }
0x4a1: {  	s10 =	sadd.s32 s29, s30;
	s18 =	sor.u32 s31, s18;
	s26 =	sand.u32 $0x3C00, s26;
	v5 =	vadd.f32 v8, v7;
	[tilespmem:s12+$0x3200] =	vst v3  }
0x4a2: {  	s21 =	sand.u32 $0x70, s21;
	s25 =	sadd.s32 s29, s25;
	s26 =	sadd.s32 s29, s26;
	[tilespmem:s20+$0x3200] =	vst v4;
	v4 =	vadd.f32 v10, v9;
	v3 =	vld [tilespmem:s18+$0x3200]  }
0x4a3: {  	s30 =	sor.u32 s25, s23;
	s26 =	sor.u32 s19, s26;
	v7 =	vadd.f32 v12, v11;
	[tilespmem:s14+$0x3200] =	vst v5;
	s12 =	sadd.s32 s29, s2;
	v5 =	vld [tilespmem:s18+$0xF200]  }
0x4a4: {  	s20 =	sor.u32 s17, s10;
	s14 =	sor.u32 s25, s22;
	s28 =	sor.u32 s21, s12;
	[tilespmem:s15+$0x3200] =	vst v4;
	v4 =	vld [tilespmem:s30+$0x3200]  }
0x4a5: {  	[tilespmem:s16+$0x3200] =	vst v7;
	s23 =	sor.u32 s31, s20;
	s12 =	sor.u32 s31, s26;
	s15 =	sor.u32 s31, s28;
	v7 =	vadd.f32 v6, v13;
	v6 =	vld [tilespmem:s30+$0xF200]  }
.LBB2_39:
0x4a6: {  	s16 =	rddreg [dreg:$0xf];
	s17 =	sadd.s32 $0x80, s6;
	s19 =	smov.u32 s6  }
0x4a7: {  	v8 =	vld [tilespmem:s23+$0x3200];
	s6 =	sadd.s32 $0x60, s6;
	s13 =	sadd.s32 $0x300, s13;
	[tilespmem:s5+$0x3200] =	vst v7;
	s5 =	smov.u32 s15  }
0x4a8: {  	s26 =	sand.u32 $0x60, s6;
	s20 =	sadd.s32 $0x90, s19;
	s21 =	sadd.s32 $0xB0, s19;
	v7 =	vld [tilespmem:s23+$0xF200]  }
0x4a9: {  	v9 =	vld [tilespmem:s12+$0xF200];
	s17 =	sand.u32 $0x60, s17;
	s28 =	sadd.s32 $0xFFFFFE80, s13;
	s2 =	sadd.s32 $0xFFFFFF00, s13;
	v3 =	vadd.f32 v5, v3  }
0x4aa: {  	v10 =	vld [tilespmem:s14+$0x3200];
	s25 =	sadd.s32 $0xFFFFFF80, s13;
	s19 =	sadd.s32 $0xA0, s19;
	s10 =	sand.u32 $0x3C00, s13  }
0x4ab: {  	p0 =	slt.u32 s6, $0x2A0;
	s20 =	sand.u32 $0x70, s20;
	s22 =	sor.u32 s31, s26;
	v5 =	vld [tilespmem:s12+$0x3200];
	[tilespmem:s18+$0x3200] =	vst v3;
	v3 =	vadd.f32 v6, v4  }
0x4ac: {  	s15 =	sor.u32 s16, s26;
	s16 =	sand.u32 $0x3C00, s28;
	s25 =	sand.u32 $0x3C00, s25;
	v4 =	vld [tilespmem:s14+$0xF200]  }
0x4ad: {  	s19 =	sand.u32 $0x60, s19;
	s25 =	sadd.s32 s29, s25;
	s18 =	sand.u32 $0x3C00, s2;
	v6 =	vld [tilespmem:s5+$0x3200];
	[tilespmem:s30+$0x3200] =	vst v3;
	v3 =	vadd.f32 v7, v8  }
0x4ae: {  	s26 =	sadd.s32 $0xFFFFFD80, s13;
	s19 =	sor.u32 s19, s25;
	s28 =	sadd.s32 s29, s18;
	v7 =	vld [tilespmem:s5+$0xF200]  }
.Ltmp18:
0x4af: {  	s18 =	sor.u32 s31, s19;
	[tilespmem:s23+$0x3200] =	vst v3;
	s23 =	sand.u32 $0x1C00, s26;
	(pc) =	sbr.rel @p0 .LBB2_39-.Ltmp18, $4  }
0x4b0: {  	s21 =	sand.u32 $0x70, s21;
	s16 =	sadd.s32 s29, s16;
	v8 =	vadd.f32 v9, v5;
	v5 =	vld [tilespmem:s18+$0xF200];
	s19 =	sadd.s32 s29, s23  }
0x4b1: {  	s16 =	sor.u32 s17, s16;
	v3 =	vld [tilespmem:s18+$0x3200];
	s26 =	sadd.s32 s29, s10;
	v63 =	vadd.f32 v4, v10;
	s30 =	sor.u32 s19, s15  }
0x4b2: {  	s20 =	sor.u32 s20, s28;
	s17 =	sor.u32 s21, s26;
	[tilespmem:s12+$0x3200] =	vst v8;
	s23 =	sor.u32 s31, s16;
	v4 =	vld [tilespmem:s30+$0x3200]  }
0x4b3: {  	s12 =	sor.u32 s31, s20;
	s15 =	sor.u32 s31, s17;
	[tilespmem:s14+$0x3200] =	vst v63;
	s14 =	sor.u32 s19, s22;
	v7 =	vadd.f32 v7, v6;
	v6 =	vld [tilespmem:s30+$0xF200]  }
0x4b4: {  	v8 =	vld [tilespmem:s23+$0x3200]  }
0x4b5: {  	v9 =	vld [tilespmem:s23+$0xF200]  }
0x4b6: {  	v10 =	vld [tilespmem:s12+$0x3200]  }
0x4b7: {  	v11 =	vld [tilespmem:s12+$0xF200]  }
0x4b8: {  	v12 =	vld [tilespmem:s14+$0x3200]  }
0x4b9: {  	v14 =	vld [tilespmem:s15+$0x3200]  }
0x4ba: {  	v61 =	vld [tilespmem:s15+$0xF200]  }
0x4bb: {  	v13 =	vld [tilespmem:s14+$0xF200];
	v3 =	vadd.f32 v5, v3  }
0x4bc: {  	s0 =	sadd.s32 $0x1, s0;
	[tilespmem:s5+$0x3200] =	vst v7;
	v4 =	vadd.f32 v6, v4  }
0x4bd: {  	p0 =	sne.s32 s0, $0x10;
	[tilespmem:s18+$0x3200] =	vst v3;
	v3 =	vadd.f32 v9, v8  }
.Ltmp19:
0x4be: {  	v62 =	vadd.f32 v11, v10;
	[tilespmem:s30+$0x3200] =	vst v4;
	(pc) =	sbr.rel @p0 .LBB2_38-.Ltmp19, $4  }
0x4bf: {  	v63 =	vadd.f32 v61, v14;
	[tilespmem:s23+$0x3200] =	vst v3  }
0x4c0: {  	v3 =	vadd.f32 v13, v12;
	[tilespmem:s12+$0x3200] =	vst v62  }
0x4c1: {  	[tilespmem:s15+$0x3200] =	vst v63  }
0x4c2: {  	[tilespmem:s14+$0x3200] =	vst v3  }
0x4c3: {  	s0 =	simm.s32 $0x0  }
0x4c4: {  	s5 =	rddreg [dreg:$0x1f];
	s6 =	simm.s32 $0x3200;
	s2 =	simm.s32 $0xA  }
0x4c5: {  	[hbm4b:s5+s0] =	stream.linear.scatter [tilespmem:s6], [sflag:$0xA], $0x3000, $0x38;
	[tilespmem:$0x18200] =	vst v63  }
0x4c6: {  	_ =	swait.ge [sflag:s2], $0x3000  }
0x4c7: {  	[sflag:s2] =	ssyncset.done $0x0  }
0x4c8: {  	[sflag:s2] =	ssyncadd.s32 $0xFFFFD000  }
0x4c9: {  	v3 =	vld [tilespmem:$0xD0];
	_ =	sdelay $0x4  }
0x4ca: {  	v4 =	vshrl.u32 v3, $0x3  }
0x4cb: {  	v4 =	vmul.u32 $0x30, v4  }
0x4cc: {  	v3 =	vand.u32 $0x7, v3  }
0x4cd: {  	v3 =	vor.u32 v3, v4  }
0x4ce: {  	v4 =	vperm.xlane v3, v0;
	_ =	sdelay $0x1  }
0x4cf: {  	v4 =	vadd.s32 v1, v4;
	_ =	sdelay $0x3  }
0x4d0: {  	v3 =	vperm.xlane v3, v2  }
0x4d1: {  	[tilespmem:s6], [sflag:$0x2] =	stream.indirect_vreg.gather [hbm4b:s1+s0], $0x80, v4, vm0, $0xb8;
	[tilespmem:$0x18200] =	vst v63  }
0x4d2: {  	s17 =	simm.s32 $0x3A00;
	v3 =	vadd.s32 v1, v3  }
0x4d3: {  	[tilespmem:s17], [sflag:$0x2] =	stream.indirect_vreg.gather [hbm4b:s7+s0], $0x80, v4, vm0, $0xb8;
	[tilespmem:$0x18200] =	vst v63  }
0x4d4: {  	s18 =	simm.s32 $0x4200  }
0x4d5: {  	[tilespmem:s18], [sflag:$0x2] =	stream.indirect_vreg.gather [hbm4b:s8+s0], $0x80, v4, vm0, $0xb8;
	[tilespmem:$0x18200] =	vst v63  }
0x4d6: {  	s19 =	simm.s32 $0x4A00  }
0x4d7: {  	[tilespmem:s19], [sflag:$0x2] =	stream.indirect_vreg.gather [hbm4b:s1+s0], $0x80, v3, vm0, $0xb8;
	[tilespmem:$0x18200] =	vst v63  }
0x4d8: {  	s20 =	simm.s32 $0x5200  }
0x4d9: {  	[tilespmem:s20], [sflag:$0x2] =	stream.indirect_vreg.gather [hbm4b:s7+s0], $0x80, v3, vm0, $0xb8;
	[tilespmem:$0x18200] =	vst v63  }
0x4da: {  	s21 =	simm.s32 $0x5A00  }
0x4db: {  	[tilespmem:s21], [sflag:$0x2] =	stream.indirect_vreg.gather [hbm4b:s8+s0], $0x80, v3, vm0, $0xb8;
	[tilespmem:$0x18200] =	vst v63  }
0x4dc: {  	v3 =	vld [tilespmem:$0x1D0];
	_ =	sdelay $0x4  }
0x4dd: {  	v63 =	vshrl.u32 v3, $0x3  }
0x4de: {  	v4 =	vmul.u32 $0x30, v63  }
0x4df: {  	v3 =	vand.u32 $0x7, v3  }
0x4e0: {  	v3 =	vor.u32 v3, v4  }
0x4e1: {  	v4 =	vperm.xlane v3, v0;
	_ =	sdelay $0x1  }
0x4e2: {  	v4 =	vadd.s32 v1, v4;
	_ =	sdelay $0x3  }
0x4e3: {  	s22 =	simm.s32 $0xF200;
	v3 =	vperm.xlane v3, v2  }
0x4e4: {  	[tilespmem:s22], [sflag:$0x6] =	stream.indirect_vreg.gather [hbm4b:s3+s0], $0x80, v4, vm0, $0xb8;
	[tilespmem:$0x18200] =	vst v63  }
0x4e5: {  	s23 =	simm.s32 $0xFA00;
	v3 =	vadd.s32 v1, v3  }
0x4e6: {  	[tilespmem:s23], [sflag:$0x6] =	stream.indirect_vreg.gather [hbm4b:s9+s0], $0x80, v4, vm0, $0xb8;
	[tilespmem:$0x18200] =	vst v63  }
0x4e7: {  	s25 =	simm.s32 $0x10200  }
0x4e8: {  	[tilespmem:s25], [sflag:$0x6] =	stream.indirect_vreg.gather [hbm4b:s11+s0], $0x80, v4, vm0, $0xb8;
	[tilespmem:$0x18200] =	vst v63  }
0x4e9: {  	s26 =	simm.s32 $0x10A00  }
0x4ea: {  	[tilespmem:s26], [sflag:$0x6] =	stream.indirect_vreg.gather [hbm4b:s3+s0], $0x80, v3, vm0, $0xb8;
	[tilespmem:$0x18200] =	vst v63  }
0x4eb: {  	s28 =	simm.s32 $0x11200  }
0x4ec: {  	[tilespmem:s28], [sflag:$0x6] =	stream.indirect_vreg.gather [hbm4b:s9+s0], $0x80, v3, vm0, $0xb8;
	[tilespmem:$0x18200] =	vst v63  }
0x4ed: {  	s29 =	simm.s32 $0x11A00;
	s30 =	simm.s32 $0x3  }
0x4ee: {  	[tilespmem:s29], [sflag:$0x6] =	stream.indirect_vreg.gather [hbm4b:s11+s0], $0x80, v3, vm0, $0xb8;
	[tilespmem:$0x18200] =	vst v63  }
0x4ef: {  	_ =	swait.ge [sflag:s30], $0x3000  }
0x4f0: {  	[sflag:s30] =	ssyncset.done $0x0  }
0x4f1: {  	s31 =	simm.s32 $0x7;
	[sflag:s30] =	ssyncadd.s32 $0xFFFFD000  }
0x4f2: {  	_ =	swait.ge [sflag:s31], $0x3000  }
0x4f3: {  	[sflag:s31] =	ssyncset.done $0x0  }
0x4f4: {  	s10 =	simm.s32 $0x3200;
	[sflag:s31] =	ssyncadd.s32 $0xFFFFD000  }
.LBB2_42:
0x4f5: {  	s5 =	sshll.u32 s0, $0x7  }
0x4f6: {  	s23 =	sshrl.u32 s0, $0x3;
	s25 =	simm.s32 $0x280;
	s26 =	simm.s32 $0x0  }
0x4f7: {  	s13 =	simm.s32 $0x20;
	s14 =	simm.s32 $0x30;
	s15 =	simm.s32 $0x50  }
0x4f8: {  	s28 =	simm.s32 $0x200;
	s17 =	simm.s32 $0x100;
	s18 =	simm.s32 $0x40  }
0x4f9: {  	s19 =	simm.s32 $0x180;
	s20 =	simm.s32 $0x0;
	s31 =	sand.u32 $0x380, s5  }
0x4fa: {  	s29 =	smul.u32 $0x1800, s23;
	s13 =	sand.u32 $0x60, s13;
	s14 =	sand.u32 $0x70, s14  }
0x4fb: {  	s15 =	sand.u32 $0x70, s15;
	s18 =	sand.u32 $0x60, s18;
	s17 =	sand.u32 $0x3C00, s17  }
0x4fc: {  	s2 =	sand.u32 $0x3C00, s19;
	s20 =	sand.u32 $0x1C00, s20;
	s6 =	sor.u32 $0x10, s31  }
0x4fd: {  	s5 =	sand.u32 $0x3C00, s25;
	[dreg:$0x10] =	wrdreg s6;
	s6 =	sand.u32 $0x60, s26  }
0x4fe: {  	s19 =	sadd.s32 s29, s20;
	s12 =	rddreg [dreg:$0x10];
	s16 =	sor.u32 s31, s6  }
0x4ff: {  	s6 =	sor.u32 s12, s6;
	s12 =	sand.u32 $0x3C00, s28;
	s16 =	sor.u32 s19, s16  }
0x500: {  	s25 =	simm.s32 $0x80;
	s12 =	sadd.s32 s29, s12;
	s20 =	sor.u32 s19, s6;
	v11 =	vld [tilespmem:s16+$0x6200]  }
0x501: {  	s17 =	sadd.s32 s29, s17;
	s5 =	sadd.s32 s29, s5;
	s12 =	sor.u32 s18, s12;
	v5 =	vld [tilespmem:s20+$0x6200]  }
0x502: {  	s21 =	sor.u32 s13, s17;
	s5 =	sor.u32 s15, s5;
	v6 =	vld [tilespmem:s20+$0x12200];
	s12 =	sor.u32 s31, s12  }
0x503: {  	s23 =	rddreg [dreg:$0x10];
	s17 =	sand.u32 $0x60, s25;
	s18 =	sadd.s32 s29, s2;
	v3 =	vld [tilespmem:s12+$0x6200]  }
0x504: {  	s13 =	simm.s32 $0x580;
	s22 =	sor.u32 s14, s18;
	s14 =	sor.u32 s31, s21;
	v4 =	vld [tilespmem:s12+$0x12200]  }
0x505: {  	s25 =	simm.s32 $0x500;
	s5 =	sor.u32 s31, s5;
	s28 =	simm.s32 $0x90;
	v7 =	vld [tilespmem:s14+$0x6200]  }
0x506: {  	s25 =	sand.u32 $0x3C00, s25;
	s6 =	simm.s32 $0x60;
	s15 =	sor.u32 s31, s22;
	v8 =	vld [tilespmem:s14+$0x12200]  }
0x507: {  	s19 =	sand.u32 $0x70, s28;
	s28 =	simm.s32 $0xA0;
	s25 =	sadd.s32 s29, s25;
	v9 =	vld [tilespmem:s15+$0x6200]  }
0x508: {  	s26 =	sand.u32 $0x60, s6;
	s2 =	simm.s32 $0x400;
	s28 =	sand.u32 $0x60, s28;
	v10 =	vld [tilespmem:s15+$0x12200]  }
0x509: {  	v12 =	vld [tilespmem:s16+$0x12200];
	s21 =	simm.s32 $0xB0;
	s23 =	sor.u32 s23, s26;
	s30 =	sand.u32 $0x3C00, s2  }
0x50a: {  	v13 =	vld [tilespmem:s5+$0x6200];
	s18 =	sor.u32 s28, s25;
	s2 =	simm.s32 $0x300;
	s28 =	sand.u32 $0x3C00, s13;
	v3 =	vadd.f32 v4, v3  }
0x50b: {  	s21 =	sand.u32 $0x70, s21;
	s22 =	sor.u32 s31, s26;
	s26 =	simm.s32 $0x480;
	v4 =	vadd.f32 v6, v5;
	v6 =	vld [tilespmem:s5+$0x12200]  }
0x50c: {  	s18 =	sor.u32 s31, s18;
	s25 =	sand.u32 $0x1C00, s2;
	s26 =	sand.u32 $0x3C00, s26;
	v5 =	vadd.f32 v8, v7;
	[tilespmem:s12+$0x6200] =	vst v3  }
0x50d: {  	s2 =	sadd.s32 s29, s30;
	s25 =	sadd.s32 s29, s25;
	s26 =	sadd.s32 s29, s26;
	[tilespmem:s20+$0x6200] =	vst v4;
	v4 =	vadd.f32 v10, v9;
	v3 =	vld [tilespmem:s18+$0x6200]  }
0x50e: {  	s30 =	sor.u32 s25, s23;
	s26 =	sor.u32 s19, s26;
	v7 =	vadd.f32 v12, v11;
	[tilespmem:s14+$0x6200] =	vst v5;
	s12 =	sadd.s32 s29, s28;
	v5 =	vld [tilespmem:s18+$0x12200]  }
0x50f: {  	s20 =	sor.u32 s17, s2;
	s14 =	sor.u32 s25, s22;
	s28 =	sor.u32 s21, s12;
	[tilespmem:s15+$0x6200] =	vst v4;
	v4 =	vld [tilespmem:s30+$0x6200]  }
0x510: {  	[tilespmem:s16+$0x6200] =	vst v7;
	s23 =	sor.u32 s31, s20;
	s12 =	sor.u32 s31, s26;
	s15 =	sor.u32 s31, s28;
	v7 =	vadd.f32 v6, v13;
	v6 =	vld [tilespmem:s30+$0x12200]  }
.LBB2_43:
0x511: {  	s16 =	rddreg [dreg:$0x10];
	s17 =	sadd.s32 $0x80, s6;
	s19 =	smov.u32 s6  }
0x512: {  	v8 =	vld [tilespmem:s23+$0x6200];
	s6 =	sadd.s32 $0x60, s6;
	s13 =	sadd.s32 $0x300, s13;
	[tilespmem:s5+$0x6200] =	vst v7;
	s5 =	smov.u32 s15  }
0x513: {  	s25 =	sand.u32 $0x60, s6;
	s20 =	sadd.s32 $0x90, s19;
	s21 =	sadd.s32 $0xB0, s19;
	v7 =	vld [tilespmem:s23+$0x12200]  }
0x514: {  	v9 =	vld [tilespmem:s12+$0x12200];
	s17 =	sand.u32 $0x60, s17;
	s26 =	sadd.s32 $0xFFFFFE80, s13;
	s28 =	sadd.s32 $0xFFFFFF00, s13;
	v3 =	vadd.f32 v5, v3  }
0x515: {  	v10 =	vld [tilespmem:s14+$0x6200];
	s19 =	sadd.s32 $0xA0, s19;
	s2 =	sand.u32 $0x3C00, s13;
	p0 =	slt.u32 s6, $0x2A0  }
0x516: {  	s22 =	sor.u32 s31, s25;
	s15 =	sor.u32 s16, s25;
	s25 =	sadd.s32 $0xFFFFFF80, s13;
	v5 =	vld [tilespmem:s12+$0x6200];
	[tilespmem:s18+$0x6200] =	vst v3;
	v3 =	vadd.f32 v6, v4  }
0x517: {  	s20 =	sand.u32 $0x70, s20;
	s16 =	sand.u32 $0x3C00, s26;
	s25 =	sand.u32 $0x3C00, s25;
	v4 =	vld [tilespmem:s14+$0x12200]  }
0x518: {  	s19 =	sand.u32 $0x60, s19;
	s25 =	sadd.s32 s29, s25;
	s18 =	sand.u32 $0x3C00, s28;
	v6 =	vld [tilespmem:s5+$0x6200];
	[tilespmem:s30+$0x6200] =	vst v3;
	v3 =	vadd.f32 v7, v8  }
0x519: {  	s26 =	sadd.s32 $0xFFFFFD80, s13;
	s19 =	sor.u32 s19, s25;
	s28 =	sadd.s32 s29, s18;
	v7 =	vld [tilespmem:s5+$0x12200]  }
.Ltmp20:
0x51a: {  	s18 =	sor.u32 s31, s19;
	[tilespmem:s23+$0x6200] =	vst v3;
	s23 =	sand.u32 $0x1C00, s26;
	(pc) =	sbr.rel @p0 .LBB2_43-.Ltmp20, $4  }
0x51b: {  	s21 =	sand.u32 $0x70, s21;
	s16 =	sadd.s32 s29, s16;
	v8 =	vadd.f32 v9, v5;
	v5 =	vld [tilespmem:s18+$0x12200];
	s19 =	sadd.s32 s29, s23  }
0x51c: {  	s16 =	sor.u32 s17, s16;
	v3 =	vld [tilespmem:s18+$0x6200];
	s26 =	sadd.s32 s29, s2;
	v63 =	vadd.f32 v4, v10;
	s30 =	sor.u32 s19, s15  }
0x51d: {  	s20 =	sor.u32 s20, s28;
	s17 =	sor.u32 s21, s26;
	[tilespmem:s12+$0x6200] =	vst v8;
	s23 =	sor.u32 s31, s16;
	v4 =	vld [tilespmem:s30+$0x6200]  }
0x51e: {  	s12 =	sor.u32 s31, s20;
	s15 =	sor.u32 s31, s17;
	[tilespmem:s14+$0x6200] =	vst v63;
	s14 =	sor.u32 s19, s22;
	v7 =	vadd.f32 v7, v6;
	v6 =	vld [tilespmem:s30+$0x12200]  }
0x51f: {  	v8 =	vld [tilespmem:s23+$0x6200]  }
0x520: {  	v9 =	vld [tilespmem:s23+$0x12200]  }
0x521: {  	v10 =	vld [tilespmem:s12+$0x6200]  }
0x522: {  	v11 =	vld [tilespmem:s12+$0x12200]  }
0x523: {  	v12 =	vld [tilespmem:s14+$0x6200]  }
0x524: {  	v14 =	vld [tilespmem:s15+$0x6200]  }
0x525: {  	v61 =	vld [tilespmem:s15+$0x12200]  }
0x526: {  	v13 =	vld [tilespmem:s14+$0x12200];
	v3 =	vadd.f32 v5, v3  }
0x527: {  	s0 =	sadd.s32 $0x1, s0;
	[tilespmem:s5+$0x6200] =	vst v7;
	v4 =	vadd.f32 v6, v4  }
0x528: {  	p0 =	sne.s32 s0, $0x10;
	[tilespmem:s18+$0x6200] =	vst v3;
	v3 =	vadd.f32 v9, v8  }
.Ltmp21:
0x529: {  	v62 =	vadd.f32 v11, v10;
	[tilespmem:s30+$0x6200] =	vst v4;
	(pc) =	sbr.rel @p0 .LBB2_42-.Ltmp21, $4  }
0x52a: {  	v63 =	vadd.f32 v61, v14;
	[tilespmem:s23+$0x6200] =	vst v3  }
0x52b: {  	v3 =	vadd.f32 v13, v12;
	[tilespmem:s12+$0x6200] =	vst v62  }
0x52c: {  	[tilespmem:s15+$0x6200] =	vst v63  }
0x52d: {  	[tilespmem:s14+$0x6200] =	vst v3  }
0x52e: {  	s5 =	sld [smem:$0x7F5];
	_ =	sdelay $0x1  }
0x52f: {  	s0 =	simm.s32 $0x0;
	s6 =	simm.s32 $0x6200;
	s2 =	simm.s32 $0xB  }
0x530: {  	[hbm4b:s5+s0] =	stream.linear.scatter [tilespmem:s6], [sflag:$0xB], $0x3000, $0x38;
	[tilespmem:$0x18200] =	vst v63  }
0x531: {  	_ =	swait.ge [sflag:s2], $0x3000  }
0x532: {  	[sflag:s2] =	ssyncset.done $0x0  }
0x533: {  	[sflag:s2] =	ssyncadd.s32 $0xFFFFD000  }
0x534: {  	v3 =	vld [tilespmem:$0xE0];
	_ =	sdelay $0x4  }
0x535: {  	v4 =	vshrl.u32 v3, $0x3  }
0x536: {  	v4 =	vmul.u32 $0x30, v4  }
0x537: {  	v3 =	vand.u32 $0x7, v3  }
0x538: {  	v3 =	vor.u32 v3, v4  }
0x539: {  	v4 =	vperm.xlane v3, v0;
	_ =	sdelay $0x1  }
0x53a: {  	v4 =	vadd.s32 v1, v4;
	_ =	sdelay $0x3  }
0x53b: {  	v3 =	vperm.xlane v3, v2  }
0x53c: {  	[tilespmem:s6], [sflag:$0x3] =	stream.indirect_vreg.gather [hbm4b:s1+s0], $0x80, v4, vm0, $0xb8;
	[tilespmem:$0x18200] =	vst v63  }
0x53d: {  	s17 =	simm.s32 $0x6A00;
	v3 =	vadd.s32 v1, v3  }
0x53e: {  	[tilespmem:s17], [sflag:$0x3] =	stream.indirect_vreg.gather [hbm4b:s7+s0], $0x80, v4, vm0, $0xb8;
	[tilespmem:$0x18200] =	vst v63  }
0x53f: {  	s18 =	simm.s32 $0x7200  }
0x540: {  	[tilespmem:s18], [sflag:$0x3] =	stream.indirect_vreg.gather [hbm4b:s8+s0], $0x80, v4, vm0, $0xb8;
	[tilespmem:$0x18200] =	vst v63  }
0x541: {  	s19 =	simm.s32 $0x7A00  }
0x542: {  	[tilespmem:s19], [sflag:$0x3] =	stream.indirect_vreg.gather [hbm4b:s1+s0], $0x80, v3, vm0, $0xb8;
	[tilespmem:$0x18200] =	vst v63  }
0x543: {  	s20 =	simm.s32 $0x8200  }
0x544: {  	[tilespmem:s20], [sflag:$0x3] =	stream.indirect_vreg.gather [hbm4b:s7+s0], $0x80, v3, vm0, $0xb8;
	[tilespmem:$0x18200] =	vst v63  }
0x545: {  	s21 =	simm.s32 $0x8A00  }
0x546: {  	[tilespmem:s21], [sflag:$0x3] =	stream.indirect_vreg.gather [hbm4b:s8+s0], $0x80, v3, vm0, $0xb8;
	[tilespmem:$0x18200] =	vst v63  }
0x547: {  	v3 =	vld [tilespmem:$0x1E0];
	_ =	sdelay $0x4  }
0x548: {  	v63 =	vshrl.u32 v3, $0x3  }
0x549: {  	v4 =	vmul.u32 $0x30, v63  }
0x54a: {  	v3 =	vand.u32 $0x7, v3  }
0x54b: {  	v3 =	vor.u32 v3, v4  }
0x54c: {  	v4 =	vperm.xlane v3, v0;
	_ =	sdelay $0x1  }
0x54d: {  	v4 =	vadd.s32 v1, v4;
	_ =	sdelay $0x3  }
0x54e: {  	s22 =	simm.s32 $0x12200;
	v3 =	vperm.xlane v3, v2  }
0x54f: {  	[tilespmem:s22], [sflag:$0x7] =	stream.indirect_vreg.gather [hbm4b:s3+s0], $0x80, v4, vm0, $0xb8;
	[tilespmem:$0x18200] =	vst v63  }
0x550: {  	s23 =	simm.s32 $0x12A00;
	v3 =	vadd.s32 v1, v3  }
0x551: {  	[tilespmem:s23], [sflag:$0x7] =	stream.indirect_vreg.gather [hbm4b:s9+s0], $0x80, v4, vm0, $0xb8;
	[tilespmem:$0x18200] =	vst v63  }
0x552: {  	s25 =	simm.s32 $0x13200  }
0x553: {  	[tilespmem:s25], [sflag:$0x7] =	stream.indirect_vreg.gather [hbm4b:s11+s0], $0x80, v4, vm0, $0xb8;
	[tilespmem:$0x18200] =	vst v63  }
0x554: {  	s26 =	simm.s32 $0x13A00  }
0x555: {  	[tilespmem:s26], [sflag:$0x7] =	stream.indirect_vreg.gather [hbm4b:s3+s0], $0x80, v3, vm0, $0xb8;
	[tilespmem:$0x18200] =	vst v63  }
0x556: {  	s28 =	simm.s32 $0x14200  }
0x557: {  	[tilespmem:s28], [sflag:$0x7] =	stream.indirect_vreg.gather [hbm4b:s9+s0], $0x80, v3, vm0, $0xb8;
	[tilespmem:$0x18200] =	vst v63  }
0x558: {  	s29 =	simm.s32 $0x14A00;
	s30 =	simm.s32 $0x4  }
0x559: {  	[tilespmem:s29], [sflag:$0x7] =	stream.indirect_vreg.gather [hbm4b:s11+s0], $0x80, v3, vm0, $0xb8;
	[tilespmem:$0x18200] =	vst v63  }
0x55a: {  	_ =	swait.ge [sflag:s30], $0x3000  }
0x55b: {  	[sflag:s30] =	ssyncset.done $0x0  }
0x55c: {  	s31 =	simm.s32 $0x8;
	[sflag:s30] =	ssyncadd.s32 $0xFFFFD000  }
0x55d: {  	_ =	swait.ge [sflag:s31], $0x3000  }
0x55e: {  	[sflag:s31] =	ssyncset.done $0x0  }
0x55f: {  	s2 =	simm.s32 $0x6200;
	[sflag:s31] =	ssyncadd.s32 $0xFFFFD000  }
.LBB2_46:
0x560: {  	s5 =	sshll.u32 s0, $0x7  }
0x561: {  	s21 =	sshrl.u32 s0, $0x3;
	s22 =	simm.s32 $0x280;
	s23 =	simm.s32 $0x0  }
0x562: {  	s13 =	simm.s32 $0x20;
	s14 =	simm.s32 $0x30;
	s15 =	simm.s32 $0x50  }
0x563: {  	s25 =	simm.s32 $0x200;
	s17 =	simm.s32 $0x100;
	s18 =	simm.s32 $0x40  }
0x564: {  	s19 =	simm.s32 $0x180;
	s20 =	simm.s32 $0x0;
	s31 =	sand.u32 $0x380, s5  }
0x565: {  	s29 =	smul.u32 $0x1800, s21;
	s13 =	sand.u32 $0x60, s13;
	s14 =	sand.u32 $0x70, s14  }
0x566: {  	s15 =	sand.u32 $0x70, s15;
	s18 =	sand.u32 $0x60, s18;
	s17 =	sand.u32 $0x3C00, s17  }
0x567: {  	s26 =	sand.u32 $0x3C00, s19;
	s28 =	sand.u32 $0x1C00, s20;
	s6 =	sor.u32 $0x10, s31  }
0x568: {  	s5 =	sand.u32 $0x3C00, s22;
	[dreg:$0x11] =	wrdreg s6;
	s6 =	sand.u32 $0x60, s23  }
0x569: {  	s19 =	sadd.s32 s29, s28;
	s12 =	rddreg [dreg:$0x11];
	s16 =	sor.u32 s31, s6  }
0x56a: {  	s6 =	sor.u32 s12, s6;
	s12 =	sand.u32 $0x3C00, s25;
	s16 =	sor.u32 s19, s16  }
0x56b: {  	s21 =	simm.s32 $0xB0;
	s12 =	sadd.s32 s29, s12;
	s20 =	sor.u32 s19, s6;
	v11 =	vld [tilespmem:s16+$0x9200]  }
0x56c: {  	s21 =	sand.u32 $0x70, s21;
	s17 =	sadd.s32 s29, s17;
	s12 =	sor.u32 s18, s12;
	v5 =	vld [tilespmem:s20+$0x9200]  }
0x56d: {  	s5 =	sadd.s32 s29, s5;
	s23 =	simm.s32 $0x80;
	v6 =	vld [tilespmem:s20+$0x15200];
	s12 =	sor.u32 s31, s12  }
0x56e: {  	s28 =	simm.s32 $0xA0;
	s13 =	sor.u32 s13, s17;
	s18 =	sadd.s32 s29, s26;
	v3 =	vld [tilespmem:s12+$0x9200]  }
0x56f: {  	s5 =	sor.u32 s15, s5;
	s17 =	sor.u32 s14, s18;
	s14 =	sor.u32 s31, s13;
	v4 =	vld [tilespmem:s12+$0x15200]  }
0x570: {  	s28 =	sand.u32 $0x60, s28;
	s5 =	sor.u32 s31, s5;
	s6 =	simm.s32 $0x60;
	v7 =	vld [tilespmem:s14+$0x9200]  }
0x571: {  	s25 =	sand.u32 $0x60, s6;
	s26 =	simm.s32 $0x90;
	s15 =	sor.u32 s31, s17;
	v8 =	vld [tilespmem:s14+$0x15200]  }
0x572: {  	s18 =	rddreg [dreg:$0x11];
	s19 =	sand.u32 $0x70, s26;
	s22 =	sor.u32 s31, s25;
	v9 =	vld [tilespmem:s15+$0x9200]  }
0x573: {  	s17 =	sand.u32 $0x60, s23;
	s23 =	sor.u32 s18, s25;
	s25 =	simm.s32 $0x500;
	v10 =	vld [tilespmem:s15+$0x15200]  }
0x574: {  	v12 =	vld [tilespmem:s16+$0x15200];
	s13 =	simm.s32 $0x580;
	s26 =	simm.s32 $0x480;
	s25 =	sand.u32 $0x3C00, s25  }
0x575: {  	v13 =	vld [tilespmem:s5+$0x9200];
	s18 =	simm.s32 $0x400;
	s26 =	sand.u32 $0x3C00, s26;
	s25 =	sadd.s32 s29, s25;
	v3 =	vadd.f32 v4, v3  }
0x576: {  	s30 =	sand.u32 $0x3C00, s18;
	s18 =	sor.u32 s28, s25;
	s28 =	simm.s32 $0x300;
	v4 =	vadd.f32 v6, v5;
	v6 =	vld [tilespmem:s5+$0x15200]  }
0x577: {  	s26 =	sadd.s32 s29, s26;
	s18 =	sor.u32 s31, s18;
	s25 =	sand.u32 $0x1C00, s28;
	v5 =	vadd.f32 v8, v7;
	[tilespmem:s12+$0x9200] =	vst v3  }
0x578: {  	s26 =	sor.u32 s19, s26;
	s25 =	sadd.s32 s29, s25;
	s12 =	sand.u32 $0x3C00, s13;
	[tilespmem:s20+$0x9200] =	vst v4;
	v4 =	vadd.f32 v10, v9;
	v3 =	vld [tilespmem:s18+$0x9200]  }
0x579: {  	s28 =	sadd.s32 s29, s30;
	v7 =	vadd.f32 v12, v11;
	s30 =	sor.u32 s25, s23;
	[tilespmem:s14+$0x9200] =	vst v5;
	v5 =	vld [tilespmem:s18+$0x15200];
	s12 =	sadd.s32 s29, s12  }
0x57a: {  	s20 =	sor.u32 s17, s28;
	s14 =	sor.u32 s25, s22;
	s28 =	sor.u32 s21, s12;
	[tilespmem:s15+$0x9200] =	vst v4;
	v4 =	vld [tilespmem:s30+$0x9200]  }
0x57b: {  	[tilespmem:s16+$0x9200] =	vst v7;
	s23 =	sor.u32 s31, s20;
	s12 =	sor.u32 s31, s26;
	s15 =	sor.u32 s31, s28;
	v7 =	vadd.f32 v6, v13;
	v6 =	vld [tilespmem:s30+$0x15200]  }
.LBB2_47:
0x57c: {  	s16 =	rddreg [dreg:$0x11];
	s17 =	sadd.s32 $0x80, s6;
	s19 =	smov.u32 s6  }
0x57d: {  	v8 =	vld [tilespmem:s23+$0x9200];
	s6 =	sadd.s32 $0x60, s6;
	s13 =	sadd.s32 $0x300, s13;
	[tilespmem:s5+$0x9200] =	vst v7;
	s5 =	smov.u32 s15  }
0x57e: {  	s25 =	sand.u32 $0x60, s6;
	s20 =	sadd.s32 $0x90, s19;
	s21 =	sadd.s32 $0xB0, s19;
	v7 =	vld [tilespmem:s23+$0x15200]  }
0x57f: {  	v9 =	vld [tilespmem:s12+$0x15200];
	s17 =	sand.u32 $0x60, s17;
	s26 =	sadd.s32 $0xFFFFFE80, s13;
	s28 =	sadd.s32 $0xFFFFFF00, s13;
	v3 =	vadd.f32 v5, v3  }
0x580: {  	v10 =	vld [tilespmem:s14+$0x9200];
	s19 =	sadd.s32 $0xA0, s19;
	p0 =	slt.u32 s6, $0x2A0;
	s20 =	sand.u32 $0x70, s20  }
0x581: {  	s22 =	sor.u32 s31, s25;
	s15 =	sor.u32 s16, s25;
	s25 =	sadd.s32 $0xFFFFFF80, s13;
	v5 =	vld [tilespmem:s12+$0x9200];
	[tilespmem:s18+$0x9200] =	vst v3;
	v3 =	vadd.f32 v6, v4  }
0x582: {  	s21 =	sand.u32 $0x70, s21;
	s16 =	sand.u32 $0x3C00, s26;
	s25 =	sand.u32 $0x3C00, s25;
	v4 =	vld [tilespmem:s14+$0x15200]  }
0x583: {  	s19 =	sand.u32 $0x60, s19;
	s25 =	sadd.s32 s29, s25;
	s18 =	sand.u32 $0x3C00, s28;
	v6 =	vld [tilespmem:s5+$0x9200];
	[tilespmem:s30+$0x9200] =	vst v3;
	v3 =	vadd.f32 v7, v8  }
0x584: {  	s26 =	sadd.s32 $0xFFFFFD80, s13;
	s19 =	sor.u32 s19, s25;
	s28 =	sadd.s32 s29, s18;
	v7 =	vld [tilespmem:s5+$0x15200]  }
.Ltmp22:
0x585: {  	s18 =	sor.u32 s31, s19;
	[tilespmem:s23+$0x9200] =	vst v3;
	s23 =	sand.u32 $0x1C00, s26;
	(pc) =	sbr.rel @p0 .LBB2_47-.Ltmp22, $4  }
0x586: {  	s16 =	sadd.s32 s29, s16;
	s25 =	sand.u32 $0x3C00, s13;
	v8 =	vadd.f32 v9, v5;
	v5 =	vld [tilespmem:s18+$0x15200];
	s19 =	sadd.s32 s29, s23  }
0x587: {  	s16 =	sor.u32 s17, s16;
	v3 =	vld [tilespmem:s18+$0x9200];
	s26 =	sadd.s32 s29, s25;
	v63 =	vadd.f32 v4, v10;
	s30 =	sor.u32 s19, s15  }
0x588: {  	s20 =	sor.u32 s20, s28;
	s17 =	sor.u32 s21, s26;
	[tilespmem:s12+$0x9200] =	vst v8;
	s23 =	sor.u32 s31, s16;
	v4 =	vld [tilespmem:s30+$0x9200]  }
0x589: {  	s12 =	sor.u32 s31, s20;
	s15 =	sor.u32 s31, s17;
	[tilespmem:s14+$0x9200] =	vst v63;
	s14 =	sor.u32 s19, s22;
	v7 =	vadd.f32 v7, v6;
	v6 =	vld [tilespmem:s30+$0x15200]  }
0x58a: {  	v8 =	vld [tilespmem:s23+$0x9200]  }
0x58b: {  	v9 =	vld [tilespmem:s23+$0x15200]  }
0x58c: {  	v10 =	vld [tilespmem:s12+$0x9200]  }
0x58d: {  	v11 =	vld [tilespmem:s12+$0x15200]  }
0x58e: {  	v12 =	vld [tilespmem:s14+$0x9200]  }
0x58f: {  	v14 =	vld [tilespmem:s15+$0x9200]  }
0x590: {  	v61 =	vld [tilespmem:s15+$0x15200]  }
0x591: {  	v13 =	vld [tilespmem:s14+$0x15200];
	v3 =	vadd.f32 v5, v3  }
0x592: {  	s0 =	sadd.s32 $0x1, s0;
	[tilespmem:s5+$0x9200] =	vst v7;
	v4 =	vadd.f32 v6, v4  }
0x593: {  	p0 =	sne.s32 s0, $0x10;
	[tilespmem:s18+$0x9200] =	vst v3;
	v3 =	vadd.f32 v9, v8  }
.Ltmp23:
0x594: {  	v62 =	vadd.f32 v11, v10;
	[tilespmem:s30+$0x9200] =	vst v4;
	(pc) =	sbr.rel @p0 .LBB2_46-.Ltmp23, $4  }
0x595: {  	v63 =	vadd.f32 v61, v14;
	[tilespmem:s23+$0x9200] =	vst v3  }
0x596: {  	v3 =	vadd.f32 v13, v12;
	[tilespmem:s12+$0x9200] =	vst v62  }
0x597: {  	[tilespmem:s15+$0x9200] =	vst v63  }
0x598: {  	[tilespmem:s14+$0x9200] =	vst v3  }
0x599: {  	s5 =	sld [smem:$0x7F6];
	_ =	sdelay $0x1  }
0x59a: {  	s0 =	simm.s32 $0x0;
	s6 =	simm.s32 $0x9200;
	s17 =	simm.s32 $0xC  }
0x59b: {  	[hbm4b:s5+s0] =	stream.linear.scatter [tilespmem:s6], [sflag:$0xC], $0x3000, $0x38;
	[tilespmem:$0x18200] =	vst v63  }
0x59c: {  	_ =	swait.ge [sflag:s17], $0x3000  }
0x59d: {  	[sflag:s17] =	ssyncset.done $0x0  }
0x59e: {  	[sflag:s17] =	ssyncadd.s32 $0xFFFFD000  }
0x59f: {  	v3 =	vld [tilespmem:$0xF0];
	_ =	sdelay $0x4  }
0x5a0: {  	v4 =	vshrl.u32 v3, $0x3  }
0x5a1: {  	v4 =	vmul.u32 $0x30, v4  }
0x5a2: {  	v3 =	vand.u32 $0x7, v3  }
0x5a3: {  	v3 =	vor.u32 v3, v4  }
0x5a4: {  	v4 =	vperm.xlane v3, v0;
	_ =	sdelay $0x1  }
0x5a5: {  	v4 =	vadd.s32 v1, v4;
	_ =	sdelay $0x3  }
0x5a6: {  	v3 =	vperm.xlane v3, v2  }
0x5a7: {  	[tilespmem:s6], [sflag:$0x4] =	stream.indirect_vreg.gather [hbm4b:s1+s0], $0x80, v4, vm0, $0xb8;
	[tilespmem:$0x18200] =	vst v63  }
0x5a8: {  	s18 =	simm.s32 $0x9A00;
	v3 =	vadd.s32 v1, v3  }
0x5a9: {  	[tilespmem:s18], [sflag:$0x4] =	stream.indirect_vreg.gather [hbm4b:s7+s0], $0x80, v4, vm0, $0xb8;
	[tilespmem:$0x18200] =	vst v63  }
0x5aa: {  	s19 =	simm.s32 $0xA200  }
0x5ab: {  	[tilespmem:s19], [sflag:$0x4] =	stream.indirect_vreg.gather [hbm4b:s8+s0], $0x80, v4, vm0, $0xb8;
	[tilespmem:$0x18200] =	vst v63  }
0x5ac: {  	s20 =	simm.s32 $0xAA00  }
0x5ad: {  	[tilespmem:s20], [sflag:$0x4] =	stream.indirect_vreg.gather [hbm4b:s1+s0], $0x80, v3, vm0, $0xb8;
	[tilespmem:$0x18200] =	vst v63  }
0x5ae: {  	s21 =	simm.s32 $0xB200  }
0x5af: {  	[tilespmem:s21], [sflag:$0x4] =	stream.indirect_vreg.gather [hbm4b:s7+s0], $0x80, v3, vm0, $0xb8;
	[tilespmem:$0x18200] =	vst v63  }
0x5b0: {  	s22 =	simm.s32 $0xBA00  }
0x5b1: {  	[tilespmem:s22], [sflag:$0x4] =	stream.indirect_vreg.gather [hbm4b:s8+s0], $0x80, v3, vm0, $0xb8;
	[tilespmem:$0x18200] =	vst v63  }
0x5b2: {  	v3 =	vld [tilespmem:$0x1F0];
	_ =	sdelay $0x4  }
0x5b3: {  	v63 =	vshrl.u32 v3, $0x3  }
0x5b4: {  	v4 =	vmul.u32 $0x30, v63  }
0x5b5: {  	v3 =	vand.u32 $0x7, v3  }
0x5b6: {  	v3 =	vor.u32 v3, v4  }
0x5b7: {  	v4 =	vperm.xlane v3, v0;
	_ =	sdelay $0x1  }
0x5b8: {  	v4 =	vadd.s32 v1, v4;
	_ =	sdelay $0x3  }
0x5b9: {  	s23 =	simm.s32 $0x15200;
	v3 =	vperm.xlane v3, v2  }
0x5ba: {  	[tilespmem:s23], [sflag:$0x8] =	stream.indirect_vreg.gather [hbm4b:s3+s0], $0x80, v4, vm0, $0xb8;
	[tilespmem:$0x18200] =	vst v63  }
0x5bb: {  	s25 =	simm.s32 $0x15A00;
	v3 =	vadd.s32 v1, v3  }
0x5bc: {  	[tilespmem:s25], [sflag:$0x8] =	stream.indirect_vreg.gather [hbm4b:s9+s0], $0x80, v4, vm0, $0xb8;
	[tilespmem:$0x18200] =	vst v63  }
0x5bd: {  	s26 =	simm.s32 $0x16200  }
0x5be: {  	[tilespmem:s26], [sflag:$0x8] =	stream.indirect_vreg.gather [hbm4b:s11+s0], $0x80, v4, vm0, $0xb8;
	[tilespmem:$0x18200] =	vst v63  }
0x5bf: {  	s28 =	simm.s32 $0x16A00  }
0x5c0: {  	[tilespmem:s28], [sflag:$0x8] =	stream.indirect_vreg.gather [hbm4b:s3+s0], $0x80, v3, vm0, $0xb8;
	[tilespmem:$0x18200] =	vst v63  }
0x5c1: {  	s29 =	simm.s32 $0x17200  }
0x5c2: {  	[tilespmem:s29], [sflag:$0x8] =	stream.indirect_vreg.gather [hbm4b:s9+s0], $0x80, v3, vm0, $0xb8;
	[tilespmem:$0x18200] =	vst v63  }
0x5c3: {  	s30 =	simm.s32 $0x17A00;
	s31 =	simm.s32 $0x1  }
0x5c4: {  	[tilespmem:s30], [sflag:$0x8] =	stream.indirect_vreg.gather [hbm4b:s11+s0], $0x80, v3, vm0, $0xb8;
	[tilespmem:$0x18200] =	vst v63  }
0x5c5: {  	_ =	swait.ge [sflag:s31], $0x3000  }
0x5c6: {  	[sflag:s31] =	ssyncset.done $0x0  }
0x5c7: {  	[sflag:s31] =	ssyncadd.s32 $0xFFFFD000  }
0x5c8: {  	_ =	swait.ge [sflag:s24], $0x3000  }
0x5c9: {  	[sflag:s24] =	ssyncset.done $0x0  }
0x5ca: {  	[sflag:s24] =	ssyncadd.s32 $0xFFFFD000  }
.LBB2_50:
0x5cb: {  	s5 =	sshll.u32 s0, $0x7  }
0x5cc: {  	s21 =	sshrl.u32 s0, $0x3;
	s22 =	simm.s32 $0x280;
	s23 =	simm.s32 $0x0  }
0x5cd: {  	s13 =	simm.s32 $0x20;
	s14 =	simm.s32 $0x30;
	s15 =	simm.s32 $0x50  }
0x5ce: {  	s25 =	simm.s32 $0x200;
	s17 =	simm.s32 $0x100;
	s18 =	simm.s32 $0x40  }
0x5cf: {  	s19 =	simm.s32 $0x180;
	s20 =	simm.s32 $0x0;
	s31 =	sand.u32 $0x380, s5  }
0x5d0: {  	s29 =	smul.u32 $0x1800, s21;
	s13 =	sand.u32 $0x60, s13;
	s14 =	sand.u32 $0x70, s14  }
0x5d1: {  	s15 =	sand.u32 $0x70, s15;
	s18 =	sand.u32 $0x60, s18;
	s17 =	sand.u32 $0x3C00, s17  }
0x5d2: {  	s26 =	sand.u32 $0x3C00, s19;
	s28 =	sand.u32 $0x1C00, s20;
	s6 =	sor.u32 $0x10, s31  }
0x5d3: {  	s5 =	sand.u32 $0x3C00, s22;
	[dreg:$0x12] =	wrdreg s6;
	s6 =	sand.u32 $0x60, s23  }
0x5d4: {  	s19 =	sadd.s32 s29, s28;
	s12 =	rddreg [dreg:$0x12];
	s16 =	sor.u32 s31, s6  }
0x5d5: {  	s6 =	sor.u32 s12, s6;
	s12 =	sand.u32 $0x3C00, s25;
	s16 =	sor.u32 s19, s16  }
0x5d6: {  	s21 =	simm.s32 $0xB0;
	s12 =	sadd.s32 s29, s12;
	s20 =	sor.u32 s19, s6;
	v11 =	vld [tilespmem:s16+$0x200]  }
0x5d7: {  	s21 =	sand.u32 $0x70, s21;
	s17 =	sadd.s32 s29, s17;
	s12 =	sor.u32 s18, s12;
	v5 =	vld [tilespmem:s20+$0x200]  }
0x5d8: {  	s5 =	sadd.s32 s29, s5;
	s23 =	simm.s32 $0x80;
	v6 =	vld [tilespmem:s20+$0xC200];
	s12 =	sor.u32 s31, s12  }
0x5d9: {  	s28 =	simm.s32 $0xA0;
	s13 =	sor.u32 s13, s17;
	s18 =	sadd.s32 s29, s26;
	v3 =	vld [tilespmem:s12+$0x200]  }
0x5da: {  	s5 =	sor.u32 s15, s5;
	s17 =	sor.u32 s14, s18;
	s14 =	sor.u32 s31, s13;
	v4 =	vld [tilespmem:s12+$0xC200]  }
0x5db: {  	s28 =	sand.u32 $0x60, s28;
	s5 =	sor.u32 s31, s5;
	s6 =	simm.s32 $0x60;
	v7 =	vld [tilespmem:s14+$0x200]  }
0x5dc: {  	s25 =	sand.u32 $0x60, s6;
	s26 =	simm.s32 $0x90;
	s15 =	sor.u32 s31, s17;
	v8 =	vld [tilespmem:s14+$0xC200]  }
0x5dd: {  	s18 =	rddreg [dreg:$0x12];
	s19 =	sand.u32 $0x70, s26;
	s22 =	sor.u32 s31, s25;
	v9 =	vld [tilespmem:s15+$0x200]  }
0x5de: {  	s17 =	sand.u32 $0x60, s23;
	s23 =	sor.u32 s18, s25;
	s25 =	simm.s32 $0x500;
	v10 =	vld [tilespmem:s15+$0xC200]  }
0x5df: {  	v12 =	vld [tilespmem:s16+$0xC200];
	s13 =	simm.s32 $0x580;
	s26 =	simm.s32 $0x480;
	s25 =	sand.u32 $0x3C00, s25  }
0x5e0: {  	v13 =	vld [tilespmem:s5+$0x200];
	s18 =	simm.s32 $0x400;
	s26 =	sand.u32 $0x3C00, s26;
	s25 =	sadd.s32 s29, s25;
	v3 =	vadd.f32 v4, v3  }
0x5e1: {  	s30 =	sand.u32 $0x3C00, s18;
	s18 =	sor.u32 s28, s25;
	s28 =	simm.s32 $0x300;
	v4 =	vadd.f32 v6, v5;
	v6 =	vld [tilespmem:s5+$0xC200]  }
0x5e2: {  	s26 =	sadd.s32 s29, s26;
	s18 =	sor.u32 s31, s18;
	s25 =	sand.u32 $0x1C00, s28;
	v5 =	vadd.f32 v8, v7;
	[tilespmem:s12+$0x200] =	vst v3  }
0x5e3: {  	s26 =	sor.u32 s19, s26;
	s25 =	sadd.s32 s29, s25;
	s12 =	sand.u32 $0x3C00, s13;
	[tilespmem:s20+$0x200] =	vst v4;
	v4 =	vadd.f32 v10, v9;
	v3 =	vld [tilespmem:s18+$0x200]  }
0x5e4: {  	s28 =	sadd.s32 s29, s30;
	v7 =	vadd.f32 v12, v11;
	s30 =	sor.u32 s25, s23;
	[tilespmem:s14+$0x200] =	vst v5;
	v5 =	vld [tilespmem:s18+$0xC200];
	s12 =	sadd.s32 s29, s12  }
0x5e5: {  	s20 =	sor.u32 s17, s28;
	s14 =	sor.u32 s25, s22;
	s28 =	sor.u32 s21, s12;
	[tilespmem:s15+$0x200] =	vst v4;
	v4 =	vld [tilespmem:s30+$0x200]  }
0x5e6: {  	[tilespmem:s16+$0x200] =	vst v7;
	s23 =	sor.u32 s31, s20;
	s12 =	sor.u32 s31, s26;
	s15 =	sor.u32 s31, s28;
	v7 =	vadd.f32 v6, v13;
	v6 =	vld [tilespmem:s30+$0xC200]  }
.LBB2_51:
0x5e7: {  	s16 =	rddreg [dreg:$0x12];
	s17 =	sadd.s32 $0x80, s6;
	s19 =	smov.u32 s6  }
0x5e8: {  	v8 =	vld [tilespmem:s23+$0x200];
	s6 =	sadd.s32 $0x60, s6;
	s13 =	sadd.s32 $0x300, s13;
	[tilespmem:s5+$0x200] =	vst v7;
	s5 =	smov.u32 s15  }
0x5e9: {  	s25 =	sand.u32 $0x60, s6;
	s20 =	sadd.s32 $0x90, s19;
	s21 =	sadd.s32 $0xB0, s19;
	v7 =	vld [tilespmem:s23+$0xC200]  }
0x5ea: {  	v9 =	vld [tilespmem:s12+$0xC200];
	s17 =	sand.u32 $0x60, s17;
	s26 =	sadd.s32 $0xFFFFFE80, s13;
	s28 =	sadd.s32 $0xFFFFFF00, s13;
	v3 =	vadd.f32 v5, v3  }
0x5eb: {  	v10 =	vld [tilespmem:s14+$0x200];
	s19 =	sadd.s32 $0xA0, s19;
	p0 =	slt.u32 s6, $0x2A0;
	s20 =	sand.u32 $0x70, s20  }
0x5ec: {  	s22 =	sor.u32 s31, s25;
	s15 =	sor.u32 s16, s25;
	s25 =	sadd.s32 $0xFFFFFF80, s13;
	v5 =	vld [tilespmem:s12+$0x200];
	[tilespmem:s18+$0x200] =	vst v3;
	v3 =	vadd.f32 v6, v4  }
0x5ed: {  	s21 =	sand.u32 $0x70, s21;
	s16 =	sand.u32 $0x3C00, s26;
	s25 =	sand.u32 $0x3C00, s25;
	v4 =	vld [tilespmem:s14+$0xC200]  }
0x5ee: {  	s19 =	sand.u32 $0x60, s19;
	s25 =	sadd.s32 s29, s25;
	s18 =	sand.u32 $0x3C00, s28;
	v6 =	vld [tilespmem:s5+$0x200];
	[tilespmem:s30+$0x200] =	vst v3;
	v3 =	vadd.f32 v7, v8  }
0x5ef: {  	s26 =	sadd.s32 $0xFFFFFD80, s13;
	s19 =	sor.u32 s19, s25;
	s28 =	sadd.s32 s29, s18;
	v7 =	vld [tilespmem:s5+$0xC200]  }
.Ltmp24:
0x5f0: {  	s18 =	sor.u32 s31, s19;
	[tilespmem:s23+$0x200] =	vst v3;
	s23 =	sand.u32 $0x1C00, s26;
	(pc) =	sbr.rel @p0 .LBB2_51-.Ltmp24, $4  }
0x5f1: {  	s16 =	sadd.s32 s29, s16;
	s25 =	sand.u32 $0x3C00, s13;
	v8 =	vadd.f32 v9, v5;
	v5 =	vld [tilespmem:s18+$0xC200];
	s19 =	sadd.s32 s29, s23  }
0x5f2: {  	s16 =	sor.u32 s17, s16;
	v3 =	vld [tilespmem:s18+$0x200];
	s26 =	sadd.s32 s29, s25;
	v63 =	vadd.f32 v4, v10;
	s30 =	sor.u32 s19, s15  }
0x5f3: {  	s20 =	sor.u32 s20, s28;
	s17 =	sor.u32 s21, s26;
	[tilespmem:s12+$0x200] =	vst v8;
	s23 =	sor.u32 s31, s16;
	v4 =	vld [tilespmem:s30+$0x200]  }
0x5f4: {  	s12 =	sor.u32 s31, s20;
	s15 =	sor.u32 s31, s17;
	[tilespmem:s14+$0x200] =	vst v63;
	s14 =	sor.u32 s19, s22;
	v7 =	vadd.f32 v7, v6;
	v6 =	vld [tilespmem:s30+$0xC200]  }
0x5f5: {  	v8 =	vld [tilespmem:s23+$0x200]  }
0x5f6: {  	v9 =	vld [tilespmem:s23+$0xC200]  }
0x5f7: {  	v10 =	vld [tilespmem:s12+$0x200]  }
0x5f8: {  	v11 =	vld [tilespmem:s12+$0xC200]  }
0x5f9: {  	v12 =	vld [tilespmem:s14+$0x200]  }
0x5fa: {  	v14 =	vld [tilespmem:s15+$0x200]  }
0x5fb: {  	v61 =	vld [tilespmem:s15+$0xC200]  }
0x5fc: {  	v13 =	vld [tilespmem:s14+$0xC200];
	v3 =	vadd.f32 v5, v3  }
0x5fd: {  	s0 =	sadd.s32 $0x1, s0;
	[tilespmem:s5+$0x200] =	vst v7;
	v4 =	vadd.f32 v6, v4  }
0x5fe: {  	p0 =	sne.s32 s0, $0x10;
	[tilespmem:s18+$0x200] =	vst v3;
	v3 =	vadd.f32 v9, v8  }
.Ltmp25:
0x5ff: {  	v62 =	vadd.f32 v11, v10;
	[tilespmem:s30+$0x200] =	vst v4;
	(pc) =	sbr.rel @p0 .LBB2_50-.Ltmp25, $4  }
0x600: {  	v63 =	vadd.f32 v61, v14;
	[tilespmem:s23+$0x200] =	vst v3  }
0x601: {  	v3 =	vadd.f32 v13, v12;
	[tilespmem:s12+$0x200] =	vst v62  }
0x602: {  	[tilespmem:s15+$0x200] =	vst v63  }
0x603: {  	[tilespmem:s14+$0x200] =	vst v3  }
0x604: {  	s5 =	sld [smem:$0x7F7];
	_ =	sdelay $0x1  }
0x605: {  	s0 =	simm.s32 $0x0;
	s6 =	simm.s32 $0x200;
	s30 =	simm.s32 $0x2  }
0x606: {  	[hbm4b:s5+s0] =	stream.linear.scatter [tilespmem:s6], [sflag:$0x9], $0x3000, $0x38;
	[tilespmem:$0x18200] =	vst v63  }
0x607: {  	_ =	swait.ge [sflag:s30], $0x3000  }
0x608: {  	[sflag:s30] =	ssyncset.done $0x0  }
0x609: {  	s31 =	simm.s32 $0x6;
	[sflag:s30] =	ssyncadd.s32 $0xFFFFD000  }
0x60a: {  	_ =	swait.ge [sflag:s31], $0x3000  }
0x60b: {  	[sflag:s31] =	ssyncset.done $0x0  }
0x60c: {  	[sflag:s31] =	ssyncadd.s32 $0xFFFFD000  }
.LBB2_54:
0x60d: {  	s5 =	sshll.u32 s0, $0x7  }
0x60e: {  	s21 =	sshrl.u32 s0, $0x3;
	s22 =	simm.s32 $0x280;
	s23 =	simm.s32 $0x0  }
0x60f: {  	s13 =	simm.s32 $0x20;
	s14 =	simm.s32 $0x30;
	s15 =	simm.s32 $0x50  }
0x610: {  	s25 =	simm.s32 $0x200;
	s17 =	simm.s32 $0x100;
	s18 =	simm.s32 $0x40  }
0x611: {  	s19 =	simm.s32 $0x180;
	s20 =	simm.s32 $0x0;
	s31 =	sand.u32 $0x380, s5  }
0x612: {  	s29 =	smul.u32 $0x1800, s21;
	s13 =	sand.u32 $0x60, s13;
	s14 =	sand.u32 $0x70, s14  }
0x613: {  	s15 =	sand.u32 $0x70, s15;
	s18 =	sand.u32 $0x60, s18;
	s17 =	sand.u32 $0x3C00, s17  }
0x614: {  	s26 =	sand.u32 $0x3C00, s19;
	s28 =	sand.u32 $0x1C00, s20;
	s6 =	sor.u32 $0x10, s31  }
0x615: {  	s5 =	sand.u32 $0x3C00, s22;
	[dreg:$0x13] =	wrdreg s6;
	s6 =	sand.u32 $0x60, s23  }
0x616: {  	s19 =	sadd.s32 s29, s28;
	s12 =	rddreg [dreg:$0x13];
	s16 =	sor.u32 s31, s6  }
0x617: {  	s6 =	sor.u32 s12, s6;
	s12 =	sand.u32 $0x3C00, s25;
	s16 =	sor.u32 s19, s16  }
0x618: {  	s21 =	simm.s32 $0xB0;
	s12 =	sadd.s32 s29, s12;
	s20 =	sor.u32 s19, s6;
	v11 =	vld [tilespmem:s16+$0x3200]  }
0x619: {  	s21 =	sand.u32 $0x70, s21;
	s17 =	sadd.s32 s29, s17;
	s12 =	sor.u32 s18, s12;
	v5 =	vld [tilespmem:s20+$0x3200]  }
0x61a: {  	s5 =	sadd.s32 s29, s5;
	s23 =	simm.s32 $0x80;
	v6 =	vld [tilespmem:s20+$0xF200];
	s12 =	sor.u32 s31, s12  }
0x61b: {  	s28 =	simm.s32 $0xA0;
	s13 =	sor.u32 s13, s17;
	s18 =	sadd.s32 s29, s26;
	v3 =	vld [tilespmem:s12+$0x3200]  }
0x61c: {  	s5 =	sor.u32 s15, s5;
	s17 =	sor.u32 s14, s18;
	s14 =	sor.u32 s31, s13;
	v4 =	vld [tilespmem:s12+$0xF200]  }
0x61d: {  	s28 =	sand.u32 $0x60, s28;
	s5 =	sor.u32 s31, s5;
	s6 =	simm.s32 $0x60;
	v7 =	vld [tilespmem:s14+$0x3200]  }
0x61e: {  	s25 =	sand.u32 $0x60, s6;
	s26 =	simm.s32 $0x90;
	s15 =	sor.u32 s31, s17;
	v8 =	vld [tilespmem:s14+$0xF200]  }
0x61f: {  	s18 =	rddreg [dreg:$0x13];
	s19 =	sand.u32 $0x70, s26;
	s22 =	sor.u32 s31, s25;
	v9 =	vld [tilespmem:s15+$0x3200]  }
0x620: {  	s17 =	sand.u32 $0x60, s23;
	s23 =	sor.u32 s18, s25;
	s25 =	simm.s32 $0x500;
	v10 =	vld [tilespmem:s15+$0xF200]  }
0x621: {  	v12 =	vld [tilespmem:s16+$0xF200];
	s13 =	simm.s32 $0x580;
	s26 =	simm.s32 $0x480;
	s25 =	sand.u32 $0x3C00, s25  }
0x622: {  	v13 =	vld [tilespmem:s5+$0x3200];
	s18 =	simm.s32 $0x400;
	s26 =	sand.u32 $0x3C00, s26;
	s25 =	sadd.s32 s29, s25;
	v3 =	vadd.f32 v4, v3  }
0x623: {  	s30 =	sand.u32 $0x3C00, s18;
	s18 =	sor.u32 s28, s25;
	s28 =	simm.s32 $0x300;
	v4 =	vadd.f32 v6, v5;
	v6 =	vld [tilespmem:s5+$0xF200]  }
0x624: {  	s26 =	sadd.s32 s29, s26;
	s18 =	sor.u32 s31, s18;
	s25 =	sand.u32 $0x1C00, s28;
	v5 =	vadd.f32 v8, v7;
	[tilespmem:s12+$0x3200] =	vst v3  }
0x625: {  	s26 =	sor.u32 s19, s26;
	s25 =	sadd.s32 s29, s25;
	s12 =	sand.u32 $0x3C00, s13;
	[tilespmem:s20+$0x3200] =	vst v4;
	v4 =	vadd.f32 v10, v9;
	v3 =	vld [tilespmem:s18+$0x3200]  }
0x626: {  	s28 =	sadd.s32 s29, s30;
	v7 =	vadd.f32 v12, v11;
	s30 =	sor.u32 s25, s23;
	[tilespmem:s14+$0x3200] =	vst v5;
	v5 =	vld [tilespmem:s18+$0xF200];
	s12 =	sadd.s32 s29, s12  }
0x627: {  	s20 =	sor.u32 s17, s28;
	s14 =	sor.u32 s25, s22;
	s28 =	sor.u32 s21, s12;
	[tilespmem:s15+$0x3200] =	vst v4;
	v4 =	vld [tilespmem:s30+$0x3200]  }
0x628: {  	[tilespmem:s16+$0x3200] =	vst v7;
	s23 =	sor.u32 s31, s20;
	s12 =	sor.u32 s31, s26;
	s15 =	sor.u32 s31, s28;
	v7 =	vadd.f32 v6, v13;
	v6 =	vld [tilespmem:s30+$0xF200]  }
.LBB2_55:
0x629: {  	s16 =	rddreg [dreg:$0x13];
	s17 =	sadd.s32 $0x80, s6;
	s19 =	smov.u32 s6  }
0x62a: {  	v8 =	vld [tilespmem:s23+$0x3200];
	s6 =	sadd.s32 $0x60, s6;
	s13 =	sadd.s32 $0x300, s13;
	[tilespmem:s5+$0x3200] =	vst v7;
	s5 =	smov.u32 s15  }
0x62b: {  	s25 =	sand.u32 $0x60, s6;
	s20 =	sadd.s32 $0x90, s19;
	s21 =	sadd.s32 $0xB0, s19;
	v7 =	vld [tilespmem:s23+$0xF200]  }
0x62c: {  	v9 =	vld [tilespmem:s12+$0xF200];
	s17 =	sand.u32 $0x60, s17;
	s26 =	sadd.s32 $0xFFFFFE80, s13;
	s28 =	sadd.s32 $0xFFFFFF00, s13;
	v3 =	vadd.f32 v5, v3  }
0x62d: {  	v10 =	vld [tilespmem:s14+$0x3200];
	s19 =	sadd.s32 $0xA0, s19;
	p0 =	slt.u32 s6, $0x2A0;
	s20 =	sand.u32 $0x70, s20  }
0x62e: {  	s22 =	sor.u32 s31, s25;
	s15 =	sor.u32 s16, s25;
	s25 =	sadd.s32 $0xFFFFFF80, s13;
	v5 =	vld [tilespmem:s12+$0x3200];
	[tilespmem:s18+$0x3200] =	vst v3;
	v3 =	vadd.f32 v6, v4  }
0x62f: {  	s21 =	sand.u32 $0x70, s21;
	s16 =	sand.u32 $0x3C00, s26;
	s25 =	sand.u32 $0x3C00, s25;
	v4 =	vld [tilespmem:s14+$0xF200]  }
0x630: {  	s19 =	sand.u32 $0x60, s19;
	s25 =	sadd.s32 s29, s25;
	s18 =	sand.u32 $0x3C00, s28;
	v6 =	vld [tilespmem:s5+$0x3200];
	[tilespmem:s30+$0x3200] =	vst v3;
	v3 =	vadd.f32 v7, v8  }
0x631: {  	s26 =	sadd.s32 $0xFFFFFD80, s13;
	s19 =	sor.u32 s19, s25;
	s28 =	sadd.s32 s29, s18;
	v7 =	vld [tilespmem:s5+$0xF200]  }
.Ltmp26:
0x632: {  	s18 =	sor.u32 s31, s19;
	[tilespmem:s23+$0x3200] =	vst v3;
	s23 =	sand.u32 $0x1C00, s26;
	(pc) =	sbr.rel @p0 .LBB2_55-.Ltmp26, $4  }
0x633: {  	s16 =	sadd.s32 s29, s16;
	s25 =	sand.u32 $0x3C00, s13;
	v8 =	vadd.f32 v9, v5;
	v5 =	vld [tilespmem:s18+$0xF200];
	s19 =	sadd.s32 s29, s23  }
0x634: {  	s16 =	sor.u32 s17, s16;
	v3 =	vld [tilespmem:s18+$0x3200];
	s26 =	sadd.s32 s29, s25;
	v63 =	vadd.f32 v4, v10;
	s30 =	sor.u32 s19, s15  }
0x635: {  	s20 =	sor.u32 s20, s28;
	s17 =	sor.u32 s21, s26;
	[tilespmem:s12+$0x3200] =	vst v8;
	s23 =	sor.u32 s31, s16;
	v4 =	vld [tilespmem:s30+$0x3200]  }
0x636: {  	s12 =	sor.u32 s31, s20;
	s15 =	sor.u32 s31, s17;
	[tilespmem:s14+$0x3200] =	vst v63;
	s14 =	sor.u32 s19, s22;
	v7 =	vadd.f32 v7, v6;
	v6 =	vld [tilespmem:s30+$0xF200]  }
0x637: {  	v8 =	vld [tilespmem:s23+$0x3200]  }
0x638: {  	v9 =	vld [tilespmem:s23+$0xF200]  }
0x639: {  	v10 =	vld [tilespmem:s12+$0x3200]  }
0x63a: {  	v11 =	vld [tilespmem:s12+$0xF200]  }
0x63b: {  	v12 =	vld [tilespmem:s14+$0x3200]  }
0x63c: {  	v14 =	vld [tilespmem:s15+$0x3200]  }
0x63d: {  	v61 =	vld [tilespmem:s15+$0xF200]  }
0x63e: {  	v13 =	vld [tilespmem:s14+$0xF200];
	v3 =	vadd.f32 v5, v3  }
0x63f: {  	s0 =	sadd.s32 $0x1, s0;
	[tilespmem:s5+$0x3200] =	vst v7;
	v4 =	vadd.f32 v6, v4  }
0x640: {  	p0 =	sne.s32 s0, $0x10;
	[tilespmem:s18+$0x3200] =	vst v3;
	v3 =	vadd.f32 v9, v8  }
.Ltmp27:
0x641: {  	v62 =	vadd.f32 v11, v10;
	[tilespmem:s30+$0x3200] =	vst v4;
	(pc) =	sbr.rel @p0 .LBB2_54-.Ltmp27, $4  }
0x642: {  	v63 =	vadd.f32 v61, v14;
	[tilespmem:s23+$0x3200] =	vst v3  }
0x643: {  	v3 =	vadd.f32 v13, v12;
	[tilespmem:s12+$0x3200] =	vst v62  }
0x644: {  	[tilespmem:s15+$0x3200] =	vst v63  }
0x645: {  	[tilespmem:s14+$0x3200] =	vst v3  }
0x646: {  	s5 =	sld [smem:$0x7F8];
	_ =	sdelay $0x1  }
0x647: {  	s0 =	simm.s32 $0x0;
	s30 =	simm.s32 $0x3  }
0x648: {  	[hbm4b:s5+s0] =	stream.linear.scatter [tilespmem:s10], [sflag:$0xA], $0x3000, $0x38;
	[tilespmem:$0x18200] =	vst v63  }
0x649: {  	_ =	swait.ge [sflag:s30], $0x3000  }
0x64a: {  	[sflag:s30] =	ssyncset.done $0x0  }
0x64b: {  	s31 =	simm.s32 $0x7;
	[sflag:s30] =	ssyncadd.s32 $0xFFFFD000  }
0x64c: {  	_ =	swait.ge [sflag:s31], $0x3000  }
0x64d: {  	[sflag:s31] =	ssyncset.done $0x0  }
0x64e: {  	[sflag:s31] =	ssyncadd.s32 $0xFFFFD000  }
.LBB2_58:
0x64f: {  	s5 =	sshll.u32 s0, $0x7  }
0x650: {  	s21 =	sshrl.u32 s0, $0x3;
	s22 =	simm.s32 $0x280;
	s23 =	simm.s32 $0x0  }
0x651: {  	s13 =	simm.s32 $0x20;
	s14 =	simm.s32 $0x30;
	s15 =	simm.s32 $0x50  }
0x652: {  	s25 =	simm.s32 $0x200;
	s17 =	simm.s32 $0x100;
	s18 =	simm.s32 $0x40  }
0x653: {  	s19 =	simm.s32 $0x180;
	s20 =	simm.s32 $0x0;
	s31 =	sand.u32 $0x380, s5  }
0x654: {  	s29 =	smul.u32 $0x1800, s21;
	s13 =	sand.u32 $0x60, s13;
	s14 =	sand.u32 $0x70, s14  }
0x655: {  	s15 =	sand.u32 $0x70, s15;
	s18 =	sand.u32 $0x60, s18;
	s17 =	sand.u32 $0x3C00, s17  }
0x656: {  	s26 =	sand.u32 $0x3C00, s19;
	s28 =	sand.u32 $0x1C00, s20;
	s6 =	sor.u32 $0x10, s31  }
0x657: {  	s5 =	sand.u32 $0x3C00, s22;
	[dreg:$0x14] =	wrdreg s6;
	s6 =	sand.u32 $0x60, s23  }
0x658: {  	s19 =	sadd.s32 s29, s28;
	s12 =	rddreg [dreg:$0x14];
	s16 =	sor.u32 s31, s6  }
0x659: {  	s6 =	sor.u32 s12, s6;
	s12 =	sand.u32 $0x3C00, s25;
	s16 =	sor.u32 s19, s16  }
0x65a: {  	s21 =	simm.s32 $0xB0;
	s12 =	sadd.s32 s29, s12;
	s20 =	sor.u32 s19, s6;
	v11 =	vld [tilespmem:s16+$0x6200]  }
0x65b: {  	s21 =	sand.u32 $0x70, s21;
	s17 =	sadd.s32 s29, s17;
	s12 =	sor.u32 s18, s12;
	v5 =	vld [tilespmem:s20+$0x6200]  }
0x65c: {  	s5 =	sadd.s32 s29, s5;
	s23 =	simm.s32 $0x80;
	v6 =	vld [tilespmem:s20+$0x12200];
	s12 =	sor.u32 s31, s12  }
0x65d: {  	s28 =	simm.s32 $0xA0;
	s13 =	sor.u32 s13, s17;
	s18 =	sadd.s32 s29, s26;
	v3 =	vld [tilespmem:s12+$0x6200]  }
0x65e: {  	s5 =	sor.u32 s15, s5;
	s17 =	sor.u32 s14, s18;
	s14 =	sor.u32 s31, s13;
	v4 =	vld [tilespmem:s12+$0x12200]  }
0x65f: {  	s28 =	sand.u32 $0x60, s28;
	s5 =	sor.u32 s31, s5;
	s6 =	simm.s32 $0x60;
	v7 =	vld [tilespmem:s14+$0x6200]  }
0x660: {  	s25 =	sand.u32 $0x60, s6;
	s26 =	simm.s32 $0x90;
	s15 =	sor.u32 s31, s17;
	v8 =	vld [tilespmem:s14+$0x12200]  }
0x661: {  	s18 =	rddreg [dreg:$0x14];
	s19 =	sand.u32 $0x70, s26;
	s22 =	sor.u32 s31, s25;
	v9 =	vld [tilespmem:s15+$0x6200]  }
0x662: {  	s17 =	sand.u32 $0x60, s23;
	s23 =	sor.u32 s18, s25;
	s25 =	simm.s32 $0x500;
	v10 =	vld [tilespmem:s15+$0x12200]  }
0x663: {  	v12 =	vld [tilespmem:s16+$0x12200];
	s13 =	simm.s32 $0x580;
	s26 =	simm.s32 $0x480;
	s25 =	sand.u32 $0x3C00, s25  }
0x664: {  	v13 =	vld [tilespmem:s5+$0x6200];
	s18 =	simm.s32 $0x400;
	s26 =	sand.u32 $0x3C00, s26;
	s25 =	sadd.s32 s29, s25;
	v3 =	vadd.f32 v4, v3  }
0x665: {  	s30 =	sand.u32 $0x3C00, s18;
	s18 =	sor.u32 s28, s25;
	s28 =	simm.s32 $0x300;
	v4 =	vadd.f32 v6, v5;
	v6 =	vld [tilespmem:s5+$0x12200]  }
0x666: {  	s26 =	sadd.s32 s29, s26;
	s18 =	sor.u32 s31, s18;
	s25 =	sand.u32 $0x1C00, s28;
	v5 =	vadd.f32 v8, v7;
	[tilespmem:s12+$0x6200] =	vst v3  }
0x667: {  	s26 =	sor.u32 s19, s26;
	s25 =	sadd.s32 s29, s25;
	s12 =	sand.u32 $0x3C00, s13;
	[tilespmem:s20+$0x6200] =	vst v4;
	v4 =	vadd.f32 v10, v9;
	v3 =	vld [tilespmem:s18+$0x6200]  }
0x668: {  	s28 =	sadd.s32 s29, s30;
	v7 =	vadd.f32 v12, v11;
	s30 =	sor.u32 s25, s23;
	[tilespmem:s14+$0x6200] =	vst v5;
	v5 =	vld [tilespmem:s18+$0x12200];
	s12 =	sadd.s32 s29, s12  }
0x669: {  	s20 =	sor.u32 s17, s28;
	s14 =	sor.u32 s25, s22;
	s28 =	sor.u32 s21, s12;
	[tilespmem:s15+$0x6200] =	vst v4;
	v4 =	vld [tilespmem:s30+$0x6200]  }
0x66a: {  	[tilespmem:s16+$0x6200] =	vst v7;
	s23 =	sor.u32 s31, s20;
	s12 =	sor.u32 s31, s26;
	s15 =	sor.u32 s31, s28;
	v7 =	vadd.f32 v6, v13;
	v6 =	vld [tilespmem:s30+$0x12200]  }
.LBB2_59:
0x66b: {  	s16 =	rddreg [dreg:$0x14];
	s17 =	sadd.s32 $0x80, s6;
	s19 =	smov.u32 s6  }
0x66c: {  	v8 =	vld [tilespmem:s23+$0x6200];
	s6 =	sadd.s32 $0x60, s6;
	s13 =	sadd.s32 $0x300, s13;
	[tilespmem:s5+$0x6200] =	vst v7;
	s5 =	smov.u32 s15  }
0x66d: {  	s25 =	sand.u32 $0x60, s6;
	s20 =	sadd.s32 $0x90, s19;
	s21 =	sadd.s32 $0xB0, s19;
	v7 =	vld [tilespmem:s23+$0x12200]  }
0x66e: {  	v9 =	vld [tilespmem:s12+$0x12200];
	s17 =	sand.u32 $0x60, s17;
	s26 =	sadd.s32 $0xFFFFFE80, s13;
	s28 =	sadd.s32 $0xFFFFFF00, s13;
	v3 =	vadd.f32 v5, v3  }
0x66f: {  	v10 =	vld [tilespmem:s14+$0x6200];
	s19 =	sadd.s32 $0xA0, s19;
	p0 =	slt.u32 s6, $0x2A0;
	s20 =	sand.u32 $0x70, s20  }
0x670: {  	s22 =	sor.u32 s31, s25;
	s15 =	sor.u32 s16, s25;
	s25 =	sadd.s32 $0xFFFFFF80, s13;
	v5 =	vld [tilespmem:s12+$0x6200];
	[tilespmem:s18+$0x6200] =	vst v3;
	v3 =	vadd.f32 v6, v4  }
0x671: {  	s21 =	sand.u32 $0x70, s21;
	s16 =	sand.u32 $0x3C00, s26;
	s25 =	sand.u32 $0x3C00, s25;
	v4 =	vld [tilespmem:s14+$0x12200]  }
0x672: {  	s19 =	sand.u32 $0x60, s19;
	s25 =	sadd.s32 s29, s25;
	s18 =	sand.u32 $0x3C00, s28;
	v6 =	vld [tilespmem:s5+$0x6200];
	[tilespmem:s30+$0x6200] =	vst v3;
	v3 =	vadd.f32 v7, v8  }
0x673: {  	s26 =	sadd.s32 $0xFFFFFD80, s13;
	s19 =	sor.u32 s19, s25;
	s28 =	sadd.s32 s29, s18;
	v7 =	vld [tilespmem:s5+$0x12200]  }
.Ltmp28:
0x674: {  	s18 =	sor.u32 s31, s19;
	[tilespmem:s23+$0x6200] =	vst v3;
	s23 =	sand.u32 $0x1C00, s26;
	(pc) =	sbr.rel @p0 .LBB2_59-.Ltmp28, $4  }
0x675: {  	s16 =	sadd.s32 s29, s16;
	s25 =	sand.u32 $0x3C00, s13;
	v8 =	vadd.f32 v9, v5;
	v5 =	vld [tilespmem:s18+$0x12200];
	s19 =	sadd.s32 s29, s23  }
0x676: {  	s16 =	sor.u32 s17, s16;
	v3 =	vld [tilespmem:s18+$0x6200];
	s26 =	sadd.s32 s29, s25;
	v63 =	vadd.f32 v4, v10;
	s30 =	sor.u32 s19, s15  }
0x677: {  	s20 =	sor.u32 s20, s28;
	s17 =	sor.u32 s21, s26;
	[tilespmem:s12+$0x6200] =	vst v8;
	s23 =	sor.u32 s31, s16;
	v4 =	vld [tilespmem:s30+$0x6200]  }
0x678: {  	s12 =	sor.u32 s31, s20;
	s15 =	sor.u32 s31, s17;
	[tilespmem:s14+$0x6200] =	vst v63;
	s14 =	sor.u32 s19, s22;
	v7 =	vadd.f32 v7, v6;
	v6 =	vld [tilespmem:s30+$0x12200]  }
0x679: {  	v8 =	vld [tilespmem:s23+$0x6200]  }
0x67a: {  	v9 =	vld [tilespmem:s23+$0x12200]  }
0x67b: {  	v10 =	vld [tilespmem:s12+$0x6200]  }
0x67c: {  	v11 =	vld [tilespmem:s12+$0x12200]  }
0x67d: {  	v12 =	vld [tilespmem:s14+$0x6200]  }
0x67e: {  	v14 =	vld [tilespmem:s15+$0x6200]  }
0x67f: {  	v61 =	vld [tilespmem:s15+$0x12200]  }
0x680: {  	v13 =	vld [tilespmem:s14+$0x12200];
	v3 =	vadd.f32 v5, v3  }
0x681: {  	s0 =	sadd.s32 $0x1, s0;
	[tilespmem:s5+$0x6200] =	vst v7;
	v4 =	vadd.f32 v6, v4  }
0x682: {  	p0 =	sne.s32 s0, $0x10;
	[tilespmem:s18+$0x6200] =	vst v3;
	v3 =	vadd.f32 v9, v8  }
.Ltmp29:
0x683: {  	v62 =	vadd.f32 v11, v10;
	[tilespmem:s30+$0x6200] =	vst v4;
	(pc) =	sbr.rel @p0 .LBB2_58-.Ltmp29, $4  }
0x684: {  	v63 =	vadd.f32 v61, v14;
	[tilespmem:s23+$0x6200] =	vst v3  }
0x685: {  	v3 =	vadd.f32 v13, v12;
	[tilespmem:s12+$0x6200] =	vst v62  }
0x686: {  	[tilespmem:s15+$0x6200] =	vst v63  }
0x687: {  	[tilespmem:s14+$0x6200] =	vst v3  }
0x688: {  	s5 =	sld [smem:$0x7F9];
	_ =	sdelay $0x1  }
0x689: {  	s0 =	simm.s32 $0x0;
	s30 =	simm.s32 $0x4  }
0x68a: {  	[hbm4b:s5+s0] =	stream.linear.scatter [tilespmem:s2], [sflag:$0xB], $0x3000, $0x38;
	[tilespmem:$0x18200] =	vst v63  }
0x68b: {  	_ =	swait.ge [sflag:s30], $0x3000  }
0x68c: {  	[sflag:s30] =	ssyncset.done $0x0  }
0x68d: {  	s31 =	simm.s32 $0x8;
	[sflag:s30] =	ssyncadd.s32 $0xFFFFD000  }
0x68e: {  	_ =	swait.ge [sflag:s31], $0x3000  }
0x68f: {  	[sflag:s31] =	ssyncset.done $0x0  }
0x690: {  	[sflag:s31] =	ssyncadd.s32 $0xFFFFD000  }
.LBB2_62:
0x691: {  	s5 =	sshll.u32 s0, $0x7  }
0x692: {  	s21 =	sshrl.u32 s0, $0x3;
	s22 =	simm.s32 $0x280;
	s23 =	simm.s32 $0x0  }
0x693: {  	s13 =	simm.s32 $0x20;
	s14 =	simm.s32 $0x30;
	s15 =	simm.s32 $0x50  }
0x694: {  	s25 =	simm.s32 $0x200;
	s17 =	simm.s32 $0x100;
	s18 =	simm.s32 $0x40  }
0x695: {  	s19 =	simm.s32 $0x180;
	s20 =	simm.s32 $0x0;
	s31 =	sand.u32 $0x380, s5  }
0x696: {  	s29 =	smul.u32 $0x1800, s21;
	s13 =	sand.u32 $0x60, s13;
	s14 =	sand.u32 $0x70, s14  }
0x697: {  	s15 =	sand.u32 $0x70, s15;
	s18 =	sand.u32 $0x60, s18;
	s17 =	sand.u32 $0x3C00, s17  }
0x698: {  	s26 =	sand.u32 $0x3C00, s19;
	s28 =	sand.u32 $0x1C00, s20;
	s6 =	sor.u32 $0x10, s31  }
0x699: {  	s5 =	sand.u32 $0x3C00, s22;
	[dreg:$0x15] =	wrdreg s6;
	s6 =	sand.u32 $0x60, s23  }
0x69a: {  	s19 =	sadd.s32 s29, s28;
	s12 =	rddreg [dreg:$0x15];
	s16 =	sor.u32 s31, s6  }
0x69b: {  	s6 =	sor.u32 s12, s6;
	s12 =	sand.u32 $0x3C00, s25;
	s16 =	sor.u32 s19, s16  }
0x69c: {  	s21 =	simm.s32 $0xB0;
	s12 =	sadd.s32 s29, s12;
	s20 =	sor.u32 s19, s6;
	v11 =	vld [tilespmem:s16+$0x9200]  }
0x69d: {  	s21 =	sand.u32 $0x70, s21;
	s17 =	sadd.s32 s29, s17;
	s12 =	sor.u32 s18, s12;
	v5 =	vld [tilespmem:s20+$0x9200]  }
0x69e: {  	s5 =	sadd.s32 s29, s5;
	s23 =	simm.s32 $0x80;
	v6 =	vld [tilespmem:s20+$0x15200];
	s12 =	sor.u32 s31, s12  }
0x69f: {  	s28 =	simm.s32 $0xA0;
	s13 =	sor.u32 s13, s17;
	s18 =	sadd.s32 s29, s26;
	v3 =	vld [tilespmem:s12+$0x9200]  }
0x6a0: {  	s5 =	sor.u32 s15, s5;
	s17 =	sor.u32 s14, s18;
	s14 =	sor.u32 s31, s13;
	v4 =	vld [tilespmem:s12+$0x15200]  }
0x6a1: {  	s28 =	sand.u32 $0x60, s28;
	s5 =	sor.u32 s31, s5;
	s6 =	simm.s32 $0x60;
	v7 =	vld [tilespmem:s14+$0x9200]  }
0x6a2: {  	s25 =	sand.u32 $0x60, s6;
	s26 =	simm.s32 $0x90;
	s15 =	sor.u32 s31, s17;
	v8 =	vld [tilespmem:s14+$0x15200]  }
0x6a3: {  	s18 =	rddreg [dreg:$0x15];
	s19 =	sand.u32 $0x70, s26;
	s22 =	sor.u32 s31, s25;
	v9 =	vld [tilespmem:s15+$0x9200]  }
0x6a4: {  	s17 =	sand.u32 $0x60, s23;
	s23 =	sor.u32 s18, s25;
	s25 =	simm.s32 $0x500;
	v10 =	vld [tilespmem:s15+$0x15200]  }
0x6a5: {  	v12 =	vld [tilespmem:s16+$0x15200];
	s13 =	simm.s32 $0x580;
	s26 =	simm.s32 $0x480;
	s25 =	sand.u32 $0x3C00, s25  }
0x6a6: {  	v13 =	vld [tilespmem:s5+$0x9200];
	s18 =	simm.s32 $0x400;
	s26 =	sand.u32 $0x3C00, s26;
	s25 =	sadd.s32 s29, s25;
	v3 =	vadd.f32 v4, v3  }
0x6a7: {  	s30 =	sand.u32 $0x3C00, s18;
	s18 =	sor.u32 s28, s25;
	s28 =	simm.s32 $0x300;
	v4 =	vadd.f32 v6, v5;
	v6 =	vld [tilespmem:s5+$0x15200]  }
0x6a8: {  	s26 =	sadd.s32 s29, s26;
	s18 =	sor.u32 s31, s18;
	s25 =	sand.u32 $0x1C00, s28;
	v5 =	vadd.f32 v8, v7;
	[tilespmem:s12+$0x9200] =	vst v3  }
0x6a9: {  	s26 =	sor.u32 s19, s26;
	s25 =	sadd.s32 s29, s25;
	s12 =	sand.u32 $0x3C00, s13;
	[tilespmem:s20+$0x9200] =	vst v4;
	v4 =	vadd.f32 v10, v9;
	v3 =	vld [tilespmem:s18+$0x9200]  }
0x6aa: {  	s28 =	sadd.s32 s29, s30;
	v7 =	vadd.f32 v12, v11;
	s30 =	sor.u32 s25, s23;
	[tilespmem:s14+$0x9200] =	vst v5;
	v5 =	vld [tilespmem:s18+$0x15200];
	s12 =	sadd.s32 s29, s12  }
0x6ab: {  	s20 =	sor.u32 s17, s28;
	s14 =	sor.u32 s25, s22;
	s28 =	sor.u32 s21, s12;
	[tilespmem:s15+$0x9200] =	vst v4;
	v4 =	vld [tilespmem:s30+$0x9200]  }
0x6ac: {  	[tilespmem:s16+$0x9200] =	vst v7;
	s23 =	sor.u32 s31, s20;
	s12 =	sor.u32 s31, s26;
	s15 =	sor.u32 s31, s28;
	v7 =	vadd.f32 v6, v13;
	v6 =	vld [tilespmem:s30+$0x15200]  }
.LBB2_63:
0x6ad: {  	s16 =	rddreg [dreg:$0x15];
	s17 =	sadd.s32 $0x80, s6;
	s19 =	smov.u32 s6  }
0x6ae: {  	v8 =	vld [tilespmem:s23+$0x9200];
	s6 =	sadd.s32 $0x60, s6;
	s13 =	sadd.s32 $0x300, s13;
	[tilespmem:s5+$0x9200] =	vst v7;
	s5 =	smov.u32 s15  }
0x6af: {  	s25 =	sand.u32 $0x60, s6;
	s20 =	sadd.s32 $0x90, s19;
	s21 =	sadd.s32 $0xB0, s19;
	v7 =	vld [tilespmem:s23+$0x15200]  }
0x6b0: {  	v9 =	vld [tilespmem:s12+$0x15200];
	s17 =	sand.u32 $0x60, s17;
	s26 =	sadd.s32 $0xFFFFFE80, s13;
	s28 =	sadd.s32 $0xFFFFFF00, s13;
	v3 =	vadd.f32 v5, v3  }
0x6b1: {  	v10 =	vld [tilespmem:s14+$0x9200];
	s19 =	sadd.s32 $0xA0, s19;
	p0 =	slt.u32 s6, $0x2A0;
	s20 =	sand.u32 $0x70, s20  }
0x6b2: {  	s22 =	sor.u32 s31, s25;
	s15 =	sor.u32 s16, s25;
	s25 =	sadd.s32 $0xFFFFFF80, s13;
	v5 =	vld [tilespmem:s12+$0x9200];
	[tilespmem:s18+$0x9200] =	vst v3;
	v3 =	vadd.f32 v6, v4  }
0x6b3: {  	s21 =	sand.u32 $0x70, s21;
	s16 =	sand.u32 $0x3C00, s26;
	s25 =	sand.u32 $0x3C00, s25;
	v4 =	vld [tilespmem:s14+$0x15200]  }
0x6b4: {  	s19 =	sand.u32 $0x60, s19;
	s25 =	sadd.s32 s29, s25;
	s18 =	sand.u32 $0x3C00, s28;
	v6 =	vld [tilespmem:s5+$0x9200];
	[tilespmem:s30+$0x9200] =	vst v3;
	v3 =	vadd.f32 v7, v8  }
0x6b5: {  	s26 =	sadd.s32 $0xFFFFFD80, s13;
	s19 =	sor.u32 s19, s25;
	s28 =	sadd.s32 s29, s18;
	v7 =	vld [tilespmem:s5+$0x15200]  }
.Ltmp30:
0x6b6: {  	s18 =	sor.u32 s31, s19;
	[tilespmem:s23+$0x9200] =	vst v3;
	s23 =	sand.u32 $0x1C00, s26;
	(pc) =	sbr.rel @p0 .LBB2_63-.Ltmp30, $4  }
0x6b7: {  	s16 =	sadd.s32 s29, s16;
	s25 =	sand.u32 $0x3C00, s13;
	v8 =	vadd.f32 v9, v5;
	v5 =	vld [tilespmem:s18+$0x15200];
	s19 =	sadd.s32 s29, s23  }
0x6b8: {  	s16 =	sor.u32 s17, s16;
	v3 =	vld [tilespmem:s18+$0x9200];
	s26 =	sadd.s32 s29, s25;
	v63 =	vadd.f32 v4, v10;
	s30 =	sor.u32 s19, s15  }
0x6b9: {  	s20 =	sor.u32 s20, s28;
	s17 =	sor.u32 s21, s26;
	[tilespmem:s12+$0x9200] =	vst v8;
	s23 =	sor.u32 s31, s16;
	v4 =	vld [tilespmem:s30+$0x9200]  }
0x6ba: {  	s12 =	sor.u32 s31, s20;
	s15 =	sor.u32 s31, s17;
	[tilespmem:s14+$0x9200] =	vst v63;
	s14 =	sor.u32 s19, s22;
	v7 =	vadd.f32 v7, v6;
	v6 =	vld [tilespmem:s30+$0x15200]  }
0x6bb: {  	v8 =	vld [tilespmem:s23+$0x9200]  }
0x6bc: {  	v9 =	vld [tilespmem:s23+$0x15200]  }
0x6bd: {  	v10 =	vld [tilespmem:s12+$0x9200]  }
0x6be: {  	v11 =	vld [tilespmem:s12+$0x15200]  }
0x6bf: {  	v12 =	vld [tilespmem:s14+$0x9200]  }
0x6c0: {  	v14 =	vld [tilespmem:s15+$0x9200]  }
0x6c1: {  	v61 =	vld [tilespmem:s15+$0x15200]  }
0x6c2: {  	v13 =	vld [tilespmem:s14+$0x15200];
	v3 =	vadd.f32 v5, v3  }
0x6c3: {  	s0 =	sadd.s32 $0x1, s0;
	[tilespmem:s5+$0x9200] =	vst v7;
	v4 =	vadd.f32 v6, v4  }
0x6c4: {  	p0 =	sne.s32 s0, $0x10;
	[tilespmem:s18+$0x9200] =	vst v3;
	v3 =	vadd.f32 v9, v8  }
.Ltmp31:
0x6c5: {  	v62 =	vadd.f32 v11, v10;
	[tilespmem:s30+$0x9200] =	vst v4;
	(pc) =	sbr.rel @p0 .LBB2_62-.Ltmp31, $4  }
0x6c6: {  	v63 =	vadd.f32 v61, v14;
	[tilespmem:s23+$0x9200] =	vst v3  }
0x6c7: {  	v3 =	vadd.f32 v13, v12;
	[tilespmem:s12+$0x9200] =	vst v62  }
0x6c8: {  	[tilespmem:s15+$0x9200] =	vst v63  }
0x6c9: {  	[tilespmem:s14+$0x9200] =	vst v3  }
0x6ca: {  	s0 =	sld [smem:$0x7FA];
	_ =	sdelay $0x1  }
0x6cb: {  	s13 =	simm.s32 $0x9200;
	s28 =	simm.s32 $0x9  }
0x6cc: {  	[hbm4b:s0+s4] =	stream.linear.scatter [tilespmem:s13], [sflag:$0xC], $0x3000, $0x38;
	[tilespmem:$0x18200] =	vst v63  }
0x6cd: {  	_ =	swait.ge [sflag:s28], $0x3000  }
0x6ce: {  	[sflag:s28] =	ssyncset.done $0x0  }
0x6cf: {  	s29 =	simm.s32 $0xA;
	[sflag:s28] =	ssyncadd.s32 $0xFFFFD000  }
0x6d0: {  	_ =	swait.ge [sflag:s29], $0x3000  }
0x6d1: {  	[sflag:s29] =	ssyncset.done $0x0  }
0x6d2: {  	s30 =	simm.s32 $0xB;
	[sflag:s29] =	ssyncadd.s32 $0xFFFFD000  }
0x6d3: {  	_ =	swait.ge [sflag:s30], $0x3000  }
0x6d4: {  	[sflag:s30] =	ssyncset.done $0x0  }
0x6d5: {  	s5 =	simm.s32 $0xC;
	[sflag:s30] =	ssyncadd.s32 $0xFFFFD000  }
0x6d6: {  	_ =	swait.ge [sflag:s5], $0x3000  }
0x6d7: {  	s6 =	sld [smem:$0x7F4]  }
0x6d8: {  	s31 =	sld [smem:$0x7FB];
	_ =	sdelay $0x1  }
0x6d9: {  	s6 =	sadd.s32 $0x1, s6  }
0x6da: {  	p0 =	sne.s32 s6, s31  }
.Ltmp32:
0x6db: {  	_ = 	snop;
	(pc) =	sbr.rel @p0 .LBB2_1-.Ltmp32, $3  }
0x6dc: {  	_ =	sdelay $0x1  }
0x6dd: {  	[sflag:s5] =	ssyncset.done $0x0  }
0x6de: {  	[sflag:s5] =	ssyncadd.s32 $0xFFFFD000  }
0x6df: {  	_ =	sfence.sel $0x180000  }
0x6e0: {  	[bflag:$0x0] =	sbarrier.arrive $0xFFFF  }
0x6e1: {  	_ =	strace $0x90000047  }
0x6e2: {  	s0 =	stileid.u32;
	[bflag:$0x2] =	sbarrier.arrive $0xFFFF  }
0x6e3: {  	p0 =	sne.s32 s0, $0x0;
	s0 =	rddreg [dreg:$0x5]  }
0x6e4: {  	s0 =	sadd.s32 @!p0 $0x100000, s0  }
0x6e5: {  	[sflag:s0] =	ssyncadd.tile.s32 @!p0 $0x1;
	_ =	shalt  }
.Lfunc_end2:
_tile_overlayer_lowered:
.L_overlay_start_2:
0x6e6: {  	(tag) =	ssettag $0x2  }
0x6e7: {  	s0 =	rddreg [dreg:$0x0];
	s2 =	stileid.u32  }
0x6e8: {  	s1 =	rddreg [dreg:$0x1];
	p0 =	sne.s32 s2, $0x0  }
0x6e9: {  	s3 =	rddreg [dreg:$0x2];
	[bflag:$0x3] =	sbarrier.arrive $0xFFFF;
	s2 =	simm.s32 @!p0 $0x1C0D  }
0x6ea: {  	[timem:s3], [sflag:s2] =	dma.local @!p0 [hbm:s0], s1  }
0x6eb: {  	s0 =	simm.s32 @!p0 $0xD  }
0x6ec: {  	_ =	swait.ge @!p0 [sflag:s0], s1  }
0x6ed: {  	s1 =	ssub.s32 @!p0 $0x0, s1;
	[sflag:s0] =	ssyncset.done @!p0 $0x0  }
0x6ee: {  	[sflag:s0] =	ssyncadd.s32 @!p0 s1  }
0x6ef: {  	[bflag:$0x3] =	sbarrier.arrive $0xFFFF  }
0x6f0: {  	_ =	shalt  }

</sc_bundles>
